<compile_context>
chip_gen: v7x
topology: tpu7x:2x2x1
jax: 0.10.2.dev20260603
libtpu: 0.0.44.dev20260713+nightly
codegen_flags: <defaults>
</compile_context>

<pallas_src>
import functools

import jax
import jax.numpy as jnp
from jax import lax
from jax.experimental import pallas as pl
from jax.experimental.pallas import tpu as pltpu
from jax.experimental.pallas import tpu_sc as plsc

_CHUNK = 80
_BATCH = 50
_LANES = 16


def _prep_body(a_ref, x_ref, w_ref, o_ref):
    a = jax.nn.sigmoid(a_ref[0])
    f = pl.program_id(0)
    scale = jnp.where(f == 0, a, 1.0 - a)
    o_ref[...] = scale * jnp.dot(x_ref[...], w_ref[0].T,
                                 preferred_element_type=jnp.float32)


def _finish_body(p_ref, b_ref, o_ref):
    s = p_ref[0] + p_ref[1] + b_ref[...]
    o_ref[...] = jnp.maximum(s, 0.0)


def _make_sc_spmm(N, D, E2):
    NC, NS = 2, 16
    per_tec = E2 // (NC * NS)
    assert per_tec % _CHUNK == 0
    n_chunks = per_tec // _CHUNK
    assert n_chunks % _BATCH == 0
    rows_per_tec = N // NS
    n_zero_chunks = -(-N // _CHUNK)
    zero_rounds = -(-n_zero_chunks // NS)
    groups = _CHUNK // _LANES

    mesh = plsc.VectorSubcoreMesh(core_axis_name="c", subcore_axis_name="s")

    @functools.partial(
        pl.kernel,
        out_type=jax.ShapeDtypeStruct((NC, N, D), jnp.float32),
        mesh=mesh,
        scratch_types=[
            pltpu.VMEM((_BATCH, _CHUNK), jnp.int32),
            pltpu.VMEM((_BATCH, _CHUNK), jnp.int32),
            pltpu.VMEM((_BATCH, _CHUNK), jnp.float32),
            pltpu.VMEM((_CHUNK, D), jnp.float32),
            pltpu.VMEM((_CHUNK, D), jnp.float32),
            pltpu.VMEM_SHARED((N, D), jnp.float32),
            pltpu.SemaphoreType.DMA,
            pltpu.SemaphoreType.DMA,
        ],
    )
    def sc_spmm(z_hbm, rows_hbm, cols_hbm, vals_hbm, out_hbm,
                col_v, row_v, val_v, gbuf0, gbuf1, acc,
                gsem0, gsem1):
        c = lax.axis_index("c")
        s = lax.axis_index("s")
        wid = c * NS + s
        gbufs = (gbuf0, gbuf1)
        gsems = (gsem0, gsem1)

        def zero_buf(e, _):
            for j in range(D // _LANES):
                gbuf0[e, pl.ds(j * _LANES, _LANES)] = jnp.zeros(
                    (_LANES,), jnp.float32)
            return _

        lax.fori_loop(0, _CHUNK, zero_buf, None)

        def zero_acc(k, _):
            m = s * zero_rounds + k

            @pl.when(m * _CHUNK < N)
            def _():
                pltpu.sync_copy(gbuf0, acc.at[pl.ds(m * _CHUNK, _CHUNK)])

            return _

        lax.fori_loop(0, zero_rounds, zero_acc, None)
        plsc.subcore_barrier()

        lane_ids = [jnp.full((_LANES, 1), i, dtype=jnp.int32)
                    for i in range(_LANES)]
        _dnums = lax.GatherDimensionNumbers(
            offset_dims=(), collapsed_slice_dims=(0,), start_index_map=(0,))

        def scale(gb, g):
            def scale_group(gg, _c):
                vv = val_v[g, pl.ds(gg * _LANES, _LANES)]
                for i in range(_LANES):
                    vb = lax.gather(
                        vv, lane_ids[i], _dnums, slice_sizes=(1,),
                        mode=lax.GatherScatterMode.PROMISE_IN_BOUNDS)
                    e = gg * _LANES + i
                    for t in range(D // _LANES):
                        sl = pl.ds(t * _LANES, _LANES)
                        gb[e, sl] = gb[e, sl] * vb
                return _c

            lax.fori_loop(0, groups, scale_group, None)

        def batch_body(bt, _):
            pltpu.sync_copy(cols_hbm.at[wid, bt], col_v)
            pltpu.sync_copy(rows_hbm.at[wid, bt], row_v)
            pltpu.sync_copy(vals_hbm.at[wid, bt], val_v)
            pltpu.async_copy(z_hbm.at[col_v.at[0]], gbuf0, gsem0)

            def pair_body(p, _c):
                for b in range(2):
                    g = 2 * p + b
                    ob = 1 - b
                    gnext = jnp.minimum(g + 1, _BATCH - 1)
                    pltpu.async_copy(z_hbm.at[col_v.at[gnext]], gbufs[ob],
                                     gsems[ob])
                    pltpu.make_async_copy(z_hbm.at[col_v.at[g]], gbufs[b],
                                          gsems[b]).wait()
                    scale(gbufs[b], g)
                    pltpu.sync_copy(gbufs[b], acc.at[row_v.at[g]], add=True)
                return _c

            lax.fori_loop(0, _BATCH // 2, pair_body, None)
            pltpu.make_async_copy(z_hbm.at[col_v.at[0]], gbuf0, gsem0).wait()
            return _

        lax.fori_loop(0, n_chunks // _BATCH, batch_body, None)
        plsc.subcore_barrier()

        def write_out(k, _):
            m = s * zero_rounds + k

            @pl.when(m * _CHUNK < N)
            def _():
                pltpu.sync_copy(acc.at[pl.ds(m * _CHUNK, _CHUNK)],
                                out_hbm.at[c, pl.ds(m * _CHUNK, _CHUNK)])

            return _

        lax.fori_loop(0, zero_rounds, write_out, None)

    return sc_spmm


def kernel(x, lp_index, lp_values, hp_index, hp_values, W_LP, W_HP,
           alpha_raw, bias):
    N, D = x.shape
    E = lp_values.shape[0]
    BN = 2000
    NB = N // BN

    Ws = jnp.stack([W_LP, W_HP])

    Z = pl.pallas_call(
        _prep_body,
        grid=(2, NB),
        in_specs=[
            pl.BlockSpec(memory_space=pltpu.SMEM),
            pl.BlockSpec((BN, D), lambda f, b: (b, 0)),
            pl.BlockSpec((1, D, D), lambda f, b: (f, 0, 0)),
        ],
        out_specs=pl.BlockSpec((BN, D), lambda f, b: (f * NB + b, 0)),
        out_shape=jax.ShapeDtypeStruct((2 * N, D), jnp.float32),
    )(alpha_raw, x, Ws)

    Zp = Z
    NW = 32
    quantum = NW * _CHUNK * _BATCH
    nbt = -(-(2 * E) // quantum)
    E2p = nbt * quantum
    pad = E2p - 2 * E
    shp = (NW, nbt, _BATCH, _CHUNK)
    ipad = jnp.zeros((pad,), jnp.int32)
    fpad = jnp.zeros((pad,), jnp.float32)
    rows = jnp.concatenate([lp_index[0], hp_index[0], ipad]).reshape(shp)
    cols = jnp.concatenate([lp_index[1], hp_index[1] + N, ipad]).reshape(shp)
    vals = jnp.concatenate([lp_values, hp_values, fpad]).reshape(shp)

    parts = _make_sc_spmm(N, D, E2p)(Zp, rows, cols, vals)

    out = pl.pallas_call(
        _finish_body,
        grid=(NB,),
        in_specs=[
            pl.BlockSpec((2, BN, D), lambda b: (0, b, 0)),
            pl.BlockSpec((1, D), lambda b: (0, 0)),
        ],
        out_specs=pl.BlockSpec((BN, D), lambda b: (b, 0)),
        out_shape=jax.ShapeDtypeStruct((N, D), jnp.float32),
    )(parts, bias.reshape(1, D))

    return out

# --- scband reference (transcript-rebuilt; emitter-appended) ---
"""Pipeline reference for scband-adaptive-mix-gnnlayer-17987323036319 (READ-ONLY COPY).

The authoritative reference and input builder live on the scoring server;
editing this copy changes nothing except your own understanding.
"""

import jax, jax.numpy as jnp
import numpy as np

N = 10000
E = 320000
D_IN = 128
D_OUT = 128


def setup_inputs(seed: int = 0) -> dict:
    key = jax.random.key(seed)
    ks = jax.random.split(key, 9)
    x = jax.random.normal(ks[0], (N, D_IN), dtype=jnp.float32)
    lp_index = jax.random.randint(ks[1], (2, E), 0, N, dtype=jnp.int32)
    lp_values = jax.random.uniform(ks[2], (E,), dtype=jnp.float32) / 32.0
    hp_index = jax.random.randint(ks[3], (2, E), 0, N, dtype=jnp.int32)
    hp_values = (jax.random.uniform(ks[4], (E,), dtype=jnp.float32) - 0.5) / 16.0
    xavier = float(np.sqrt(6.0 / (D_IN + D_OUT)))
    W_LP = jax.random.uniform(ks[5], (D_OUT, D_IN), dtype=jnp.float32, minval=-xavier, maxval=xavier)
    W_HP = jax.random.uniform(ks[6], (D_OUT, D_IN), dtype=jnp.float32, minval=-xavier, maxval=xavier)
    alpha_raw = jnp.zeros((1,), dtype=jnp.float32)
    bias = jnp.zeros((D_OUT,), dtype=jnp.float32)
    return {"x": x, "lp_index": lp_index, "lp_values": lp_values,
            "hp_index": hp_index, "hp_values": hp_values,
            "W_LP": W_LP, "W_HP": W_HP, "alpha_raw": alpha_raw, "bias": bias}


def _spmm(index, values, x):
    # COO sparse mm: out[row] += values * x[col]  (matches torch.sparse.mm)
    row = index[0]
    col = index[1]
    gathered = jnp.take(x, col, axis=0) * values[:, None]
    return jax.ops.segment_sum(gathered, row, num_segments=N)


def reference(x, lp_index, lp_values, hp_index, hp_values, W_LP, W_HP, alpha_raw, bias):
    x_lp = _spmm(lp_index, lp_values, x)
    x_lp = x_lp @ W_LP.T
    x_hp = _spmm(hp_index, hp_values, x)
    x_hp = x_hp @ W_HP.T
    alpha = jax.nn.sigmoid(alpha_raw)
    out = alpha * x_lp + (1.0 - alpha) * x_hp
    out = out + bias
    out = jax.nn.relu(out)
    return out

if __name__ == "__main__":
    import jax
    _d = setup_inputs()
    print(jax.jit(kernel)(*tuple(_d.values())))

</pallas_src>

<mosaic_0001>
#map = affine_map<(d0, d1) -> (0, 0)>
#map1 = affine_map<(d0, d1) -> (0, 0, 0, 0)>
#map2 = affine_map<(d0, d1) -> (0, 0, 0)>
module attributes {stable_mosaic.version = 14 : i64} {
  func.func @sc_spmm(%arg0: i32, %arg1: i32, %arg2: memref<20000x128xf32, #tpu.memory_space<hbm>>, %arg3: memref<32x5x50x80xi32, #tpu.memory_space<hbm>>, %arg4: memref<32x5x50x80xi32, #tpu.memory_space<hbm>>, %arg5: memref<32x5x50x80xf32, #tpu.memory_space<hbm>>, %arg6: memref<2x10000x128xf32, #tpu.memory_space<hbm>>, %arg7: memref<50x80xi32, #tpu.memory_space<vmem>>, %arg8: memref<50x80xi32, #tpu.memory_space<vmem>>, %arg9: memref<50x80xf32, #tpu.memory_space<vmem>>, %arg10: memref<80x128xf32, #tpu.memory_space<vmem>>, %arg11: memref<80x128xf32, #tpu.memory_space<vmem>>, %arg12: memref<10000x128xf32, #tpu.memory_space<vmem_shared>>, %arg13: memref<!tpu.dma_semaphore, #tpu.memory_space<semaphore_mem>>, %arg14: memref<!tpu.dma_semaphore, #tpu.memory_space<semaphore_mem>>) attributes {dimension_semantics = [#tpu.dimension_semantics<core_parallel>, #tpu.dimension_semantics<subcore_parallel>], iteration_bounds = array<i64: 2, 16>, scalar_prefetch = 0 : i64, scratch_operands = 8 : i64, tpu.core_type = #tpu.core_type<sc_vector_subcore>, window_params = [{transform_indices = #map}, {transform_indices = #map1}, {transform_indices = #map1}, {transform_indices = #map1}, {transform_indices = #map2}]} {
    %mul3A = arith.constant 16 : i32
    %mul3A_0 = arith.muli %arg0, %mul3A : i32
    %add3A = arith.addi %mul3A_0, %arg1 : i32
    %scan3A = arith.constant 0 : i32
    %scan3A_1 = arith.constant 80 : i32
    %scan3A_2 = arith.addi %scan3A, %scan3A_1 : i32
    %scan3A_3 = arith.constant 1 : i32
    scf.for %scan3A_52 = %scan3A to %scan3A_2 step %scan3A_3  : i32 {
      %broadcast_in_dim3A_53 = arith.constant 0.000000e+00 : f32
      %broadcast_in_dim3A_54 = vector.broadcast %broadcast_in_dim3A_53 : f32 to vector<16xf32>
      %swap3A = arith.index_cast %scan3A_52 : i32 to index
      %swap3A_55 = arith.constant 0 : index
      %swap3A_56 = tpu.vector_load %arg10[%swap3A, %swap3A_55] {strides = array<i32>} : memref<80x128xf32, #tpu.memory_space<vmem>>, vector<1x16xf32>,
      %swap3A_57 = vector.shape_cast %swap3A_56 : vector<1x16xf32> to vector<16xf32>
      %swap3A_58 = vector.shape_cast %broadcast_in_dim3A_54 : vector<16xf32> to vector<1x16xf32>
      tpu.vector_store %arg10[%swap3A, %swap3A_55], %swap3A_58 {strides = array<i32>} : memref<80x128xf32, #tpu.memory_space<vmem>>, vector<1x16xf32>,
      %broadcast_in_dim3A_59 = arith.constant 0.000000e+00 : f32
      %broadcast_in_dim3A_60 = vector.broadcast %broadcast_in_dim3A_59 : f32 to vector<16xf32>
      %swap3A_61 = arith.index_cast %scan3A_52 : i32 to index
      %swap3A_62 = arith.constant 16 : index
      %swap3A_63 = tpu.vector_load %arg10[%swap3A_61, %swap3A_62] {strides = array<i32>} : memref<80x128xf32, #tpu.memory_space<vmem>>, vector<1x16xf32>,
      %swap3A_64 = vector.shape_cast %swap3A_63 : vector<1x16xf32> to vector<16xf32>
      %swap3A_65 = vector.shape_cast %broadcast_in_dim3A_60 : vector<16xf32> to vector<1x16xf32>
      tpu.vector_store %arg10[%swap3A_61, %swap3A_62], %swap3A_65 {strides = array<i32>} : memref<80x128xf32, #tpu.memory_space<vmem>>, vector<1x16xf32>,
      %broadcast_in_dim3A_66 = arith.constant 0.000000e+00 : f32
      %broadcast_in_dim3A_67 = vector.broadcast %broadcast_in_dim3A_66 : f32 to vector<16xf32>
      %swap3A_68 = arith.index_cast %scan3A_52 : i32 to index
      %swap3A_69 = arith.constant 32 : index
      %swap3A_70 = tpu.vector_load %arg10[%swap3A_68, %swap3A_69] {strides = array<i32>} : memref<80x128xf32, #tpu.memory_space<vmem>>, vector<1x16xf32>,
      %swap3A_71 = vector.shape_cast %swap3A_70 : vector<1x16xf32> to vector<16xf32>
      %swap3A_72 = vector.shape_cast %broadcast_in_dim3A_67 : vector<16xf32> to vector<1x16xf32>
      tpu.vector_store %arg10[%swap3A_68, %swap3A_69], %swap3A_72 {strides = array<i32>} : memref<80x128xf32, #tpu.memory_space<vmem>>, vector<1x16xf32>,
      %broadcast_in_dim3A_73 = arith.constant 0.000000e+00 : f32
      %broadcast_in_dim3A_74 = vector.broadcast %broadcast_in_dim3A_73 : f32 to vector<16xf32>
      %swap3A_75 = arith.index_cast %scan3A_52 : i32 to index
      %swap3A_76 = arith.constant 48 : index
      %swap3A_77 = tpu.vector_load %arg10[%swap3A_75, %swap3A_76] {strides = array<i32>} : memref<80x128xf32, #tpu.memory_space<vmem>>, vector<1x16xf32>,
      %swap3A_78 = vector.shape_cast %swap3A_77 : vector<1x16xf32> to vector<16xf32>
      %swap3A_79 = vector.shape_cast %broadcast_in_dim3A_74 : vector<16xf32> to vector<1x16xf32>
      tpu.vector_store %arg10[%swap3A_75, %swap3A_76], %swap3A_79 {strides = array<i32>} : memref<80x128xf32, #tpu.memory_space<vmem>>, vector<1x16xf32>,
      %broadcast_in_dim3A_80 = arith.constant 0.000000e+00 : f32
      %broadcast_in_dim3A_81 = vector.broadcast %broadcast_in_dim3A_80 : f32 to vector<16xf32>
      %swap3A_82 = arith.index_cast %scan3A_52 : i32 to index
      %swap3A_83 = arith.constant 64 : index
      %swap3A_84 = tpu.vector_load %arg10[%swap3A_82, %swap3A_83] {strides = array<i32>} : memref<80x128xf32, #tpu.memory_space<vmem>>, vector<1x16xf32>,
      %swap3A_85 = vector.shape_cast %swap3A_84 : vector<1x16xf32> to vector<16xf32>
      %swap3A_86 = vector.shape_cast %broadcast_in_dim3A_81 : vector<16xf32> to vector<1x16xf32>
      tpu.vector_store %arg10[%swap3A_82, %swap3A_83], %swap3A_86 {strides = array<i32>} : memref<80x128xf32, #tpu.memory_space<vmem>>, vector<1x16xf32>,
      %broadcast_in_dim3A_87 = arith.constant 0.000000e+00 : f32
      %broadcast_in_dim3A_88 = vector.broadcast %broadcast_in_dim3A_87 : f32 to vector<16xf32>
      %swap3A_89 = arith.index_cast %scan3A_52 : i32 to index
      %swap3A_90 = arith.constant 80 : index
      %swap3A_91 = tpu.vector_load %arg10[%swap3A_89, %swap3A_90] {strides = array<i32>} : memref<80x128xf32, #tpu.memory_space<vmem>>, vector<1x16xf32>,
      %swap3A_92 = vector.shape_cast %swap3A_91 : vector<1x16xf32> to vector<16xf32>
      %swap3A_93 = vector.shape_cast %broadcast_in_dim3A_88 : vector<16xf32> to vector<1x16xf32>
      tpu.vector_store %arg10[%swap3A_89, %swap3A_90], %swap3A_93 {strides = array<i32>} : memref<80x128xf32, #tpu.memory_space<vmem>>, vector<1x16xf32>,
      %broadcast_in_dim3A_94 = arith.constant 0.000000e+00 : f32
      %broadcast_in_dim3A_95 = vector.broadcast %broadcast_in_dim3A_94 : f32 to vector<16xf32>
      %swap3A_96 = arith.index_cast %scan3A_52 : i32 to index
      %swap3A_97 = arith.constant 96 : index
      %swap3A_98 = tpu.vector_load %arg10[%swap3A_96, %swap3A_97] {strides = array<i32>} : memref<80x128xf32, #tpu.memory_space<vmem>>, vector<1x16xf32>,
      %swap3A_99 = vector.shape_cast %swap3A_98 : vector<1x16xf32> to vector<16xf32>
      %swap3A_100 = vector.shape_cast %broadcast_in_dim3A_95 : vector<16xf32> to vector<1x16xf32>
      tpu.vector_store %arg10[%swap3A_96, %swap3A_97], %swap3A_100 {strides = array<i32>} : memref<80x128xf32, #tpu.memory_space<vmem>>, vector<1x16xf32>,
      %broadcast_in_dim3A_101 = arith.constant 0.000000e+00 : f32
      %broadcast_in_dim3A_102 = vector.broadcast %broadcast_in_dim3A_101 : f32 to vector<16xf32>
      %swap3A_103 = arith.index_cast %scan3A_52 : i32 to index
      %swap3A_104 = arith.constant 112 : index
      %swap3A_105 = tpu.vector_load %arg10[%swap3A_103, %swap3A_104] {strides = array<i32>} : memref<80x128xf32, #tpu.memory_space<vmem>>, vector<1x16xf32>,
      %swap3A_106 = vector.shape_cast %swap3A_105 : vector<1x16xf32> to vector<16xf32>
      %swap3A_107 = vector.shape_cast %broadcast_in_dim3A_102 : vector<16xf32> to vector<1x16xf32>
      tpu.vector_store %arg10[%swap3A_103, %swap3A_104], %swap3A_107 {strides = array<i32>} : memref<80x128xf32, #tpu.memory_space<vmem>>, vector<1x16xf32>,
    }
    %scan3A_4 = arith.constant 80 : i32
    %scan3A_5 = arith.constant 0 : i32
    %scan3A_6 = arith.constant 8 : i32
    %scan3A_7 = arith.addi %scan3A_5, %scan3A_6 : i32
    %scan3A_8 = arith.constant 1 : i32
    scf.for %scan3A_52 = %scan3A_5 to %scan3A_7 step %scan3A_8  : i32 {
      %mul3A_53 = arith.constant 8 : i32
      %mul3A_54 = arith.muli %arg1, %mul3A_53 : i32
      %add3A_55 = arith.addi %mul3A_54, %scan3A_52 : i32
      %mul3A_56 = arith.constant 80 : i32
      %mul3A_57 = arith.muli %add3A_55, %mul3A_56 : i32
      %lt3A = arith.constant 10000 : i32
      %lt3A_58 = arith.cmpi slt, %mul3A_57, %lt3A : i32
      %convert_element_type3A = arith.extui %lt3A_58 : i1 to i32
      %cond3A = arith.constant 0 : i32
      %cond3A_59 = arith.cmpi ne, %convert_element_type3A, %cond3A : i32
      scf.if %cond3A_59 {
        %mul3A_60 = arith.constant 80 : i32
        %mul3A_61 = arith.muli %add3A_55, %mul3A_60 : i32
        "tpu.region"() ({
          %run_scoped3A = tpu.sem_alloc : memref<!tpu.dma_semaphore, #tpu.memory_space<semaphore_mem>>
          %dma_start3A = arith.constant 0 : i32
          %dma_start3A_62 = tpu.memref_slice %arg12[%mul3A_61, %dma_start3A] : memref<10000x128xf32, #tpu.memory_space<vmem_shared>> -> memref<80x128xf32, #tpu.memory_space<vmem_shared>>
          %dma_start3A_63 = arith.constant 0 : i32
          %dma_start3A_64 = tpu.memref_slice %arg12[%mul3A_61, %dma_start3A_63] : memref<10000x128xf32, #tpu.memory_space<vmem_shared>> -> memref<80x128xf32, #tpu.memory_space<vmem_shared>>
          tpu.enqueue_dma source(%arg10 : memref<80x128xf32, #tpu.memory_space<vmem>>) target(%dma_start3A_64 : memref<80x128xf32, #tpu.memory_space<vmem_shared>>) target_semaphore(%run_scoped3A : memref<!tpu.dma_semaphore, #tpu.memory_space<semaphore_mem>>)
          %dma_wait3A = arith.constant 0 : i32
          %dma_wait3A_65 = tpu.memref_slice %arg12[%mul3A_61, %dma_wait3A] : memref<10000x128xf32, #tpu.memory_space<vmem_shared>> -> memref<80x128xf32, #tpu.memory_space<vmem_shared>>
          %dma_wait3A_66 = arith.constant 0 : i32
          %dma_wait3A_67 = tpu.memref_slice %arg12[%mul3A_61, %dma_wait3A_66] : memref<10000x128xf32, #tpu.memory_space<vmem_shared>> -> memref<80x128xf32, #tpu.memory_space<vmem_shared>>
          tpu.wait_dma2 semaphore(%run_scoped3A : memref<!tpu.dma_semaphore, #tpu.memory_space<semaphore_mem>>) src(%arg10 : memref<80x128xf32, #tpu.memory_space<vmem>>) dst(%dma_wait3A_67 : memref<80x128xf32, #tpu.memory_space<vmem_shared>>)
          tpu.yield
        }) : () -> ()
      } else {
      }
    }
    %scan3A_9 = arith.constant 8 : i32
    %barrier3A = arith.constant 0 : index
    tpu.barrier barrier_id(%barrier3A)
    %broadcast_in_dim3A = arith.constant 0 : i32
    %broadcast_in_dim3A_10 = vector.broadcast %broadcast_in_dim3A : i32 to vector<16x1xi32>
    %broadcast_in_dim3A_11 = arith.constant 1 : i32
    %broadcast_in_dim3A_12 = vector.broadcast %broadcast_in_dim3A_11 : i32 to vector<16x1xi32>
    %broadcast_in_dim3A_13 = arith.constant 2 : i32
    %broadcast_in_dim3A_14 = vector.broadcast %broadcast_in_dim3A_13 : i32 to vector<16x1xi32>
    %broadcast_in_dim3A_15 = arith.constant 3 : i32
    %broadcast_in_dim3A_16 = vector.broadcast %broadcast_in_dim3A_15 : i32 to vector<16x1xi32>
    %broadcast_in_dim3A_17 = arith.constant 4 : i32
    %broadcast_in_dim3A_18 = vector.broadcast %broadcast_in_dim3A_17 : i32 to vector<16x1xi32>
    %broadcast_in_dim3A_19 = arith.constant 5 : i32
    %broadcast_in_dim3A_20 = vector.broadcast %broadcast_in_dim3A_19 : i32 to vector<16x1xi32>
    %broadcast_in_dim3A_21 = arith.constant 6 : i32
    %broadcast_in_dim3A_22 = vector.broadcast %broadcast_in_dim3A_21 : i32 to vector<16x1xi32>
    %broadcast_in_dim3A_23 = arith.constant 7 : i32
    %broadcast_in_dim3A_24 = vector.broadcast %broadcast_in_dim3A_23 : i32 to vector<16x1xi32>
    %broadcast_in_dim3A_25 = arith.constant 8 : i32
    %broadcast_in_dim3A_26 = vector.broadcast %broadcast_in_dim3A_25 : i32 to vector<16x1xi32>
    %broadcast_in_dim3A_27 = arith.constant 9 : i32
    %broadcast_in_dim3A_28 = vector.broadcast %broadcast_in_dim3A_27 : i32 to vector<16x1xi32>
    %broadcast_in_dim3A_29 = arith.constant 10 : i32
    %broadcast_in_dim3A_30 = vector.broadcast %broadcast_in_dim3A_29 : i32 to vector<16x1xi32>
    %broadcast_in_dim3A_31 = arith.constant 11 : i32
    %broadcast_in_dim3A_32 = vector.broadcast %broadcast_in_dim3A_31 : i32 to vector<16x1xi32>
    %broadcast_in_dim3A_33 = arith.constant 12 : i32
    %broadcast_in_dim3A_34 = vector.broadcast %broadcast_in_dim3A_33 : i32 to vector<16x1xi32>
    %broadcast_in_dim3A_35 = arith.constant 13 : i32
    %broadcast_in_dim3A_36 = vector.broadcast %broadcast_in_dim3A_35 : i32 to vector<16x1xi32>
    %broadcast_in_dim3A_37 = arith.constant 14 : i32
    %broadcast_in_dim3A_38 = vector.broadcast %broadcast_in_dim3A_37 : i32 to vector<16x1xi32>
    %broadcast_in_dim3A_39 = arith.constant 15 : i32
    %broadcast_in_dim3A_40 = vector.broadcast %broadcast_in_dim3A_39 : i32 to vector<16x1xi32>
    %scan3A_41 = arith.constant 0 : i32
    %scan3A_42 = arith.constant 5 : i32
    %scan3A_43 = arith.addi %scan3A_41, %scan3A_42 : i32
    %scan3A_44 = arith.constant 1 : i32
    scf.for %scan3A_52 = %scan3A_41 to %scan3A_43 step %scan3A_44  : i32 {
      "tpu.region"() ({
        %run_scoped3A = tpu.sem_alloc : memref<!tpu.dma_semaphore, #tpu.memory_space<semaphore_mem>>
        %dma_start3A_70 = arith.constant 0 : i32
        %dma_start3A_71 = arith.constant 0 : i32
        %dma_start3A_72 = tpu.memref_slice %arg4[%add3A, %scan3A_52, %dma_start3A_70, %dma_start3A_71] : memref<32x5x50x80xi32, #tpu.memory_space<hbm>> -> memref<1x1x50x80xi32, #tpu.memory_space<hbm>>
        %dma_start3A_73 = tpu.memref_squeeze %dma_start3A_72 : memref<1x1x50x80xi32, #tpu.memory_space<hbm>> -> memref<50x80xi32, #tpu.memory_space<hbm>>
        %dma_start3A_74 = arith.constant 0 : i32
        %dma_start3A_75 = arith.constant 0 : i32
        %dma_start3A_76 = tpu.memref_slice %arg4[%add3A, %scan3A_52, %dma_start3A_74, %dma_start3A_75] : memref<32x5x50x80xi32, #tpu.memory_space<hbm>> -> memref<1x1x50x80xi32, #tpu.memory_space<hbm>>
        %dma_start3A_77 = tpu.memref_squeeze %dma_start3A_76 : memref<1x1x50x80xi32, #tpu.memory_space<hbm>> -> memref<50x80xi32, #tpu.memory_space<hbm>>
        tpu.enqueue_dma source(%dma_start3A_77 : memref<50x80xi32, #tpu.memory_space<hbm>>) target(%arg7 : memref<50x80xi32, #tpu.memory_space<vmem>>) target_semaphore(%run_scoped3A : memref<!tpu.dma_semaphore, #tpu.memory_space<semaphore_mem>>)
        %dma_wait3A_78 = arith.constant 0 : i32
        %dma_wait3A_79 = arith.constant 0 : i32
        %dma_wait3A_80 = tpu.memref_slice %arg4[%add3A, %scan3A_52, %dma_wait3A_78, %dma_wait3A_79] : memref<32x5x50x80xi32, #tpu.memory_space<hbm>> -> memref<1x1x50x80xi32, #tpu.memory_space<hbm>>
        %dma_wait3A_81 = tpu.memref_squeeze %dma_wait3A_80 : memref<1x1x50x80xi32, #tpu.memory_space<hbm>> -> memref<50x80xi32, #tpu.memory_space<hbm>>
        %dma_wait3A_82 = arith.constant 0 : i32
        %dma_wait3A_83 = arith.constant 0 : i32
        %dma_wait3A_84 = tpu.memref_slice %arg4[%add3A, %scan3A_52, %dma_wait3A_82, %dma_wait3A_83] : memref<32x5x50x80xi32, #tpu.memory_space<hbm>> -> memref<1x1x50x80xi32, #tpu.memory_space<hbm>>
        %dma_wait3A_85 = tpu.memref_squeeze %dma_wait3A_84 : memref<1x1x50x80xi32, #tpu.memory_space<hbm>> -> memref<50x80xi32, #tpu.memory_space<hbm>>
        tpu.wait_dma2 semaphore(%run_scoped3A : memref<!tpu.dma_semaphore, #tpu.memory_space<semaphore_mem>>) src(%dma_wait3A_85 : memref<50x80xi32, #tpu.memory_space<hbm>>) dst(%arg7 : memref<50x80xi32, #tpu.memory_space<vmem>>)
        tpu.yield
      }) : () -> ()
      "tpu.region"() ({
        %run_scoped3A = tpu.sem_alloc : memref<!tpu.dma_semaphore, #tpu.memory_space<semaphore_mem>>
        %dma_start3A_70 = arith.constant 0 : i32
        %dma_start3A_71 = arith.constant 0 : i32
        %dma_start3A_72 = tpu.memref_slice %arg3[%add3A, %scan3A_52, %dma_start3A_70, %dma_start3A_71] : memref<32x5x50x80xi32, #tpu.memory_space<hbm>> -> memref<1x1x50x80xi32, #tpu.memory_space<hbm>>
        %dma_start3A_73 = tpu.memref_squeeze %dma_start3A_72 : memref<1x1x50x80xi32, #tpu.memory_space<hbm>> -> memref<50x80xi32, #tpu.memory_space<hbm>>
        %dma_start3A_74 = arith.constant 0 : i32
        %dma_start3A_75 = arith.constant 0 : i32
        %dma_start3A_76 = tpu.memref_slice %arg3[%add3A, %scan3A_52, %dma_start3A_74, %dma_start3A_75] : memref<32x5x50x80xi32, #tpu.memory_space<hbm>> -> memref<1x1x50x80xi32, #tpu.memory_space<hbm>>
        %dma_start3A_77 = tpu.memref_squeeze %dma_start3A_76 : memref<1x1x50x80xi32, #tpu.memory_space<hbm>> -> memref<50x80xi32, #tpu.memory_space<hbm>>
        tpu.enqueue_dma source(%dma_start3A_77 : memref<50x80xi32, #tpu.memory_space<hbm>>) target(%arg8 : memref<50x80xi32, #tpu.memory_space<vmem>>) target_semaphore(%run_scoped3A : memref<!tpu.dma_semaphore, #tpu.memory_space<semaphore_mem>>)
        %dma_wait3A_78 = arith.constant 0 : i32
        %dma_wait3A_79 = arith.constant 0 : i32
        %dma_wait3A_80 = tpu.memref_slice %arg3[%add3A, %scan3A_52, %dma_wait3A_78, %dma_wait3A_79] : memref<32x5x50x80xi32, #tpu.memory_space<hbm>> -> memref<1x1x50x80xi32, #tpu.memory_space<hbm>>
        %dma_wait3A_81 = tpu.memref_squeeze %dma_wait3A_80 : memref<1x1x50x80xi32, #tpu.memory_space<hbm>> -> memref<50x80xi32, #tpu.memory_space<hbm>>
        %dma_wait3A_82 = arith.constant 0 : i32
        %dma_wait3A_83 = arith.constant 0 : i32
        %dma_wait3A_84 = tpu.memref_slice %arg3[%add3A, %scan3A_52, %dma_wait3A_82, %dma_wait3A_83] : memref<32x5x50x80xi32, #tpu.memory_space<hbm>> -> memref<1x1x50x80xi32, #tpu.memory_space<hbm>>
        %dma_wait3A_85 = tpu.memref_squeeze %dma_wait3A_84 : memref<1x1x50x80xi32, #tpu.memory_space<hbm>> -> memref<50x80xi32, #tpu.memory_space<hbm>>
        tpu.wait_dma2 semaphore(%run_scoped3A : memref<!tpu.dma_semaphore, #tpu.memory_space<semaphore_mem>>) src(%dma_wait3A_85 : memref<50x80xi32, #tpu.memory_space<hbm>>) dst(%arg8 : memref<50x80xi32, #tpu.memory_space<vmem>>)
        tpu.yield
      }) : () -> ()
      "tpu.region"() ({
        %run_scoped3A = tpu.sem_alloc : memref<!tpu.dma_semaphore, #tpu.memory_space<semaphore_mem>>
        %dma_start3A_70 = arith.constant 0 : i32
        %dma_start3A_71 = arith.constant 0 : i32
        %dma_start3A_72 = tpu.memref_slice %arg5[%add3A, %scan3A_52, %dma_start3A_70, %dma_start3A_71] : memref<32x5x50x80xf32, #tpu.memory_space<hbm>> -> memref<1x1x50x80xf32, #tpu.memory_space<hbm>>
        %dma_start3A_73 = tpu.memref_squeeze %dma_start3A_72 : memref<1x1x50x80xf32, #tpu.memory_space<hbm>> -> memref<50x80xf32, #tpu.memory_space<hbm>>
        %dma_start3A_74 = arith.constant 0 : i32
        %dma_start3A_75 = arith.constant 0 : i32
        %dma_start3A_76 = tpu.memref_slice %arg5[%add3A, %scan3A_52, %dma_start3A_74, %dma_start3A_75] : memref<32x5x50x80xf32, #tpu.memory_space<hbm>> -> memref<1x1x50x80xf32, #tpu.memory_space<hbm>>
        %dma_start3A_77 = tpu.memref_squeeze %dma_start3A_76 : memref<1x1x50x80xf32, #tpu.memory_space<hbm>> -> memref<50x80xf32, #tpu.memory_space<hbm>>
        tpu.enqueue_dma source(%dma_start3A_77 : memref<50x80xf32, #tpu.memory_space<hbm>>) target(%arg9 : memref<50x80xf32, #tpu.memory_space<vmem>>) target_semaphore(%run_scoped3A : memref<!tpu.dma_semaphore, #tpu.memory_space<semaphore_mem>>)
        %dma_wait3A_78 = arith.constant 0 : i32
        %dma_wait3A_79 = arith.constant 0 : i32
        %dma_wait3A_80 = tpu.memref_slice %arg5[%add3A, %scan3A_52, %dma_wait3A_78, %dma_wait3A_79] : memref<32x5x50x80xf32, #tpu.memory_space<hbm>> -> memref<1x1x50x80xf32, #tpu.memory_space<hbm>>
        %dma_wait3A_81 = tpu.memref_squeeze %dma_wait3A_80 : memref<1x1x50x80xf32, #tpu.memory_space<hbm>> -> memref<50x80xf32, #tpu.memory_space<hbm>>
        %dma_wait3A_82 = arith.constant 0 : i32
        %dma_wait3A_83 = arith.constant 0 : i32
        %dma_wait3A_84 = tpu.memref_slice %arg5[%add3A, %scan3A_52, %dma_wait3A_82, %dma_wait3A_83] : memref<32x5x50x80xf32, #tpu.memory_space<hbm>> -> memref<1x1x50x80xf32, #tpu.memory_space<hbm>>
        %dma_wait3A_85 = tpu.memref_squeeze %dma_wait3A_84 : memref<1x1x50x80xf32, #tpu.memory_space<hbm>> -> memref<50x80xf32, #tpu.memory_space<hbm>>
        tpu.wait_dma2 semaphore(%run_scoped3A : memref<!tpu.dma_semaphore, #tpu.memory_space<semaphore_mem>>) src(%dma_wait3A_85 : memref<50x80xf32, #tpu.memory_space<hbm>>) dst(%arg9 : memref<50x80xf32, #tpu.memory_space<vmem>>)
        tpu.yield
      }) : () -> ()
      %dma_start3A = arith.constant 0 : i32
      %dma_start3A_53 = arith.constant 0 : i32
      %dma_start3A_54 = tpu.memref_slice %arg7[%dma_start3A, %dma_start3A_53] : memref<50x80xi32, #tpu.memory_space<vmem>> -> memref<1x80xi32, #tpu.memory_space<vmem>>
      %dma_start3A_55 = tpu.memref_squeeze %dma_start3A_54 : memref<1x80xi32, #tpu.memory_space<vmem>> -> memref<80xi32, #tpu.memory_space<vmem>>
      %dma_start3A_56 = arith.constant 0 : i32
      %dma_start3A_57 = arith.constant 0 : i32
      %dma_start3A_58 = tpu.memref_slice %arg2[%dma_start3A_56, %dma_start3A_57] : memref<20000x128xf32, #tpu.memory_space<hbm>> -> memref<20000x128xf32, #tpu.memory_space<hbm>>
      tpu.enqueue_indirect_dma source(%dma_start3A_58 : memref<20000x128xf32, #tpu.memory_space<hbm>>) target(%arg10 : memref<80x128xf32, #tpu.memory_space<vmem>>) offsets(%dma_start3A_55 : memref<80xi32, #tpu.memory_space<vmem>>) semaphore(%arg13 : memref<!tpu.dma_semaphore, #tpu.memory_space<semaphore_mem>>)
      %scan3A_59 = arith.constant 0 : i32
      %scan3A_60 = arith.constant 25 : i32
      %scan3A_61 = arith.addi %scan3A_59, %scan3A_60 : i32
      %scan3A_62 = arith.constant 1 : i32
      scf.for %scan3A_70 = %scan3A_59 to %scan3A_61 step %scan3A_62  : i32 {
        %mul3A_71 = arith.constant 2 : i32
        %mul3A_72 = arith.muli %mul3A_71, %scan3A_70 : i32
        %add3A_73 = arith.constant 0 : i32
        %add3A_74 = arith.addi %mul3A_72, %add3A_73 : i32
        %add3A_75 = arith.constant 1 : i32
        %add3A_76 = arith.addi %add3A_74, %add3A_75 : i32
        %min3A = arith.constant 49 : i32
        %min3A_77 = arith.minsi %add3A_76, %min3A : i32
        %dma_start3A_78 = arith.constant 0 : i32
        %dma_start3A_79 = tpu.memref_slice %arg7[%min3A_77, %dma_start3A_78] : memref<50x80xi32, #tpu.memory_space<vmem>> -> memref<1x80xi32, #tpu.memory_space<vmem>>
        %dma_start3A_80 = tpu.memref_squeeze %dma_start3A_79 : memref<1x80xi32, #tpu.memory_space<vmem>> -> memref<80xi32, #tpu.memory_space<vmem>>
        %dma_start3A_81 = arith.constant 0 : i32
        %dma_start3A_82 = arith.constant 0 : i32
        %dma_start3A_83 = tpu.memref_slice %arg2[%dma_start3A_81, %dma_start3A_82] : memref<20000x128xf32, #tpu.memory_space<hbm>> -> memref<20000x128xf32, #tpu.memory_space<hbm>>
        tpu.enqueue_indirect_dma source(%dma_start3A_83 : memref<20000x128xf32, #tpu.memory_space<hbm>>) target(%arg11 : memref<80x128xf32, #tpu.memory_space<vmem>>) offsets(%dma_start3A_80 : memref<80xi32, #tpu.memory_space<vmem>>) semaphore(%arg14 : memref<!tpu.dma_semaphore, #tpu.memory_space<semaphore_mem>>)
        %dma_wait3A_84 = arith.constant 0 : i32
        %dma_wait3A_85 = tpu.memref_slice %arg7[%add3A_74, %dma_wait3A_84] : memref<50x80xi32, #tpu.memory_space<vmem>> -> memref<1x80xi32, #tpu.memory_space<vmem>>
        %dma_wait3A_86 = tpu.memref_squeeze %dma_wait3A_85 : memref<1x80xi32, #tpu.memory_space<vmem>> -> memref<80xi32, #tpu.memory_space<vmem>>
        %dma_wait3A_87 = arith.constant 0 : i32
        %dma_wait3A_88 = arith.constant 0 : i32
        %dma_wait3A_89 = tpu.memref_slice %arg2[%dma_wait3A_87, %dma_wait3A_88] : memref<20000x128xf32, #tpu.memory_space<hbm>> -> memref<20000x128xf32, #tpu.memory_space<hbm>>
        tpu.wait_indirect_dma semaphore(%arg13 : memref<!tpu.dma_semaphore, #tpu.memory_space<semaphore_mem>>) src(%dma_wait3A_89 : memref<20000x128xf32, #tpu.memory_space<hbm>>) dst(%arg10 : memref<80x128xf32, #tpu.memory_space<vmem>>)
        %scan3A_90 = arith.constant 0 : i32
        %scan3A_91 = arith.constant 5 : i32
        %scan3A_92 = arith.addi %scan3A_90, %scan3A_91 : i32
        %scan3A_93 = arith.constant 1 : i32
        scf.for %scan3A_120 = %scan3A_90 to %scan3A_92 step %scan3A_93  : i32 {
          %mul3A_121 = arith.constant 16 : i32
          %mul3A_122 = arith.muli %scan3A_120, %mul3A_121 : i32
          %get3A = arith.index_cast %add3A_74 : i32 to index
          %get3A_123 = arith.index_cast %mul3A_122 : i32 to index
          %get3A_124 = tpu.vector_load %arg9[%get3A, %get3A_123] {strides = array<i32>} : memref<50x80xf32, #tpu.memory_space<vmem>>, vector<1x16xf32>,
          %get3A_125 = vector.shape_cast %get3A_124 : vector<1x16xf32> to vector<16xf32>
          %gather3A = vector.shape_cast %broadcast_in_dim3A_10 : vector<16x1xi32> to vector<16xi32>
          %gather3A_126 = tpu.dynamic_gather %get3A_125[%gather3A] in [0] : vector<16xf32>, vector<16xi32> -> vector<16xf32>
          %mul3A_127 = arith.constant 16 : i32
          %mul3A_128 = arith.muli %scan3A_120, %mul3A_127 : i32
          %add3A_129 = arith.constant 0 : i32
          %add3A_130 = arith.addi %mul3A_128, %add3A_129 : i32
          %get3A_131 = arith.index_cast %add3A_130 : i32 to index
          %get3A_132 = arith.constant 0 : index
          %get3A_133 = tpu.vector_load %arg10[%get3A_131, %get3A_132] {strides = array<i32>} : memref<80x128xf32, #tpu.memory_space<vmem>>, vector<1x16xf32>,
          %get3A_134 = vector.shape_cast %get3A_133 : vector<1x16xf32> to vector<16xf32>
          %mul3A_135 = arith.mulf %get3A_134, %gather3A_126 : vector<16xf32>
          %swap3A = arith.index_cast %add3A_130 : i32 to index
          %swap3A_136 = arith.constant 0 : index
          %swap3A_137 = tpu.vector_load %arg10[%swap3A, %swap3A_136] {strides = array<i32>} : memref<80x128xf32, #tpu.memory_space<vmem>>, vector<1x16xf32>,
          %swap3A_138 = vector.shape_cast %swap3A_137 : vector<1x16xf32> to vector<16xf32>
          %swap3A_139 = vector.shape_cast %mul3A_135 : vector<16xf32> to vector<1x16xf32>
          tpu.vector_store %arg10[%swap3A, %swap3A_136], %swap3A_139 {strides = array<i32>} : memref<80x128xf32, #tpu.memory_space<vmem>>, vector<1x16xf32>,
          %get3A_140 = arith.index_cast %add3A_130 : i32 to index
          %get3A_141 = arith.constant 16 : index
          %get3A_142 = tpu.vector_load %arg10[%get3A_140, %get3A_141] {strides = array<i32>} : memref<80x128xf32, #tpu.memory_space<vmem>>, vector<1x16xf32>,
          %get3A_143 = vector.shape_cast %get3A_142 : vector<1x16xf32> to vector<16xf32>
          %mul3A_144 = arith.mulf %get3A_143, %gather3A_126 : vector<16xf32>
          %swap3A_145 = arith.index_cast %add3A_130 : i32 to index
          %swap3A_146 = arith.constant 16 : index
          %swap3A_147 = tpu.vector_load %arg10[%swap3A_145, %swap3A_146] {strides = array<i32>} : memref<80x128xf32, #tpu.memory_space<vmem>>, vector<1x16xf32>,
          %swap3A_148 = vector.shape_cast %swap3A_147 : vector<1x16xf32> to vector<16xf32>
          %swap3A_149 = vector.shape_cast %mul3A_144 : vector<16xf32> to vector<1x16xf32>
          tpu.vector_store %arg10[%swap3A_145, %swap3A_146], %swap3A_149 {strides = array<i32>} : memref<80x128xf32, #tpu.memory_space<vmem>>, vector<1x16xf32>,
          %get3A_150 = arith.index_cast %add3A_130 : i32 to index
          %get3A_151 = arith.constant 32 : index
          %get3A_152 = tpu.vector_load %arg10[%get3A_150, %get3A_151] {strides = array<i32>} : memref<80x128xf32, #tpu.memory_space<vmem>>, vector<1x16xf32>,
          %get3A_153 = vector.shape_cast %get3A_152 : vector<1x16xf32> to vector<16xf32>
          %mul3A_154 = arith.mulf %get3A_153, %gather3A_126 : vector<16xf32>
          %swap3A_155 = arith.index_cast %add3A_130 : i32 to index
          %swap3A_156 = arith.constant 32 : index
          %swap3A_157 = tpu.vector_load %arg10[%swap3A_155, %swap3A_156] {strides = array<i32>} : memref<80x128xf32, #tpu.memory_space<vmem>>, vector<1x16xf32>,
          %swap3A_158 = vector.shape_cast %swap3A_157 : vector<1x16xf32> to vector<16xf32>
          %swap3A_159 = vector.shape_cast %mul3A_154 : vector<16xf32> to vector<1x16xf32>
          tpu.vector_store %arg10[%swap3A_155, %swap3A_156], %swap3A_159 {strides = array<i32>} : memref<80x128xf32, #tpu.memory_space<vmem>>, vector<1x16xf32>,
          %get3A_160 = arith.index_cast %add3A_130 : i32 to index
          %get3A_161 = arith.constant 48 : index
          %get3A_162 = tpu.vector_load %arg10[%get3A_160, %get3A_161] {strides = array<i32>} : memref<80x128xf32, #tpu.memory_space<vmem>>, vector<1x16xf32>,
          %get3A_163 = vector.shape_cast %get3A_162 : vector<1x16xf32> to vector<16xf32>
          %mul3A_164 = arith.mulf %get3A_163, %gather3A_126 : vector<16xf32>
          %swap3A_165 = arith.index_cast %add3A_130 : i32 to index
          %swap3A_166 = arith.constant 48 : index
          %swap3A_167 = tpu.vector_load %arg10[%swap3A_165, %swap3A_166] {strides = array<i32>} : memref<80x128xf32, #tpu.memory_space<vmem>>, vector<1x16xf32>,
          %swap3A_168 = vector.shape_cast %swap3A_167 : vector<1x16xf32> to vector<16xf32>
          %swap3A_169 = vector.shape_cast %mul3A_164 : vector<16xf32> to vector<1x16xf32>
          tpu.vector_store %arg10[%swap3A_165, %swap3A_166], %swap3A_169 {strides = array<i32>} : memref<80x128xf32, #tpu.memory_space<vmem>>, vector<1x16xf32>,
          %get3A_170 = arith.index_cast %add3A_130 : i32 to index
          %get3A_171 = arith.constant 64 : index
          %get3A_172 = tpu.vector_load %arg10[%get3A_170, %get3A_171] {strides = array<i32>} : memref<80x128xf32, #tpu.memory_space<vmem>>, vector<1x16xf32>,
          %get3A_173 = vector.shape_cast %get3A_172 : vector<1x16xf32> to vector<16xf32>
          %mul3A_174 = arith.mulf %get3A_173, %gather3A_126 : vector<16xf32>
          %swap3A_175 = arith.index_cast %add3A_130 : i32 to index
          %swap3A_176 = arith.constant 64 : index
          %swap3A_177 = tpu.vector_load %arg10[%swap3A_175, %swap3A_176] {strides = array<i32>} : memref<80x128xf32, #tpu.memory_space<vmem>>, vector<1x16xf32>,
          %swap3A_178 = vector.shape_cast %swap3A_177 : vector<1x16xf32> to vector<16xf32>
          %swap3A_179 = vector.shape_cast %mul3A_174 : vector<16xf32> to vector<1x16xf32>
          tpu.vector_store %arg10[%swap3A_175, %swap3A_176], %swap3A_179 {strides = array<i32>} : memref<80x128xf32, #tpu.memory_space<vmem>>, vector<1x16xf32>,
          %get3A_180 = arith.index_cast %add3A_130 : i32 to index
          %get3A_181 = arith.constant 80 : index
          %get3A_182 = tpu.vector_load %arg10[%get3A_180, %get3A_181] {strides = array<i32>} : memref<80x128xf32, #tpu.memory_space<vmem>>, vector<1x16xf32>,
          %get3A_183 = vector.shape_cast %get3A_182 : vector<1x16xf32> to vector<16xf32>
          %mul3A_184 = arith.mulf %get3A_183, %gather3A_126 : vector<16xf32>
          %swap3A_185 = arith.index_cast %add3A_130 : i32 to index
          %swap3A_186 = arith.constant 80 : index
          %swap3A_187 = tpu.vector_load %arg10[%swap3A_185, %swap3A_186] {strides = array<i32>} : memref<80x128xf32, #tpu.memory_space<vmem>>, vector<1x16xf32>,
          %swap3A_188 = vector.shape_cast %swap3A_187 : vector<1x16xf32> to vector<16xf32>
          %swap3A_189 = vector.shape_cast %mul3A_184 : vector<16xf32> to vector<1x16xf32>
          tpu.vector_store %arg10[%swap3A_185, %swap3A_186], %swap3A_189 {strides = array<i32>} : memref<80x128xf32, #tpu.memory_space<vmem>>, vector<1x16xf32>,
          %get3A_190 = arith.index_cast %add3A_130 : i32 to index
          %get3A_191 = arith.constant 96 : index
          %get3A_192 = tpu.vector_load %arg10[%get3A_190, %get3A_191] {strides = array<i32>} : memref<80x128xf32, #tpu.memory_space<vmem>>, vector<1x16xf32>,
          %get3A_193 = vector.shape_cast %get3A_192 : vector<1x16xf32> to vector<16xf32>
          %mul3A_194 = arith.mulf %get3A_193, %gather3A_126 : vector<16xf32>
          %swap3A_195 = arith.index_cast %add3A_130 : i32 to index
          %swap3A_196 = arith.constant 96 : index
          %swap3A_197 = tpu.vector_load %arg10[%swap3A_195, %swap3A_196] {strides = array<i32>} : memref<80x128xf32, #tpu.memory_space<vmem>>, vector<1x16xf32>,
          %swap3A_198 = vector.shape_cast %swap3A_197 : vector<1x16xf32> to vector<16xf32>
          %swap3A_199 = vector.shape_cast %mul3A_194 : vector<16xf32> to vector<1x16xf32>
          tpu.vector_store %arg10[%swap3A_195, %swap3A_196], %swap3A_199 {strides = array<i32>} : memref<80x128xf32, #tpu.memory_space<vmem>>, vector<1x16xf32>,
          %get3A_200 = arith.index_cast %add3A_130 : i32 to index
          %get3A_201 = arith.constant 112 : index
          %get3A_202 = tpu.vector_load %arg10[%get3A_200, %get3A_201] {strides = array<i32>} : memref<80x128xf32, #tpu.memory_space<vmem>>, vector<1x16xf32>,
          %get3A_203 = vector.shape_cast %get3A_202 : vector<1x16xf32> to vector<16xf32>
          %mul3A_204 = arith.mulf %get3A_203, %gather3A_126 : vector<16xf32>
          %swap3A_205 = arith.index_cast %add3A_130 : i32 to index
          %swap3A_206 = arith.constant 112 : index
          %swap3A_207 = tpu.vector_load %arg10[%swap3A_205, %swap3A_206] {strides = array<i32>} : memref<80x128xf32, #tpu.memory_space<vmem>>, vector<1x16xf32>,
          %swap3A_208 = vector.shape_cast %swap3A_207 : vector<1x16xf32> to vector<16xf32>
          %swap3A_209 = vector.shape_cast %mul3A_204 : vector<16xf32> to vector<1x16xf32>
          tpu.vector_store %arg10[%swap3A_205, %swap3A_206], %swap3A_209 {strides = array<i32>} : memref<80x128xf32, #tpu.memory_space<vmem>>, vector<1x16xf32>,
          %gather3A_210 = vector.shape_cast %broadcast_in_dim3A_12 : vector<16x1xi32> to vector<16xi32>
          %gather3A_211 = tpu.dynamic_gather %get3A_125[%gather3A_210] in [0] : vector<16xf32>, vector<16xi32> -> vector<16xf32>
          %mul3A_212 = arith.constant 16 : i32
          %mul3A_213 = arith.muli %scan3A_120, %mul3A_212 : i32
          %add3A_214 = arith.constant 1 : i32
          %add3A_215 = arith.addi %mul3A_213, %add3A_214 : i32
          %get3A_216 = arith.index_cast %add3A_215 : i32 to index
          %get3A_217 = arith.constant 0 : index
          %get3A_218 = tpu.vector_load %arg10[%get3A_216, %get3A_217] {strides = array<i32>} : memref<80x128xf32, #tpu.memory_space<vmem>>, vector<1x16xf32>,
          %get3A_219 = vector.shape_cast %get3A_218 : vector<1x16xf32> to vector<16xf32>
          %mul3A_220 = arith.mulf %get3A_219, %gather3A_211 : vector<16xf32>
          %swap3A_221 = arith.index_cast %add3A_215 : i32 to index
          %swap3A_222 = arith.constant 0 : index
          %swap3A_223 = tpu.vector_load %arg10[%swap3A_221, %swap3A_222] {strides = array<i32>} : memref<80x128xf32, #tpu.memory_space<vmem>>, vector<1x16xf32>,
          %swap3A_224 = vector.shape_cast %swap3A_223 : vector<1x16xf32> to vector<16xf32>
          %swap3A_225 = vector.shape_cast %mul3A_220 : vector<16xf32> to vector<1x16xf32>
          tpu.vector_store %arg10[%swap3A_221, %swap3A_222], %swap3A_225 {strides = array<i32>} : memref<80x128xf32, #tpu.memory_space<vmem>>, vector<1x16xf32>,
          %get3A_226 = arith.index_cast %add3A_215 : i32 to index
          %get3A_227 = arith.constant 16 : index
          %get3A_228 = tpu.vector_load %arg10[%get3A_226, %get3A_227] {strides = array<i32>} : memref<80x128xf32, #tpu.memory_space<vmem>>, vector<1x16xf32>,
          %get3A_229 = vector.shape_cast %get3A_228 : vector<1x16xf32> to vector<16xf32>
          %mul3A_230 = arith.mulf %get3A_229, %gather3A_211 : vector<16xf32>
          %swap3A_231 = arith.index_cast %add3A_215 : i32 to index
          %swap3A_232 = arith.constant 16 : index
          %swap3A_233 = tpu.vector_load %arg10[%swap3A_231, %swap3A_232] {strides = array<i32>} : memref<80x128xf32, #tpu.memory_space<vmem>>, vector<1x16xf32>,
          %swap3A_234 = vector.shape_cast %swap3A_233 : vector<1x16xf32> to vector<16xf32>
          %swap3A_235 = vector.shape_cast %mul3A_230 : vector<16xf32> to vector<1x16xf32>
          tpu.vector_store %arg10[%swap3A_231, %swap3A_232], %swap3A_235 {strides = array<i32>} : memref<80x128xf32, #tpu.memory_space<vmem>>, vector<1x16xf32>,
          %get3A_236 = arith.index_cast %add3A_215 : i32 to index
          %get3A_237 = arith.constant 32 : index
          %get3A_238 = tpu.vector_load %arg10[%get3A_236, %get3A_237] {strides = array<i32>} : memref<80x128xf32, #tpu.memory_space<vmem>>, vector<1x16xf32>,
          %get3A_239 = vector.shape_cast %get3A_238 : vector<1x16xf32> to vector<16xf32>
          %mul3A_240 = arith.mulf %get3A_239, %gather3A_211 : vector<16xf32>
          %swap3A_241 = arith.index_cast %add3A_215 : i32 to index
          %swap3A_242 = arith.constant 32 : index
          %swap3A_243 = tpu.vector_load %arg10[%swap3A_241, %swap3A_242] {strides = array<i32>} : memref<80x128xf32, #tpu.memory_space<vmem>>, vector<1x16xf32>,
          %swap3A_244 = vector.shape_cast %swap3A_243 : vector<1x16xf32> to vector<16xf32>
          %swap3A_245 = vector.shape_cast %mul3A_240 : vector<16xf32> to vector<1x16xf32>
          tpu.vector_store %arg10[%swap3A_241, %swap3A_242], %swap3A_245 {strides = array<i32>} : memref<80x128xf32, #tpu.memory_space<vmem>>, vector<1x16xf32>,
          %get3A_246 = arith.index_cast %add3A_215 : i32 to index
          %get3A_247 = arith.constant 48 : index
          %get3A_248 = tpu.vector_load %arg10[%get3A_246, %get3A_247] {strides = array<i32>} : memref<80x128xf32, #tpu.memory_space<vmem>>, vector<1x16xf32>,
          %get3A_249 = vector.shape_cast %get3A_248 : vector<1x16xf32> to vector<16xf32>
          %mul3A_250 = arith.mulf %get3A_249, %gather3A_211 : vector<16xf32>
          %swap3A_251 = arith.index_cast %add3A_215 : i32 to index
          %swap3A_252 = arith.constant 48 : index
          %swap3A_253 = tpu.vector_load %arg10[%swap3A_251, %swap3A_252] {strides = array<i32>} : memref<80x128xf32, #tpu.memory_space<vmem>>, vector<1x16xf32>,
          %swap3A_254 = vector.shape_cast %swap3A_253 : vector<1x16xf32> to vector<16xf32>
          %swap3A_255 = vector.shape_cast %mul3A_250 : vector<16xf32> to vector<1x16xf32>
          tpu.vector_store %arg10[%swap3A_251, %swap3A_252], %swap3A_255 {strides = array<i32>} : memref<80x128xf32, #tpu.memory_space<vmem>>, vector<1x16xf32>,
          %get3A_256 = arith.index_cast %add3A_215 : i32 to index
          %get3A_257 = arith.constant 64 : index
          %get3A_258 = tpu.vector_load %arg10[%get3A_256, %get3A_257] {strides = array<i32>} : memref<80x128xf32, #tpu.memory_space<vmem>>, vector<1x16xf32>,
          %get3A_259 = vector.shape_cast %get3A_258 : vector<1x16xf32> to vector<16xf32>
          %mul3A_260 = arith.mulf %get3A_259, %gather3A_211 : vector<16xf32>
          %swap3A_261 = arith.index_cast %add3A_215 : i32 to index
          %swap3A_262 = arith.constant 64 : index
          %swap3A_263 = tpu.vector_load %arg10[%swap3A_261, %swap3A_262] {strides = array<i32>} : memref<80x128xf32, #tpu.memory_space<vmem>>, vector<1x16xf32>,
          %swap3A_264 = vector.shape_cast %swap3A_263 : vector<1x16xf32> to vector<16xf32>
          %swap3A_265 = vector.shape_cast %mul3A_260 : vector<16xf32> to vector<1x16xf32>
          tpu.vector_store %arg10[%swap3A_261, %swap3A_262], %swap3A_265 {strides = array<i32>} : memref<80x128xf32, #tpu.memory_space<vmem>>, vector<1x16xf32>,
          %get3A_266 = arith.index_cast %add3A_215 : i32 to index
          %get3A_267 = arith.constant 80 : index
          %get3A_268 = tpu.vector_load %arg10[%get3A_266, %get3A_267] {strides = array<i32>} : memref<80x128xf32, #tpu.memory_space<vmem>>, vector<1x16xf32>,
          %get3A_269 = vector.shape_cast %get3A_268 : vector<1x16xf32> to vector<16xf32>
          %mul3A_270 = arith.mulf %get3A_269, %gather3A_211 : vector<16xf32>
          %swap3A_271 = arith.index_cast %add3A_215 : i32 to index
          %swap3A_272 = arith.constant 80 : index
          %swap3A_273 = tpu.vector_load %arg10[%swap3A_271, %swap3A_272] {strides = array<i32>} : memref<80x128xf32, #tpu.memory_space<vmem>>, vector<1x16xf32>,
          %swap3A_274 = vector.shape_cast %swap3A_273 : vector<1x16xf32> to vector<16xf32>
          %swap3A_275 = vector.shape_cast %mul3A_270 : vector<16xf32> to vector<1x16xf32>
          tpu.vector_store %arg10[%swap3A_271, %swap3A_272], %swap3A_275 {strides = array<i32>} : memref<80x128xf32, #tpu.memory_space<vmem>>, vector<1x16xf32>,
          %get3A_276 = arith.index_cast %add3A_215 : i32 to index
          %get3A_277 = arith.constant 96 : index
          %get3A_278 = tpu.vector_load %arg10[%get3A_276, %get3A_277] {strides = array<i32>} : memref<80x128xf32, #tpu.memory_space<vmem>>, vector<1x16xf32>,
          %get3A_279 = vector.shape_cast %get3A_278 : vector<1x16xf32> to vector<16xf32>
          %mul3A_280 = arith.mulf %get3A_279, %gather3A_211 : vector<16xf32>
          %swap3A_281 = arith.index_cast %add3A_215 : i32 to index
          %swap3A_282 = arith.constant 96 : index
          %swap3A_283 = tpu.vector_load %arg10[%swap3A_281, %swap3A_282] {strides = array<i32>} : memref<80x128xf32, #tpu.memory_space<vmem>>, vector<1x16xf32>,
          %swap3A_284 = vector.shape_cast %swap3A_283 : vector<1x16xf32> to vector<16xf32>
          %swap3A_285 = vector.shape_cast %mul3A_280 : vector<16xf32> to vector<1x16xf32>
          tpu.vector_store %arg10[%swap3A_281, %swap3A_282], %swap3A_285 {strides = array<i32>} : memref<80x128xf32, #tpu.memory_space<vmem>>, vector<1x16xf32>,
          %get3A_286 = arith.index_cast %add3A_215 : i32 to index
          %get3A_287 = arith.constant 112 : index
          %get3A_288 = tpu.vector_load %arg10[%get3A_286, %get3A_287] {strides = array<i32>} : memref<80x128xf32, #tpu.memory_space<vmem>>, vector<1x16xf32>,
          %get3A_289 = vector.shape_cast %get3A_288 : vector<1x16xf32> to vector<16xf32>
          %mul3A_290 = arith.mulf %get3A_289, %gather3A_211 : vector<16xf32>
          %swap3A_291 = arith.index_cast %add3A_215 : i32 to index
          %swap3A_292 = arith.constant 112 : index
          %swap3A_293 = tpu.vector_load %arg10[%swap3A_291, %swap3A_292] {strides = array<i32>} : memref<80x128xf32, #tpu.memory_space<vmem>>, vector<1x16xf32>,
          %swap3A_294 = vector.shape_cast %swap3A_293 : vector<1x16xf32> to vector<16xf32>
          %swap3A_295 = vector.shape_cast %mul3A_290 : vector<16xf32> to vector<1x16xf32>
          tpu.vector_store %arg10[%swap3A_291, %swap3A_292], %swap3A_295 {strides = array<i32>} : memref<80x128xf32, #tpu.memory_space<vmem>>, vector<1x16xf32>,
          %gather3A_296 = vector.shape_cast %broadcast_in_dim3A_14 : vector<16x1xi32> to vector<16xi32>
          %gather3A_297 = tpu.dynamic_gather %get3A_125[%gather3A_296] in [0] : vector<16xf32>, vector<16xi32> -> vector<16xf32>
          %mul3A_298 = arith.constant 16 : i32
          %mul3A_299 = arith.muli %scan3A_120, %mul3A_298 : i32
          %add3A_300 = arith.constant 2 : i32
          %add3A_301 = arith.addi %mul3A_299, %add3A_300 : i32
          %get3A_302 = arith.index_cast %add3A_301 : i32 to index
          %get3A_303 = arith.constant 0 : index
          %get3A_304 = tpu.vector_load %arg10[%get3A_302, %get3A_303] {strides = array<i32>} : memref<80x128xf32, #tpu.memory_space<vmem>>, vector<1x16xf32>,
          %get3A_305 = vector.shape_cast %get3A_304 : vector<1x16xf32> to vector<16xf32>
          %mul3A_306 = arith.mulf %get3A_305, %gather3A_297 : vector<16xf32>
          %swap3A_307 = arith.index_cast %add3A_301 : i32 to index
          %swap3A_308 = arith.constant 0 : index
          %swap3A_309 = tpu.vector_load %arg10[%swap3A_307, %swap3A_308] {strides = array<i32>} : memref<80x128xf32, #tpu.memory_space<vmem>>, vector<1x16xf32>,
          %swap3A_310 = vector.shape_cast %swap3A_309 : vector<1x16xf32> to vector<16xf32>
          %swap3A_311 = vector.shape_cast %mul3A_306 : vector<16xf32> to vector<1x16xf32>
          tpu.vector_store %arg10[%swap3A_307, %swap3A_308], %swap3A_311 {strides = array<i32>} : memref<80x128xf32, #tpu.memory_space<vmem>>, vector<1x16xf32>,
          %get3A_312 = arith.index_cast %add3A_301 : i32 to index
          %get3A_313 = arith.constant 16 : index
          %get3A_314 = tpu.vector_load %arg10[%get3A_312, %get3A_313] {strides = array<i32>} : memref<80x128xf32, #tpu.memory_space<vmem>>, vector<1x16xf32>,
          %get3A_315 = vector.shape_cast %get3A_314 : vector<1x16xf32> to vector<16xf32>
          %mul3A_316 = arith.mulf %get3A_315, %gather3A_297 : vector<16xf32>
          %swap3A_317 = arith.index_cast %add3A_301 : i32 to index
          %swap3A_318 = arith.constant 16 : index
          %swap3A_319 = tpu.vector_load %arg10[%swap3A_317, %swap3A_318] {strides = array<i32>} : memref<80x128xf32, #tpu.memory_space<vmem>>, vector<1x16xf32>,
          %swap3A_320 = vector.shape_cast %swap3A_319 : vector<1x16xf32> to vector<16xf32>
          %swap3A_321 = vector.shape_cast %mul3A_316 : vector<16xf32> to vector<1x16xf32>
          tpu.vector_store %arg10[%swap3A_317, %swap3A_318], %swap3A_321 {strides = array<i32>} : memref<80x128xf32, #tpu.memory_space<vmem>>, vector<1x16xf32>,
          %get3A_322 = arith.index_cast %add3A_301 : i32 to index
          %get3A_323 = arith.constant 32 : index
          %get3A_324 = tpu.vector_load %arg10[%get3A_322, %get3A_323] {strides = array<i32>} : memref<80x128xf32, #tpu.memory_space<vmem>>, vector<1x16xf32>,
          %get3A_325 = vector.shape_cast %get3A_324 : vector<1x16xf32> to vector<16xf32>
          %mul3A_326 = arith.mulf %get3A_325, %gather3A_297 : vector<16xf32>
          %swap3A_327 = arith.index_cast %add3A_301 : i32 to index
          %swap3A_328 = arith.constant 32 : index
          %swap3A_329 = tpu.vector_load %arg10[%swap3A_327, %swap3A_328] {strides = array<i32>} : memref<80x128xf32, #tpu.memory_space<vmem>>, vector<1x16xf32>,
          %swap3A_330 = vector.shape_cast %swap3A_329 : vector<1x16xf32> to vector<16xf32>
          %swap3A_331 = vector.shape_cast %mul3A_326 : vector<16xf32> to vector<1x16xf32>
          tpu.vector_store %arg10[%swap3A_327, %swap3A_328], %swap3A_331 {strides = array<i32>} : memref<80x128xf32, #tpu.memory_space<vmem>>, vector<1x16xf32>,
          %get3A_332 = arith.index_cast %add3A_301 : i32 to index
          %get3A_333 = arith.constant 48 : index
          %get3A_334 = tpu.vector_load %arg10[%get3A_332, %get3A_333] {strides = array<i32>} : memref<80x128xf32, #tpu.memory_space<vmem>>, vector<1x16xf32>,
          %get3A_335 = vector.shape_cast %get3A_334 : vector<1x16xf32> to vector<16xf32>
          %mul3A_336 = arith.mulf %get3A_335, %gather3A_297 : vector<16xf32>
          %swap3A_337 = arith.index_cast %add3A_301 : i32 to index
          %swap3A_338 = arith.constant 48 : index
          %swap3A_339 = tpu.vector_load %arg10[%swap3A_337, %swap3A_338] {strides = array<i32>} : memref<80x128xf32, #tpu.memory_space<vmem>>, vector<1x16xf32>,
          %swap3A_340 = vector.shape_cast %swap3A_339 : vector<1x16xf32> to vector<16xf32>
          %swap3A_341 = vector.shape_cast %mul3A_336 : vector<16xf32> to vector<1x16xf32>
          tpu.vector_store %arg10[%swap3A_337, %swap3A_338], %swap3A_341 {strides = array<i32>} : memref<80x128xf32, #tpu.memory_space<vmem>>, vector<1x16xf32>,
          %get3A_342 = arith.index_cast %add3A_301 : i32 to index
          %get3A_343 = arith.constant 64 : index
          %get3A_344 = tpu.vector_load %arg10[%get3A_342, %get3A_343] {strides = array<i32>} : memref<80x128xf32, #tpu.memory_space<vmem>>, vector<1x16xf32>,
          %get3A_345 = vector.shape_cast %get3A_344 : vector<1x16xf32> to vector<16xf32>
          %mul3A_346 = arith.mulf %get3A_345, %gather3A_297 : vector<16xf32>
          %swap3A_347 = arith.index_cast %add3A_301 : i32 to index
          %swap3A_348 = arith.constant 64 : index
          %swap3A_349 = tpu.vector_load %arg10[%swap3A_347, %swap3A_348] {strides = array<i32>} : memref<80x128xf32, #tpu.memory_space<vmem>>, vector<1x16xf32>,
          %swap3A_350 = vector.shape_cast %swap3A_349 : vector<1x16xf32> to vector<16xf32>
          %swap3A_351 = vector.shape_cast %mul3A_346 : vector<16xf32> to vector<1x16xf32>
          tpu.vector_store %arg10[%swap3A_347, %swap3A_348], %swap3A_351 {strides = array<i32>} : memref<80x128xf32, #tpu.memory_space<vmem>>, vector<1x16xf32>,
          %get3A_352 = arith.index_cast %add3A_301 : i32 to index
          %get3A_353 = arith.constant 80 : index
          %get3A_354 = tpu.vector_load %arg10[%get3A_352, %get3A_353] {strides = array<i32>} : memref<80x128xf32, #tpu.memory_space<vmem>>, vector<1x16xf32>,
          %get3A_355 = vector.shape_cast %get3A_354 : vector<1x16xf32> to vector<16xf32>
          %mul3A_356 = arith.mulf %get3A_355, %gather3A_297 : vector<16xf32>
          %swap3A_357 = arith.index_cast %add3A_301 : i32 to index
          %swap3A_358 = arith.constant 80 : index
          %swap3A_359 = tpu.vector_load %arg10[%swap3A_357, %swap3A_358] {strides = array<i32>} : memref<80x128xf32, #tpu.memory_space<vmem>>, vector<1x16xf32>,
          %swap3A_360 = vector.shape_cast %swap3A_359 : vector<1x16xf32> to vector<16xf32>
          %swap3A_361 = vector.shape_cast %mul3A_356 : vector<16xf32> to vector<1x16xf32>
          tpu.vector_store %arg10[%swap3A_357, %swap3A_358], %swap3A_361 {strides = array<i32>} : memref<80x128xf32, #tpu.memory_space<vmem>>, vector<1x16xf32>,
          %get3A_362 = arith.index_cast %add3A_301 : i32 to index
          %get3A_363 = arith.constant 96 : index
          %get3A_364 = tpu.vector_load %arg10[%get3A_362, %get3A_363] {strides = array<i32>} : memref<80x128xf32, #tpu.memory_space<vmem>>, vector<1x16xf32>,
          %get3A_365 = vector.shape_cast %get3A_364 : vector<1x16xf32> to vector<16xf32>
          %mul3A_366 = arith.mulf %get3A_365, %gather3A_297 : vector<16xf32>
          %swap3A_367 = arith.index_cast %add3A_301 : i32 to index
          %swap3A_368 = arith.constant 96 : index
          %swap3A_369 = tpu.vector_load %arg10[%swap3A_367, %swap3A_368] {strides = array<i32>} : memref<80x128xf32, #tpu.memory_space<vmem>>, vector<1x16xf32>,
          %swap3A_370 = vector.shape_cast %swap3A_369 : vector<1x16xf32> to vector<16xf32>
          %swap3A_371 = vector.shape_cast %mul3A_366 : vector<16xf32> to vector<1x16xf32>
          tpu.vector_store %arg10[%swap3A_367, %swap3A_368], %swap3A_371 {strides = array<i32>} : memref<80x128xf32, #tpu.memory_space<vmem>>, vector<1x16xf32>,
          %get3A_372 = arith.index_cast %add3A_301 : i32 to index
          %get3A_373 = arith.constant 112 : index
          %get3A_374 = tpu.vector_load %arg10[%get3A_372, %get3A_373] {strides = array<i32>} : memref<80x128xf32, #tpu.memory_space<vmem>>, vector<1x16xf32>,
          %get3A_375 = vector.shape_cast %get3A_374 : vector<1x16xf32> to vector<16xf32>
          %mul3A_376 = arith.mulf %get3A_375, %gather3A_297 : vector<16xf32>
          %swap3A_377 = arith.index_cast %add3A_301 : i32 to index
          %swap3A_378 = arith.constant 112 : index
          %swap3A_379 = tpu.vector_load %arg10[%swap3A_377, %swap3A_378] {strides = array<i32>} : memref<80x128xf32, #tpu.memory_space<vmem>>, vector<1x16xf32>,
          %swap3A_380 = vector.shape_cast %swap3A_379 : vector<1x16xf32> to vector<16xf32>
          %swap3A_381 = vector.shape_cast %mul3A_376 : vector<16xf32> to vector<1x16xf32>
          tpu.vector_store %arg10[%swap3A_377, %swap3A_378], %swap3A_381 {strides = array<i32>} : memref<80x128xf32, #tpu.memory_space<vmem>>, vector<1x16xf32>,
          %gather3A_382 = vector.shape_cast %broadcast_in_dim3A_16 : vector<16x1xi32> to vector<16xi32>
          %gather3A_383 = tpu.dynamic_gather %get3A_125[%gather3A_382] in [0] : vector<16xf32>, vector<16xi32> -> vector<16xf32>
          %mul3A_384 = arith.constant 16 : i32
          %mul3A_385 = arith.muli %scan3A_120, %mul3A_384 : i32
          %add3A_386 = arith.constant 3 : i32
          %add3A_387 = arith.addi %mul3A_385, %add3A_386 : i32
          %get3A_388 = arith.index_cast %add3A_387 : i32 to index
          %get3A_389 = arith.constant 0 : index
          %get3A_390 = tpu.vector_load %arg10[%get3A_388, %get3A_389] {strides = array<i32>} : memref<80x128xf32, #tpu.memory_space<vmem>>, vector<1x16xf32>,
          %get3A_391 = vector.shape_cast %get3A_390 : vector<1x16xf32> to vector<16xf32>
          %mul3A_392 = arith.mulf %get3A_391, %gather3A_383 : vector<16xf32>
          %swap3A_393 = arith.index_cast %add3A_387 : i32 to index
          %swap3A_394 = arith.constant 0 : index
          %swap3A_395 = tpu.vector_load %arg10[%swap3A_393, %swap3A_394] {strides = array<i32>} : memref<80x128xf32, #tpu.memory_space<vmem>>, vector<1x16xf32>,
          %swap3A_396 = vector.shape_cast %swap3A_395 : vector<1x16xf32> to vector<16xf32>
          %swap3A_397 = vector.shape_cast %mul3A_392 : vector<16xf32> to vector<1x16xf32>
          tpu.vector_store %arg10[%swap3A_393, %swap3A_394], %swap3A_397 {strides = array<i32>} : memref<80x128xf32, #tpu.memory_space<vmem>>, vector<1x16xf32>,
          %get3A_398 = arith.index_cast %add3A_387 : i32 to index
          %get3A_399 = arith.constant 16 : index
          %get3A_400 = tpu.vector_load %arg10[%get3A_398, %get3A_399] {strides = array<i32>} : memref<80x128xf32, #tpu.memory_space<vmem>>, vector<1x16xf32>,
          %get3A_401 = vector.shape_cast %get3A_400 : vector<1x16xf32> to vector<16xf32>
          %mul3A_402 = arith.mulf %get3A_401, %gather3A_383 : vector<16xf32>
          %swap3A_403 = arith.index_cast %add3A_387 : i32 to index
          %swap3A_404 = arith.constant 16 : index
          %swap3A_405 = tpu.vector_load %arg10[%swap3A_403, %swap3A_404] {strides = array<i32>} : memref<80x128xf32, #tpu.memory_space<vmem>>, vector<1x16xf32>,
          %swap3A_406 = vector.shape_cast %swap3A_405 : vector<1x16xf32> to vector<16xf32>
          %swap3A_407 = vector.shape_cast %mul3A_402 : vector<16xf32> to vector<1x16xf32>
          tpu.vector_store %arg10[%swap3A_403, %swap3A_404], %swap3A_407 {strides = array<i32>} : memref<80x128xf32, #tpu.memory_space<vmem>>, vector<1x16xf32>,
          %get3A_408 = arith.index_cast %add3A_387 : i32 to index
          %get3A_409 = arith.constant 32 : index
          %get3A_410 = tpu.vector_load %arg10[%get3A_408, %get3A_409] {strides = array<i32>} : memref<80x128xf32, #tpu.memory_space<vmem>>, vector<1x16xf32>,
          %get3A_411 = vector.shape_cast %get3A_410 : vector<1x16xf32> to vector<16xf32>
          %mul3A_412 = arith.mulf %get3A_411, %gather3A_383 : vector<16xf32>
          %swap3A_413 = arith.index_cast %add3A_387 : i32 to index
          %swap3A_414 = arith.constant 32 : index
          %swap3A_415 = tpu.vector_load %arg10[%swap3A_413, %swap3A_414] {strides = array<i32>} : memref<80x128xf32, #tpu.memory_space<vmem>>, vector<1x16xf32>,
          %swap3A_416 = vector.shape_cast %swap3A_415 : vector<1x16xf32> to vector<16xf32>
          %swap3A_417 = vector.shape_cast %mul3A_412 : vector<16xf32> to vector<1x16xf32>
          tpu.vector_store %arg10[%swap3A_413, %swap3A_414], %swap3A_417 {strides = array<i32>} : memref<80x128xf32, #tpu.memory_space<vmem>>, vector<1x16xf32>,
          %get3A_418 = arith.index_cast %add3A_387 : i32 to index
          %get3A_419 = arith.constant 48 : index
          %get3A_420 = tpu.vector_load %arg10[%get3A_418, %get3A_419] {strides = array<i32>} : memref<80x128xf32, #tpu.memory_space<vmem>>, vector<1x16xf32>,
          %get3A_421 = vector.shape_cast %get3A_420 : vector<1x16xf32> to vector<16xf32>
          %mul3A_422 = arith.mulf %get3A_421, %gather3A_383 : vector<16xf32>
          %swap3A_423 = arith.index_cast %add3A_387 : i32 to index
          %swap3A_424 = arith.constant 48 : index
          %swap3A_425 = tpu.vector_load %arg10[%swap3A_423, %swap3A_424] {strides = array<i32>} : memref<80x128xf32, #tpu.memory_space<vmem>>, vector<1x16xf32>,
          %swap3A_426 = vector.shape_cast %swap3A_425 : vector<1x16xf32> to vector<16xf32>
          %swap3A_427 = vector.shape_cast %mul3A_422 : vector<16xf32> to vector<1x16xf32>
          tpu.vector_store %arg10[%swap3A_423, %swap3A_424], %swap3A_427 {strides = array<i32>} : memref<80x128xf32, #tpu.memory_space<vmem>>, vector<1x16xf32>,
          %get3A_428 = arith.index_cast %add3A_387 : i32 to index
          %get3A_429 = arith.constant 64 : index
          %get3A_430 = tpu.vector_load %arg10[%get3A_428, %get3A_429] {strides = array<i32>} : memref<80x128xf32, #tpu.memory_space<vmem>>, vector<1x16xf32>,
          %get3A_431 = vector.shape_cast %get3A_430 : vector<1x16xf32> to vector<16xf32>
          %mul3A_432 = arith.mulf %get3A_431, %gather3A_383 : vector<16xf32>
          %swap3A_433 = arith.index_cast %add3A_387 : i32 to index
          %swap3A_434 = arith.constant 64 : index
          %swap3A_435 = tpu.vector_load %arg10[%swap3A_433, %swap3A_434] {strides = array<i32>} : memref<80x128xf32, #tpu.memory_space<vmem>>, vector<1x16xf32>,
          %swap3A_436 = vector.shape_cast %swap3A_435 : vector<1x16xf32> to vector<16xf32>
          %swap3A_437 = vector.shape_cast %mul3A_432 : vector<16xf32> to vector<1x16xf32>
          tpu.vector_store %arg10[%swap3A_433, %swap3A_434], %swap3A_437 {strides = array<i32>} : memref<80x128xf32, #tpu.memory_space<vmem>>, vector<1x16xf32>,
          %get3A_438 = arith.index_cast %add3A_387 : i32 to index
          %get3A_439 = arith.constant 80 : index
          %get3A_440 = tpu.vector_load %arg10[%get3A_438, %get3A_439] {strides = array<i32>} : memref<80x128xf32, #tpu.memory_space<vmem>>, vector<1x16xf32>,
          %get3A_441 = vector.shape_cast %get3A_440 : vector<1x16xf32> to vector<16xf32>
          %mul3A_442 = arith.mulf %get3A_441, %gather3A_383 : vector<16xf32>
          %swap3A_443 = arith.index_cast %add3A_387 : i32 to index
          %swap3A_444 = arith.constant 80 : index
          %swap3A_445 = tpu.vector_load %arg10[%swap3A_443, %swap3A_444] {strides = array<i32>} : memref<80x128xf32, #tpu.memory_space<vmem>>, vector<1x16xf32>,
          %swap3A_446 = vector.shape_cast %swap3A_445 : vector<1x16xf32> to vector<16xf32>
          %swap3A_447 = vector.shape_cast %mul3A_442 : vector<16xf32> to vector<1x16xf32>
          tpu.vector_store %arg10[%swap3A_443, %swap3A_444], %swap3A_447 {strides = array<i32>} : memref<80x128xf32, #tpu.memory_space<vmem>>, vector<1x16xf32>,
          %get3A_448 = arith.index_cast %add3A_387 : i32 to index
          %get3A_449 = arith.constant 96 : index
          %get3A_450 = tpu.vector_load %arg10[%get3A_448, %get3A_449] {strides = array<i32>} : memref<80x128xf32, #tpu.memory_space<vmem>>, vector<1x16xf32>,
          %get3A_451 = vector.shape_cast %get3A_450 : vector<1x16xf32> to vector<16xf32>
          %mul3A_452 = arith.mulf %get3A_451, %gather3A_383 : vector<16xf32>
          %swap3A_453 = arith.index_cast %add3A_387 : i32 to index
          %swap3A_454 = arith.constant 96 : index
          %swap3A_455 = tpu.vector_load %arg10[%swap3A_453, %swap3A_454] {strides = array<i32>} : memref<80x128xf32, #tpu.memory_space<vmem>>, vector<1x16xf32>,
          %swap3A_456 = vector.shape_cast %swap3A_455 : vector<1x16xf32> to vector<16xf32>
          %swap3A_457 = vector.shape_cast %mul3A_452 : vector<16xf32> to vector<1x16xf32>
          tpu.vector_store %arg10[%swap3A_453, %swap3A_454], %swap3A_457 {strides = array<i32>} : memref<80x128xf32, #tpu.memory_space<vmem>>, vector<1x16xf32>,
          %get3A_458 = arith.index_cast %add3A_387 : i32 to index
          %get3A_459 = arith.constant 112 : index
          %get3A_460 = tpu.vector_load %arg10[%get3A_458, %get3A_459] {strides = array<i32>} : memref<80x128xf32, #tpu.memory_space<vmem>>, vector<1x16xf32>,
          %get3A_461 = vector.shape_cast %get3A_460 : vector<1x16xf32> to vector<16xf32>
          %mul3A_462 = arith.mulf %get3A_461, %gather3A_383 : vector<16xf32>
          %swap3A_463 = arith.index_cast %add3A_387 : i32 to index
          %swap3A_464 = arith.constant 112 : index
          %swap3A_465 = tpu.vector_load %arg10[%swap3A_463, %swap3A_464] {strides = array<i32>} : memref<80x128xf32, #tpu.memory_space<vmem>>, vector<1x16xf32>,
          %swap3A_466 = vector.shape_cast %swap3A_465 : vector<1x16xf32> to vector<16xf32>
          %swap3A_467 = vector.shape_cast %mul3A_462 : vector<16xf32> to vector<1x16xf32>
          tpu.vector_store %arg10[%swap3A_463, %swap3A_464], %swap3A_467 {strides = array<i32>} : memref<80x128xf32, #tpu.memory_space<vmem>>, vector<1x16xf32>,
          %gather3A_468 = vector.shape_cast %broadcast_in_dim3A_18 : vector<16x1xi32> to vector<16xi32>
          %gather3A_469 = tpu.dynamic_gather %get3A_125[%gather3A_468] in [0] : vector<16xf32>, vector<16xi32> -> vector<16xf32>
          %mul3A_470 = arith.constant 16 : i32
          %mul3A_471 = arith.muli %scan3A_120, %mul3A_470 : i32
          %add3A_472 = arith.constant 4 : i32
          %add3A_473 = arith.addi %mul3A_471, %add3A_472 : i32
          %get3A_474 = arith.index_cast %add3A_473 : i32 to index
          %get3A_475 = arith.constant 0 : index
          %get3A_476 = tpu.vector_load %arg10[%get3A_474, %get3A_475] {strides = array<i32>} : memref<80x128xf32, #tpu.memory_space<vmem>>, vector<1x16xf32>,
          %get3A_477 = vector.shape_cast %get3A_476 : vector<1x16xf32> to vector<16xf32>
          %mul3A_478 = arith.mulf %get3A_477, %gather3A_469 : vector<16xf32>
          %swap3A_479 = arith.index_cast %add3A_473 : i32 to index
          %swap3A_480 = arith.constant 0 : index
          %swap3A_481 = tpu.vector_load %arg10[%swap3A_479, %swap3A_480] {strides = array<i32>} : memref<80x128xf32, #tpu.memory_space<vmem>>, vector<1x16xf32>,
          %swap3A_482 = vector.shape_cast %swap3A_481 : vector<1x16xf32> to vector<16xf32>
          %swap3A_483 = vector.shape_cast %mul3A_478 : vector<16xf32> to vector<1x16xf32>
          tpu.vector_store %arg10[%swap3A_479, %swap3A_480], %swap3A_483 {strides = array<i32>} : memref<80x128xf32, #tpu.memory_space<vmem>>, vector<1x16xf32>,
          %get3A_484 = arith.index_cast %add3A_473 : i32 to index
          %get3A_485 = arith.constant 16 : index
          %get3A_486 = tpu.vector_load %arg10[%get3A_484, %get3A_485] {strides = array<i32>} : memref<80x128xf32, #tpu.memory_space<vmem>>, vector<1x16xf32>,
          %get3A_487 = vector.shape_cast %get3A_486 : vector<1x16xf32> to vector<16xf32>
          %mul3A_488 = arith.mulf %get3A_487, %gather3A_469 : vector<16xf32>
          %swap3A_489 = arith.index_cast %add3A_473 : i32 to index
          %swap3A_490 = arith.constant 16 : index
          %swap3A_491 = tpu.vector_load %arg10[%swap3A_489, %swap3A_490] {strides = array<i32>} : memref<80x128xf32, #tpu.memory_space<vmem>>, vector<1x16xf32>,
          %swap3A_492 = vector.shape_cast %swap3A_491 : vector<1x16xf32> to vector<16xf32>
          %swap3A_493 = vector.shape_cast %mul3A_488 : vector<16xf32> to vector<1x16xf32>
          tpu.vector_store %arg10[%swap3A_489, %swap3A_490], %swap3A_493 {strides = array<i32>} : memref<80x128xf32, #tpu.memory_space<vmem>>, vector<1x16xf32>,
          %get3A_494 = arith.index_cast %add3A_473 : i32 to index
          %get3A_495 = arith.constant 32 : index
          %get3A_496 = tpu.vector_load %arg10[%get3A_494, %get3A_495] {strides = array<i32>} : memref<80x128xf32, #tpu.memory_space<vmem>>, vector<1x16xf32>,
          %get3A_497 = vector.shape_cast %get3A_496 : vector<1x16xf32> to vector<16xf32>
          %mul3A_498 = arith.mulf %get3A_497, %gather3A_469 : vector<16xf32>
          %swap3A_499 = arith.index_cast %add3A_473 : i32 to index
          %swap3A_500 = arith.constant 32 : index
          %swap3A_501 = tpu.vector_load %arg10[%swap3A_499, %swap3A_500] {strides = array<i32>} : memref<80x128xf32, #tpu.memory_space<vmem>>, vector<1x16xf32>,
          %swap3A_502 = vector.shape_cast %swap3A_501 : vector<1x16xf32> to vector<16xf32>
          %swap3A_503 = vector.shape_cast %mul3A_498 : vector<16xf32> to vector<1x16xf32>
          tpu.vector_store %arg10[%swap3A_499, %swap3A_500], %swap3A_503 {strides = array<i32>} : memref<80x128xf32, #tpu.memory_space<vmem>>, vector<1x16xf32>,
          %get3A_504 = arith.index_cast %add3A_473 : i32 to index
          %get3A_505 = arith.constant 48 : index
          %get3A_506 = tpu.vector_load %arg10[%get3A_504, %get3A_505] {strides = array<i32>} : memref<80x128xf32, #tpu.memory_space<vmem>>, vector<1x16xf32>,
          %get3A_507 = vector.shape_cast %get3A_506 : vector<1x16xf32> to vector<16xf32>
          %mul3A_508 = arith.mulf %get3A_507, %gather3A_469 : vector<16xf32>
          %swap3A_509 = arith.index_cast %add3A_473 : i32 to index
          %swap3A_510 = arith.constant 48 : index
          %swap3A_511 = tpu.vector_load %arg10[%swap3A_509, %swap3A_510] {strides = array<i32>} : memref<80x128xf32, #tpu.memory_space<vmem>>, vector<1x16xf32>,
          %swap3A_512 = vector.shape_cast %swap3A_511 : vector<1x16xf32> to vector<16xf32>
          %swap3A_513 = vector.shape_cast %mul3A_508 : vector<16xf32> to vector<1x16xf32>
          tpu.vector_store %arg10[%swap3A_509, %swap3A_510], %swap3A_513 {strides = array<i32>} : memref<80x128xf32, #tpu.memory_space<vmem>>, vector<1x16xf32>,
          %get3A_514 = arith.index_cast %add3A_473 : i32 to index
          %get3A_515 = arith.constant 64 : index
          %get3A_516 = tpu.vector_load %arg10[%get3A_514, %get3A_515] {strides = array<i32>} : memref<80x128xf32, #tpu.memory_space<vmem>>, vector<1x16xf32>,
          %get3A_517 = vector.shape_cast %get3A_516 : vector<1x16xf32> to vector<16xf32>
          %mul3A_518 = arith.mulf %get3A_517, %gather3A_469 : vector<16xf32>
          %swap3A_519 = arith.index_cast %add3A_473 : i32 to index
          %swap3A_520 = arith.constant 64 : index
          %swap3A_521 = tpu.vector_load %arg10[%swap3A_519, %swap3A_520] {strides = array<i32>} : memref<80x128xf32, #tpu.memory_space<vmem>>, vector<1x16xf32>,
          %swap3A_522 = vector.shape_cast %swap3A_521 : vector<1x16xf32> to vector<16xf32>
          %swap3A_523 = vector.shape_cast %mul3A_518 : vector<16xf32> to vector<1x16xf32>
          tpu.vector_store %arg10[%swap3A_519, %swap3A_520], %swap3A_523 {strides = array<i32>} : memref<80x128xf32, #tpu.memory_space<vmem>>, vector<1x16xf32>,
          %get3A_524 = arith.index_cast %add3A_473 : i32 to index
          %get3A_525 = arith.constant 80 : index
          %get3A_526 = tpu.vector_load %arg10[%get3A_524, %get3A_525] {strides = array<i32>} : memref<80x128xf32, #tpu.memory_space<vmem>>, vector<1x16xf32>,
          %get3A_527 = vector.shape_cast %get3A_526 : vector<1x16xf32> to vector<16xf32>
          %mul3A_528 = arith.mulf %get3A_527, %gather3A_469 : vector<16xf32>
          %swap3A_529 = arith.index_cast %add3A_473 : i32 to index
          %swap3A_530 = arith.constant 80 : index
          %swap3A_531 = tpu.vector_load %arg10[%swap3A_529, %swap3A_530] {strides = array<i32>} : memref<80x128xf32, #tpu.memory_space<vmem>>, vector<1x16xf32>,
          %swap3A_532 = vector.shape_cast %swap3A_531 : vector<1x16xf32> to vector<16xf32>
          %swap3A_533 = vector.shape_cast %mul3A_528 : vector<16xf32> to vector<1x16xf32>
          tpu.vector_store %arg10[%swap3A_529, %swap3A_530], %swap3A_533 {strides = array<i32>} : memref<80x128xf32, #tpu.memory_space<vmem>>, vector<1x16xf32>,
          %get3A_534 = arith.index_cast %add3A_473 : i32 to index
          %get3A_535 = arith.constant 96 : index
          %get3A_536 = tpu.vector_load %arg10[%get3A_534, %get3A_535] {strides = array<i32>} : memref<80x128xf32, #tpu.memory_space<vmem>>, vector<1x16xf32>,
          %get3A_537 = vector.shape_cast %get3A_536 : vector<1x16xf32> to vector<16xf32>
          %mul3A_538 = arith.mulf %get3A_537, %gather3A_469 : vector<16xf32>
          %swap3A_539 = arith.index_cast %add3A_473 : i32 to index
          %swap3A_540 = arith.constant 96 : index
          %swap3A_541 = tpu.vector_load %arg10[%swap3A_539, %swap3A_540] {strides = array<i32>} : memref<80x128xf32, #tpu.memory_space<vmem>>, vector<1x16xf32>,
          %swap3A_542 = vector.shape_cast %swap3A_541 : vector<1x16xf32> to vector<16xf32>
          %swap3A_543 = vector.shape_cast %mul3A_538 : vector<16xf32> to vector<1x16xf32>
          tpu.vector_store %arg10[%swap3A_539, %swap3A_540], %swap3A_543 {strides = array<i32>} : memref<80x128xf32, #tpu.memory_space<vmem>>, vector<1x16xf32>,
          %get3A_544 = arith.index_cast %add3A_473 : i32 to index
          %get3A_545 = arith.constant 112 : index
          %get3A_546 = tpu.vector_load %arg10[%get3A_544, %get3A_545] {strides = array<i32>} : memref<80x128xf32, #tpu.memory_space<vmem>>, vector<1x16xf32>,
          %get3A_547 = vector.shape_cast %get3A_546 : vector<1x16xf32> to vector<16xf32>
          %mul3A_548 = arith.mulf %get3A_547, %gather3A_469 : vector<16xf32>
          %swap3A_549 = arith.index_cast %add3A_473 : i32 to index
          %swap3A_550 = arith.constant 112 : index
          %swap3A_551 = tpu.vector_load %arg10[%swap3A_549, %swap3A_550] {strides = array<i32>} : memref<80x128xf32, #tpu.memory_space<vmem>>, vector<1x16xf32>,
          %swap3A_552 = vector.shape_cast %swap3A_551 : vector<1x16xf32> to vector<16xf32>
          %swap3A_553 = vector.shape_cast %mul3A_548 : vector<16xf32> to vector<1x16xf32>
          tpu.vector_store %arg10[%swap3A_549, %swap3A_550], %swap3A_553 {strides = array<i32>} : memref<80x128xf32, #tpu.memory_space<vmem>>, vector<1x16xf32>,
          %gather3A_554 = vector.shape_cast %broadcast_in_dim3A_20 : vector<16x1xi32> to vector<16xi32>
          %gather3A_555 = tpu.dynamic_gather %get3A_125[%gather3A_554] in [0] : vector<16xf32>, vector<16xi32> -> vector<16xf32>
          %mul3A_556 = arith.constant 16 : i32
          %mul3A_557 = arith.muli %scan3A_120, %mul3A_556 : i32
          %add3A_558 = arith.constant 5 : i32
          %add3A_559 = arith.addi %mul3A_557, %add3A_558 : i32
          %get3A_560 = arith.index_cast %add3A_559 : i32 to index
          %get3A_561 = arith.constant 0 : index
          %get3A_562 = tpu.vector_load %arg10[%get3A_560, %get3A_561] {strides = array<i32>} : memref<80x128xf32, #tpu.memory_space<vmem>>, vector<1x16xf32>,
          %get3A_563 = vector.shape_cast %get3A_562 : vector<1x16xf32> to vector<16xf32>
          %mul3A_564 = arith.mulf %get3A_563, %gather3A_555 : vector<16xf32>
          %swap3A_565 = arith.index_cast %add3A_559 : i32 to index
          %swap3A_566 = arith.constant 0 : index
          %swap3A_567 = tpu.vector_load %arg10[%swap3A_565, %swap3A_566] {strides = array<i32>} : memref<80x128xf32, #tpu.memory_space<vmem>>, vector<1x16xf32>,
          %swap3A_568 = vector.shape_cast %swap3A_567 : vector<1x16xf32> to vector<16xf32>
          %swap3A_569 = vector.shape_cast %mul3A_564 : vector<16xf32> to vector<1x16xf32>
          tpu.vector_store %arg10[%swap3A_565, %swap3A_566], %swap3A_569 {strides = array<i32>} : memref<80x128xf32, #tpu.memory_space<vmem>>, vector<1x16xf32>,
          %get3A_570 = arith.index_cast %add3A_559 : i32 to index
          %get3A_571 = arith.constant 16 : index
          %get3A_572 = tpu.vector_load %arg10[%get3A_570, %get3A_571] {strides = array<i32>} : memref<80x128xf32, #tpu.memory_space<vmem>>, vector<1x16xf32>,
          %get3A_573 = vector.shape_cast %get3A_572 : vector<1x16xf32> to vector<16xf32>
          %mul3A_574 = arith.mulf %get3A_573, %gather3A_555 : vector<16xf32>
          %swap3A_575 = arith.index_cast %add3A_559 : i32 to index
          %swap3A_576 = arith.constant 16 : index
          %swap3A_577 = tpu.vector_load %arg10[%swap3A_575, %swap3A_576] {strides = array<i32>} : memref<80x128xf32, #tpu.memory_space<vmem>>, vector<1x16xf32>,
          %swap3A_578 = vector.shape_cast %swap3A_577 : vector<1x16xf32> to vector<16xf32>
          %swap3A_579 = vector.shape_cast %mul3A_574 : vector<16xf32> to vector<1x16xf32>
          tpu.vector_store %arg10[%swap3A_575, %swap3A_576], %swap3A_579 {strides = array<i32>} : memref<80x128xf32, #tpu.memory_space<vmem>>, vector<1x16xf32>,
          %get3A_580 = arith.index_cast %add3A_559 : i32 to index
          %get3A_581 = arith.constant 32 : index
          %get3A_582 = tpu.vector_load %arg10[%get3A_580, %get3A_581] {strides = array<i32>} : memref<80x128xf32, #tpu.memory_space<vmem>>, vector<1x16xf32>,
          %get3A_583 = vector.shape_cast %get3A_582 : vector<1x16xf32> to vector<16xf32>
          %mul3A_584 = arith.mulf %get3A_583, %gather3A_555 : vector<16xf32>
          %swap3A_585 = arith.index_cast %add3A_559 : i32 to index
          %swap3A_586 = arith.constant 32 : index
          %swap3A_587 = tpu.vector_load %arg10[%swap3A_585, %swap3A_586] {strides = array<i32>} : memref<80x128xf32, #tpu.memory_space<vmem>>, vector<1x16xf32>,
          %swap3A_588 = vector.shape_cast %swap3A_587 : vector<1x16xf32> to vector<16xf32>
          %swap3A_589 = vector.shape_cast %mul3A_584 : vector<16xf32> to vector<1x16xf32>
          tpu.vector_store %arg10[%swap3A_585, %swap3A_586], %swap3A_589 {strides = array<i32>} : memref<80x128xf32, #tpu.memory_space<vmem>>, vector<1x16xf32>,
          %get3A_590 = arith.index_cast %add3A_559 : i32 to index
          %get3A_591 = arith.constant 48 : index
          %get3A_592 = tpu.vector_load %arg10[%get3A_590, %get3A_591] {strides = array<i32>} : memref<80x128xf32, #tpu.memory_space<vmem>>, vector<1x16xf32>,
          %get3A_593 = vector.shape_cast %get3A_592 : vector<1x16xf32> to vector<16xf32>
          %mul3A_594 = arith.mulf %get3A_593, %gather3A_555 : vector<16xf32>
          %swap3A_595 = arith.index_cast %add3A_559 : i32 to index
          %swap3A_596 = arith.constant 48 : index
          %swap3A_597 = tpu.vector_load %arg10[%swap3A_595, %swap3A_596] {strides = array<i32>} : memref<80x128xf32, #tpu.memory_space<vmem>>, vector<1x16xf32>,
          %swap3A_598 = vector.shape_cast %swap3A_597 : vector<1x16xf32> to vector<16xf32>
          %swap3A_599 = vector.shape_cast %mul3A_594 : vector<16xf32> to vector<1x16xf32>
          tpu.vector_store %arg10[%swap3A_595, %swap3A_596], %swap3A_599 {strides = array<i32>} : memref<80x128xf32, #tpu.memory_space<vmem>>, vector<1x16xf32>,
          %get3A_600 = arith.index_cast %add3A_559 : i32 to index
          %get3A_601 = arith.constant 64 : index
          %get3A_602 = tpu.vector_load %arg10[%get3A_600, %get3A_601] {strides = array<i32>} : memref<80x128xf32, #tpu.memory_space<vmem>>, vector<1x16xf32>,
          %get3A_603 = vector.shape_cast %get3A_602 : vector<1x16xf32> to vector<16xf32>
          %mul3A_604 = arith.mulf %get3A_603, %gather3A_555 : vector<16xf32>
          %swap3A_605 = arith.index_cast %add3A_559 : i32 to index
          %swap3A_606 = arith.constant 64 : index
          %swap3A_607 = tpu.vector_load %arg10[%swap3A_605, %swap3A_606] {strides = array<i32>} : memref<80x128xf32, #tpu.memory_space<vmem>>, vector<1x16xf32>,
          %swap3A_608 = vector.shape_cast %swap3A_607 : vector<1x16xf32> to vector<16xf32>
          %swap3A_609 = vector.shape_cast %mul3A_604 : vector<16xf32> to vector<1x16xf32>
          tpu.vector_store %arg10[%swap3A_605, %swap3A_606], %swap3A_609 {strides = array<i32>} : memref<80x128xf32, #tpu.memory_space<vmem>>, vector<1x16xf32>,
          %get3A_610 = arith.index_cast %add3A_559 : i32 to index
          %get3A_611 = arith.constant 80 : index
          %get3A_612 = tpu.vector_load %arg10[%get3A_610, %get3A_611] {strides = array<i32>} : memref<80x128xf32, #tpu.memory_space<vmem>>, vector<1x16xf32>,
          %get3A_613 = vector.shape_cast %get3A_612 : vector<1x16xf32> to vector<16xf32>
          %mul3A_614 = arith.mulf %get3A_613, %gather3A_555 : vector<16xf32>
          %swap3A_615 = arith.index_cast %add3A_559 : i32 to index
          %swap3A_616 = arith.constant 80 : index
          %swap3A_617 = tpu.vector_load %arg10[%swap3A_615, %swap3A_616] {strides = array<i32>} : memref<80x128xf32, #tpu.memory_space<vmem>>, vector<1x16xf32>,
          %swap3A_618 = vector.shape_cast %swap3A_617 : vector<1x16xf32> to vector<16xf32>
          %swap3A_619 = vector.shape_cast %mul3A_614 : vector<16xf32> to vector<1x16xf32>
          tpu.vector_store %arg10[%swap3A_615, %swap3A_616], %swap3A_619 {strides = array<i32>} : memref<80x128xf32, #tpu.memory_space<vmem>>, vector<1x16xf32>,
          %get3A_620 = arith.index_cast %add3A_559 : i32 to index
          %get3A_621 = arith.constant 96 : index
          %get3A_622 = tpu.vector_load %arg10[%get3A_620, %get3A_621] {strides = array<i32>} : memref<80x128xf32, #tpu.memory_space<vmem>>, vector<1x16xf32>,
          %get3A_623 = vector.shape_cast %get3A_622 : vector<1x16xf32> to vector<16xf32>
          %mul3A_624 = arith.mulf %get3A_623, %gather3A_555 : vector<16xf32>
          %swap3A_625 = arith.index_cast %add3A_559 : i32 to index
          %swap3A_626 = arith.constant 96 : index
          %swap3A_627 = tpu.vector_load %arg10[%swap3A_625, %swap3A_626] {strides = array<i32>} : memref<80x128xf32, #tpu.memory_space<vmem>>, vector<1x16xf32>,
          %swap3A_628 = vector.shape_cast %swap3A_627 : vector<1x16xf32> to vector<16xf32>
          %swap3A_629 = vector.shape_cast %mul3A_624 : vector<16xf32> to vector<1x16xf32>
          tpu.vector_store %arg10[%swap3A_625, %swap3A_626], %swap3A_629 {strides = array<i32>} : memref<80x128xf32, #tpu.memory_space<vmem>>, vector<1x16xf32>,
          %get3A_630 = arith.index_cast %add3A_559 : i32 to index
          %get3A_631 = arith.constant 112 : index
          %get3A_632 = tpu.vector_load %arg10[%get3A_630, %get3A_631] {strides = array<i32>} : memref<80x128xf32, #tpu.memory_space<vmem>>, vector<1x16xf32>,
          %get3A_633 = vector.shape_cast %get3A_632 : vector<1x16xf32> to vector<16xf32>
          %mul3A_634 = arith.mulf %get3A_633, %gather3A_555 : vector<16xf32>
          %swap3A_635 = arith.index_cast %add3A_559 : i32 to index
          %swap3A_636 = arith.constant 112 : index
          %swap3A_637 = tpu.vector_load %arg10[%swap3A_635, %swap3A_636] {strides = array<i32>} : memref<80x128xf32, #tpu.memory_space<vmem>>, vector<1x16xf32>,
          %swap3A_638 = vector.shape_cast %swap3A_637 : vector<1x16xf32> to vector<16xf32>
          %swap3A_639 = vector.shape_cast %mul3A_634 : vector<16xf32> to vector<1x16xf32>
          tpu.vector_store %arg10[%swap3A_635, %swap3A_636], %swap3A_639 {strides = array<i32>} : memref<80x128xf32, #tpu.memory_space<vmem>>, vector<1x16xf32>,
          %gather3A_640 = vector.shape_cast %broadcast_in_dim3A_22 : vector<16x1xi32> to vector<16xi32>
          %gather3A_641 = tpu.dynamic_gather %get3A_125[%gather3A_640] in [0] : vector<16xf32>, vector<16xi32> -> vector<16xf32>
          %mul3A_642 = arith.constant 16 : i32
          %mul3A_643 = arith.muli %scan3A_120, %mul3A_642 : i32
          %add3A_644 = arith.constant 6 : i32
          %add3A_645 = arith.addi %mul3A_643, %add3A_644 : i32
          %get3A_646 = arith.index_cast %add3A_645 : i32 to index
          %get3A_647 = arith.constant 0 : index
          %get3A_648 = tpu.vector_load %arg10[%get3A_646, %get3A_647] {strides = array<i32>} : memref<80x128xf32, #tpu.memory_space<vmem>>, vector<1x16xf32>,
          %get3A_649 = vector.shape_cast %get3A_648 : vector<1x16xf32> to vector<16xf32>
          %mul3A_650 = arith.mulf %get3A_649, %gather3A_641 : vector<16xf32>
          %swap3A_651 = arith.index_cast %add3A_645 : i32 to index
          %swap3A_652 = arith.constant 0 : index
          %swap3A_653 = tpu.vector_load %arg10[%swap3A_651, %swap3A_652] {strides = array<i32>} : memref<80x128xf32, #tpu.memory_space<vmem>>, vector<1x16xf32>,
          %swap3A_654 = vector.shape_cast %swap3A_653 : vector<1x16xf32> to vector<16xf32>
          %swap3A_655 = vector.shape_cast %mul3A_650 : vector<16xf32> to vector<1x16xf32>
          tpu.vector_store %arg10[%swap3A_651, %swap3A_652], %swap3A_655 {strides = array<i32>} : memref<80x128xf32, #tpu.memory_space<vmem>>, vector<1x16xf32>,
          %get3A_656 = arith.index_cast %add3A_645 : i32 to index
          %get3A_657 = arith.constant 16 : index
          %get3A_658 = tpu.vector_load %arg10[%get3A_656, %get3A_657] {strides = array<i32>} : memref<80x128xf32, #tpu.memory_space<vmem>>, vector<1x16xf32>,
          %get3A_659 = vector.shape_cast %get3A_658 : vector<1x16xf32> to vector<16xf32>
          %mul3A_660 = arith.mulf %get3A_659, %gather3A_641 : vector<16xf32>
          %swap3A_661 = arith.index_cast %add3A_645 : i32 to index
          %swap3A_662 = arith.constant 16 : index
          %swap3A_663 = tpu.vector_load %arg10[%swap3A_661, %swap3A_662] {strides = array<i32>} : memref<80x128xf32, #tpu.memory_space<vmem>>, vector<1x16xf32>,
          %swap3A_664 = vector.shape_cast %swap3A_663 : vector<1x16xf32> to vector<16xf32>
          %swap3A_665 = vector.shape_cast %mul3A_660 : vector<16xf32> to vector<1x16xf32>
          tpu.vector_store %arg10[%swap3A_661, %swap3A_662], %swap3A_665 {strides = array<i32>} : memref<80x128xf32, #tpu.memory_space<vmem>>, vector<1x16xf32>,
          %get3A_666 = arith.index_cast %add3A_645 : i32 to index
          %get3A_667 = arith.constant 32 : index
          %get3A_668 = tpu.vector_load %arg10[%get3A_666, %get3A_667] {strides = array<i32>} : memref<80x128xf32, #tpu.memory_space<vmem>>, vector<1x16xf32>,
          %get3A_669 = vector.shape_cast %get3A_668 : vector<1x16xf32> to vector<16xf32>
          %mul3A_670 = arith.mulf %get3A_669, %gather3A_641 : vector<16xf32>
          %swap3A_671 = arith.index_cast %add3A_645 : i32 to index
          %swap3A_672 = arith.constant 32 : index
          %swap3A_673 = tpu.vector_load %arg10[%swap3A_671, %swap3A_672] {strides = array<i32>} : memref<80x128xf32, #tpu.memory_space<vmem>>, vector<1x16xf32>,
          %swap3A_674 = vector.shape_cast %swap3A_673 : vector<1x16xf32> to vector<16xf32>
          %swap3A_675 = vector.shape_cast %mul3A_670 : vector<16xf32> to vector<1x16xf32>
          tpu.vector_store %arg10[%swap3A_671, %swap3A_672], %swap3A_675 {strides = array<i32>} : memref<80x128xf32, #tpu.memory_space<vmem>>, vector<1x16xf32>,
          %get3A_676 = arith.index_cast %add3A_645 : i32 to index
          %get3A_677 = arith.constant 48 : index
          %get3A_678 = tpu.vector_load %arg10[%get3A_676, %get3A_677] {strides = array<i32>} : memref<80x128xf32, #tpu.memory_space<vmem>>, vector<1x16xf32>,
          %get3A_679 = vector.shape_cast %get3A_678 : vector<1x16xf32> to vector<16xf32>
          %mul3A_680 = arith.mulf %get3A_679, %gather3A_641 : vector<16xf32>
          %swap3A_681 = arith.index_cast %add3A_645 : i32 to index
          %swap3A_682 = arith.constant 48 : index
          %swap3A_683 = tpu.vector_load %arg10[%swap3A_681, %swap3A_682] {strides = array<i32>} : memref<80x128xf32, #tpu.memory_space<vmem>>, vector<1x16xf32>,
          %swap3A_684 = vector.shape_cast %swap3A_683 : vector<1x16xf32> to vector<16xf32>
          %swap3A_685 = vector.shape_cast %mul3A_680 : vector<16xf32> to vector<1x16xf32>
          tpu.vector_store %arg10[%swap3A_681, %swap3A_682], %swap3A_685 {strides = array<i32>} : memref<80x128xf32, #tpu.memory_space<vmem>>, vector<1x16xf32>,
          %get3A_686 = arith.index_cast %add3A_645 : i32 to index
          %get3A_687 = arith.constant 64 : index
          %get3A_688 = tpu.vector_load %arg10[%get3A_686, %get3A_687] {strides = array<i32>} : memref<80x128xf32, #tpu.memory_space<vmem>>, vector<1x16xf32>,
          %get3A_689 = vector.shape_cast %get3A_688 : vector<1x16xf32> to vector<16xf32>
          %mul3A_690 = arith.mulf %get3A_689, %gather3A_641 : vector<16xf32>
          %swap3A_691 = arith.index_cast %add3A_645 : i32 to index
          %swap3A_692 = arith.constant 64 : index
          %swap3A_693 = tpu.vector_load %arg10[%swap3A_691, %swap3A_692] {strides = array<i32>} : memref<80x128xf32, #tpu.memory_space<vmem>>, vector<1x16xf32>,
          %swap3A_694 = vector.shape_cast %swap3A_693 : vector<1x16xf32> to vector<16xf32>
          %swap3A_695 = vector.shape_cast %mul3A_690 : vector<16xf32> to vector<1x16xf32>
          tpu.vector_store %arg10[%swap3A_691, %swap3A_692], %swap3A_695 {strides = array<i32>} : memref<80x128xf32, #tpu.memory_space<vmem>>, vector<1x16xf32>,
          %get3A_696 = arith.index_cast %add3A_645 : i32 to index
          %get3A_697 = arith.constant 80 : index
          %get3A_698 = tpu.vector_load %arg10[%get3A_696, %get3A_697] {strides = array<i32>} : memref<80x128xf32, #tpu.memory_space<vmem>>, vector<1x16xf32>,
          %get3A_699 = vector.shape_cast %get3A_698 : vector<1x16xf32> to vector<16xf32>
          %mul3A_700 = arith.mulf %get3A_699, %gather3A_641 : vector<16xf32>
          %swap3A_701 = arith.index_cast %add3A_645 : i32 to index
          %swap3A_702 = arith.constant 80 : index
          %swap3A_703 = tpu.vector_load %arg10[%swap3A_701, %swap3A_702] {strides = array<i32>} : memref<80x128xf32, #tpu.memory_space<vmem>>, vector<1x16xf32>,
          %swap3A_704 = vector.shape_cast %swap3A_703 : vector<1x16xf32> to vector<16xf32>
          %swap3A_705 = vector.shape_cast %mul3A_700 : vector<16xf32> to vector<1x16xf32>
          tpu.vector_store %arg10[%swap3A_701, %swap3A_702], %swap3A_705 {strides = array<i32>} : memref<80x128xf32, #tpu.memory_space<vmem>>, vector<1x16xf32>,
          %get3A_706 = arith.index_cast %add3A_645 : i32 to index
          %get3A_707 = arith.constant 96 : index
          %get3A_708 = tpu.vector_load %arg10[%get3A_706, %get3A_707] {strides = array<i32>} : memref<80x128xf32, #tpu.memory_space<vmem>>, vector<1x16xf32>,
          %get3A_709 = vector.shape_cast %get3A_708 : vector<1x16xf32> to vector<16xf32>
          %mul3A_710 = arith.mulf %get3A_709, %gather3A_641 : vector<16xf32>
          %swap3A_711 = arith.index_cast %add3A_645 : i32 to index
          %swap3A_712 = arith.constant 96 : index
          %swap3A_713 = tpu.vector_load %arg10[%swap3A_711, %swap3A_712] {strides = array<i32>} : memref<80x128xf32, #tpu.memory_space<vmem>>, vector<1x16xf32>,
          %swap3A_714 = vector.shape_cast %swap3A_713 : vector<1x16xf32> to vector<16xf32>
          %swap3A_715 = vector.shape_cast %mul3A_710 : vector<16xf32> to vector<1x16xf32>
          tpu.vector_store %arg10[%swap3A_711, %swap3A_712], %swap3A_715 {strides = array<i32>} : memref<80x128xf32, #tpu.memory_space<vmem>>, vector<1x16xf32>,
          %get3A_716 = arith.index_cast %add3A_645 : i32 to index
          %get3A_717 = arith.constant 112 : index
          %get3A_718 = tpu.vector_load %arg10[%get3A_716, %get3A_717] {strides = array<i32>} : memref<80x128xf32, #tpu.memory_space<vmem>>, vector<1x16xf32>,
          %get3A_719 = vector.shape_cast %get3A_718 : vector<1x16xf32> to vector<16xf32>
          %mul3A_720 = arith.mulf %get3A_719, %gather3A_641 : vector<16xf32>
          %swap3A_721 = arith.index_cast %add3A_645 : i32 to index
          %swap3A_722 = arith.constant 112 : index
          %swap3A_723 = tpu.vector_load %arg10[%swap3A_721, %swap3A_722] {strides = array<i32>} : memref<80x128xf32, #tpu.memory_space<vmem>>, vector<1x16xf32>,
          %swap3A_724 = vector.shape_cast %swap3A_723 : vector<1x16xf32> to vector<16xf32>
          %swap3A_725 = vector.shape_cast %mul3A_720 : vector<16xf32> to vector<1x16xf32>
          tpu.vector_store %arg10[%swap3A_721, %swap3A_722], %swap3A_725 {strides = array<i32>} : memref<80x128xf32, #tpu.memory_space<vmem>>, vector<1x16xf32>,
          %gather3A_726 = vector.shape_cast %broadcast_in_dim3A_24 : vector<16x1xi32> to vector<16xi32>
          %gather3A_727 = tpu.dynamic_gather %get3A_125[%gather3A_726] in [0] : vector<16xf32>, vector<16xi32> -> vector<16xf32>
          %mul3A_728 = arith.constant 16 : i32
          %mul3A_729 = arith.muli %scan3A_120, %mul3A_728 : i32
          %add3A_730 = arith.constant 7 : i32
          %add3A_731 = arith.addi %mul3A_729, %add3A_730 : i32
          %get3A_732 = arith.index_cast %add3A_731 : i32 to index
          %get3A_733 = arith.constant 0 : index
          %get3A_734 = tpu.vector_load %arg10[%get3A_732, %get3A_733] {strides = array<i32>} : memref<80x128xf32, #tpu.memory_space<vmem>>, vector<1x16xf32>,
          %get3A_735 = vector.shape_cast %get3A_734 : vector<1x16xf32> to vector<16xf32>
          %mul3A_736 = arith.mulf %get3A_735, %gather3A_727 : vector<16xf32>
          %swap3A_737 = arith.index_cast %add3A_731 : i32 to index
          %swap3A_738 = arith.constant 0 : index
          %swap3A_739 = tpu.vector_load %arg10[%swap3A_737, %swap3A_738] {strides = array<i32>} : memref<80x128xf32, #tpu.memory_space<vmem>>, vector<1x16xf32>,
          %swap3A_740 = vector.shape_cast %swap3A_739 : vector<1x16xf32> to vector<16xf32>
          %swap3A_741 = vector.shape_cast %mul3A_736 : vector<16xf32> to vector<1x16xf32>
          tpu.vector_store %arg10[%swap3A_737, %swap3A_738], %swap3A_741 {strides = array<i32>} : memref<80x128xf32, #tpu.memory_space<vmem>>, vector<1x16xf32>,
          %get3A_742 = arith.index_cast %add3A_731 : i32 to index
          %get3A_743 = arith.constant 16 : index
          %get3A_744 = tpu.vector_load %arg10[%get3A_742, %get3A_743] {strides = array<i32>} : memref<80x128xf32, #tpu.memory_space<vmem>>, vector<1x16xf32>,
          %get3A_745 = vector.shape_cast %get3A_744 : vector<1x16xf32> to vector<16xf32>
          %mul3A_746 = arith.mulf %get3A_745, %gather3A_727 : vector<16xf32>
          %swap3A_747 = arith.index_cast %add3A_731 : i32 to index
          %swap3A_748 = arith.constant 16 : index
          %swap3A_749 = tpu.vector_load %arg10[%swap3A_747, %swap3A_748] {strides = array<i32>} : memref<80x128xf32, #tpu.memory_space<vmem>>, vector<1x16xf32>,
          %swap3A_750 = vector.shape_cast %swap3A_749 : vector<1x16xf32> to vector<16xf32>
          %swap3A_751 = vector.shape_cast %mul3A_746 : vector<16xf32> to vector<1x16xf32>
          tpu.vector_store %arg10[%swap3A_747, %swap3A_748], %swap3A_751 {strides = array<i32>} : memref<80x128xf32, #tpu.memory_space<vmem>>, vector<1x16xf32>,
          %get3A_752 = arith.index_cast %add3A_731 : i32 to index
          %get3A_753 = arith.constant 32 : index
          %get3A_754 = tpu.vector_load %arg10[%get3A_752, %get3A_753] {strides = array<i32>} : memref<80x128xf32, #tpu.memory_space<vmem>>, vector<1x16xf32>,
          %get3A_755 = vector.shape_cast %get3A_754 : vector<1x16xf32> to vector<16xf32>
          %mul3A_756 = arith.mulf %get3A_755, %gather3A_727 : vector<16xf32>
          %swap3A_757 = arith.index_cast %add3A_731 : i32 to index
          %swap3A_758 = arith.constant 32 : index
          %swap3A_759 = tpu.vector_load %arg10[%swap3A_757, %swap3A_758] {strides = array<i32>} : memref<80x128xf32, #tpu.memory_space<vmem>>, vector<1x16xf32>,
          %swap3A_760 = vector.shape_cast %swap3A_759 : vector<1x16xf32> to vector<16xf32>
          %swap3A_761 = vector.shape_cast %mul3A_756 : vector<16xf32> to vector<1x16xf32>
          tpu.vector_store %arg10[%swap3A_757, %swap3A_758], %swap3A_761 {strides = array<i32>} : memref<80x128xf32, #tpu.memory_space<vmem>>, vector<1x16xf32>,
          %get3A_762 = arith.index_cast %add3A_731 : i32 to index
          %get3A_763 = arith.constant 48 : index
          %get3A_764 = tpu.vector_load %arg10[%get3A_762, %get3A_763] {strides = array<i32>} : memref<80x128xf32, #tpu.memory_space<vmem>>, vector<1x16xf32>,
          %get3A_765 = vector.shape_cast %get3A_764 : vector<1x16xf32> to vector<16xf32>
          %mul3A_766 = arith.mulf %get3A_765, %gather3A_727 : vector<16xf32>
          %swap3A_767 = arith.index_cast %add3A_731 : i32 to index
          %swap3A_768 = arith.constant 48 : index
          %swap3A_769 = tpu.vector_load %arg10[%swap3A_767, %swap3A_768] {strides = array<i32>} : memref<80x128xf32, #tpu.memory_space<vmem>>, vector<1x16xf32>,
          %swap3A_770 = vector.shape_cast %swap3A_769 : vector<1x16xf32> to vector<16xf32>
          %swap3A_771 = vector.shape_cast %mul3A_766 : vector<16xf32> to vector<1x16xf32>
          tpu.vector_store %arg10[%swap3A_767, %swap3A_768], %swap3A_771 {strides = array<i32>} : memref<80x128xf32, #tpu.memory_space<vmem>>, vector<1x16xf32>,
          %get3A_772 = arith.index_cast %add3A_731 : i32 to index
          %get3A_773 = arith.constant 64 : index
          %get3A_774 = tpu.vector_load %arg10[%get3A_772, %get3A_773] {strides = array<i32>} : memref<80x128xf32, #tpu.memory_space<vmem>>, vector<1x16xf32>,
          %get3A_775 = vector.shape_cast %get3A_774 : vector<1x16xf32> to vector<16xf32>
          %mul3A_776 = arith.mulf %get3A_775, %gather3A_727 : vector<16xf32>
          %swap3A_777 = arith.index_cast %add3A_731 : i32 to index
          %swap3A_778 = arith.constant 64 : index
          %swap3A_779 = tpu.vector_load %arg10[%swap3A_777, %swap3A_778] {strides = array<i32>} : memref<80x128xf32, #tpu.memory_space<vmem>>, vector<1x16xf32>,
          %swap3A_780 = vector.shape_cast %swap3A_779 : vector<1x16xf32> to vector<16xf32>
          %swap3A_781 = vector.shape_cast %mul3A_776 : vector<16xf32> to vector<1x16xf32>
          tpu.vector_store %arg10[%swap3A_777, %swap3A_778], %swap3A_781 {strides = array<i32>} : memref<80x128xf32, #tpu.memory_space<vmem>>, vector<1x16xf32>,
          %get3A_782 = arith.index_cast %add3A_731 : i32 to index
          %get3A_783 = arith.constant 80 : index
          %get3A_784 = tpu.vector_load %arg10[%get3A_782, %get3A_783] {strides = array<i32>} : memref<80x128xf32, #tpu.memory_space<vmem>>, vector<1x16xf32>,
          %get3A_785 = vector.shape_cast %get3A_784 : vector<1x16xf32> to vector<16xf32>
          %mul3A_786 = arith.mulf %get3A_785, %gather3A_727 : vector<16xf32>
          %swap3A_787 = arith.index_cast %add3A_731 : i32 to index
          %swap3A_788 = arith.constant 80 : index
          %swap3A_789 = tpu.vector_load %arg10[%swap3A_787, %swap3A_788] {strides = array<i32>} : memref<80x128xf32, #tpu.memory_space<vmem>>, vector<1x16xf32>,
          %swap3A_790 = vector.shape_cast %swap3A_789 : vector<1x16xf32> to vector<16xf32>
          %swap3A_791 = vector.shape_cast %mul3A_786 : vector<16xf32> to vector<1x16xf32>
          tpu.vector_store %arg10[%swap3A_787, %swap3A_788], %swap3A_791 {strides = array<i32>} : memref<80x128xf32, #tpu.memory_space<vmem>>, vector<1x16xf32>,
          %get3A_792 = arith.index_cast %add3A_731 : i32 to index
          %get3A_793 = arith.constant 96 : index
          %get3A_794 = tpu.vector_load %arg10[%get3A_792, %get3A_793] {strides = array<i32>} : memref<80x128xf32, #tpu.memory_space<vmem>>, vector<1x16xf32>,
          %get3A_795 = vector.shape_cast %get3A_794 : vector<1x16xf32> to vector<16xf32>
          %mul3A_796 = arith.mulf %get3A_795, %gather3A_727 : vector<16xf32>
          %swap3A_797 = arith.index_cast %add3A_731 : i32 to index
          %swap3A_798 = arith.constant 96 : index
          %swap3A_799 = tpu.vector_load %arg10[%swap3A_797, %swap3A_798] {strides = array<i32>} : memref<80x128xf32, #tpu.memory_space<vmem>>, vector<1x16xf32>,
          %swap3A_800 = vector.shape_cast %swap3A_799 : vector<1x16xf32> to vector<16xf32>
          %swap3A_801 = vector.shape_cast %mul3A_796 : vector<16xf32> to vector<1x16xf32>
          tpu.vector_store %arg10[%swap3A_797, %swap3A_798], %swap3A_801 {strides = array<i32>} : memref<80x128xf32, #tpu.memory_space<vmem>>, vector<1x16xf32>,
          %get3A_802 = arith.index_cast %add3A_731 : i32 to index
          %get3A_803 = arith.constant 112 : index
          %get3A_804 = tpu.vector_load %arg10[%get3A_802, %get3A_803] {strides = array<i32>} : memref<80x128xf32, #tpu.memory_space<vmem>>, vector<1x16xf32>,
          %get3A_805 = vector.shape_cast %get3A_804 : vector<1x16xf32> to vector<16xf32>
          %mul3A_806 = arith.mulf %get3A_805, %gather3A_727 : vector<16xf32>
          %swap3A_807 = arith.index_cast %add3A_731 : i32 to index
          %swap3A_808 = arith.constant 112 : index
          %swap3A_809 = tpu.vector_load %arg10[%swap3A_807, %swap3A_808] {strides = array<i32>} : memref<80x128xf32, #tpu.memory_space<vmem>>, vector<1x16xf32>,
          %swap3A_810 = vector.shape_cast %swap3A_809 : vector<1x16xf32> to vector<16xf32>
          %swap3A_811 = vector.shape_cast %mul3A_806 : vector<16xf32> to vector<1x16xf32>
          tpu.vector_store %arg10[%swap3A_807, %swap3A_808], %swap3A_811 {strides = array<i32>} : memref<80x128xf32, #tpu.memory_space<vmem>>, vector<1x16xf32>,
          %gather3A_812 = vector.shape_cast %broadcast_in_dim3A_26 : vector<16x1xi32> to vector<16xi32>
          %gather3A_813 = tpu.dynamic_gather %get3A_125[%gather3A_812] in [0] : vector<16xf32>, vector<16xi32> -> vector<16xf32>
          %mul3A_814 = arith.constant 16 : i32
          %mul3A_815 = arith.muli %scan3A_120, %mul3A_814 : i32
          %add3A_816 = arith.constant 8 : i32
          %add3A_817 = arith.addi %mul3A_815, %add3A_816 : i32
          %get3A_818 = arith.index_cast %add3A_817 : i32 to index
          %get3A_819 = arith.constant 0 : index
          %get3A_820 = tpu.vector_load %arg10[%get3A_818, %get3A_819] {strides = array<i32>} : memref<80x128xf32, #tpu.memory_space<vmem>>, vector<1x16xf32>,
          %get3A_821 = vector.shape_cast %get3A_820 : vector<1x16xf32> to vector<16xf32>
          %mul3A_822 = arith.mulf %get3A_821, %gather3A_813 : vector<16xf32>
          %swap3A_823 = arith.index_cast %add3A_817 : i32 to index
          %swap3A_824 = arith.constant 0 : index
          %swap3A_825 = tpu.vector_load %arg10[%swap3A_823, %swap3A_824] {strides = array<i32>} : memref<80x128xf32, #tpu.memory_space<vmem>>, vector<1x16xf32>,
          %swap3A_826 = vector.shape_cast %swap3A_825 : vector<1x16xf32> to vector<16xf32>
          %swap3A_827 = vector.shape_cast %mul3A_822 : vector<16xf32> to vector<1x16xf32>
          tpu.vector_store %arg10[%swap3A_823, %swap3A_824], %swap3A_827 {strides = array<i32>} : memref<80x128xf32, #tpu.memory_space<vmem>>, vector<1x16xf32>,
          %get3A_828 = arith.index_cast %add3A_817 : i32 to index
          %get3A_829 = arith.constant 16 : index
          %get3A_830 = tpu.vector_load %arg10[%get3A_828, %get3A_829] {strides = array<i32>} : memref<80x128xf32, #tpu.memory_space<vmem>>, vector<1x16xf32>,
          %get3A_831 = vector.shape_cast %get3A_830 : vector<1x16xf32> to vector<16xf32>
          %mul3A_832 = arith.mulf %get3A_831, %gather3A_813 : vector<16xf32>
          %swap3A_833 = arith.index_cast %add3A_817 : i32 to index
          %swap3A_834 = arith.constant 16 : index
          %swap3A_835 = tpu.vector_load %arg10[%swap3A_833, %swap3A_834] {strides = array<i32>} : memref<80x128xf32, #tpu.memory_space<vmem>>, vector<1x16xf32>,
          %swap3A_836 = vector.shape_cast %swap3A_835 : vector<1x16xf32> to vector<16xf32>
          %swap3A_837 = vector.shape_cast %mul3A_832 : vector<16xf32> to vector<1x16xf32>
          tpu.vector_store %arg10[%swap3A_833, %swap3A_834], %swap3A_837 {strides = array<i32>} : memref<80x128xf32, #tpu.memory_space<vmem>>, vector<1x16xf32>,
          %get3A_838 = arith.index_cast %add3A_817 : i32 to index
          %get3A_839 = arith.constant 32 : index
          %get3A_840 = tpu.vector_load %arg10[%get3A_838, %get3A_839] {strides = array<i32>} : memref<80x128xf32, #tpu.memory_space<vmem>>, vector<1x16xf32>,
          %get3A_841 = vector.shape_cast %get3A_840 : vector<1x16xf32> to vector<16xf32>
          %mul3A_842 = arith.mulf %get3A_841, %gather3A_813 : vector<16xf32>
          %swap3A_843 = arith.index_cast %add3A_817 : i32 to index
          %swap3A_844 = arith.constant 32 : index
          %swap3A_845 = tpu.vector_load %arg10[%swap3A_843, %swap3A_844] {strides = array<i32>} : memref<80x128xf32, #tpu.memory_space<vmem>>, vector<1x16xf32>,
          %swap3A_846 = vector.shape_cast %swap3A_845 : vector<1x16xf32> to vector<16xf32>
          %swap3A_847 = vector.shape_cast %mul3A_842 : vector<16xf32> to vector<1x16xf32>
          tpu.vector_store %arg10[%swap3A_843, %swap3A_844], %swap3A_847 {strides = array<i32>} : memref<80x128xf32, #tpu.memory_space<vmem>>, vector<1x16xf32>,
          %get3A_848 = arith.index_cast %add3A_817 : i32 to index
          %get3A_849 = arith.constant 48 : index
          %get3A_850 = tpu.vector_load %arg10[%get3A_848, %get3A_849] {strides = array<i32>} : memref<80x128xf32, #tpu.memory_space<vmem>>, vector<1x16xf32>,
          %get3A_851 = vector.shape_cast %get3A_850 : vector<1x16xf32> to vector<16xf32>
          %mul3A_852 = arith.mulf %get3A_851, %gather3A_813 : vector<16xf32>
          %swap3A_853 = arith.index_cast %add3A_817 : i32 to index
          %swap3A_854 = arith.constant 48 : index
          %swap3A_855 = tpu.vector_load %arg10[%swap3A_853, %swap3A_854] {strides = array<i32>} : memref<80x128xf32, #tpu.memory_space<vmem>>, vector<1x16xf32>,
          %swap3A_856 = vector.shape_cast %swap3A_855 : vector<1x16xf32> to vector<16xf32>
          %swap3A_857 = vector.shape_cast %mul3A_852 : vector<16xf32> to vector<1x16xf32>
          tpu.vector_store %arg10[%swap3A_853, %swap3A_854], %swap3A_857 {strides = array<i32>} : memref<80x128xf32, #tpu.memory_space<vmem>>, vector<1x16xf32>,
          %get3A_858 = arith.index_cast %add3A_817 : i32 to index
          %get3A_859 = arith.constant 64 : index
          %get3A_860 = tpu.vector_load %arg10[%get3A_858, %get3A_859] {strides = array<i32>} : memref<80x128xf32, #tpu.memory_space<vmem>>, vector<1x16xf32>,
          %get3A_861 = vector.shape_cast %get3A_860 : vector<1x16xf32> to vector<16xf32>
          %mul3A_862 = arith.mulf %get3A_861, %gather3A_813 : vector<16xf32>
          %swap3A_863 = arith.index_cast %add3A_817 : i32 to index
          %swap3A_864 = arith.constant 64 : index
          %swap3A_865 = tpu.vector_load %arg10[%swap3A_863, %swap3A_864] {strides = array<i32>} : memref<80x128xf32, #tpu.memory_space<vmem>>, vector<1x16xf32>,
          %swap3A_866 = vector.shape_cast %swap3A_865 : vector<1x16xf32> to vector<16xf32>
          %swap3A_867 = vector.shape_cast %mul3A_862 : vector<16xf32> to vector<1x16xf32>
          tpu.vector_store %arg10[%swap3A_863, %swap3A_864], %swap3A_867 {strides = array<i32>} : memref<80x128xf32, #tpu.memory_space<vmem>>, vector<1x16xf32>,
          %get3A_868 = arith.index_cast %add3A_817 : i32 to index
          %get3A_869 = arith.constant 80 : index
          %get3A_870 = tpu.vector_load %arg10[%get3A_868, %get3A_869] {strides = array<i32>} : memref<80x128xf32, #tpu.memory_space<vmem>>, vector<1x16xf32>,
          %get3A_871 = vector.shape_cast %get3A_870 : vector<1x16xf32> to vector<16xf32>
          %mul3A_872 = arith.mulf %get3A_871, %gather3A_813 : vector<16xf32>
          %swap3A_873 = arith.index_cast %add3A_817 : i32 to index
          %swap3A_874 = arith.constant 80 : index
          %swap3A_875 = tpu.vector_load %arg10[%swap3A_873, %swap3A_874] {strides = array<i32>} : memref<80x128xf32, #tpu.memory_space<vmem>>, vector<1x16xf32>,
          %swap3A_876 = vector.shape_cast %swap3A_875 : vector<1x16xf32> to vector<16xf32>
          %swap3A_877 = vector.shape_cast %mul3A_872 : vector<16xf32> to vector<1x16xf32>
          tpu.vector_store %arg10[%swap3A_873, %swap3A_874], %swap3A_877 {strides = array<i32>} : memref<80x128xf32, #tpu.memory_space<vmem>>, vector<1x16xf32>,
          %get3A_878 = arith.index_cast %add3A_817 : i32 to index
          %get3A_879 = arith.constant 96 : index
          %get3A_880 = tpu.vector_load %arg10[%get3A_878, %get3A_879] {strides = array<i32>} : memref<80x128xf32, #tpu.memory_space<vmem>>, vector<1x16xf32>,
          %get3A_881 = vector.shape_cast %get3A_880 : vector<1x16xf32> to vector<16xf32>
          %mul3A_882 = arith.mulf %get3A_881, %gather3A_813 : vector<16xf32>
          %swap3A_883 = arith.index_cast %add3A_817 : i32 to index
          %swap3A_884 = arith.constant 96 : index
          %swap3A_885 = tpu.vector_load %arg10[%swap3A_883, %swap3A_884] {strides = array<i32>} : memref<80x128xf32, #tpu.memory_space<vmem>>, vector<1x16xf32>,
          %swap3A_886 = vector.shape_cast %swap3A_885 : vector<1x16xf32> to vector<16xf32>
          %swap3A_887 = vector.shape_cast %mul3A_882 : vector<16xf32> to vector<1x16xf32>
          tpu.vector_store %arg10[%swap3A_883, %swap3A_884], %swap3A_887 {strides = array<i32>} : memref<80x128xf32, #tpu.memory_space<vmem>>, vector<1x16xf32>,
          %get3A_888 = arith.index_cast %add3A_817 : i32 to index
          %get3A_889 = arith.constant 112 : index
          %get3A_890 = tpu.vector_load %arg10[%get3A_888, %get3A_889] {strides = array<i32>} : memref<80x128xf32, #tpu.memory_space<vmem>>, vector<1x16xf32>,
          %get3A_891 = vector.shape_cast %get3A_890 : vector<1x16xf32> to vector<16xf32>
          %mul3A_892 = arith.mulf %get3A_891, %gather3A_813 : vector<16xf32>
          %swap3A_893 = arith.index_cast %add3A_817 : i32 to index
          %swap3A_894 = arith.constant 112 : index
          %swap3A_895 = tpu.vector_load %arg10[%swap3A_893, %swap3A_894] {strides = array<i32>} : memref<80x128xf32, #tpu.memory_space<vmem>>, vector<1x16xf32>,
          %swap3A_896 = vector.shape_cast %swap3A_895 : vector<1x16xf32> to vector<16xf32>
          %swap3A_897 = vector.shape_cast %mul3A_892 : vector<16xf32> to vector<1x16xf32>
          tpu.vector_store %arg10[%swap3A_893, %swap3A_894], %swap3A_897 {strides = array<i32>} : memref<80x128xf32, #tpu.memory_space<vmem>>, vector<1x16xf32>,
          %gather3A_898 = vector.shape_cast %broadcast_in_dim3A_28 : vector<16x1xi32> to vector<16xi32>
          %gather3A_899 = tpu.dynamic_gather %get3A_125[%gather3A_898] in [0] : vector<16xf32>, vector<16xi32> -> vector<16xf32>
          %mul3A_900 = arith.constant 16 : i32
          %mul3A_901 = arith.muli %scan3A_120, %mul3A_900 : i32
          %add3A_902 = arith.constant 9 : i32
          %add3A_903 = arith.addi %mul3A_901, %add3A_902 : i32
          %get3A_904 = arith.index_cast %add3A_903 : i32 to index
          %get3A_905 = arith.constant 0 : index
          %get3A_906 = tpu.vector_load %arg10[%get3A_904, %get3A_905] {strides = array<i32>} : memref<80x128xf32, #tpu.memory_space<vmem>>, vector<1x16xf32>,
          %get3A_907 = vector.shape_cast %get3A_906 : vector<1x16xf32> to vector<16xf32>
          %mul3A_908 = arith.mulf %get3A_907, %gather3A_899 : vector<16xf32>
          %swap3A_909 = arith.index_cast %add3A_903 : i32 to index
          %swap3A_910 = arith.constant 0 : index
          %swap3A_911 = tpu.vector_load %arg10[%swap3A_909, %swap3A_910] {strides = array<i32>} : memref<80x128xf32, #tpu.memory_space<vmem>>, vector<1x16xf32>,
          %swap3A_912 = vector.shape_cast %swap3A_911 : vector<1x16xf32> to vector<16xf32>
          %swap3A_913 = vector.shape_cast %mul3A_908 : vector<16xf32> to vector<1x16xf32>
          tpu.vector_store %arg10[%swap3A_909, %swap3A_910], %swap3A_913 {strides = array<i32>} : memref<80x128xf32, #tpu.memory_space<vmem>>, vector<1x16xf32>,
          %get3A_914 = arith.index_cast %add3A_903 : i32 to index
          %get3A_915 = arith.constant 16 : index
          %get3A_916 = tpu.vector_load %arg10[%get3A_914, %get3A_915] {strides = array<i32>} : memref<80x128xf32, #tpu.memory_space<vmem>>, vector<1x16xf32>,
          %get3A_917 = vector.shape_cast %get3A_916 : vector<1x16xf32> to vector<16xf32>
          %mul3A_918 = arith.mulf %get3A_917, %gather3A_899 : vector<16xf32>
          %swap3A_919 = arith.index_cast %add3A_903 : i32 to index
          %swap3A_920 = arith.constant 16 : index
          %swap3A_921 = tpu.vector_load %arg10[%swap3A_919, %swap3A_920] {strides = array<i32>} : memref<80x128xf32, #tpu.memory_space<vmem>>, vector<1x16xf32>,
          %swap3A_922 = vector.shape_cast %swap3A_921 : vector<1x16xf32> to vector<16xf32>
          %swap3A_923 = vector.shape_cast %mul3A_918 : vector<16xf32> to vector<1x16xf32>
          tpu.vector_store %arg10[%swap3A_919, %swap3A_920], %swap3A_923 {strides = array<i32>} : memref<80x128xf32, #tpu.memory_space<vmem>>, vector<1x16xf32>,
          %get3A_924 = arith.index_cast %add3A_903 : i32 to index
          %get3A_925 = arith.constant 32 : index
          %get3A_926 = tpu.vector_load %arg10[%get3A_924, %get3A_925] {strides = array<i32>} : memref<80x128xf32, #tpu.memory_space<vmem>>, vector<1x16xf32>,
          %get3A_927 = vector.shape_cast %get3A_926 : vector<1x16xf32> to vector<16xf32>
          %mul3A_928 = arith.mulf %get3A_927, %gather3A_899 : vector<16xf32>
          %swap3A_929 = arith.index_cast %add3A_903 : i32 to index
          %swap3A_930 = arith.constant 32 : index
          %swap3A_931 = tpu.vector_load %arg10[%swap3A_929, %swap3A_930] {strides = array<i32>} : memref<80x128xf32, #tpu.memory_space<vmem>>, vector<1x16xf32>,
          %swap3A_932 = vector.shape_cast %swap3A_931 : vector<1x16xf32> to vector<16xf32>
          %swap3A_933 = vector.shape_cast %mul3A_928 : vector<16xf32> to vector<1x16xf32>
          tpu.vector_store %arg10[%swap3A_929, %swap3A_930], %swap3A_933 {strides = array<i32>} : memref<80x128xf32, #tpu.memory_space<vmem>>, vector<1x16xf32>,
          %get3A_934 = arith.index_cast %add3A_903 : i32 to index
          %get3A_935 = arith.constant 48 : index
          %get3A_936 = tpu.vector_load %arg10[%get3A_934, %get3A_935] {strides = array<i32>} : memref<80x128xf32, #tpu.memory_space<vmem>>, vector<1x16xf32>,
          %get3A_937 = vector.shape_cast %get3A_936 : vector<1x16xf32> to vector<16xf32>
          %mul3A_938 = arith.mulf %get3A_937, %gather3A_899 : vector<16xf32>
          %swap3A_939 = arith.index_cast %add3A_903 : i32 to index
          %swap3A_940 = arith.constant 48 : index
          %swap3A_941 = tpu.vector_load %arg10[%swap3A_939, %swap3A_940] {strides = array<i32>} : memref<80x128xf32, #tpu.memory_space<vmem>>, vector<1x16xf32>,
          %swap3A_942 = vector.shape_cast %swap3A_941 : vector<1x16xf32> to vector<16xf32>
          %swap3A_943 = vector.shape_cast %mul3A_938 : vector<16xf32> to vector<1x16xf32>
          tpu.vector_store %arg10[%swap3A_939, %swap3A_940], %swap3A_943 {strides = array<i32>} : memref<80x128xf32, #tpu.memory_space<vmem>>, vector<1x16xf32>,
          %get3A_944 = arith.index_cast %add3A_903 : i32 to index
          %get3A_945 = arith.constant 64 : index
          %get3A_946 = tpu.vector_load %arg10[%get3A_944, %get3A_945] {strides = array<i32>} : memref<80x128xf32, #tpu.memory_space<vmem>>, vector<1x16xf32>,
          %get3A_947 = vector.shape_cast %get3A_946 : vector<1x16xf32> to vector<16xf32>
          %mul3A_948 = arith.mulf %get3A_947, %gather3A_899 : vector<16xf32>
          %swap3A_949 = arith.index_cast %add3A_903 : i32 to index
          %swap3A_950 = arith.constant 64 : index
          %swap3A_951 = tpu.vector_load %arg10[%swap3A_949, %swap3A_950] {strides = array<i32>} : memref<80x128xf32, #tpu.memory_space<vmem>>, vector<1x16xf32>,
          %swap3A_952 = vector.shape_cast %swap3A_951 : vector<1x16xf32> to vector<16xf32>
          %swap3A_953 = vector.shape_cast %mul3A_948 : vector<16xf32> to vector<1x16xf32>
          tpu.vector_store %arg10[%swap3A_949, %swap3A_950], %swap3A_953 {strides = array<i32>} : memref<80x128xf32, #tpu.memory_space<vmem>>, vector<1x16xf32>,
          %get3A_954 = arith.index_cast %add3A_903 : i32 to index
          %get3A_955 = arith.constant 80 : index
          %get3A_956 = tpu.vector_load %arg10[%get3A_954, %get3A_955] {strides = array<i32>} : memref<80x128xf32, #tpu.memory_space<vmem>>, vector<1x16xf32>,
          %get3A_957 = vector.shape_cast %get3A_956 : vector<1x16xf32> to vector<16xf32>
          %mul3A_958 = arith.mulf %get3A_957, %gather3A_899 : vector<16xf32>
          %swap3A_959 = arith.index_cast %add3A_903 : i32 to index
          %swap3A_960 = arith.constant 80 : index
          %swap3A_961 = tpu.vector_load %arg10[%swap3A_959, %swap3A_960] {strides = array<i32>} : memref<80x128xf32, #tpu.memory_space<vmem>>, vector<1x16xf32>,
          %swap3A_962 = vector.shape_cast %swap3A_961 : vector<1x16xf32> to vector<16xf32>
          %swap3A_963 = vector.shape_cast %mul3A_958 : vector<16xf32> to vector<1x16xf32>
          tpu.vector_store %arg10[%swap3A_959, %swap3A_960], %swap3A_963 {strides = array<i32>} : memref<80x128xf32, #tpu.memory_space<vmem>>, vector<1x16xf32>,
          %get3A_964 = arith.index_cast %add3A_903 : i32 to index
          %get3A_965 = arith.constant 96 : index
          %get3A_966 = tpu.vector_load %arg10[%get3A_964, %get3A_965] {strides = array<i32>} : memref<80x128xf32, #tpu.memory_space<vmem>>, vector<1x16xf32>,
          %get3A_967 = vector.shape_cast %get3A_966 : vector<1x16xf32> to vector<16xf32>
          %mul3A_968 = arith.mulf %get3A_967, %gather3A_899 : vector<16xf32>
          %swap3A_969 = arith.index_cast %add3A_903 : i32 to index
          %swap3A_970 = arith.constant 96 : index
          %swap3A_971 = tpu.vector_load %arg10[%swap3A_969, %swap3A_970] {strides = array<i32>} : memref<80x128xf32, #tpu.memory_space<vmem>>, vector<1x16xf32>,
          %swap3A_972 = vector.shape_cast %swap3A_971 : vector<1x16xf32> to vector<16xf32>
          %swap3A_973 = vector.shape_cast %mul3A_968 : vector<16xf32> to vector<1x16xf32>
          tpu.vector_store %arg10[%swap3A_969, %swap3A_970], %swap3A_973 {strides = array<i32>} : memref<80x128xf32, #tpu.memory_space<vmem>>, vector<1x16xf32>,
          %get3A_974 = arith.index_cast %add3A_903 : i32 to index
          %get3A_975 = arith.constant 112 : index
          %get3A_976 = tpu.vector_load %arg10[%get3A_974, %get3A_975] {strides = array<i32>} : memref<80x128xf32, #tpu.memory_space<vmem>>, vector<1x16xf32>,
          %get3A_977 = vector.shape_cast %get3A_976 : vector<1x16xf32> to vector<16xf32>
          %mul3A_978 = arith.mulf %get3A_977, %gather3A_899 : vector<16xf32>
          %swap3A_979 = arith.index_cast %add3A_903 : i32 to index
          %swap3A_980 = arith.constant 112 : index
          %swap3A_981 = tpu.vector_load %arg10[%swap3A_979, %swap3A_980] {strides = array<i32>} : memref<80x128xf32, #tpu.memory_space<vmem>>, vector<1x16xf32>,
          %swap3A_982 = vector.shape_cast %swap3A_981 : vector<1x16xf32> to vector<16xf32>
          %swap3A_983 = vector.shape_cast %mul3A_978 : vector<16xf32> to vector<1x16xf32>
          tpu.vector_store %arg10[%swap3A_979, %swap3A_980], %swap3A_983 {strides = array<i32>} : memref<80x128xf32, #tpu.memory_space<vmem>>, vector<1x16xf32>,
          %gather3A_984 = vector.shape_cast %broadcast_in_dim3A_30 : vector<16x1xi32> to vector<16xi32>
          %gather3A_985 = tpu.dynamic_gather %get3A_125[%gather3A_984] in [0] : vector<16xf32>, vector<16xi32> -> vector<16xf32>
          %mul3A_986 = arith.constant 16 : i32
          %mul3A_987 = arith.muli %scan3A_120, %mul3A_986 : i32
          %add3A_988 = arith.constant 10 : i32
          %add3A_989 = arith.addi %mul3A_987, %add3A_988 : i32
          %get3A_990 = arith.index_cast %add3A_989 : i32 to index
          %get3A_991 = arith.constant 0 : index
          %get3A_992 = tpu.vector_load %arg10[%get3A_990, %get3A_991] {strides = array<i32>} : memref<80x128xf32, #tpu.memory_space<vmem>>, vector<1x16xf32>,
          %get3A_993 = vector.shape_cast %get3A_992 : vector<1x16xf32> to vector<16xf32>
          %mul3A_994 = arith.mulf %get3A_993, %gather3A_985 : vector<16xf32>
          %swap3A_995 = arith.index_cast %add3A_989 : i32 to index
          %swap3A_996 = arith.constant 0 : index
          %swap3A_997 = tpu.vector_load %arg10[%swap3A_995, %swap3A_996] {strides = array<i32>} : memref<80x128xf32, #tpu.memory_space<vmem>>, vector<1x16xf32>,
          %swap3A_998 = vector.shape_cast %swap3A_997 : vector<1x16xf32> to vector<16xf32>
          %swap3A_999 = vector.shape_cast %mul3A_994 : vector<16xf32> to vector<1x16xf32>
          tpu.vector_store %arg10[%swap3A_995, %swap3A_996], %swap3A_999 {strides = array<i32>} : memref<80x128xf32, #tpu.memory_space<vmem>>, vector<1x16xf32>,
          %get3A_1000 = arith.index_cast %add3A_989 : i32 to index
          %get3A_1001 = arith.constant 16 : index
          %get3A_1002 = tpu.vector_load %arg10[%get3A_1000, %get3A_1001] {strides = array<i32>} : memref<80x128xf32, #tpu.memory_space<vmem>>, vector<1x16xf32>,
          %get3A_1003 = vector.shape_cast %get3A_1002 : vector<1x16xf32> to vector<16xf32>
          %mul3A_1004 = arith.mulf %get3A_1003, %gather3A_985 : vector<16xf32>
          %swap3A_1005 = arith.index_cast %add3A_989 : i32 to index
          %swap3A_1006 = arith.constant 16 : index
          %swap3A_1007 = tpu.vector_load %arg10[%swap3A_1005, %swap3A_1006] {strides = array<i32>} : memref<80x128xf32, #tpu.memory_space<vmem>>, vector<1x16xf32>,
          %swap3A_1008 = vector.shape_cast %swap3A_1007 : vector<1x16xf32> to vector<16xf32>
          %swap3A_1009 = vector.shape_cast %mul3A_1004 : vector<16xf32> to vector<1x16xf32>
          tpu.vector_store %arg10[%swap3A_1005, %swap3A_1006], %swap3A_1009 {strides = array<i32>} : memref<80x128xf32, #tpu.memory_space<vmem>>, vector<1x16xf32>,
          %get3A_1010 = arith.index_cast %add3A_989 : i32 to index
          %get3A_1011 = arith.constant 32 : index
          %get3A_1012 = tpu.vector_load %arg10[%get3A_1010, %get3A_1011] {strides = array<i32>} : memref<80x128xf32, #tpu.memory_space<vmem>>, vector<1x16xf32>,
          %get3A_1013 = vector.shape_cast %get3A_1012 : vector<1x16xf32> to vector<16xf32>
          %mul3A_1014 = arith.mulf %get3A_1013, %gather3A_985 : vector<16xf32>
          %swap3A_1015 = arith.index_cast %add3A_989 : i32 to index
          %swap3A_1016 = arith.constant 32 : index
          %swap3A_1017 = tpu.vector_load %arg10[%swap3A_1015, %swap3A_1016] {strides = array<i32>} : memref<80x128xf32, #tpu.memory_space<vmem>>, vector<1x16xf32>,
          %swap3A_1018 = vector.shape_cast %swap3A_1017 : vector<1x16xf32> to vector<16xf32>
          %swap3A_1019 = vector.shape_cast %mul3A_1014 : vector<16xf32> to vector<1x16xf32>
          tpu.vector_store %arg10[%swap3A_1015, %swap3A_1016], %swap3A_1019 {strides = array<i32>} : memref<80x128xf32, #tpu.memory_space<vmem>>, vector<1x16xf32>,
          %get3A_1020 = arith.index_cast %add3A_989 : i32 to index
          %get3A_1021 = arith.constant 48 : index
          %get3A_1022 = tpu.vector_load %arg10[%get3A_1020, %get3A_1021] {strides = array<i32>} : memref<80x128xf32, #tpu.memory_space<vmem>>, vector<1x16xf32>,
          %get3A_1023 = vector.shape_cast %get3A_1022 : vector<1x16xf32> to vector<16xf32>
          %mul3A_1024 = arith.mulf %get3A_1023, %gather3A_985 : vector<16xf32>
          %swap3A_1025 = arith.index_cast %add3A_989 : i32 to index
          %swap3A_1026 = arith.constant 48 : index
          %swap3A_1027 = tpu.vector_load %arg10[%swap3A_1025, %swap3A_1026] {strides = array<i32>} : memref<80x128xf32, #tpu.memory_space<vmem>>, vector<1x16xf32>,
          %swap3A_1028 = vector.shape_cast %swap3A_1027 : vector<1x16xf32> to vector<16xf32>
          %swap3A_1029 = vector.shape_cast %mul3A_1024 : vector<16xf32> to vector<1x16xf32>
          tpu.vector_store %arg10[%swap3A_1025, %swap3A_1026], %swap3A_1029 {strides = array<i32>} : memref<80x128xf32, #tpu.memory_space<vmem>>, vector<1x16xf32>,
          %get3A_1030 = arith.index_cast %add3A_989 : i32 to index
          %get3A_1031 = arith.constant 64 : index
          %get3A_1032 = tpu.vector_load %arg10[%get3A_1030, %get3A_1031] {strides = array<i32>} : memref<80x128xf32, #tpu.memory_space<vmem>>, vector<1x16xf32>,
          %get3A_1033 = vector.shape_cast %get3A_1032 : vector<1x16xf32> to vector<16xf32>
          %mul3A_1034 = arith.mulf %get3A_1033, %gather3A_985 : vector<16xf32>
          %swap3A_1035 = arith.index_cast %add3A_989 : i32 to index
          %swap3A_1036 = arith.constant 64 : index
          %swap3A_1037 = tpu.vector_load %arg10[%swap3A_1035, %swap3A_1036] {strides = array<i32>} : memref<80x128xf32, #tpu.memory_space<vmem>>, vector<1x16xf32>,
          %swap3A_1038 = vector.shape_cast %swap3A_1037 : vector<1x16xf32> to vector<16xf32>
          %swap3A_1039 = vector.shape_cast %mul3A_1034 : vector<16xf32> to vector<1x16xf32>
          tpu.vector_store %arg10[%swap3A_1035, %swap3A_1036], %swap3A_1039 {strides = array<i32>} : memref<80x128xf32, #tpu.memory_space<vmem>>, vector<1x16xf32>,
          %get3A_1040 = arith.index_cast %add3A_989 : i32 to index
          %get3A_1041 = arith.constant 80 : index
          %get3A_1042 = tpu.vector_load %arg10[%get3A_1040, %get3A_1041] {strides = array<i32>} : memref<80x128xf32, #tpu.memory_space<vmem>>, vector<1x16xf32>,
          %get3A_1043 = vector.shape_cast %get3A_1042 : vector<1x16xf32> to vector<16xf32>
          %mul3A_1044 = arith.mulf %get3A_1043, %gather3A_985 : vector<16xf32>
          %swap3A_1045 = arith.index_cast %add3A_989 : i32 to index
          %swap3A_1046 = arith.constant 80 : index
          %swap3A_1047 = tpu.vector_load %arg10[%swap3A_1045, %swap3A_1046] {strides = array<i32>} : memref<80x128xf32, #tpu.memory_space<vmem>>, vector<1x16xf32>,
          %swap3A_1048 = vector.shape_cast %swap3A_1047 : vector<1x16xf32> to vector<16xf32>
          %swap3A_1049 = vector.shape_cast %mul3A_1044 : vector<16xf32> to vector<1x16xf32>
          tpu.vector_store %arg10[%swap3A_1045, %swap3A_1046], %swap3A_1049 {strides = array<i32>} : memref<80x128xf32, #tpu.memory_space<vmem>>, vector<1x16xf32>,
          %get3A_1050 = arith.index_cast %add3A_989 : i32 to index
          %get3A_1051 = arith.constant 96 : index
          %get3A_1052 = tpu.vector_load %arg10[%get3A_1050, %get3A_1051] {strides = array<i32>} : memref<80x128xf32, #tpu.memory_space<vmem>>, vector<1x16xf32>,
          %get3A_1053 = vector.shape_cast %get3A_1052 : vector<1x16xf32> to vector<16xf32>
          %mul3A_1054 = arith.mulf %get3A_1053, %gather3A_985 : vector<16xf32>
          %swap3A_1055 = arith.index_cast %add3A_989 : i32 to index
          %swap3A_1056 = arith.constant 96 : index
          %swap3A_1057 = tpu.vector_load %arg10[%swap3A_1055, %swap3A_1056] {strides = array<i32>} : memref<80x128xf32, #tpu.memory_space<vmem>>, vector<1x16xf32>,
          %swap3A_1058 = vector.shape_cast %swap3A_1057 : vector<1x16xf32> to vector<16xf32>
          %swap3A_1059 = vector.shape_cast %mul3A_1054 : vector<16xf32> to vector<1x16xf32>
          tpu.vector_store %arg10[%swap3A_1055, %swap3A_1056], %swap3A_1059 {strides = array<i32>} : memref<80x128xf32, #tpu.memory_space<vmem>>, vector<1x16xf32>,
          %get3A_1060 = arith.index_cast %add3A_989 : i32 to index
          %get3A_1061 = arith.constant 112 : index
          %get3A_1062 = tpu.vector_load %arg10[%get3A_1060, %get3A_1061] {strides = array<i32>} : memref<80x128xf32, #tpu.memory_space<vmem>>, vector<1x16xf32>,
          %get3A_1063 = vector.shape_cast %get3A_1062 : vector<1x16xf32> to vector<16xf32>
          %mul3A_1064 = arith.mulf %get3A_1063, %gather3A_985 : vector<16xf32>
          %swap3A_1065 = arith.index_cast %add3A_989 : i32 to index
          %swap3A_1066 = arith.constant 112 : index
          %swap3A_1067 = tpu.vector_load %arg10[%swap3A_1065, %swap3A_1066] {strides = array<i32>} : memref<80x128xf32, #tpu.memory_space<vmem>>, vector<1x16xf32>,
          %swap3A_1068 = vector.shape_cast %swap3A_1067 : vector<1x16xf32> to vector<16xf32>
          %swap3A_1069 = vector.shape_cast %mul3A_1064 : vector<16xf32> to vector<1x16xf32>
          tpu.vector_store %arg10[%swap3A_1065, %swap3A_1066], %swap3A_1069 {strides = array<i32>} : memref<80x128xf32, #tpu.memory_space<vmem>>, vector<1x16xf32>,
          %gather3A_1070 = vector.shape_cast %broadcast_in_dim3A_32 : vector<16x1xi32> to vector<16xi32>
          %gather3A_1071 = tpu.dynamic_gather %get3A_125[%gather3A_1070] in [0] : vector<16xf32>, vector<16xi32> -> vector<16xf32>
          %mul3A_1072 = arith.constant 16 : i32
          %mul3A_1073 = arith.muli %scan3A_120, %mul3A_1072 : i32
          %add3A_1074 = arith.constant 11 : i32
          %add3A_1075 = arith.addi %mul3A_1073, %add3A_1074 : i32
          %get3A_1076 = arith.index_cast %add3A_1075 : i32 to index
          %get3A_1077 = arith.constant 0 : index
          %get3A_1078 = tpu.vector_load %arg10[%get3A_1076, %get3A_1077] {strides = array<i32>} : memref<80x128xf32, #tpu.memory_space<vmem>>, vector<1x16xf32>,
          %get3A_1079 = vector.shape_cast %get3A_1078 : vector<1x16xf32> to vector<16xf32>
          %mul3A_1080 = arith.mulf %get3A_1079, %gather3A_1071 : vector<16xf32>
          %swap3A_1081 = arith.index_cast %add3A_1075 : i32 to index
          %swap3A_1082 = arith.constant 0 : index
          %swap3A_1083 = tpu.vector_load %arg10[%swap3A_1081, %swap3A_1082] {strides = array<i32>} : memref<80x128xf32, #tpu.memory_space<vmem>>, vector<1x16xf32>,
          %swap3A_1084 = vector.shape_cast %swap3A_1083 : vector<1x16xf32> to vector<16xf32>
          %swap3A_1085 = vector.shape_cast %mul3A_1080 : vector<16xf32> to vector<1x16xf32>
          tpu.vector_store %arg10[%swap3A_1081, %swap3A_1082], %swap3A_1085 {strides = array<i32>} : memref<80x128xf32, #tpu.memory_space<vmem>>, vector<1x16xf32>,
          %get3A_1086 = arith.index_cast %add3A_1075 : i32 to index
          %get3A_1087 = arith.constant 16 : index
          %get3A_1088 = tpu.vector_load %arg10[%get3A_1086, %get3A_1087] {strides = array<i32>} : memref<80x128xf32, #tpu.memory_space<vmem>>, vector<1x16xf32>,
          %get3A_1089 = vector.shape_cast %get3A_1088 : vector<1x16xf32> to vector<16xf32>
          %mul3A_1090 = arith.mulf %get3A_1089, %gather3A_1071 : vector<16xf32>
          %swap3A_1091 = arith.index_cast %add3A_1075 : i32 to index
          %swap3A_1092 = arith.constant 16 : index
          %swap3A_1093 = tpu.vector_load %arg10[%swap3A_1091, %swap3A_1092] {strides = array<i32>} : memref<80x128xf32, #tpu.memory_space<vmem>>, vector<1x16xf32>,
          %swap3A_1094 = vector.shape_cast %swap3A_1093 : vector<1x16xf32> to vector<16xf32>
          %swap3A_1095 = vector.shape_cast %mul3A_1090 : vector<16xf32> to vector<1x16xf32>
          tpu.vector_store %arg10[%swap3A_1091, %swap3A_1092], %swap3A_1095 {strides = array<i32>} : memref<80x128xf32, #tpu.memory_space<vmem>>, vector<1x16xf32>,
          %get3A_1096 = arith.index_cast %add3A_1075 : i32 to index
          %get3A_1097 = arith.constant 32 : index
          %get3A_1098 = tpu.vector_load %arg10[%get3A_1096, %get3A_1097] {strides = array<i32>} : memref<80x128xf32, #tpu.memory_space<vmem>>, vector<1x16xf32>,
          %get3A_1099 = vector.shape_cast %get3A_1098 : vector<1x16xf32> to vector<16xf32>
          %mul3A_1100 = arith.mulf %get3A_1099, %gather3A_1071 : vector<16xf32>
          %swap3A_1101 = arith.index_cast %add3A_1075 : i32 to index
          %swap3A_1102 = arith.constant 32 : index
          %swap3A_1103 = tpu.vector_load %arg10[%swap3A_1101, %swap3A_1102] {strides = array<i32>} : memref<80x128xf32, #tpu.memory_space<vmem>>, vector<1x16xf32>,
          %swap3A_1104 = vector.shape_cast %swap3A_1103 : vector<1x16xf32> to vector<16xf32>
          %swap3A_1105 = vector.shape_cast %mul3A_1100 : vector<16xf32> to vector<1x16xf32>
          tpu.vector_store %arg10[%swap3A_1101, %swap3A_1102], %swap3A_1105 {strides = array<i32>} : memref<80x128xf32, #tpu.memory_space<vmem>>, vector<1x16xf32>,
          %get3A_1106 = arith.index_cast %add3A_1075 : i32 to index
          %get3A_1107 = arith.constant 48 : index
          %get3A_1108 = tpu.vector_load %arg10[%get3A_1106, %get3A_1107] {strides = array<i32>} : memref<80x128xf32, #tpu.memory_space<vmem>>, vector<1x16xf32>,
          %get3A_1109 = vector.shape_cast %get3A_1108 : vector<1x16xf32> to vector<16xf32>
          %mul3A_1110 = arith.mulf %get3A_1109, %gather3A_1071 : vector<16xf32>
          %swap3A_1111 = arith.index_cast %add3A_1075 : i32 to index
          %swap3A_1112 = arith.constant 48 : index
          %swap3A_1113 = tpu.vector_load %arg10[%swap3A_1111, %swap3A_1112] {strides = array<i32>} : memref<80x128xf32, #tpu.memory_space<vmem>>, vector<1x16xf32>,
          %swap3A_1114 = vector.shape_cast %swap3A_1113 : vector<1x16xf32> to vector<16xf32>
          %swap3A_1115 = vector.shape_cast %mul3A_1110 : vector<16xf32> to vector<1x16xf32>
          tpu.vector_store %arg10[%swap3A_1111, %swap3A_1112], %swap3A_1115 {strides = array<i32>} : memref<80x128xf32, #tpu.memory_space<vmem>>, vector<1x16xf32>,
          %get3A_1116 = arith.index_cast %add3A_1075 : i32 to index
          %get3A_1117 = arith.constant 64 : index
          %get3A_1118 = tpu.vector_load %arg10[%get3A_1116, %get3A_1117] {strides = array<i32>} : memref<80x128xf32, #tpu.memory_space<vmem>>, vector<1x16xf32>,
          %get3A_1119 = vector.shape_cast %get3A_1118 : vector<1x16xf32> to vector<16xf32>
          %mul3A_1120 = arith.mulf %get3A_1119, %gather3A_1071 : vector<16xf32>
          %swap3A_1121 = arith.index_cast %add3A_1075 : i32 to index
          %swap3A_1122 = arith.constant 64 : index
          %swap3A_1123 = tpu.vector_load %arg10[%swap3A_1121, %swap3A_1122] {strides = array<i32>} : memref<80x128xf32, #tpu.memory_space<vmem>>, vector<1x16xf32>,
          %swap3A_1124 = vector.shape_cast %swap3A_1123 : vector<1x16xf32> to vector<16xf32>
          %swap3A_1125 = vector.shape_cast %mul3A_1120 : vector<16xf32> to vector<1x16xf32>
          tpu.vector_store %arg10[%swap3A_1121, %swap3A_1122], %swap3A_1125 {strides = array<i32>} : memref<80x128xf32, #tpu.memory_space<vmem>>, vector<1x16xf32>,
          %get3A_1126 = arith.index_cast %add3A_1075 : i32 to index
          %get3A_1127 = arith.constant 80 : index
          %get3A_1128 = tpu.vector_load %arg10[%get3A_1126, %get3A_1127] {strides = array<i32>} : memref<80x128xf32, #tpu.memory_space<vmem>>, vector<1x16xf32>,
          %get3A_1129 = vector.shape_cast %get3A_1128 : vector<1x16xf32> to vector<16xf32>
          %mul3A_1130 = arith.mulf %get3A_1129, %gather3A_1071 : vector<16xf32>
          %swap3A_1131 = arith.index_cast %add3A_1075 : i32 to index
          %swap3A_1132 = arith.constant 80 : index
          %swap3A_1133 = tpu.vector_load %arg10[%swap3A_1131, %swap3A_1132] {strides = array<i32>} : memref<80x128xf32, #tpu.memory_space<vmem>>, vector<1x16xf32>,
          %swap3A_1134 = vector.shape_cast %swap3A_1133 : vector<1x16xf32> to vector<16xf32>
          %swap3A_1135 = vector.shape_cast %mul3A_1130 : vector<16xf32> to vector<1x16xf32>
          tpu.vector_store %arg10[%swap3A_1131, %swap3A_1132], %swap3A_1135 {strides = array<i32>} : memref<80x128xf32, #tpu.memory_space<vmem>>, vector<1x16xf32>,
          %get3A_1136 = arith.index_cast %add3A_1075 : i32 to index
          %get3A_1137 = arith.constant 96 : index
          %get3A_1138 = tpu.vector_load %arg10[%get3A_1136, %get3A_1137] {strides = array<i32>} : memref<80x128xf32, #tpu.memory_space<vmem>>, vector<1x16xf32>,
          %get3A_1139 = vector.shape_cast %get3A_1138 : vector<1x16xf32> to vector<16xf32>
          %mul3A_1140 = arith.mulf %get3A_1139, %gather3A_1071 : vector<16xf32>
          %swap3A_1141 = arith.index_cast %add3A_1075 : i32 to index
          %swap3A_1142 = arith.constant 96 : index
          %swap3A_1143 = tpu.vector_load %arg10[%swap3A_1141, %swap3A_1142] {strides = array<i32>} : memref<80x128xf32, #tpu.memory_space<vmem>>, vector<1x16xf32>,
          %swap3A_1144 = vector.shape_cast %swap3A_1143 : vector<1x16xf32> to vector<16xf32>
          %swap3A_1145 = vector.shape_cast %mul3A_1140 : vector<16xf32> to vector<1x16xf32>
          tpu.vector_store %arg10[%swap3A_1141, %swap3A_1142], %swap3A_1145 {strides = array<i32>} : memref<80x128xf32, #tpu.memory_space<vmem>>, vector<1x16xf32>,
          %get3A_1146 = arith.index_cast %add3A_1075 : i32 to index
          %get3A_1147 = arith.constant 112 : index
          %get3A_1148 = tpu.vector_load %arg10[%get3A_1146, %get3A_1147] {strides = array<i32>} : memref<80x128xf32, #tpu.memory_space<vmem>>, vector<1x16xf32>,
          %get3A_1149 = vector.shape_cast %get3A_1148 : vector<1x16xf32> to vector<16xf32>
          %mul3A_1150 = arith.mulf %get3A_1149, %gather3A_1071 : vector<16xf32>
          %swap3A_1151 = arith.index_cast %add3A_1075 : i32 to index
          %swap3A_1152 = arith.constant 112 : index
          %swap3A_1153 = tpu.vector_load %arg10[%swap3A_1151, %swap3A_1152] {strides = array<i32>} : memref<80x128xf32, #tpu.memory_space<vmem>>, vector<1x16xf32>,
          %swap3A_1154 = vector.shape_cast %swap3A_1153 : vector<1x16xf32> to vector<16xf32>
          %swap3A_1155 = vector.shape_cast %mul3A_1150 : vector<16xf32> to vector<1x16xf32>
          tpu.vector_store %arg10[%swap3A_1151, %swap3A_1152], %swap3A_1155 {strides = array<i32>} : memref<80x128xf32, #tpu.memory_space<vmem>>, vector<1x16xf32>,
          %gather3A_1156 = vector.shape_cast %broadcast_in_dim3A_34 : vector<16x1xi32> to vector<16xi32>
          %gather3A_1157 = tpu.dynamic_gather %get3A_125[%gather3A_1156] in [0] : vector<16xf32>, vector<16xi32> -> vector<16xf32>
          %mul3A_1158 = arith.constant 16 : i32
          %mul3A_1159 = arith.muli %scan3A_120, %mul3A_1158 : i32
          %add3A_1160 = arith.constant 12 : i32
          %add3A_1161 = arith.addi %mul3A_1159, %add3A_1160 : i32
          %get3A_1162 = arith.index_cast %add3A_1161 : i32 to index
          %get3A_1163 = arith.constant 0 : index
          %get3A_1164 = tpu.vector_load %arg10[%get3A_1162, %get3A_1163] {strides = array<i32>} : memref<80x128xf32, #tpu.memory_space<vmem>>, vector<1x16xf32>,
          %get3A_1165 = vector.shape_cast %get3A_1164 : vector<1x16xf32> to vector<16xf32>
          %mul3A_1166 = arith.mulf %get3A_1165, %gather3A_1157 : vector<16xf32>
          %swap3A_1167 = arith.index_cast %add3A_1161 : i32 to index
          %swap3A_1168 = arith.constant 0 : index
          %swap3A_1169 = tpu.vector_load %arg10[%swap3A_1167, %swap3A_1168] {strides = array<i32>} : memref<80x128xf32, #tpu.memory_space<vmem>>, vector<1x16xf32>,
          %swap3A_1170 = vector.shape_cast %swap3A_1169 : vector<1x16xf32> to vector<16xf32>
          %swap3A_1171 = vector.shape_cast %mul3A_1166 : vector<16xf32> to vector<1x16xf32>
          tpu.vector_store %arg10[%swap3A_1167, %swap3A_1168], %swap3A_1171 {strides = array<i32>} : memref<80x128xf32, #tpu.memory_space<vmem>>, vector<1x16xf32>,
          %get3A_1172 = arith.index_cast %add3A_1161 : i32 to index
          %get3A_1173 = arith.constant 16 : index
          %get3A_1174 = tpu.vector_load %arg10[%get3A_1172, %get3A_1173] {strides = array<i32>} : memref<80x128xf32, #tpu.memory_space<vmem>>, vector<1x16xf32>,
          %get3A_1175 = vector.shape_cast %get3A_1174 : vector<1x16xf32> to vector<16xf32>
          %mul3A_1176 = arith.mulf %get3A_1175, %gather3A_1157 : vector<16xf32>
          %swap3A_1177 = arith.index_cast %add3A_1161 : i32 to index
          %swap3A_1178 = arith.constant 16 : index
          %swap3A_1179 = tpu.vector_load %arg10[%swap3A_1177, %swap3A_1178] {strides = array<i32>} : memref<80x128xf32, #tpu.memory_space<vmem>>, vector<1x16xf32>,
          %swap3A_1180 = vector.shape_cast %swap3A_1179 : vector<1x16xf32> to vector<16xf32>
          %swap3A_1181 = vector.shape_cast %mul3A_1176 : vector<16xf32> to vector<1x16xf32>
          tpu.vector_store %arg10[%swap3A_1177, %swap3A_1178], %swap3A_1181 {strides = array<i32>} : memref<80x128xf32, #tpu.memory_space<vmem>>, vector<1x16xf32>,
          %get3A_1182 = arith.index_cast %add3A_1161 : i32 to index
          %get3A_1183 = arith.constant 32 : index
          %get3A_1184 = tpu.vector_load %arg10[%get3A_1182, %get3A_1183] {strides = array<i32>} : memref<80x128xf32, #tpu.memory_space<vmem>>, vector<1x16xf32>,
          %get3A_1185 = vector.shape_cast %get3A_1184 : vector<1x16xf32> to vector<16xf32>
          %mul3A_1186 = arith.mulf %get3A_1185, %gather3A_1157 : vector<16xf32>
          %swap3A_1187 = arith.index_cast %add3A_1161 : i32 to index
          %swap3A_1188 = arith.constant 32 : index
          %swap3A_1189 = tpu.vector_load %arg10[%swap3A_1187, %swap3A_1188] {strides = array<i32>} : memref<80x128xf32, #tpu.memory_space<vmem>>, vector<1x16xf32>,
          %swap3A_1190 = vector.shape_cast %swap3A_1189 : vector<1x16xf32> to vector<16xf32>
          %swap3A_1191 = vector.shape_cast %mul3A_1186 : vector<16xf32> to vector<1x16xf32>
          tpu.vector_store %arg10[%swap3A_1187, %swap3A_1188], %swap3A_1191 {strides = array<i32>} : memref<80x128xf32, #tpu.memory_space<vmem>>, vector<1x16xf32>,
          %get3A_1192 = arith.index_cast %add3A_1161 : i32 to index
          %get3A_1193 = arith.constant 48 : index
          %get3A_1194 = tpu.vector_load %arg10[%get3A_1192, %get3A_1193] {strides = array<i32>} : memref<80x128xf32, #tpu.memory_space<vmem>>, vector<1x16xf32>,
          %get3A_1195 = vector.shape_cast %get3A_1194 : vector<1x16xf32> to vector<16xf32>
          %mul3A_1196 = arith.mulf %get3A_1195, %gather3A_1157 : vector<16xf32>
          %swap3A_1197 = arith.index_cast %add3A_1161 : i32 to index
          %swap3A_1198 = arith.constant 48 : index
          %swap3A_1199 = tpu.vector_load %arg10[%swap3A_1197, %swap3A_1198] {strides = array<i32>} : memref<80x128xf32, #tpu.memory_space<vmem>>, vector<1x16xf32>,
          %swap3A_1200 = vector.shape_cast %swap3A_1199 : vector<1x16xf32> to vector<16xf32>
          %swap3A_1201 = vector.shape_cast %mul3A_1196 : vector<16xf32> to vector<1x16xf32>
          tpu.vector_store %arg10[%swap3A_1197, %swap3A_1198], %swap3A_1201 {strides = array<i32>} : memref<80x128xf32, #tpu.memory_space<vmem>>, vector<1x16xf32>,
          %get3A_1202 = arith.index_cast %add3A_1161 : i32 to index
          %get3A_1203 = arith.constant 64 : index
          %get3A_1204 = tpu.vector_load %arg10[%get3A_1202, %get3A_1203] {strides = array<i32>} : memref<80x128xf32, #tpu.memory_space<vmem>>, vector<1x16xf32>,
          %get3A_1205 = vector.shape_cast %get3A_1204 : vector<1x16xf32> to vector<16xf32>
          %mul3A_1206 = arith.mulf %get3A_1205, %gather3A_1157 : vector<16xf32>
          %swap3A_1207 = arith.index_cast %add3A_1161 : i32 to index
          %swap3A_1208 = arith.constant 64 : index
          %swap3A_1209 = tpu.vector_load %arg10[%swap3A_1207, %swap3A_1208] {strides = array<i32>} : memref<80x128xf32, #tpu.memory_space<vmem>>, vector<1x16xf32>,
          %swap3A_1210 = vector.shape_cast %swap3A_1209 : vector<1x16xf32> to vector<16xf32>
          %swap3A_1211 = vector.shape_cast %mul3A_1206 : vector<16xf32> to vector<1x16xf32>
          tpu.vector_store %arg10[%swap3A_1207, %swap3A_1208], %swap3A_1211 {strides = array<i32>} : memref<80x128xf32, #tpu.memory_space<vmem>>, vector<1x16xf32>,
          %get3A_1212 = arith.index_cast %add3A_1161 : i32 to index
          %get3A_1213 = arith.constant 80 : index
          %get3A_1214 = tpu.vector_load %arg10[%get3A_1212, %get3A_1213] {strides = array<i32>} : memref<80x128xf32, #tpu.memory_space<vmem>>, vector<1x16xf32>,
          %get3A_1215 = vector.shape_cast %get3A_1214 : vector<1x16xf32> to vector<16xf32>
          %mul3A_1216 = arith.mulf %get3A_1215, %gather3A_1157 : vector<16xf32>
          %swap3A_1217 = arith.index_cast %add3A_1161 : i32 to index
          %swap3A_1218 = arith.constant 80 : index
          %swap3A_1219 = tpu.vector_load %arg10[%swap3A_1217, %swap3A_1218] {strides = array<i32>} : memref<80x128xf32, #tpu.memory_space<vmem>>, vector<1x16xf32>,
          %swap3A_1220 = vector.shape_cast %swap3A_1219 : vector<1x16xf32> to vector<16xf32>
          %swap3A_1221 = vector.shape_cast %mul3A_1216 : vector<16xf32> to vector<1x16xf32>
          tpu.vector_store %arg10[%swap3A_1217, %swap3A_1218], %swap3A_1221 {strides = array<i32>} : memref<80x128xf32, #tpu.memory_space<vmem>>, vector<1x16xf32>,
          %get3A_1222 = arith.index_cast %add3A_1161 : i32 to index
          %get3A_1223 = arith.constant 96 : index
          %get3A_1224 = tpu.vector_load %arg10[%get3A_1222, %get3A_1223] {strides = array<i32>} : memref<80x128xf32, #tpu.memory_space<vmem>>, vector<1x16xf32>,
          %get3A_1225 = vector.shape_cast %get3A_1224 : vector<1x16xf32> to vector<16xf32>
          %mul3A_1226 = arith.mulf %get3A_1225, %gather3A_1157 : vector<16xf32>
          %swap3A_1227 = arith.index_cast %add3A_1161 : i32 to index
          %swap3A_1228 = arith.constant 96 : index
          %swap3A_1229 = tpu.vector_load %arg10[%swap3A_1227, %swap3A_1228] {strides = array<i32>} : memref<80x128xf32, #tpu.memory_space<vmem>>, vector<1x16xf32>,
          %swap3A_1230 = vector.shape_cast %swap3A_1229 : vector<1x16xf32> to vector<16xf32>
          %swap3A_1231 = vector.shape_cast %mul3A_1226 : vector<16xf32> to vector<1x16xf32>
          tpu.vector_store %arg10[%swap3A_1227, %swap3A_1228], %swap3A_1231 {strides = array<i32>} : memref<80x128xf32, #tpu.memory_space<vmem>>, vector<1x16xf32>,
          %get3A_1232 = arith.index_cast %add3A_1161 : i32 to index
          %get3A_1233 = arith.constant 112 : index
          %get3A_1234 = tpu.vector_load %arg10[%get3A_1232, %get3A_1233] {strides = array<i32>} : memref<80x128xf32, #tpu.memory_space<vmem>>, vector<1x16xf32>,
          %get3A_1235 = vector.shape_cast %get3A_1234 : vector<1x16xf32> to vector<16xf32>
          %mul3A_1236 = arith.mulf %get3A_1235, %gather3A_1157 : vector<16xf32>
          %swap3A_1237 = arith.index_cast %add3A_1161 : i32 to index
          %swap3A_1238 = arith.constant 112 : index
          %swap3A_1239 = tpu.vector_load %arg10[%swap3A_1237, %swap3A_1238] {strides = array<i32>} : memref<80x128xf32, #tpu.memory_space<vmem>>, vector<1x16xf32>,
          %swap3A_1240 = vector.shape_cast %swap3A_1239 : vector<1x16xf32> to vector<16xf32>
          %swap3A_1241 = vector.shape_cast %mul3A_1236 : vector<16xf32> to vector<1x16xf32>
          tpu.vector_store %arg10[%swap3A_1237, %swap3A_1238], %swap3A_1241 {strides = array<i32>} : memref<80x128xf32, #tpu.memory_space<vmem>>, vector<1x16xf32>,
          %gather3A_1242 = vector.shape_cast %broadcast_in_dim3A_36 : vector<16x1xi32> to vector<16xi32>
          %gather3A_1243 = tpu.dynamic_gather %get3A_125[%gather3A_1242] in [0] : vector<16xf32>, vector<16xi32> -> vector<16xf32>
          %mul3A_1244 = arith.constant 16 : i32
          %mul3A_1245 = arith.muli %scan3A_120, %mul3A_1244 : i32
          %add3A_1246 = arith.constant 13 : i32
          %add3A_1247 = arith.addi %mul3A_1245, %add3A_1246 : i32
          %get3A_1248 = arith.index_cast %add3A_1247 : i32 to index
          %get3A_1249 = arith.constant 0 : index
          %get3A_1250 = tpu.vector_load %arg10[%get3A_1248, %get3A_1249] {strides = array<i32>} : memref<80x128xf32, #tpu.memory_space<vmem>>, vector<1x16xf32>,
          %get3A_1251 = vector.shape_cast %get3A_1250 : vector<1x16xf32> to vector<16xf32>
          %mul3A_1252 = arith.mulf %get3A_1251, %gather3A_1243 : vector<16xf32>
          %swap3A_1253 = arith.index_cast %add3A_1247 : i32 to index
          %swap3A_1254 = arith.constant 0 : index
          %swap3A_1255 = tpu.vector_load %arg10[%swap3A_1253, %swap3A_1254] {strides = array<i32>} : memref<80x128xf32, #tpu.memory_space<vmem>>, vector<1x16xf32>,
          %swap3A_1256 = vector.shape_cast %swap3A_1255 : vector<1x16xf32> to vector<16xf32>
          %swap3A_1257 = vector.shape_cast %mul3A_1252 : vector<16xf32> to vector<1x16xf32>
          tpu.vector_store %arg10[%swap3A_1253, %swap3A_1254], %swap3A_1257 {strides = array<i32>} : memref<80x128xf32, #tpu.memory_space<vmem>>, vector<1x16xf32>,
          %get3A_1258 = arith.index_cast %add3A_1247 : i32 to index
          %get3A_1259 = arith.constant 16 : index
          %get3A_1260 = tpu.vector_load %arg10[%get3A_1258, %get3A_1259] {strides = array<i32>} : memref<80x128xf32, #tpu.memory_space<vmem>>, vector<1x16xf32>,
          %get3A_1261 = vector.shape_cast %get3A_1260 : vector<1x16xf32> to vector<16xf32>
          %mul3A_1262 = arith.mulf %get3A_1261, %gather3A_1243 : vector<16xf32>
          %swap3A_1263 = arith.index_cast %add3A_1247 : i32 to index
          %swap3A_1264 = arith.constant 16 : index
          %swap3A_1265 = tpu.vector_load %arg10[%swap3A_1263, %swap3A_1264] {strides = array<i32>} : memref<80x128xf32, #tpu.memory_space<vmem>>, vector<1x16xf32>,
          %swap3A_1266 = vector.shape_cast %swap3A_1265 : vector<1x16xf32> to vector<16xf32>
          %swap3A_1267 = vector.shape_cast %mul3A_1262 : vector<16xf32> to vector<1x16xf32>
          tpu.vector_store %arg10[%swap3A_1263, %swap3A_1264], %swap3A_1267 {strides = array<i32>} : memref<80x128xf32, #tpu.memory_space<vmem>>, vector<1x16xf32>,
          %get3A_1268 = arith.index_cast %add3A_1247 : i32 to index
          %get3A_1269 = arith.constant 32 : index
          %get3A_1270 = tpu.vector_load %arg10[%get3A_1268, %get3A_1269] {strides = array<i32>} : memref<80x128xf32, #tpu.memory_space<vmem>>, vector<1x16xf32>,
          %get3A_1271 = vector.shape_cast %get3A_1270 : vector<1x16xf32> to vector<16xf32>
          %mul3A_1272 = arith.mulf %get3A_1271, %gather3A_1243 : vector<16xf32>
          %swap3A_1273 = arith.index_cast %add3A_1247 : i32 to index
          %swap3A_1274 = arith.constant 32 : index
          %swap3A_1275 = tpu.vector_load %arg10[%swap3A_1273, %swap3A_1274] {strides = array<i32>} : memref<80x128xf32, #tpu.memory_space<vmem>>, vector<1x16xf32>,
          %swap3A_1276 = vector.shape_cast %swap3A_1275 : vector<1x16xf32> to vector<16xf32>
          %swap3A_1277 = vector.shape_cast %mul3A_1272 : vector<16xf32> to vector<1x16xf32>
          tpu.vector_store %arg10[%swap3A_1273, %swap3A_1274], %swap3A_1277 {strides = array<i32>} : memref<80x128xf32, #tpu.memory_space<vmem>>, vector<1x16xf32>,
          %get3A_1278 = arith.index_cast %add3A_1247 : i32 to index
          %get3A_1279 = arith.constant 48 : index
          %get3A_1280 = tpu.vector_load %arg10[%get3A_1278, %get3A_1279] {strides = array<i32>} : memref<80x128xf32, #tpu.memory_space<vmem>>, vector<1x16xf32>,
          %get3A_1281 = vector.shape_cast %get3A_1280 : vector<1x16xf32> to vector<16xf32>
          %mul3A_1282 = arith.mulf %get3A_1281, %gather3A_1243 : vector<16xf32>
          %swap3A_1283 = arith.index_cast %add3A_1247 : i32 to index
          %swap3A_1284 = arith.constant 48 : index
          %swap3A_1285 = tpu.vector_load %arg10[%swap3A_1283, %swap3A_1284] {strides = array<i32>} : memref<80x128xf32, #tpu.memory_space<vmem>>, vector<1x16xf32>,
          %swap3A_1286 = vector.shape_cast %swap3A_1285 : vector<1x16xf32> to vector<16xf32>
          %swap3A_1287 = vector.shape_cast %mul3A_1282 : vector<16xf32> to vector<1x16xf32>
          tpu.vector_store %arg10[%swap3A_1283, %swap3A_1284], %swap3A_1287 {strides = array<i32>} : memref<80x128xf32, #tpu.memory_space<vmem>>, vector<1x16xf32>,
          %get3A_1288 = arith.index_cast %add3A_1247 : i32 to index
          %get3A_1289 = arith.constant 64 : index
          %get3A_1290 = tpu.vector_load %arg10[%get3A_1288, %get3A_1289] {strides = array<i32>} : memref<80x128xf32, #tpu.memory_space<vmem>>, vector<1x16xf32>,
          %get3A_1291 = vector.shape_cast %get3A_1290 : vector<1x16xf32> to vector<16xf32>
          %mul3A_1292 = arith.mulf %get3A_1291, %gather3A_1243 : vector<16xf32>
          %swap3A_1293 = arith.index_cast %add3A_1247 : i32 to index
          %swap3A_1294 = arith.constant 64 : index
          %swap3A_1295 = tpu.vector_load %arg10[%swap3A_1293, %swap3A_1294] {strides = array<i32>} : memref<80x128xf32, #tpu.memory_space<vmem>>, vector<1x16xf32>,
          %swap3A_1296 = vector.shape_cast %swap3A_1295 : vector<1x16xf32> to vector<16xf32>
          %swap3A_1297 = vector.shape_cast %mul3A_1292 : vector<16xf32> to vector<1x16xf32>
          tpu.vector_store %arg10[%swap3A_1293, %swap3A_1294], %swap3A_1297 {strides = array<i32>} : memref<80x128xf32, #tpu.memory_space<vmem>>, vector<1x16xf32>,
          %get3A_1298 = arith.index_cast %add3A_1247 : i32 to index
          %get3A_1299 = arith.constant 80 : index
          %get3A_1300 = tpu.vector_load %arg10[%get3A_1298, %get3A_1299] {strides = array<i32>} : memref<80x128xf32, #tpu.memory_space<vmem>>, vector<1x16xf32>,
          %get3A_1301 = vector.shape_cast %get3A_1300 : vector<1x16xf32> to vector<16xf32>
          %mul3A_1302 = arith.mulf %get3A_1301, %gather3A_1243 : vector<16xf32>
          %swap3A_1303 = arith.index_cast %add3A_1247 : i32 to index
          %swap3A_1304 = arith.constant 80 : index
          %swap3A_1305 = tpu.vector_load %arg10[%swap3A_1303, %swap3A_1304] {strides = array<i32>} : memref<80x128xf32, #tpu.memory_space<vmem>>, vector<1x16xf32>,
          %swap3A_1306 = vector.shape_cast %swap3A_1305 : vector<1x16xf32> to vector<16xf32>
          %swap3A_1307 = vector.shape_cast %mul3A_1302 : vector<16xf32> to vector<1x16xf32>
          tpu.vector_store %arg10[%swap3A_1303, %swap3A_1304], %swap3A_1307 {strides = array<i32>} : memref<80x128xf32, #tpu.memory_space<vmem>>, vector<1x16xf32>,
          %get3A_1308 = arith.index_cast %add3A_1247 : i32 to index
          %get3A_1309 = arith.constant 96 : index
          %get3A_1310 = tpu.vector_load %arg10[%get3A_1308, %get3A_1309] {strides = array<i32>} : memref<80x128xf32, #tpu.memory_space<vmem>>, vector<1x16xf32>,
          %get3A_1311 = vector.shape_cast %get3A_1310 : vector<1x16xf32> to vector<16xf32>
          %mul3A_1312 = arith.mulf %get3A_1311, %gather3A_1243 : vector<16xf32>
          %swap3A_1313 = arith.index_cast %add3A_1247 : i32 to index
          %swap3A_1314 = arith.constant 96 : index
          %swap3A_1315 = tpu.vector_load %arg10[%swap3A_1313, %swap3A_1314] {strides = array<i32>} : memref<80x128xf32, #tpu.memory_space<vmem>>, vector<1x16xf32>,
          %swap3A_1316 = vector.shape_cast %swap3A_1315 : vector<1x16xf32> to vector<16xf32>
          %swap3A_1317 = vector.shape_cast %mul3A_1312 : vector<16xf32> to vector<1x16xf32>
          tpu.vector_store %arg10[%swap3A_1313, %swap3A_1314], %swap3A_1317 {strides = array<i32>} : memref<80x128xf32, #tpu.memory_space<vmem>>, vector<1x16xf32>,
          %get3A_1318 = arith.index_cast %add3A_1247 : i32 to index
          %get3A_1319 = arith.constant 112 : index
          %get3A_1320 = tpu.vector_load %arg10[%get3A_1318, %get3A_1319] {strides = array<i32>} : memref<80x128xf32, #tpu.memory_space<vmem>>, vector<1x16xf32>,
          %get3A_1321 = vector.shape_cast %get3A_1320 : vector<1x16xf32> to vector<16xf32>
          %mul3A_1322 = arith.mulf %get3A_1321, %gather3A_1243 : vector<16xf32>
          %swap3A_1323 = arith.index_cast %add3A_1247 : i32 to index
          %swap3A_1324 = arith.constant 112 : index
          %swap3A_1325 = tpu.vector_load %arg10[%swap3A_1323, %swap3A_1324] {strides = array<i32>} : memref<80x128xf32, #tpu.memory_space<vmem>>, vector<1x16xf32>,
          %swap3A_1326 = vector.shape_cast %swap3A_1325 : vector<1x16xf32> to vector<16xf32>
          %swap3A_1327 = vector.shape_cast %mul3A_1322 : vector<16xf32> to vector<1x16xf32>
          tpu.vector_store %arg10[%swap3A_1323, %swap3A_1324], %swap3A_1327 {strides = array<i32>} : memref<80x128xf32, #tpu.memory_space<vmem>>, vector<1x16xf32>,
          %gather3A_1328 = vector.shape_cast %broadcast_in_dim3A_38 : vector<16x1xi32> to vector<16xi32>
          %gather3A_1329 = tpu.dynamic_gather %get3A_125[%gather3A_1328] in [0] : vector<16xf32>, vector<16xi32> -> vector<16xf32>
          %mul3A_1330 = arith.constant 16 : i32
          %mul3A_1331 = arith.muli %scan3A_120, %mul3A_1330 : i32
          %add3A_1332 = arith.constant 14 : i32
          %add3A_1333 = arith.addi %mul3A_1331, %add3A_1332 : i32
          %get3A_1334 = arith.index_cast %add3A_1333 : i32 to index
          %get3A_1335 = arith.constant 0 : index
          %get3A_1336 = tpu.vector_load %arg10[%get3A_1334, %get3A_1335] {strides = array<i32>} : memref<80x128xf32, #tpu.memory_space<vmem>>, vector<1x16xf32>,
          %get3A_1337 = vector.shape_cast %get3A_1336 : vector<1x16xf32> to vector<16xf32>
          %mul3A_1338 = arith.mulf %get3A_1337, %gather3A_1329 : vector<16xf32>
          %swap3A_1339 = arith.index_cast %add3A_1333 : i32 to index
          %swap3A_1340 = arith.constant 0 : index
          %swap3A_1341 = tpu.vector_load %arg10[%swap3A_1339, %swap3A_1340] {strides = array<i32>} : memref<80x128xf32, #tpu.memory_space<vmem>>, vector<1x16xf32>,
          %swap3A_1342 = vector.shape_cast %swap3A_1341 : vector<1x16xf32> to vector<16xf32>
          %swap3A_1343 = vector.shape_cast %mul3A_1338 : vector<16xf32> to vector<1x16xf32>
          tpu.vector_store %arg10[%swap3A_1339, %swap3A_1340], %swap3A_1343 {strides = array<i32>} : memref<80x128xf32, #tpu.memory_space<vmem>>, vector<1x16xf32>,
          %get3A_1344 = arith.index_cast %add3A_1333 : i32 to index
          %get3A_1345 = arith.constant 16 : index
          %get3A_1346 = tpu.vector_load %arg10[%get3A_1344, %get3A_1345] {strides = array<i32>} : memref<80x128xf32, #tpu.memory_space<vmem>>, vector<1x16xf32>,
          %get3A_1347 = vector.shape_cast %get3A_1346 : vector<1x16xf32> to vector<16xf32>
          %mul3A_1348 = arith.mulf %get3A_1347, %gather3A_1329 : vector<16xf32>
          %swap3A_1349 = arith.index_cast %add3A_1333 : i32 to index
          %swap3A_1350 = arith.constant 16 : index
          %swap3A_1351 = tpu.vector_load %arg10[%swap3A_1349, %swap3A_1350] {strides = array<i32>} : memref<80x128xf32, #tpu.memory_space<vmem>>, vector<1x16xf32>,
          %swap3A_1352 = vector.shape_cast %swap3A_1351 : vector<1x16xf32> to vector<16xf32>
          %swap3A_1353 = vector.shape_cast %mul3A_1348 : vector<16xf32> to vector<1x16xf32>
          tpu.vector_store %arg10[%swap3A_1349, %swap3A_1350], %swap3A_1353 {strides = array<i32>} : memref<80x128xf32, #tpu.memory_space<vmem>>, vector<1x16xf32>,
          %get3A_1354 = arith.index_cast %add3A_1333 : i32 to index
          %get3A_1355 = arith.constant 32 : index
          %get3A_1356 = tpu.vector_load %arg10[%get3A_1354, %get3A_1355] {strides = array<i32>} : memref<80x128xf32, #tpu.memory_space<vmem>>, vector<1x16xf32>,
          %get3A_1357 = vector.shape_cast %get3A_1356 : vector<1x16xf32> to vector<16xf32>
          %mul3A_1358 = arith.mulf %get3A_1357, %gather3A_1329 : vector<16xf32>
          %swap3A_1359 = arith.index_cast %add3A_1333 : i32 to index
          %swap3A_1360 = arith.constant 32 : index
          %swap3A_1361 = tpu.vector_load %arg10[%swap3A_1359, %swap3A_1360] {strides = array<i32>} : memref<80x128xf32, #tpu.memory_space<vmem>>, vector<1x16xf32>,
          %swap3A_1362 = vector.shape_cast %swap3A_1361 : vector<1x16xf32> to vector<16xf32>
          %swap3A_1363 = vector.shape_cast %mul3A_1358 : vector<16xf32> to vector<1x16xf32>
          tpu.vector_store %arg10[%swap3A_1359, %swap3A_1360], %swap3A_1363 {strides = array<i32>} : memref<80x128xf32, #tpu.memory_space<vmem>>, vector<1x16xf32>,
          %get3A_1364 = arith.index_cast %add3A_1333 : i32 to index
          %get3A_1365 = arith.constant 48 : index
          %get3A_1366 = tpu.vector_load %arg10[%get3A_1364, %get3A_1365] {strides = array<i32>} : memref<80x128xf32, #tpu.memory_space<vmem>>, vector<1x16xf32>,
          %get3A_1367 = vector.shape_cast %get3A_1366 : vector<1x16xf32> to vector<16xf32>
          %mul3A_1368 = arith.mulf %get3A_1367, %gather3A_1329 : vector<16xf32>
          %swap3A_1369 = arith.index_cast %add3A_1333 : i32 to index
          %swap3A_1370 = arith.constant 48 : index
          %swap3A_1371 = tpu.vector_load %arg10[%swap3A_1369, %swap3A_1370] {strides = array<i32>} : memref<80x128xf32, #tpu.memory_space<vmem>>, vector<1x16xf32>,
          %swap3A_1372 = vector.shape_cast %swap3A_1371 : vector<1x16xf32> to vector<16xf32>
          %swap3A_1373 = vector.shape_cast %mul3A_1368 : vector<16xf32> to vector<1x16xf32>
          tpu.vector_store %arg10[%swap3A_1369, %swap3A_1370], %swap3A_1373 {strides = array<i32>} : memref<80x128xf32, #tpu.memory_space<vmem>>, vector<1x16xf32>,
          %get3A_1374 = arith.index_cast %add3A_1333 : i32 to index
          %get3A_1375 = arith.constant 64 : index
          %get3A_1376 = tpu.vector_load %arg10[%get3A_1374, %get3A_1375] {strides = array<i32>} : memref<80x128xf32, #tpu.memory_space<vmem>>, vector<1x16xf32>,
          %get3A_1377 = vector.shape_cast %get3A_1376 : vector<1x16xf32> to vector<16xf32>
          %mul3A_1378 = arith.mulf %get3A_1377, %gather3A_1329 : vector<16xf32>
          %swap3A_1379 = arith.index_cast %add3A_1333 : i32 to index
          %swap3A_1380 = arith.constant 64 : index
          %swap3A_1381 = tpu.vector_load %arg10[%swap3A_1379, %swap3A_1380] {strides = array<i32>} : memref<80x128xf32, #tpu.memory_space<vmem>>, vector<1x16xf32>,
          %swap3A_1382 = vector.shape_cast %swap3A_1381 : vector<1x16xf32> to vector<16xf32>
          %swap3A_1383 = vector.shape_cast %mul3A_1378 : vector<16xf32> to vector<1x16xf32>
          tpu.vector_store %arg10[%swap3A_1379, %swap3A_1380], %swap3A_1383 {strides = array<i32>} : memref<80x128xf32, #tpu.memory_space<vmem>>, vector<1x16xf32>,
          %get3A_1384 = arith.index_cast %add3A_1333 : i32 to index
          %get3A_1385 = arith.constant 80 : index
          %get3A_1386 = tpu.vector_load %arg10[%get3A_1384, %get3A_1385] {strides = array<i32>} : memref<80x128xf32, #tpu.memory_space<vmem>>, vector<1x16xf32>,
          %get3A_1387 = vector.shape_cast %get3A_1386 : vector<1x16xf32> to vector<16xf32>
          %mul3A_1388 = arith.mulf %get3A_1387, %gather3A_1329 : vector<16xf32>
          %swap3A_1389 = arith.index_cast %add3A_1333 : i32 to index
          %swap3A_1390 = arith.constant 80 : index
          %swap3A_1391 = tpu.vector_load %arg10[%swap3A_1389, %swap3A_1390] {strides = array<i32>} : memref<80x128xf32, #tpu.memory_space<vmem>>, vector<1x16xf32>,
          %swap3A_1392 = vector.shape_cast %swap3A_1391 : vector<1x16xf32> to vector<16xf32>
          %swap3A_1393 = vector.shape_cast %mul3A_1388 : vector<16xf32> to vector<1x16xf32>
          tpu.vector_store %arg10[%swap3A_1389, %swap3A_1390], %swap3A_1393 {strides = array<i32>} : memref<80x128xf32, #tpu.memory_space<vmem>>, vector<1x16xf32>,
          %get3A_1394 = arith.index_cast %add3A_1333 : i32 to index
          %get3A_1395 = arith.constant 96 : index
          %get3A_1396 = tpu.vector_load %arg10[%get3A_1394, %get3A_1395] {strides = array<i32>} : memref<80x128xf32, #tpu.memory_space<vmem>>, vector<1x16xf32>,
          %get3A_1397 = vector.shape_cast %get3A_1396 : vector<1x16xf32> to vector<16xf32>
          %mul3A_1398 = arith.mulf %get3A_1397, %gather3A_1329 : vector<16xf32>
          %swap3A_1399 = arith.index_cast %add3A_1333 : i32 to index
          %swap3A_1400 = arith.constant 96 : index
          %swap3A_1401 = tpu.vector_load %arg10[%swap3A_1399, %swap3A_1400] {strides = array<i32>} : memref<80x128xf32, #tpu.memory_space<vmem>>, vector<1x16xf32>,
          %swap3A_1402 = vector.shape_cast %swap3A_1401 : vector<1x16xf32> to vector<16xf32>
          %swap3A_1403 = vector.shape_cast %mul3A_1398 : vector<16xf32> to vector<1x16xf32>
          tpu.vector_store %arg10[%swap3A_1399, %swap3A_1400], %swap3A_1403 {strides = array<i32>} : memref<80x128xf32, #tpu.memory_space<vmem>>, vector<1x16xf32>,
          %get3A_1404 = arith.index_cast %add3A_1333 : i32 to index
          %get3A_1405 = arith.constant 112 : index
          %get3A_1406 = tpu.vector_load %arg10[%get3A_1404, %get3A_1405] {strides = array<i32>} : memref<80x128xf32, #tpu.memory_space<vmem>>, vector<1x16xf32>,
          %get3A_1407 = vector.shape_cast %get3A_1406 : vector<1x16xf32> to vector<16xf32>
          %mul3A_1408 = arith.mulf %get3A_1407, %gather3A_1329 : vector<16xf32>
          %swap3A_1409 = arith.index_cast %add3A_1333 : i32 to index
          %swap3A_1410 = arith.constant 112 : index
          %swap3A_1411 = tpu.vector_load %arg10[%swap3A_1409, %swap3A_1410] {strides = array<i32>} : memref<80x128xf32, #tpu.memory_space<vmem>>, vector<1x16xf32>,
          %swap3A_1412 = vector.shape_cast %swap3A_1411 : vector<1x16xf32> to vector<16xf32>
          %swap3A_1413 = vector.shape_cast %mul3A_1408 : vector<16xf32> to vector<1x16xf32>
          tpu.vector_store %arg10[%swap3A_1409, %swap3A_1410], %swap3A_1413 {strides = array<i32>} : memref<80x128xf32, #tpu.memory_space<vmem>>, vector<1x16xf32>,
          %gather3A_1414 = vector.shape_cast %broadcast_in_dim3A_40 : vector<16x1xi32> to vector<16xi32>
          %gather3A_1415 = tpu.dynamic_gather %get3A_125[%gather3A_1414] in [0] : vector<16xf32>, vector<16xi32> -> vector<16xf32>
          %mul3A_1416 = arith.constant 16 : i32
          %mul3A_1417 = arith.muli %scan3A_120, %mul3A_1416 : i32
          %add3A_1418 = arith.constant 15 : i32
          %add3A_1419 = arith.addi %mul3A_1417, %add3A_1418 : i32
          %get3A_1420 = arith.index_cast %add3A_1419 : i32 to index
          %get3A_1421 = arith.constant 0 : index
          %get3A_1422 = tpu.vector_load %arg10[%get3A_1420, %get3A_1421] {strides = array<i32>} : memref<80x128xf32, #tpu.memory_space<vmem>>, vector<1x16xf32>,
          %get3A_1423 = vector.shape_cast %get3A_1422 : vector<1x16xf32> to vector<16xf32>
          %mul3A_1424 = arith.mulf %get3A_1423, %gather3A_1415 : vector<16xf32>
          %swap3A_1425 = arith.index_cast %add3A_1419 : i32 to index
          %swap3A_1426 = arith.constant 0 : index
          %swap3A_1427 = tpu.vector_load %arg10[%swap3A_1425, %swap3A_1426] {strides = array<i32>} : memref<80x128xf32, #tpu.memory_space<vmem>>, vector<1x16xf32>,
          %swap3A_1428 = vector.shape_cast %swap3A_1427 : vector<1x16xf32> to vector<16xf32>
          %swap3A_1429 = vector.shape_cast %mul3A_1424 : vector<16xf32> to vector<1x16xf32>
          tpu.vector_store %arg10[%swap3A_1425, %swap3A_1426], %swap3A_1429 {strides = array<i32>} : memref<80x128xf32, #tpu.memory_space<vmem>>, vector<1x16xf32>,
          %get3A_1430 = arith.index_cast %add3A_1419 : i32 to index
          %get3A_1431 = arith.constant 16 : index
          %get3A_1432 = tpu.vector_load %arg10[%get3A_1430, %get3A_1431] {strides = array<i32>} : memref<80x128xf32, #tpu.memory_space<vmem>>, vector<1x16xf32>,
          %get3A_1433 = vector.shape_cast %get3A_1432 : vector<1x16xf32> to vector<16xf32>
          %mul3A_1434 = arith.mulf %get3A_1433, %gather3A_1415 : vector<16xf32>
          %swap3A_1435 = arith.index_cast %add3A_1419 : i32 to index
          %swap3A_1436 = arith.constant 16 : index
          %swap3A_1437 = tpu.vector_load %arg10[%swap3A_1435, %swap3A_1436] {strides = array<i32>} : memref<80x128xf32, #tpu.memory_space<vmem>>, vector<1x16xf32>,
          %swap3A_1438 = vector.shape_cast %swap3A_1437 : vector<1x16xf32> to vector<16xf32>
          %swap3A_1439 = vector.shape_cast %mul3A_1434 : vector<16xf32> to vector<1x16xf32>
          tpu.vector_store %arg10[%swap3A_1435, %swap3A_1436], %swap3A_1439 {strides = array<i32>} : memref<80x128xf32, #tpu.memory_space<vmem>>, vector<1x16xf32>,
          %get3A_1440 = arith.index_cast %add3A_1419 : i32 to index
          %get3A_1441 = arith.constant 32 : index
          %get3A_1442 = tpu.vector_load %arg10[%get3A_1440, %get3A_1441] {strides = array<i32>} : memref<80x128xf32, #tpu.memory_space<vmem>>, vector<1x16xf32>,
          %get3A_1443 = vector.shape_cast %get3A_1442 : vector<1x16xf32> to vector<16xf32>
          %mul3A_1444 = arith.mulf %get3A_1443, %gather3A_1415 : vector<16xf32>
          %swap3A_1445 = arith.index_cast %add3A_1419 : i32 to index
          %swap3A_1446 = arith.constant 32 : index
          %swap3A_1447 = tpu.vector_load %arg10[%swap3A_1445, %swap3A_1446] {strides = array<i32>} : memref<80x128xf32, #tpu.memory_space<vmem>>, vector<1x16xf32>,
          %swap3A_1448 = vector.shape_cast %swap3A_1447 : vector<1x16xf32> to vector<16xf32>
          %swap3A_1449 = vector.shape_cast %mul3A_1444 : vector<16xf32> to vector<1x16xf32>
          tpu.vector_store %arg10[%swap3A_1445, %swap3A_1446], %swap3A_1449 {strides = array<i32>} : memref<80x128xf32, #tpu.memory_space<vmem>>, vector<1x16xf32>,
          %get3A_1450 = arith.index_cast %add3A_1419 : i32 to index
          %get3A_1451 = arith.constant 48 : index
          %get3A_1452 = tpu.vector_load %arg10[%get3A_1450, %get3A_1451] {strides = array<i32>} : memref<80x128xf32, #tpu.memory_space<vmem>>, vector<1x16xf32>,
          %get3A_1453 = vector.shape_cast %get3A_1452 : vector<1x16xf32> to vector<16xf32>
          %mul3A_1454 = arith.mulf %get3A_1453, %gather3A_1415 : vector<16xf32>
          %swap3A_1455 = arith.index_cast %add3A_1419 : i32 to index
          %swap3A_1456 = arith.constant 48 : index
          %swap3A_1457 = tpu.vector_load %arg10[%swap3A_1455, %swap3A_1456] {strides = array<i32>} : memref<80x128xf32, #tpu.memory_space<vmem>>, vector<1x16xf32>,
          %swap3A_1458 = vector.shape_cast %swap3A_1457 : vector<1x16xf32> to vector<16xf32>
          %swap3A_1459 = vector.shape_cast %mul3A_1454 : vector<16xf32> to vector<1x16xf32>
          tpu.vector_store %arg10[%swap3A_1455, %swap3A_1456], %swap3A_1459 {strides = array<i32>} : memref<80x128xf32, #tpu.memory_space<vmem>>, vector<1x16xf32>,
          %get3A_1460 = arith.index_cast %add3A_1419 : i32 to index
          %get3A_1461 = arith.constant 64 : index
          %get3A_1462 = tpu.vector_load %arg10[%get3A_1460, %get3A_1461] {strides = array<i32>} : memref<80x128xf32, #tpu.memory_space<vmem>>, vector<1x16xf32>,
          %get3A_1463 = vector.shape_cast %get3A_1462 : vector<1x16xf32> to vector<16xf32>
          %mul3A_1464 = arith.mulf %get3A_1463, %gather3A_1415 : vector<16xf32>
          %swap3A_1465 = arith.index_cast %add3A_1419 : i32 to index
          %swap3A_1466 = arith.constant 64 : index
          %swap3A_1467 = tpu.vector_load %arg10[%swap3A_1465, %swap3A_1466] {strides = array<i32>} : memref<80x128xf32, #tpu.memory_space<vmem>>, vector<1x16xf32>,
          %swap3A_1468 = vector.shape_cast %swap3A_1467 : vector<1x16xf32> to vector<16xf32>
          %swap3A_1469 = vector.shape_cast %mul3A_1464 : vector<16xf32> to vector<1x16xf32>
          tpu.vector_store %arg10[%swap3A_1465, %swap3A_1466], %swap3A_1469 {strides = array<i32>} : memref<80x128xf32, #tpu.memory_space<vmem>>, vector<1x16xf32>,
          %get3A_1470 = arith.index_cast %add3A_1419 : i32 to index
          %get3A_1471 = arith.constant 80 : index
          %get3A_1472 = tpu.vector_load %arg10[%get3A_1470, %get3A_1471] {strides = array<i32>} : memref<80x128xf32, #tpu.memory_space<vmem>>, vector<1x16xf32>,
          %get3A_1473 = vector.shape_cast %get3A_1472 : vector<1x16xf32> to vector<16xf32>
          %mul3A_1474 = arith.mulf %get3A_1473, %gather3A_1415 : vector<16xf32>
          %swap3A_1475 = arith.index_cast %add3A_1419 : i32 to index
          %swap3A_1476 = arith.constant 80 : index
          %swap3A_1477 = tpu.vector_load %arg10[%swap3A_1475, %swap3A_1476] {strides = array<i32>} : memref<80x128xf32, #tpu.memory_space<vmem>>, vector<1x16xf32>,
          %swap3A_1478 = vector.shape_cast %swap3A_1477 : vector<1x16xf32> to vector<16xf32>
          %swap3A_1479 = vector.shape_cast %mul3A_1474 : vector<16xf32> to vector<1x16xf32>
          tpu.vector_store %arg10[%swap3A_1475, %swap3A_1476], %swap3A_1479 {strides = array<i32>} : memref<80x128xf32, #tpu.memory_space<vmem>>, vector<1x16xf32>,
          %get3A_1480 = arith.index_cast %add3A_1419 : i32 to index
          %get3A_1481 = arith.constant 96 : index
          %get3A_1482 = tpu.vector_load %arg10[%get3A_1480, %get3A_1481] {strides = array<i32>} : memref<80x128xf32, #tpu.memory_space<vmem>>, vector<1x16xf32>,
          %get3A_1483 = vector.shape_cast %get3A_1482 : vector<1x16xf32> to vector<16xf32>
          %mul3A_1484 = arith.mulf %get3A_1483, %gather3A_1415 : vector<16xf32>
          %swap3A_1485 = arith.index_cast %add3A_1419 : i32 to index
          %swap3A_1486 = arith.constant 96 : index
          %swap3A_1487 = tpu.vector_load %arg10[%swap3A_1485, %swap3A_1486] {strides = array<i32>} : memref<80x128xf32, #tpu.memory_space<vmem>>, vector<1x16xf32>,
          %swap3A_1488 = vector.shape_cast %swap3A_1487 : vector<1x16xf32> to vector<16xf32>
          %swap3A_1489 = vector.shape_cast %mul3A_1484 : vector<16xf32> to vector<1x16xf32>
          tpu.vector_store %arg10[%swap3A_1485, %swap3A_1486], %swap3A_1489 {strides = array<i32>} : memref<80x128xf32, #tpu.memory_space<vmem>>, vector<1x16xf32>,
          %get3A_1490 = arith.index_cast %add3A_1419 : i32 to index
          %get3A_1491 = arith.constant 112 : index
          %get3A_1492 = tpu.vector_load %arg10[%get3A_1490, %get3A_1491] {strides = array<i32>} : memref<80x128xf32, #tpu.memory_space<vmem>>, vector<1x16xf32>,
          %get3A_1493 = vector.shape_cast %get3A_1492 : vector<1x16xf32> to vector<16xf32>
          %mul3A_1494 = arith.mulf %get3A_1493, %gather3A_1415 : vector<16xf32>
          %swap3A_1495 = arith.index_cast %add3A_1419 : i32 to index
          %swap3A_1496 = arith.constant 112 : index
          %swap3A_1497 = tpu.vector_load %arg10[%swap3A_1495, %swap3A_1496] {strides = array<i32>} : memref<80x128xf32, #tpu.memory_space<vmem>>, vector<1x16xf32>,
          %swap3A_1498 = vector.shape_cast %swap3A_1497 : vector<1x16xf32> to vector<16xf32>
          %swap3A_1499 = vector.shape_cast %mul3A_1494 : vector<16xf32> to vector<1x16xf32>
          tpu.vector_store %arg10[%swap3A_1495, %swap3A_1496], %swap3A_1499 {strides = array<i32>} : memref<80x128xf32, #tpu.memory_space<vmem>>, vector<1x16xf32>,
        }
        %scan3A_94 = arith.constant 5 : i32
        "tpu.region"() ({
          %run_scoped3A = tpu.sem_alloc : memref<!tpu.dma_semaphore, #tpu.memory_space<semaphore_mem>>
          %dma_start3A_120 = arith.constant 0 : i32
          %dma_start3A_121 = tpu.memref_slice %arg8[%add3A_74, %dma_start3A_120] : memref<50x80xi32, #tpu.memory_space<vmem>> -> memref<1x80xi32, #tpu.memory_space<vmem>>
          %dma_start3A_122 = tpu.memref_squeeze %dma_start3A_121 : memref<1x80xi32, #tpu.memory_space<vmem>> -> memref<80xi32, #tpu.memory_space<vmem>>
          %dma_start3A_123 = arith.constant 0 : i32
          %dma_start3A_124 = arith.constant 0 : i32
          %dma_start3A_125 = tpu.memref_slice %arg12[%dma_start3A_123, %dma_start3A_124] : memref<10000x128xf32, #tpu.memory_space<vmem_shared>> -> memref<10000x128xf32, #tpu.memory_space<vmem_shared>>
          tpu.enqueue_indirect_dma source(%arg10 : memref<80x128xf32, #tpu.memory_space<vmem>>) target(%dma_start3A_125 : memref<10000x128xf32, #tpu.memory_space<vmem_shared>>) offsets(%dma_start3A_122 : memref<80xi32, #tpu.memory_space<vmem>>) semaphore(%run_scoped3A : memref<!tpu.dma_semaphore, #tpu.memory_space<semaphore_mem>>) {add = true}
          %dma_wait3A_126 = arith.constant 0 : i32
          %dma_wait3A_127 = tpu.memref_slice %arg8[%add3A_74, %dma_wait3A_126] : memref<50x80xi32, #tpu.memory_space<vmem>> -> memref<1x80xi32, #tpu.memory_space<vmem>>
          %dma_wait3A_128 = tpu.memref_squeeze %dma_wait3A_127 : memref<1x80xi32, #tpu.memory_space<vmem>> -> memref<80xi32, #tpu.memory_space<vmem>>
          %dma_wait3A_129 = arith.constant 0 : i32
          %dma_wait3A_130 = arith.constant 0 : i32
          %dma_wait3A_131 = tpu.memref_slice %arg12[%dma_wait3A_129, %dma_wait3A_130] : memref<10000x128xf32, #tpu.memory_space<vmem_shared>> -> memref<10000x128xf32, #tpu.memory_space<vmem_shared>>
          tpu.wait_indirect_dma semaphore(%run_scoped3A : memref<!tpu.dma_semaphore, #tpu.memory_space<semaphore_mem>>) src(%arg10 : memref<80x128xf32, #tpu.memory_space<vmem>>) dst(%dma_wait3A_131 : memref<10000x128xf32, #tpu.memory_space<vmem_shared>>)
          tpu.yield
        }) : () -> ()
        %mul3A_95 = arith.constant 2 : i32
        %mul3A_96 = arith.muli %mul3A_95, %scan3A_70 : i32
        %add3A_97 = arith.constant 1 : i32
        %add3A_98 = arith.addi %mul3A_96, %add3A_97 : i32
        %add3A_99 = arith.constant 1 : i32
        %add3A_100 = arith.addi %add3A_98, %add3A_99 : i32
        %min3A_101 = arith.constant 49 : i32
        %min3A_102 = arith.minsi %add3A_100, %min3A_101 : i32
        %dma_start3A_103 = arith.constant 0 : i32
        %dma_start3A_104 = tpu.memref_slice %arg7[%min3A_102, %dma_start3A_103] : memref<50x80xi32, #tpu.memory_space<vmem>> -> memref<1x80xi32, #tpu.memory_space<vmem>>
        %dma_start3A_105 = tpu.memref_squeeze %dma_start3A_104 : memref<1x80xi32, #tpu.memory_space<vmem>> -> memref<80xi32, #tpu.memory_space<vmem>>
        %dma_start3A_106 = arith.constant 0 : i32
        %dma_start3A_107 = arith.constant 0 : i32
        %dma_start3A_108 = tpu.memref_slice %arg2[%dma_start3A_106, %dma_start3A_107] : memref<20000x128xf32, #tpu.memory_space<hbm>> -> memref<20000x128xf32, #tpu.memory_space<hbm>>
        tpu.enqueue_indirect_dma source(%dma_start3A_108 : memref<20000x128xf32, #tpu.memory_space<hbm>>) target(%arg10 : memref<80x128xf32, #tpu.memory_space<vmem>>) offsets(%dma_start3A_105 : memref<80xi32, #tpu.memory_space<vmem>>) semaphore(%arg13 : memref<!tpu.dma_semaphore, #tpu.memory_space<semaphore_mem>>)
        %dma_wait3A_109 = arith.constant 0 : i32
        %dma_wait3A_110 = tpu.memref_slice %arg7[%add3A_98, %dma_wait3A_109] : memref<50x80xi32, #tpu.memory_space<vmem>> -> memref<1x80xi32, #tpu.memory_space<vmem>>
        %dma_wait3A_111 = tpu.memref_squeeze %dma_wait3A_110 : memref<1x80xi32, #tpu.memory_space<vmem>> -> memref<80xi32, #tpu.memory_space<vmem>>
        %dma_wait3A_112 = arith.constant 0 : i32
        %dma_wait3A_113 = arith.constant 0 : i32
        %dma_wait3A_114 = tpu.memref_slice %arg2[%dma_wait3A_112, %dma_wait3A_113] : memref<20000x128xf32, #tpu.memory_space<hbm>> -> memref<20000x128xf32, #tpu.memory_space<hbm>>
        tpu.wait_indirect_dma semaphore(%arg14 : memref<!tpu.dma_semaphore, #tpu.memory_space<semaphore_mem>>) src(%dma_wait3A_114 : memref<20000x128xf32, #tpu.memory_space<hbm>>) dst(%arg11 : memref<80x128xf32, #tpu.memory_space<vmem>>)
        %scan3A_115 = arith.constant 0 : i32
        %scan3A_116 = arith.constant 5 : i32
        %scan3A_117 = arith.addi %scan3A_115, %scan3A_116 : i32
        %scan3A_118 = arith.constant 1 : i32
        scf.for %scan3A_120 = %scan3A_115 to %scan3A_117 step %scan3A_118  : i32 {
          %mul3A_121 = arith.constant 16 : i32
          %mul3A_122 = arith.muli %scan3A_120, %mul3A_121 : i32
          %get3A = arith.index_cast %add3A_98 : i32 to index
          %get3A_123 = arith.index_cast %mul3A_122 : i32 to index
          %get3A_124 = tpu.vector_load %arg9[%get3A, %get3A_123] {strides = array<i32>} : memref<50x80xf32, #tpu.memory_space<vmem>>, vector<1x16xf32>,
          %get3A_125 = vector.shape_cast %get3A_124 : vector<1x16xf32> to vector<16xf32>
          %gather3A = vector.shape_cast %broadcast_in_dim3A_10 : vector<16x1xi32> to vector<16xi32>
          %gather3A_126 = tpu.dynamic_gather %get3A_125[%gather3A] in [0] : vector<16xf32>, vector<16xi32> -> vector<16xf32>
          %mul3A_127 = arith.constant 16 : i32
          %mul3A_128 = arith.muli %scan3A_120, %mul3A_127 : i32
          %add3A_129 = arith.constant 0 : i32
          %add3A_130 = arith.addi %mul3A_128, %add3A_129 : i32
          %get3A_131 = arith.index_cast %add3A_130 : i32 to index
          %get3A_132 = arith.constant 0 : index
          %get3A_133 = tpu.vector_load %arg11[%get3A_131, %get3A_132] {strides = array<i32>} : memref<80x128xf32, #tpu.memory_space<vmem>>, vector<1x16xf32>,
          %get3A_134 = vector.shape_cast %get3A_133 : vector<1x16xf32> to vector<16xf32>
          %mul3A_135 = arith.mulf %get3A_134, %gather3A_126 : vector<16xf32>
          %swap3A = arith.index_cast %add3A_130 : i32 to index
          %swap3A_136 = arith.constant 0 : index
          %swap3A_137 = tpu.vector_load %arg11[%swap3A, %swap3A_136] {strides = array<i32>} : memref<80x128xf32, #tpu.memory_space<vmem>>, vector<1x16xf32>,
          %swap3A_138 = vector.shape_cast %swap3A_137 : vector<1x16xf32> to vector<16xf32>
          %swap3A_139 = vector.shape_cast %mul3A_135 : vector<16xf32> to vector<1x16xf32>
          tpu.vector_store %arg11[%swap3A, %swap3A_136], %swap3A_139 {strides = array<i32>} : memref<80x128xf32, #tpu.memory_space<vmem>>, vector<1x16xf32>,
          %get3A_140 = arith.index_cast %add3A_130 : i32 to index
          %get3A_141 = arith.constant 16 : index
          %get3A_142 = tpu.vector_load %arg11[%get3A_140, %get3A_141] {strides = array<i32>} : memref<80x128xf32, #tpu.memory_space<vmem>>, vector<1x16xf32>,
          %get3A_143 = vector.shape_cast %get3A_142 : vector<1x16xf32> to vector<16xf32>
          %mul3A_144 = arith.mulf %get3A_143, %gather3A_126 : vector<16xf32>
          %swap3A_145 = arith.index_cast %add3A_130 : i32 to index
          %swap3A_146 = arith.constant 16 : index
          %swap3A_147 = tpu.vector_load %arg11[%swap3A_145, %swap3A_146] {strides = array<i32>} : memref<80x128xf32, #tpu.memory_space<vmem>>, vector<1x16xf32>,
          %swap3A_148 = vector.shape_cast %swap3A_147 : vector<1x16xf32> to vector<16xf32>
          %swap3A_149 = vector.shape_cast %mul3A_144 : vector<16xf32> to vector<1x16xf32>
          tpu.vector_store %arg11[%swap3A_145, %swap3A_146], %swap3A_149 {strides = array<i32>} : memref<80x128xf32, #tpu.memory_space<vmem>>, vector<1x16xf32>,
          %get3A_150 = arith.index_cast %add3A_130 : i32 to index
          %get3A_151 = arith.constant 32 : index
          %get3A_152 = tpu.vector_load %arg11[%get3A_150, %get3A_151] {strides = array<i32>} : memref<80x128xf32, #tpu.memory_space<vmem>>, vector<1x16xf32>,
          %get3A_153 = vector.shape_cast %get3A_152 : vector<1x16xf32> to vector<16xf32>
          %mul3A_154 = arith.mulf %get3A_153, %gather3A_126 : vector<16xf32>
          %swap3A_155 = arith.index_cast %add3A_130 : i32 to index
          %swap3A_156 = arith.constant 32 : index
          %swap3A_157 = tpu.vector_load %arg11[%swap3A_155, %swap3A_156] {strides = array<i32>} : memref<80x128xf32, #tpu.memory_space<vmem>>, vector<1x16xf32>,
          %swap3A_158 = vector.shape_cast %swap3A_157 : vector<1x16xf32> to vector<16xf32>
          %swap3A_159 = vector.shape_cast %mul3A_154 : vector<16xf32> to vector<1x16xf32>
          tpu.vector_store %arg11[%swap3A_155, %swap3A_156], %swap3A_159 {strides = array<i32>} : memref<80x128xf32, #tpu.memory_space<vmem>>, vector<1x16xf32>,
          %get3A_160 = arith.index_cast %add3A_130 : i32 to index
          %get3A_161 = arith.constant 48 : index
          %get3A_162 = tpu.vector_load %arg11[%get3A_160, %get3A_161] {strides = array<i32>} : memref<80x128xf32, #tpu.memory_space<vmem>>, vector<1x16xf32>,
          %get3A_163 = vector.shape_cast %get3A_162 : vector<1x16xf32> to vector<16xf32>
          %mul3A_164 = arith.mulf %get3A_163, %gather3A_126 : vector<16xf32>
          %swap3A_165 = arith.index_cast %add3A_130 : i32 to index
          %swap3A_166 = arith.constant 48 : index
          %swap3A_167 = tpu.vector_load %arg11[%swap3A_165, %swap3A_166] {strides = array<i32>} : memref<80x128xf32, #tpu.memory_space<vmem>>, vector<1x16xf32>,
          %swap3A_168 = vector.shape_cast %swap3A_167 : vector<1x16xf32> to vector<16xf32>
          %swap3A_169 = vector.shape_cast %mul3A_164 : vector<16xf32> to vector<1x16xf32>
          tpu.vector_store %arg11[%swap3A_165, %swap3A_166], %swap3A_169 {strides = array<i32>} : memref<80x128xf32, #tpu.memory_space<vmem>>, vector<1x16xf32>,
          %get3A_170 = arith.index_cast %add3A_130 : i32 to index
          %get3A_171 = arith.constant 64 : index
          %get3A_172 = tpu.vector_load %arg11[%get3A_170, %get3A_171] {strides = array<i32>} : memref<80x128xf32, #tpu.memory_space<vmem>>, vector<1x16xf32>,
          %get3A_173 = vector.shape_cast %get3A_172 : vector<1x16xf32> to vector<16xf32>
          %mul3A_174 = arith.mulf %get3A_173, %gather3A_126 : vector<16xf32>
          %swap3A_175 = arith.index_cast %add3A_130 : i32 to index
          %swap3A_176 = arith.constant 64 : index
          %swap3A_177 = tpu.vector_load %arg11[%swap3A_175, %swap3A_176] {strides = array<i32>} : memref<80x128xf32, #tpu.memory_space<vmem>>, vector<1x16xf32>,
          %swap3A_178 = vector.shape_cast %swap3A_177 : vector<1x16xf32> to vector<16xf32>
          %swap3A_179 = vector.shape_cast %mul3A_174 : vector<16xf32> to vector<1x16xf32>
          tpu.vector_store %arg11[%swap3A_175, %swap3A_176], %swap3A_179 {strides = array<i32>} : memref<80x128xf32, #tpu.memory_space<vmem>>, vector<1x16xf32>,
          %get3A_180 = arith.index_cast %add3A_130 : i32 to index
          %get3A_181 = arith.constant 80 : index
          %get3A_182 = tpu.vector_load %arg11[%get3A_180, %get3A_181] {strides = array<i32>} : memref<80x128xf32, #tpu.memory_space<vmem>>, vector<1x16xf32>,
          %get3A_183 = vector.shape_cast %get3A_182 : vector<1x16xf32> to vector<16xf32>
          %mul3A_184 = arith.mulf %get3A_183, %gather3A_126 : vector<16xf32>
          %swap3A_185 = arith.index_cast %add3A_130 : i32 to index
          %swap3A_186 = arith.constant 80 : index
          %swap3A_187 = tpu.vector_load %arg11[%swap3A_185, %swap3A_186] {strides = array<i32>} : memref<80x128xf32, #tpu.memory_space<vmem>>, vector<1x16xf32>,
          %swap3A_188 = vector.shape_cast %swap3A_187 : vector<1x16xf32> to vector<16xf32>
          %swap3A_189 = vector.shape_cast %mul3A_184 : vector<16xf32> to vector<1x16xf32>
          tpu.vector_store %arg11[%swap3A_185, %swap3A_186], %swap3A_189 {strides = array<i32>} : memref<80x128xf32, #tpu.memory_space<vmem>>, vector<1x16xf32>,
          %get3A_190 = arith.index_cast %add3A_130 : i32 to index
          %get3A_191 = arith.constant 96 : index
          %get3A_192 = tpu.vector_load %arg11[%get3A_190, %get3A_191] {strides = array<i32>} : memref<80x128xf32, #tpu.memory_space<vmem>>, vector<1x16xf32>,
          %get3A_193 = vector.shape_cast %get3A_192 : vector<1x16xf32> to vector<16xf32>
          %mul3A_194 = arith.mulf %get3A_193, %gather3A_126 : vector<16xf32>
          %swap3A_195 = arith.index_cast %add3A_130 : i32 to index
          %swap3A_196 = arith.constant 96 : index
          %swap3A_197 = tpu.vector_load %arg11[%swap3A_195, %swap3A_196] {strides = array<i32>} : memref<80x128xf32, #tpu.memory_space<vmem>>, vector<1x16xf32>,
          %swap3A_198 = vector.shape_cast %swap3A_197 : vector<1x16xf32> to vector<16xf32>
          %swap3A_199 = vector.shape_cast %mul3A_194 : vector<16xf32> to vector<1x16xf32>
          tpu.vector_store %arg11[%swap3A_195, %swap3A_196], %swap3A_199 {strides = array<i32>} : memref<80x128xf32, #tpu.memory_space<vmem>>, vector<1x16xf32>,
          %get3A_200 = arith.index_cast %add3A_130 : i32 to index
          %get3A_201 = arith.constant 112 : index
          %get3A_202 = tpu.vector_load %arg11[%get3A_200, %get3A_201] {strides = array<i32>} : memref<80x128xf32, #tpu.memory_space<vmem>>, vector<1x16xf32>,
          %get3A_203 = vector.shape_cast %get3A_202 : vector<1x16xf32> to vector<16xf32>
          %mul3A_204 = arith.mulf %get3A_203, %gather3A_126 : vector<16xf32>
          %swap3A_205 = arith.index_cast %add3A_130 : i32 to index
          %swap3A_206 = arith.constant 112 : index
          %swap3A_207 = tpu.vector_load %arg11[%swap3A_205, %swap3A_206] {strides = array<i32>} : memref<80x128xf32, #tpu.memory_space<vmem>>, vector<1x16xf32>,
          %swap3A_208 = vector.shape_cast %swap3A_207 : vector<1x16xf32> to vector<16xf32>
          %swap3A_209 = vector.shape_cast %mul3A_204 : vector<16xf32> to vector<1x16xf32>
          tpu.vector_store %arg11[%swap3A_205, %swap3A_206], %swap3A_209 {strides = array<i32>} : memref<80x128xf32, #tpu.memory_space<vmem>>, vector<1x16xf32>,
          %gather3A_210 = vector.shape_cast %broadcast_in_dim3A_12 : vector<16x1xi32> to vector<16xi32>
          %gather3A_211 = tpu.dynamic_gather %get3A_125[%gather3A_210] in [0] : vector<16xf32>, vector<16xi32> -> vector<16xf32>
          %mul3A_212 = arith.constant 16 : i32
          %mul3A_213 = arith.muli %scan3A_120, %mul3A_212 : i32
          %add3A_214 = arith.constant 1 : i32
          %add3A_215 = arith.addi %mul3A_213, %add3A_214 : i32
          %get3A_216 = arith.index_cast %add3A_215 : i32 to index
          %get3A_217 = arith.constant 0 : index
          %get3A_218 = tpu.vector_load %arg11[%get3A_216, %get3A_217] {strides = array<i32>} : memref<80x128xf32, #tpu.memory_space<vmem>>, vector<1x16xf32>,
          %get3A_219 = vector.shape_cast %get3A_218 : vector<1x16xf32> to vector<16xf32>
          %mul3A_220 = arith.mulf %get3A_219, %gather3A_211 : vector<16xf32>
          %swap3A_221 = arith.index_cast %add3A_215 : i32 to index
          %swap3A_222 = arith.constant 0 : index
          %swap3A_223 = tpu.vector_load %arg11[%swap3A_221, %swap3A_222] {strides = array<i32>} : memref<80x128xf32, #tpu.memory_space<vmem>>, vector<1x16xf32>,
          %swap3A_224 = vector.shape_cast %swap3A_223 : vector<1x16xf32> to vector<16xf32>
          %swap3A_225 = vector.shape_cast %mul3A_220 : vector<16xf32> to vector<1x16xf32>
          tpu.vector_store %arg11[%swap3A_221, %swap3A_222], %swap3A_225 {strides = array<i32>} : memref<80x128xf32, #tpu.memory_space<vmem>>, vector<1x16xf32>,
          %get3A_226 = arith.index_cast %add3A_215 : i32 to index
          %get3A_227 = arith.constant 16 : index
          %get3A_228 = tpu.vector_load %arg11[%get3A_226, %get3A_227] {strides = array<i32>} : memref<80x128xf32, #tpu.memory_space<vmem>>, vector<1x16xf32>,
          %get3A_229 = vector.shape_cast %get3A_228 : vector<1x16xf32> to vector<16xf32>
          %mul3A_230 = arith.mulf %get3A_229, %gather3A_211 : vector<16xf32>
          %swap3A_231 = arith.index_cast %add3A_215 : i32 to index
          %swap3A_232 = arith.constant 16 : index
          %swap3A_233 = tpu.vector_load %arg11[%swap3A_231, %swap3A_232] {strides = array<i32>} : memref<80x128xf32, #tpu.memory_space<vmem>>, vector<1x16xf32>,
          %swap3A_234 = vector.shape_cast %swap3A_233 : vector<1x16xf32> to vector<16xf32>
          %swap3A_235 = vector.shape_cast %mul3A_230 : vector<16xf32> to vector<1x16xf32>
          tpu.vector_store %arg11[%swap3A_231, %swap3A_232], %swap3A_235 {strides = array<i32>} : memref<80x128xf32, #tpu.memory_space<vmem>>, vector<1x16xf32>,
          %get3A_236 = arith.index_cast %add3A_215 : i32 to index
          %get3A_237 = arith.constant 32 : index
          %get3A_238 = tpu.vector_load %arg11[%get3A_236, %get3A_237] {strides = array<i32>} : memref<80x128xf32, #tpu.memory_space<vmem>>, vector<1x16xf32>,
          %get3A_239 = vector.shape_cast %get3A_238 : vector<1x16xf32> to vector<16xf32>
          %mul3A_240 = arith.mulf %get3A_239, %gather3A_211 : vector<16xf32>
          %swap3A_241 = arith.index_cast %add3A_215 : i32 to index
          %swap3A_242 = arith.constant 32 : index
          %swap3A_243 = tpu.vector_load %arg11[%swap3A_241, %swap3A_242] {strides = array<i32>} : memref<80x128xf32, #tpu.memory_space<vmem>>, vector<1x16xf32>,
          %swap3A_244 = vector.shape_cast %swap3A_243 : vector<1x16xf32> to vector<16xf32>
          %swap3A_245 = vector.shape_cast %mul3A_240 : vector<16xf32> to vector<1x16xf32>
          tpu.vector_store %arg11[%swap3A_241, %swap3A_242], %swap3A_245 {strides = array<i32>} : memref<80x128xf32, #tpu.memory_space<vmem>>, vector<1x16xf32>,
          %get3A_246 = arith.index_cast %add3A_215 : i32 to index
          %get3A_247 = arith.constant 48 : index
          %get3A_248 = tpu.vector_load %arg11[%get3A_246, %get3A_247] {strides = array<i32>} : memref<80x128xf32, #tpu.memory_space<vmem>>, vector<1x16xf32>,
          %get3A_249 = vector.shape_cast %get3A_248 : vector<1x16xf32> to vector<16xf32>
          %mul3A_250 = arith.mulf %get3A_249, %gather3A_211 : vector<16xf32>
          %swap3A_251 = arith.index_cast %add3A_215 : i32 to index
          %swap3A_252 = arith.constant 48 : index
          %swap3A_253 = tpu.vector_load %arg11[%swap3A_251, %swap3A_252] {strides = array<i32>} : memref<80x128xf32, #tpu.memory_space<vmem>>, vector<1x16xf32>,
          %swap3A_254 = vector.shape_cast %swap3A_253 : vector<1x16xf32> to vector<16xf32>
          %swap3A_255 = vector.shape_cast %mul3A_250 : vector<16xf32> to vector<1x16xf32>
          tpu.vector_store %arg11[%swap3A_251, %swap3A_252], %swap3A_255 {strides = array<i32>} : memref<80x128xf32, #tpu.memory_space<vmem>>, vector<1x16xf32>,
          %get3A_256 = arith.index_cast %add3A_215 : i32 to index
          %get3A_257 = arith.constant 64 : index
          %get3A_258 = tpu.vector_load %arg11[%get3A_256, %get3A_257] {strides = array<i32>} : memref<80x128xf32, #tpu.memory_space<vmem>>, vector<1x16xf32>,
          %get3A_259 = vector.shape_cast %get3A_258 : vector<1x16xf32> to vector<16xf32>
          %mul3A_260 = arith.mulf %get3A_259, %gather3A_211 : vector<16xf32>
          %swap3A_261 = arith.index_cast %add3A_215 : i32 to index
          %swap3A_262 = arith.constant 64 : index
          %swap3A_263 = tpu.vector_load %arg11[%swap3A_261, %swap3A_262] {strides = array<i32>} : memref<80x128xf32, #tpu.memory_space<vmem>>, vector<1x16xf32>,
          %swap3A_264 = vector.shape_cast %swap3A_263 : vector<1x16xf32> to vector<16xf32>
          %swap3A_265 = vector.shape_cast %mul3A_260 : vector<16xf32> to vector<1x16xf32>
          tpu.vector_store %arg11[%swap3A_261, %swap3A_262], %swap3A_265 {strides = array<i32>} : memref<80x128xf32, #tpu.memory_space<vmem>>, vector<1x16xf32>,
          %get3A_266 = arith.index_cast %add3A_215 : i32 to index
          %get3A_267 = arith.constant 80 : index
          %get3A_268 = tpu.vector_load %arg11[%get3A_266, %get3A_267] {strides = array<i32>} : memref<80x128xf32, #tpu.memory_space<vmem>>, vector<1x16xf32>,
          %get3A_269 = vector.shape_cast %get3A_268 : vector<1x16xf32> to vector<16xf32>
          %mul3A_270 = arith.mulf %get3A_269, %gather3A_211 : vector<16xf32>
          %swap3A_271 = arith.index_cast %add3A_215 : i32 to index
          %swap3A_272 = arith.constant 80 : index
          %swap3A_273 = tpu.vector_load %arg11[%swap3A_271, %swap3A_272] {strides = array<i32>} : memref<80x128xf32, #tpu.memory_space<vmem>>, vector<1x16xf32>,
          %swap3A_274 = vector.shape_cast %swap3A_273 : vector<1x16xf32> to vector<16xf32>
          %swap3A_275 = vector.shape_cast %mul3A_270 : vector<16xf32> to vector<1x16xf32>
          tpu.vector_store %arg11[%swap3A_271, %swap3A_272], %swap3A_275 {strides = array<i32>} : memref<80x128xf32, #tpu.memory_space<vmem>>, vector<1x16xf32>,
          %get3A_276 = arith.index_cast %add3A_215 : i32 to index
          %get3A_277 = arith.constant 96 : index
          %get3A_278 = tpu.vector_load %arg11[%get3A_276, %get3A_277] {strides = array<i32>} : memref<80x128xf32, #tpu.memory_space<vmem>>, vector<1x16xf32>,
          %get3A_279 = vector.shape_cast %get3A_278 : vector<1x16xf32> to vector<16xf32>
          %mul3A_280 = arith.mulf %get3A_279, %gather3A_211 : vector<16xf32>
          %swap3A_281 = arith.index_cast %add3A_215 : i32 to index
          %swap3A_282 = arith.constant 96 : index
          %swap3A_283 = tpu.vector_load %arg11[%swap3A_281, %swap3A_282] {strides = array<i32>} : memref<80x128xf32, #tpu.memory_space<vmem>>, vector<1x16xf32>,
          %swap3A_284 = vector.shape_cast %swap3A_283 : vector<1x16xf32> to vector<16xf32>
          %swap3A_285 = vector.shape_cast %mul3A_280 : vector<16xf32> to vector<1x16xf32>
          tpu.vector_store %arg11[%swap3A_281, %swap3A_282], %swap3A_285 {strides = array<i32>} : memref<80x128xf32, #tpu.memory_space<vmem>>, vector<1x16xf32>,
          %get3A_286 = arith.index_cast %add3A_215 : i32 to index
          %get3A_287 = arith.constant 112 : index
          %get3A_288 = tpu.vector_load %arg11[%get3A_286, %get3A_287] {strides = array<i32>} : memref<80x128xf32, #tpu.memory_space<vmem>>, vector<1x16xf32>,
          %get3A_289 = vector.shape_cast %get3A_288 : vector<1x16xf32> to vector<16xf32>
          %mul3A_290 = arith.mulf %get3A_289, %gather3A_211 : vector<16xf32>
          %swap3A_291 = arith.index_cast %add3A_215 : i32 to index
          %swap3A_292 = arith.constant 112 : index
          %swap3A_293 = tpu.vector_load %arg11[%swap3A_291, %swap3A_292] {strides = array<i32>} : memref<80x128xf32, #tpu.memory_space<vmem>>, vector<1x16xf32>,
          %swap3A_294 = vector.shape_cast %swap3A_293 : vector<1x16xf32> to vector<16xf32>
          %swap3A_295 = vector.shape_cast %mul3A_290 : vector<16xf32> to vector<1x16xf32>
          tpu.vector_store %arg11[%swap3A_291, %swap3A_292], %swap3A_295 {strides = array<i32>} : memref<80x128xf32, #tpu.memory_space<vmem>>, vector<1x16xf32>,
          %gather3A_296 = vector.shape_cast %broadcast_in_dim3A_14 : vector<16x1xi32> to vector<16xi32>
          %gather3A_297 = tpu.dynamic_gather %get3A_125[%gather3A_296] in [0] : vector<16xf32>, vector<16xi32> -> vector<16xf32>
          %mul3A_298 = arith.constant 16 : i32
          %mul3A_299 = arith.muli %scan3A_120, %mul3A_298 : i32
          %add3A_300 = arith.constant 2 : i32
          %add3A_301 = arith.addi %mul3A_299, %add3A_300 : i32
          %get3A_302 = arith.index_cast %add3A_301 : i32 to index
          %get3A_303 = arith.constant 0 : index
          %get3A_304 = tpu.vector_load %arg11[%get3A_302, %get3A_303] {strides = array<i32>} : memref<80x128xf32, #tpu.memory_space<vmem>>, vector<1x16xf32>,
          %get3A_305 = vector.shape_cast %get3A_304 : vector<1x16xf32> to vector<16xf32>
          %mul3A_306 = arith.mulf %get3A_305, %gather3A_297 : vector<16xf32>
          %swap3A_307 = arith.index_cast %add3A_301 : i32 to index
          %swap3A_308 = arith.constant 0 : index
          %swap3A_309 = tpu.vector_load %arg11[%swap3A_307, %swap3A_308] {strides = array<i32>} : memref<80x128xf32, #tpu.memory_space<vmem>>, vector<1x16xf32>,
          %swap3A_310 = vector.shape_cast %swap3A_309 : vector<1x16xf32> to vector<16xf32>
          %swap3A_311 = vector.shape_cast %mul3A_306 : vector<16xf32> to vector<1x16xf32>
          tpu.vector_store %arg11[%swap3A_307, %swap3A_308], %swap3A_311 {strides = array<i32>} : memref<80x128xf32, #tpu.memory_space<vmem>>, vector<1x16xf32>,
          %get3A_312 = arith.index_cast %add3A_301 : i32 to index
          %get3A_313 = arith.constant 16 : index
          %get3A_314 = tpu.vector_load %arg11[%get3A_312, %get3A_313] {strides = array<i32>} : memref<80x128xf32, #tpu.memory_space<vmem>>, vector<1x16xf32>,
          %get3A_315 = vector.shape_cast %get3A_314 : vector<1x16xf32> to vector<16xf32>
          %mul3A_316 = arith.mulf %get3A_315, %gather3A_297 : vector<16xf32>
          %swap3A_317 = arith.index_cast %add3A_301 : i32 to index
          %swap3A_318 = arith.constant 16 : index
          %swap3A_319 = tpu.vector_load %arg11[%swap3A_317, %swap3A_318] {strides = array<i32>} : memref<80x128xf32, #tpu.memory_space<vmem>>, vector<1x16xf32>,
          %swap3A_320 = vector.shape_cast %swap3A_319 : vector<1x16xf32> to vector<16xf32>
          %swap3A_321 = vector.shape_cast %mul3A_316 : vector<16xf32> to vector<1x16xf32>
          tpu.vector_store %arg11[%swap3A_317, %swap3A_318], %swap3A_321 {strides = array<i32>} : memref<80x128xf32, #tpu.memory_space<vmem>>, vector<1x16xf32>,
          %get3A_322 = arith.index_cast %add3A_301 : i32 to index
          %get3A_323 = arith.constant 32 : index
          %get3A_324 = tpu.vector_load %arg11[%get3A_322, %get3A_323] {strides = array<i32>} : memref<80x128xf32, #tpu.memory_space<vmem>>, vector<1x16xf32>,
          %get3A_325 = vector.shape_cast %get3A_324 : vector<1x16xf32> to vector<16xf32>
          %mul3A_326 = arith.mulf %get3A_325, %gather3A_297 : vector<16xf32>
          %swap3A_327 = arith.index_cast %add3A_301 : i32 to index
          %swap3A_328 = arith.constant 32 : index
          %swap3A_329 = tpu.vector_load %arg11[%swap3A_327, %swap3A_328] {strides = array<i32>} : memref<80x128xf32, #tpu.memory_space<vmem>>, vector<1x16xf32>,
          %swap3A_330 = vector.shape_cast %swap3A_329 : vector<1x16xf32> to vector<16xf32>
          %swap3A_331 = vector.shape_cast %mul3A_326 : vector<16xf32> to vector<1x16xf32>
          tpu.vector_store %arg11[%swap3A_327, %swap3A_328], %swap3A_331 {strides = array<i32>} : memref<80x128xf32, #tpu.memory_space<vmem>>, vector<1x16xf32>,
          %get3A_332 = arith.index_cast %add3A_301 : i32 to index
          %get3A_333 = arith.constant 48 : index
          %get3A_334 = tpu.vector_load %arg11[%get3A_332, %get3A_333] {strides = array<i32>} : memref<80x128xf32, #tpu.memory_space<vmem>>, vector<1x16xf32>,
          %get3A_335 = vector.shape_cast %get3A_334 : vector<1x16xf32> to vector<16xf32>
          %mul3A_336 = arith.mulf %get3A_335, %gather3A_297 : vector<16xf32>
          %swap3A_337 = arith.index_cast %add3A_301 : i32 to index
          %swap3A_338 = arith.constant 48 : index
          %swap3A_339 = tpu.vector_load %arg11[%swap3A_337, %swap3A_338] {strides = array<i32>} : memref<80x128xf32, #tpu.memory_space<vmem>>, vector<1x16xf32>,
          %swap3A_340 = vector.shape_cast %swap3A_339 : vector<1x16xf32> to vector<16xf32>
          %swap3A_341 = vector.shape_cast %mul3A_336 : vector<16xf32> to vector<1x16xf32>
          tpu.vector_store %arg11[%swap3A_337, %swap3A_338], %swap3A_341 {strides = array<i32>} : memref<80x128xf32, #tpu.memory_space<vmem>>, vector<1x16xf32>,
          %get3A_342 = arith.index_cast %add3A_301 : i32 to index
          %get3A_343 = arith.constant 64 : index
          %get3A_344 = tpu.vector_load %arg11[%get3A_342, %get3A_343] {strides = array<i32>} : memref<80x128xf32, #tpu.memory_space<vmem>>, vector<1x16xf32>,
          %get3A_345 = vector.shape_cast %get3A_344 : vector<1x16xf32> to vector<16xf32>
          %mul3A_346 = arith.mulf %get3A_345, %gather3A_297 : vector<16xf32>
          %swap3A_347 = arith.index_cast %add3A_301 : i32 to index
          %swap3A_348 = arith.constant 64 : index
          %swap3A_349 = tpu.vector_load %arg11[%swap3A_347, %swap3A_348] {strides = array<i32>} : memref<80x128xf32, #tpu.memory_space<vmem>>, vector<1x16xf32>,
          %swap3A_350 = vector.shape_cast %swap3A_349 : vector<1x16xf32> to vector<16xf32>
          %swap3A_351 = vector.shape_cast %mul3A_346 : vector<16xf32> to vector<1x16xf32>
          tpu.vector_store %arg11[%swap3A_347, %swap3A_348], %swap3A_351 {strides = array<i32>} : memref<80x128xf32, #tpu.memory_space<vmem>>, vector<1x16xf32>,
          %get3A_352 = arith.index_cast %add3A_301 : i32 to index
          %get3A_353 = arith.constant 80 : index
          %get3A_354 = tpu.vector_load %arg11[%get3A_352, %get3A_353] {strides = array<i32>} : memref<80x128xf32, #tpu.memory_space<vmem>>, vector<1x16xf32>,
          %get3A_355 = vector.shape_cast %get3A_354 : vector<1x16xf32> to vector<16xf32>
          %mul3A_356 = arith.mulf %get3A_355, %gather3A_297 : vector<16xf32>
          %swap3A_357 = arith.index_cast %add3A_301 : i32 to index
          %swap3A_358 = arith.constant 80 : index
          %swap3A_359 = tpu.vector_load %arg11[%swap3A_357, %swap3A_358] {strides = array<i32>} : memref<80x128xf32, #tpu.memory_space<vmem>>, vector<1x16xf32>,
          %swap3A_360 = vector.shape_cast %swap3A_359 : vector<1x16xf32> to vector<16xf32>
          %swap3A_361 = vector.shape_cast %mul3A_356 : vector<16xf32> to vector<1x16xf32>
          tpu.vector_store %arg11[%swap3A_357, %swap3A_358], %swap3A_361 {strides = array<i32>} : memref<80x128xf32, #tpu.memory_space<vmem>>, vector<1x16xf32>,
          %get3A_362 = arith.index_cast %add3A_301 : i32 to index
          %get3A_363 = arith.constant 96 : index
          %get3A_364 = tpu.vector_load %arg11[%get3A_362, %get3A_363] {strides = array<i32>} : memref<80x128xf32, #tpu.memory_space<vmem>>, vector<1x16xf32>,
          %get3A_365 = vector.shape_cast %get3A_364 : vector<1x16xf32> to vector<16xf32>
          %mul3A_366 = arith.mulf %get3A_365, %gather3A_297 : vector<16xf32>
          %swap3A_367 = arith.index_cast %add3A_301 : i32 to index
          %swap3A_368 = arith.constant 96 : index
          %swap3A_369 = tpu.vector_load %arg11[%swap3A_367, %swap3A_368] {strides = array<i32>} : memref<80x128xf32, #tpu.memory_space<vmem>>, vector<1x16xf32>,
          %swap3A_370 = vector.shape_cast %swap3A_369 : vector<1x16xf32> to vector<16xf32>
          %swap3A_371 = vector.shape_cast %mul3A_366 : vector<16xf32> to vector<1x16xf32>
          tpu.vector_store %arg11[%swap3A_367, %swap3A_368], %swap3A_371 {strides = array<i32>} : memref<80x128xf32, #tpu.memory_space<vmem>>, vector<1x16xf32>,
          %get3A_372 = arith.index_cast %add3A_301 : i32 to index
          %get3A_373 = arith.constant 112 : index
          %get3A_374 = tpu.vector_load %arg11[%get3A_372, %get3A_373] {strides = array<i32>} : memref<80x128xf32, #tpu.memory_space<vmem>>, vector<1x16xf32>,
          %get3A_375 = vector.shape_cast %get3A_374 : vector<1x16xf32> to vector<16xf32>
          %mul3A_376 = arith.mulf %get3A_375, %gather3A_297 : vector<16xf32>
          %swap3A_377 = arith.index_cast %add3A_301 : i32 to index
          %swap3A_378 = arith.constant 112 : index
          %swap3A_379 = tpu.vector_load %arg11[%swap3A_377, %swap3A_378] {strides = array<i32>} : memref<80x128xf32, #tpu.memory_space<vmem>>, vector<1x16xf32>,
          %swap3A_380 = vector.shape_cast %swap3A_379 : vector<1x16xf32> to vector<16xf32>
          %swap3A_381 = vector.shape_cast %mul3A_376 : vector<16xf32> to vector<1x16xf32>
          tpu.vector_store %arg11[%swap3A_377, %swap3A_378], %swap3A_381 {strides = array<i32>} : memref<80x128xf32, #tpu.memory_space<vmem>>, vector<1x16xf32>,
          %gather3A_382 = vector.shape_cast %broadcast_in_dim3A_16 : vector<16x1xi32> to vector<16xi32>
          %gather3A_383 = tpu.dynamic_gather %get3A_125[%gather3A_382] in [0] : vector<16xf32>, vector<16xi32> -> vector<16xf32>
          %mul3A_384 = arith.constant 16 : i32
          %mul3A_385 = arith.muli %scan3A_120, %mul3A_384 : i32
          %add3A_386 = arith.constant 3 : i32
          %add3A_387 = arith.addi %mul3A_385, %add3A_386 : i32
          %get3A_388 = arith.index_cast %add3A_387 : i32 to index
          %get3A_389 = arith.constant 0 : index
          %get3A_390 = tpu.vector_load %arg11[%get3A_388, %get3A_389] {strides = array<i32>} : memref<80x128xf32, #tpu.memory_space<vmem>>, vector<1x16xf32>,
          %get3A_391 = vector.shape_cast %get3A_390 : vector<1x16xf32> to vector<16xf32>
          %mul3A_392 = arith.mulf %get3A_391, %gather3A_383 : vector<16xf32>
          %swap3A_393 = arith.index_cast %add3A_387 : i32 to index
          %swap3A_394 = arith.constant 0 : index
          %swap3A_395 = tpu.vector_load %arg11[%swap3A_393, %swap3A_394] {strides = array<i32>} : memref<80x128xf32, #tpu.memory_space<vmem>>, vector<1x16xf32>,
          %swap3A_396 = vector.shape_cast %swap3A_395 : vector<1x16xf32> to vector<16xf32>
          %swap3A_397 = vector.shape_cast %mul3A_392 : vector<16xf32> to vector<1x16xf32>
          tpu.vector_store %arg11[%swap3A_393, %swap3A_394], %swap3A_397 {strides = array<i32>} : memref<80x128xf32, #tpu.memory_space<vmem>>, vector<1x16xf32>,
          %get3A_398 = arith.index_cast %add3A_387 : i32 to index
          %get3A_399 = arith.constant 16 : index
          %get3A_400 = tpu.vector_load %arg11[%get3A_398, %get3A_399] {strides = array<i32>} : memref<80x128xf32, #tpu.memory_space<vmem>>, vector<1x16xf32>,
          %get3A_401 = vector.shape_cast %get3A_400 : vector<1x16xf32> to vector<16xf32>
          %mul3A_402 = arith.mulf %get3A_401, %gather3A_383 : vector<16xf32>
          %swap3A_403 = arith.index_cast %add3A_387 : i32 to index
          %swap3A_404 = arith.constant 16 : index
          %swap3A_405 = tpu.vector_load %arg11[%swap3A_403, %swap3A_404] {strides = array<i32>} : memref<80x128xf32, #tpu.memory_space<vmem>>, vector<1x16xf32>,
          %swap3A_406 = vector.shape_cast %swap3A_405 : vector<1x16xf32> to vector<16xf32>
          %swap3A_407 = vector.shape_cast %mul3A_402 : vector<16xf32> to vector<1x16xf32>
          tpu.vector_store %arg11[%swap3A_403, %swap3A_404], %swap3A_407 {strides = array<i32>} : memref<80x128xf32, #tpu.memory_space<vmem>>, vector<1x16xf32>,
          %get3A_408 = arith.index_cast %add3A_387 : i32 to index
          %get3A_409 = arith.constant 32 : index
          %get3A_410 = tpu.vector_load %arg11[%get3A_408, %get3A_409] {strides = array<i32>} : memref<80x128xf32, #tpu.memory_space<vmem>>, vector<1x16xf32>,
          %get3A_411 = vector.shape_cast %get3A_410 : vector<1x16xf32> to vector<16xf32>
          %mul3A_412 = arith.mulf %get3A_411, %gather3A_383 : vector<16xf32>
          %swap3A_413 = arith.index_cast %add3A_387 : i32 to index
          %swap3A_414 = arith.constant 32 : index
          %swap3A_415 = tpu.vector_load %arg11[%swap3A_413, %swap3A_414] {strides = array<i32>} : memref<80x128xf32, #tpu.memory_space<vmem>>, vector<1x16xf32>,
          %swap3A_416 = vector.shape_cast %swap3A_415 : vector<1x16xf32> to vector<16xf32>
          %swap3A_417 = vector.shape_cast %mul3A_412 : vector<16xf32> to vector<1x16xf32>
          tpu.vector_store %arg11[%swap3A_413, %swap3A_414], %swap3A_417 {strides = array<i32>} : memref<80x128xf32, #tpu.memory_space<vmem>>, vector<1x16xf32>,
          %get3A_418 = arith.index_cast %add3A_387 : i32 to index
          %get3A_419 = arith.constant 48 : index
          %get3A_420 = tpu.vector_load %arg11[%get3A_418, %get3A_419] {strides = array<i32>} : memref<80x128xf32, #tpu.memory_space<vmem>>, vector<1x16xf32>,
          %get3A_421 = vector.shape_cast %get3A_420 : vector<1x16xf32> to vector<16xf32>
          %mul3A_422 = arith.mulf %get3A_421, %gather3A_383 : vector<16xf32>
          %swap3A_423 = arith.index_cast %add3A_387 : i32 to index
          %swap3A_424 = arith.constant 48 : index
          %swap3A_425 = tpu.vector_load %arg11[%swap3A_423, %swap3A_424] {strides = array<i32>} : memref<80x128xf32, #tpu.memory_space<vmem>>, vector<1x16xf32>,
          %swap3A_426 = vector.shape_cast %swap3A_425 : vector<1x16xf32> to vector<16xf32>
          %swap3A_427 = vector.shape_cast %mul3A_422 : vector<16xf32> to vector<1x16xf32>
          tpu.vector_store %arg11[%swap3A_423, %swap3A_424], %swap3A_427 {strides = array<i32>} : memref<80x128xf32, #tpu.memory_space<vmem>>, vector<1x16xf32>,
          %get3A_428 = arith.index_cast %add3A_387 : i32 to index
          %get3A_429 = arith.constant 64 : index
          %get3A_430 = tpu.vector_load %arg11[%get3A_428, %get3A_429] {strides = array<i32>} : memref<80x128xf32, #tpu.memory_space<vmem>>, vector<1x16xf32>,
          %get3A_431 = vector.shape_cast %get3A_430 : vector<1x16xf32> to vector<16xf32>
          %mul3A_432 = arith.mulf %get3A_431, %gather3A_383 : vector<16xf32>
          %swap3A_433 = arith.index_cast %add3A_387 : i32 to index
          %swap3A_434 = arith.constant 64 : index
          %swap3A_435 = tpu.vector_load %arg11[%swap3A_433, %swap3A_434] {strides = array<i32>} : memref<80x128xf32, #tpu.memory_space<vmem>>, vector<1x16xf32>,
          %swap3A_436 = vector.shape_cast %swap3A_435 : vector<1x16xf32> to vector<16xf32>
          %swap3A_437 = vector.shape_cast %mul3A_432 : vector<16xf32> to vector<1x16xf32>
          tpu.vector_store %arg11[%swap3A_433, %swap3A_434], %swap3A_437 {strides = array<i32>} : memref<80x128xf32, #tpu.memory_space<vmem>>, vector<1x16xf32>,
          %get3A_438 = arith.index_cast %add3A_387 : i32 to index
          %get3A_439 = arith.constant 80 : index
          %get3A_440 = tpu.vector_load %arg11[%get3A_438, %get3A_439] {strides = array<i32>} : memref<80x128xf32, #tpu.memory_space<vmem>>, vector<1x16xf32>,
          %get3A_441 = vector.shape_cast %get3A_440 : vector<1x16xf32> to vector<16xf32>
          %mul3A_442 = arith.mulf %get3A_441, %gather3A_383 : vector<16xf32>
          %swap3A_443 = arith.index_cast %add3A_387 : i32 to index
          %swap3A_444 = arith.constant 80 : index
          %swap3A_445 = tpu.vector_load %arg11[%swap3A_443, %swap3A_444] {strides = array<i32>} : memref<80x128xf32, #tpu.memory_space<vmem>>, vector<1x16xf32>,
          %swap3A_446 = vector.shape_cast %swap3A_445 : vector<1x16xf32> to vector<16xf32>
          %swap3A_447 = vector.shape_cast %mul3A_442 : vector<16xf32> to vector<1x16xf32>
          tpu.vector_store %arg11[%swap3A_443, %swap3A_444], %swap3A_447 {strides = array<i32>} : memref<80x128xf32, #tpu.memory_space<vmem>>, vector<1x16xf32>,
          %get3A_448 = arith.index_cast %add3A_387 : i32 to index
          %get3A_449 = arith.constant 96 : index
          %get3A_450 = tpu.vector_load %arg11[%get3A_448, %get3A_449] {strides = array<i32>} : memref<80x128xf32, #tpu.memory_space<vmem>>, vector<1x16xf32>,
          %get3A_451 = vector.shape_cast %get3A_450 : vector<1x16xf32> to vector<16xf32>
          %mul3A_452 = arith.mulf %get3A_451, %gather3A_383 : vector<16xf32>
          %swap3A_453 = arith.index_cast %add3A_387 : i32 to index
          %swap3A_454 = arith.constant 96 : index
          %swap3A_455 = tpu.vector_load %arg11[%swap3A_453, %swap3A_454] {strides = array<i32>} : memref<80x128xf32, #tpu.memory_space<vmem>>, vector<1x16xf32>,
          %swap3A_456 = vector.shape_cast %swap3A_455 : vector<1x16xf32> to vector<16xf32>
          %swap3A_457 = vector.shape_cast %mul3A_452 : vector<16xf32> to vector<1x16xf32>
          tpu.vector_store %arg11[%swap3A_453, %swap3A_454], %swap3A_457 {strides = array<i32>} : memref<80x128xf32, #tpu.memory_space<vmem>>, vector<1x16xf32>,
          %get3A_458 = arith.index_cast %add3A_387 : i32 to index
          %get3A_459 = arith.constant 112 : index
          %get3A_460 = tpu.vector_load %arg11[%get3A_458, %get3A_459] {strides = array<i32>} : memref<80x128xf32, #tpu.memory_space<vmem>>, vector<1x16xf32>,
          %get3A_461 = vector.shape_cast %get3A_460 : vector<1x16xf32> to vector<16xf32>
          %mul3A_462 = arith.mulf %get3A_461, %gather3A_383 : vector<16xf32>
          %swap3A_463 = arith.index_cast %add3A_387 : i32 to index
          %swap3A_464 = arith.constant 112 : index
          %swap3A_465 = tpu.vector_load %arg11[%swap3A_463, %swap3A_464] {strides = array<i32>} : memref<80x128xf32, #tpu.memory_space<vmem>>, vector<1x16xf32>,
          %swap3A_466 = vector.shape_cast %swap3A_465 : vector<1x16xf32> to vector<16xf32>
          %swap3A_467 = vector.shape_cast %mul3A_462 : vector<16xf32> to vector<1x16xf32>
          tpu.vector_store %arg11[%swap3A_463, %swap3A_464], %swap3A_467 {strides = array<i32>} : memref<80x128xf32, #tpu.memory_space<vmem>>, vector<1x16xf32>,
          %gather3A_468 = vector.shape_cast %broadcast_in_dim3A_18 : vector<16x1xi32> to vector<16xi32>
          %gather3A_469 = tpu.dynamic_gather %get3A_125[%gather3A_468] in [0] : vector<16xf32>, vector<16xi32> -> vector<16xf32>
          %mul3A_470 = arith.constant 16 : i32
          %mul3A_471 = arith.muli %scan3A_120, %mul3A_470 : i32
          %add3A_472 = arith.constant 4 : i32
          %add3A_473 = arith.addi %mul3A_471, %add3A_472 : i32
          %get3A_474 = arith.index_cast %add3A_473 : i32 to index
          %get3A_475 = arith.constant 0 : index
          %get3A_476 = tpu.vector_load %arg11[%get3A_474, %get3A_475] {strides = array<i32>} : memref<80x128xf32, #tpu.memory_space<vmem>>, vector<1x16xf32>,
          %get3A_477 = vector.shape_cast %get3A_476 : vector<1x16xf32> to vector<16xf32>
          %mul3A_478 = arith.mulf %get3A_477, %gather3A_469 : vector<16xf32>
          %swap3A_479 = arith.index_cast %add3A_473 : i32 to index
          %swap3A_480 = arith.constant 0 : index
          %swap3A_481 = tpu.vector_load %arg11[%swap3A_479, %swap3A_480] {strides = array<i32>} : memref<80x128xf32, #tpu.memory_space<vmem>>, vector<1x16xf32>,
          %swap3A_482 = vector.shape_cast %swap3A_481 : vector<1x16xf32> to vector<16xf32>
          %swap3A_483 = vector.shape_cast %mul3A_478 : vector<16xf32> to vector<1x16xf32>
          tpu.vector_store %arg11[%swap3A_479, %swap3A_480], %swap3A_483 {strides = array<i32>} : memref<80x128xf32, #tpu.memory_space<vmem>>, vector<1x16xf32>,
          %get3A_484 = arith.index_cast %add3A_473 : i32 to index
          %get3A_485 = arith.constant 16 : index
          %get3A_486 = tpu.vector_load %arg11[%get3A_484, %get3A_485] {strides = array<i32>} : memref<80x128xf32, #tpu.memory_space<vmem>>, vector<1x16xf32>,
          %get3A_487 = vector.shape_cast %get3A_486 : vector<1x16xf32> to vector<16xf32>
          %mul3A_488 = arith.mulf %get3A_487, %gather3A_469 : vector<16xf32>
          %swap3A_489 = arith.index_cast %add3A_473 : i32 to index
          %swap3A_490 = arith.constant 16 : index
          %swap3A_491 = tpu.vector_load %arg11[%swap3A_489, %swap3A_490] {strides = array<i32>} : memref<80x128xf32, #tpu.memory_space<vmem>>, vector<1x16xf32>,
          %swap3A_492 = vector.shape_cast %swap3A_491 : vector<1x16xf32> to vector<16xf32>
          %swap3A_493 = vector.shape_cast %mul3A_488 : vector<16xf32> to vector<1x16xf32>
          tpu.vector_store %arg11[%swap3A_489, %swap3A_490], %swap3A_493 {strides = array<i32>} : memref<80x128xf32, #tpu.memory_space<vmem>>, vector<1x16xf32>,
          %get3A_494 = arith.index_cast %add3A_473 : i32 to index
          %get3A_495 = arith.constant 32 : index
          %get3A_496 = tpu.vector_load %arg11[%get3A_494, %get3A_495] {strides = array<i32>} : memref<80x128xf32, #tpu.memory_space<vmem>>, vector<1x16xf32>,
          %get3A_497 = vector.shape_cast %get3A_496 : vector<1x16xf32> to vector<16xf32>
          %mul3A_498 = arith.mulf %get3A_497, %gather3A_469 : vector<16xf32>
          %swap3A_499 = arith.index_cast %add3A_473 : i32 to index
          %swap3A_500 = arith.constant 32 : index
          %swap3A_501 = tpu.vector_load %arg11[%swap3A_499, %swap3A_500] {strides = array<i32>} : memref<80x128xf32, #tpu.memory_space<vmem>>, vector<1x16xf32>,
          %swap3A_502 = vector.shape_cast %swap3A_501 : vector<1x16xf32> to vector<16xf32>
          %swap3A_503 = vector.shape_cast %mul3A_498 : vector<16xf32> to vector<1x16xf32>
          tpu.vector_store %arg11[%swap3A_499, %swap3A_500], %swap3A_503 {strides = array<i32>} : memref<80x128xf32, #tpu.memory_space<vmem>>, vector<1x16xf32>,
          %get3A_504 = arith.index_cast %add3A_473 : i32 to index
          %get3A_505 = arith.constant 48 : index
          %get3A_506 = tpu.vector_load %arg11[%get3A_504, %get3A_505] {strides = array<i32>} : memref<80x128xf32, #tpu.memory_space<vmem>>, vector<1x16xf32>,
          %get3A_507 = vector.shape_cast %get3A_506 : vector<1x16xf32> to vector<16xf32>
          %mul3A_508 = arith.mulf %get3A_507, %gather3A_469 : vector<16xf32>
          %swap3A_509 = arith.index_cast %add3A_473 : i32 to index
          %swap3A_510 = arith.constant 48 : index
          %swap3A_511 = tpu.vector_load %arg11[%swap3A_509, %swap3A_510] {strides = array<i32>} : memref<80x128xf32, #tpu.memory_space<vmem>>, vector<1x16xf32>,
          %swap3A_512 = vector.shape_cast %swap3A_511 : vector<1x16xf32> to vector<16xf32>
          %swap3A_513 = vector.shape_cast %mul3A_508 : vector<16xf32> to vector<1x16xf32>
          tpu.vector_store %arg11[%swap3A_509, %swap3A_510], %swap3A_513 {strides = array<i32>} : memref<80x128xf32, #tpu.memory_space<vmem>>, vector<1x16xf32>,
          %get3A_514 = arith.index_cast %add3A_473 : i32 to index
          %get3A_515 = arith.constant 64 : index
          %get3A_516 = tpu.vector_load %arg11[%get3A_514, %get3A_515] {strides = array<i32>} : memref<80x128xf32, #tpu.memory_space<vmem>>, vector<1x16xf32>,
          %get3A_517 = vector.shape_cast %get3A_516 : vector<1x16xf32> to vector<16xf32>
          %mul3A_518 = arith.mulf %get3A_517, %gather3A_469 : vector<16xf32>
          %swap3A_519 = arith.index_cast %add3A_473 : i32 to index
          %swap3A_520 = arith.constant 64 : index
          %swap3A_521 = tpu.vector_load %arg11[%swap3A_519, %swap3A_520] {strides = array<i32>} : memref<80x128xf32, #tpu.memory_space<vmem>>, vector<1x16xf32>,
          %swap3A_522 = vector.shape_cast %swap3A_521 : vector<1x16xf32> to vector<16xf32>
          %swap3A_523 = vector.shape_cast %mul3A_518 : vector<16xf32> to vector<1x16xf32>
          tpu.vector_store %arg11[%swap3A_519, %swap3A_520], %swap3A_523 {strides = array<i32>} : memref<80x128xf32, #tpu.memory_space<vmem>>, vector<1x16xf32>,
          %get3A_524 = arith.index_cast %add3A_473 : i32 to index
          %get3A_525 = arith.constant 80 : index
          %get3A_526 = tpu.vector_load %arg11[%get3A_524, %get3A_525] {strides = array<i32>} : memref<80x128xf32, #tpu.memory_space<vmem>>, vector<1x16xf32>,
          %get3A_527 = vector.shape_cast %get3A_526 : vector<1x16xf32> to vector<16xf32>
          %mul3A_528 = arith.mulf %get3A_527, %gather3A_469 : vector<16xf32>
          %swap3A_529 = arith.index_cast %add3A_473 : i32 to index
          %swap3A_530 = arith.constant 80 : index
          %swap3A_531 = tpu.vector_load %arg11[%swap3A_529, %swap3A_530] {strides = array<i32>} : memref<80x128xf32, #tpu.memory_space<vmem>>, vector<1x16xf32>,
          %swap3A_532 = vector.shape_cast %swap3A_531 : vector<1x16xf32> to vector<16xf32>
          %swap3A_533 = vector.shape_cast %mul3A_528 : vector<16xf32> to vector<1x16xf32>
          tpu.vector_store %arg11[%swap3A_529, %swap3A_530], %swap3A_533 {strides = array<i32>} : memref<80x128xf32, #tpu.memory_space<vmem>>, vector<1x16xf32>,
          %get3A_534 = arith.index_cast %add3A_473 : i32 to index
          %get3A_535 = arith.constant 96 : index
          %get3A_536 = tpu.vector_load %arg11[%get3A_534, %get3A_535] {strides = array<i32>} : memref<80x128xf32, #tpu.memory_space<vmem>>, vector<1x16xf32>,
          %get3A_537 = vector.shape_cast %get3A_536 : vector<1x16xf32> to vector<16xf32>
          %mul3A_538 = arith.mulf %get3A_537, %gather3A_469 : vector<16xf32>
          %swap3A_539 = arith.index_cast %add3A_473 : i32 to index
          %swap3A_540 = arith.constant 96 : index
          %swap3A_541 = tpu.vector_load %arg11[%swap3A_539, %swap3A_540] {strides = array<i32>} : memref<80x128xf32, #tpu.memory_space<vmem>>, vector<1x16xf32>,
          %swap3A_542 = vector.shape_cast %swap3A_541 : vector<1x16xf32> to vector<16xf32>
          %swap3A_543 = vector.shape_cast %mul3A_538 : vector<16xf32> to vector<1x16xf32>
          tpu.vector_store %arg11[%swap3A_539, %swap3A_540], %swap3A_543 {strides = array<i32>} : memref<80x128xf32, #tpu.memory_space<vmem>>, vector<1x16xf32>,
          %get3A_544 = arith.index_cast %add3A_473 : i32 to index
          %get3A_545 = arith.constant 112 : index
          %get3A_546 = tpu.vector_load %arg11[%get3A_544, %get3A_545] {strides = array<i32>} : memref<80x128xf32, #tpu.memory_space<vmem>>, vector<1x16xf32>,
          %get3A_547 = vector.shape_cast %get3A_546 : vector<1x16xf32> to vector<16xf32>
          %mul3A_548 = arith.mulf %get3A_547, %gather3A_469 : vector<16xf32>
          %swap3A_549 = arith.index_cast %add3A_473 : i32 to index
          %swap3A_550 = arith.constant 112 : index
          %swap3A_551 = tpu.vector_load %arg11[%swap3A_549, %swap3A_550] {strides = array<i32>} : memref<80x128xf32, #tpu.memory_space<vmem>>, vector<1x16xf32>,
          %swap3A_552 = vector.shape_cast %swap3A_551 : vector<1x16xf32> to vector<16xf32>
          %swap3A_553 = vector.shape_cast %mul3A_548 : vector<16xf32> to vector<1x16xf32>
          tpu.vector_store %arg11[%swap3A_549, %swap3A_550], %swap3A_553 {strides = array<i32>} : memref<80x128xf32, #tpu.memory_space<vmem>>, vector<1x16xf32>,
          %gather3A_554 = vector.shape_cast %broadcast_in_dim3A_20 : vector<16x1xi32> to vector<16xi32>
          %gather3A_555 = tpu.dynamic_gather %get3A_125[%gather3A_554] in [0] : vector<16xf32>, vector<16xi32> -> vector<16xf32>
          %mul3A_556 = arith.constant 16 : i32
          %mul3A_557 = arith.muli %scan3A_120, %mul3A_556 : i32
          %add3A_558 = arith.constant 5 : i32
          %add3A_559 = arith.addi %mul3A_557, %add3A_558 : i32
          %get3A_560 = arith.index_cast %add3A_559 : i32 to index
          %get3A_561 = arith.constant 0 : index
          %get3A_562 = tpu.vector_load %arg11[%get3A_560, %get3A_561] {strides = array<i32>} : memref<80x128xf32, #tpu.memory_space<vmem>>, vector<1x16xf32>,
          %get3A_563 = vector.shape_cast %get3A_562 : vector<1x16xf32> to vector<16xf32>
          %mul3A_564 = arith.mulf %get3A_563, %gather3A_555 : vector<16xf32>
          %swap3A_565 = arith.index_cast %add3A_559 : i32 to index
          %swap3A_566 = arith.constant 0 : index
          %swap3A_567 = tpu.vector_load %arg11[%swap3A_565, %swap3A_566] {strides = array<i32>} : memref<80x128xf32, #tpu.memory_space<vmem>>, vector<1x16xf32>,
          %swap3A_568 = vector.shape_cast %swap3A_567 : vector<1x16xf32> to vector<16xf32>
          %swap3A_569 = vector.shape_cast %mul3A_564 : vector<16xf32> to vector<1x16xf32>
          tpu.vector_store %arg11[%swap3A_565, %swap3A_566], %swap3A_569 {strides = array<i32>} : memref<80x128xf32, #tpu.memory_space<vmem>>, vector<1x16xf32>,
          %get3A_570 = arith.index_cast %add3A_559 : i32 to index
          %get3A_571 = arith.constant 16 : index
          %get3A_572 = tpu.vector_load %arg11[%get3A_570, %get3A_571] {strides = array<i32>} : memref<80x128xf32, #tpu.memory_space<vmem>>, vector<1x16xf32>,
          %get3A_573 = vector.shape_cast %get3A_572 : vector<1x16xf32> to vector<16xf32>
          %mul3A_574 = arith.mulf %get3A_573, %gather3A_555 : vector<16xf32>
          %swap3A_575 = arith.index_cast %add3A_559 : i32 to index
          %swap3A_576 = arith.constant 16 : index
          %swap3A_577 = tpu.vector_load %arg11[%swap3A_575, %swap3A_576] {strides = array<i32>} : memref<80x128xf32, #tpu.memory_space<vmem>>, vector<1x16xf32>,
          %swap3A_578 = vector.shape_cast %swap3A_577 : vector<1x16xf32> to vector<16xf32>
          %swap3A_579 = vector.shape_cast %mul3A_574 : vector<16xf32> to vector<1x16xf32>
          tpu.vector_store %arg11[%swap3A_575, %swap3A_576], %swap3A_579 {strides = array<i32>} : memref<80x128xf32, #tpu.memory_space<vmem>>, vector<1x16xf32>,
          %get3A_580 = arith.index_cast %add3A_559 : i32 to index
          %get3A_581 = arith.constant 32 : index
          %get3A_582 = tpu.vector_load %arg11[%get3A_580, %get3A_581] {strides = array<i32>} : memref<80x128xf32, #tpu.memory_space<vmem>>, vector<1x16xf32>,
          %get3A_583 = vector.shape_cast %get3A_582 : vector<1x16xf32> to vector<16xf32>
          %mul3A_584 = arith.mulf %get3A_583, %gather3A_555 : vector<16xf32>
          %swap3A_585 = arith.index_cast %add3A_559 : i32 to index
          %swap3A_586 = arith.constant 32 : index
          %swap3A_587 = tpu.vector_load %arg11[%swap3A_585, %swap3A_586] {strides = array<i32>} : memref<80x128xf32, #tpu.memory_space<vmem>>, vector<1x16xf32>,
          %swap3A_588 = vector.shape_cast %swap3A_587 : vector<1x16xf32> to vector<16xf32>
          %swap3A_589 = vector.shape_cast %mul3A_584 : vector<16xf32> to vector<1x16xf32>
          tpu.vector_store %arg11[%swap3A_585, %swap3A_586], %swap3A_589 {strides = array<i32>} : memref<80x128xf32, #tpu.memory_space<vmem>>, vector<1x16xf32>,
          %get3A_590 = arith.index_cast %add3A_559 : i32 to index
          %get3A_591 = arith.constant 48 : index
          %get3A_592 = tpu.vector_load %arg11[%get3A_590, %get3A_591] {strides = array<i32>} : memref<80x128xf32, #tpu.memory_space<vmem>>, vector<1x16xf32>,
          %get3A_593 = vector.shape_cast %get3A_592 : vector<1x16xf32> to vector<16xf32>
          %mul3A_594 = arith.mulf %get3A_593, %gather3A_555 : vector<16xf32>
          %swap3A_595 = arith.index_cast %add3A_559 : i32 to index
          %swap3A_596 = arith.constant 48 : index
          %swap3A_597 = tpu.vector_load %arg11[%swap3A_595, %swap3A_596] {strides = array<i32>} : memref<80x128xf32, #tpu.memory_space<vmem>>, vector<1x16xf32>,
          %swap3A_598 = vector.shape_cast %swap3A_597 : vector<1x16xf32> to vector<16xf32>
          %swap3A_599 = vector.shape_cast %mul3A_594 : vector<16xf32> to vector<1x16xf32>
          tpu.vector_store %arg11[%swap3A_595, %swap3A_596], %swap3A_599 {strides = array<i32>} : memref<80x128xf32, #tpu.memory_space<vmem>>, vector<1x16xf32>,
          %get3A_600 = arith.index_cast %add3A_559 : i32 to index
          %get3A_601 = arith.constant 64 : index
          %get3A_602 = tpu.vector_load %arg11[%get3A_600, %get3A_601] {strides = array<i32>} : memref<80x128xf32, #tpu.memory_space<vmem>>, vector<1x16xf32>,
          %get3A_603 = vector.shape_cast %get3A_602 : vector<1x16xf32> to vector<16xf32>
          %mul3A_604 = arith.mulf %get3A_603, %gather3A_555 : vector<16xf32>
          %swap3A_605 = arith.index_cast %add3A_559 : i32 to index
          %swap3A_606 = arith.constant 64 : index
          %swap3A_607 = tpu.vector_load %arg11[%swap3A_605, %swap3A_606] {strides = array<i32>} : memref<80x128xf32, #tpu.memory_space<vmem>>, vector<1x16xf32>,
          %swap3A_608 = vector.shape_cast %swap3A_607 : vector<1x16xf32> to vector<16xf32>
          %swap3A_609 = vector.shape_cast %mul3A_604 : vector<16xf32> to vector<1x16xf32>
          tpu.vector_store %arg11[%swap3A_605, %swap3A_606], %swap3A_609 {strides = array<i32>} : memref<80x128xf32, #tpu.memory_space<vmem>>, vector<1x16xf32>,
          %get3A_610 = arith.index_cast %add3A_559 : i32 to index
          %get3A_611 = arith.constant 80 : index
          %get3A_612 = tpu.vector_load %arg11[%get3A_610, %get3A_611] {strides = array<i32>} : memref<80x128xf32, #tpu.memory_space<vmem>>, vector<1x16xf32>,
          %get3A_613 = vector.shape_cast %get3A_612 : vector<1x16xf32> to vector<16xf32>
          %mul3A_614 = arith.mulf %get3A_613, %gather3A_555 : vector<16xf32>
          %swap3A_615 = arith.index_cast %add3A_559 : i32 to index
          %swap3A_616 = arith.constant 80 : index
          %swap3A_617 = tpu.vector_load %arg11[%swap3A_615, %swap3A_616] {strides = array<i32>} : memref<80x128xf32, #tpu.memory_space<vmem>>, vector<1x16xf32>,
          %swap3A_618 = vector.shape_cast %swap3A_617 : vector<1x16xf32> to vector<16xf32>
          %swap3A_619 = vector.shape_cast %mul3A_614 : vector<16xf32> to vector<1x16xf32>
          tpu.vector_store %arg11[%swap3A_615, %swap3A_616], %swap3A_619 {strides = array<i32>} : memref<80x128xf32, #tpu.memory_space<vmem>>, vector<1x16xf32>,
          %get3A_620 = arith.index_cast %add3A_559 : i32 to index
          %get3A_621 = arith.constant 96 : index
          %get3A_622 = tpu.vector_load %arg11[%get3A_620, %get3A_621] {strides = array<i32>} : memref<80x128xf32, #tpu.memory_space<vmem>>, vector<1x16xf32>,
          %get3A_623 = vector.shape_cast %get3A_622 : vector<1x16xf32> to vector<16xf32>
          %mul3A_624 = arith.mulf %get3A_623, %gather3A_555 : vector<16xf32>
          %swap3A_625 = arith.index_cast %add3A_559 : i32 to index
          %swap3A_626 = arith.constant 96 : index
          %swap3A_627 = tpu.vector_load %arg11[%swap3A_625, %swap3A_626] {strides = array<i32>} : memref<80x128xf32, #tpu.memory_space<vmem>>, vector<1x16xf32>,
          %swap3A_628 = vector.shape_cast %swap3A_627 : vector<1x16xf32> to vector<16xf32>
          %swap3A_629 = vector.shape_cast %mul3A_624 : vector<16xf32> to vector<1x16xf32>
          tpu.vector_store %arg11[%swap3A_625, %swap3A_626], %swap3A_629 {strides = array<i32>} : memref<80x128xf32, #tpu.memory_space<vmem>>, vector<1x16xf32>,
          %get3A_630 = arith.index_cast %add3A_559 : i32 to index
          %get3A_631 = arith.constant 112 : index
          %get3A_632 = tpu.vector_load %arg11[%get3A_630, %get3A_631] {strides = array<i32>} : memref<80x128xf32, #tpu.memory_space<vmem>>, vector<1x16xf32>,
          %get3A_633 = vector.shape_cast %get3A_632 : vector<1x16xf32> to vector<16xf32>
          %mul3A_634 = arith.mulf %get3A_633, %gather3A_555 : vector<16xf32>
          %swap3A_635 = arith.index_cast %add3A_559 : i32 to index
          %swap3A_636 = arith.constant 112 : index
          %swap3A_637 = tpu.vector_load %arg11[%swap3A_635, %swap3A_636] {strides = array<i32>} : memref<80x128xf32, #tpu.memory_space<vmem>>, vector<1x16xf32>,
          %swap3A_638 = vector.shape_cast %swap3A_637 : vector<1x16xf32> to vector<16xf32>
          %swap3A_639 = vector.shape_cast %mul3A_634 : vector<16xf32> to vector<1x16xf32>
          tpu.vector_store %arg11[%swap3A_635, %swap3A_636], %swap3A_639 {strides = array<i32>} : memref<80x128xf32, #tpu.memory_space<vmem>>, vector<1x16xf32>,
          %gather3A_640 = vector.shape_cast %broadcast_in_dim3A_22 : vector<16x1xi32> to vector<16xi32>
          %gather3A_641 = tpu.dynamic_gather %get3A_125[%gather3A_640] in [0] : vector<16xf32>, vector<16xi32> -> vector<16xf32>
          %mul3A_642 = arith.constant 16 : i32
          %mul3A_643 = arith.muli %scan3A_120, %mul3A_642 : i32
          %add3A_644 = arith.constant 6 : i32
          %add3A_645 = arith.addi %mul3A_643, %add3A_644 : i32
          %get3A_646 = arith.index_cast %add3A_645 : i32 to index
          %get3A_647 = arith.constant 0 : index
          %get3A_648 = tpu.vector_load %arg11[%get3A_646, %get3A_647] {strides = array<i32>} : memref<80x128xf32, #tpu.memory_space<vmem>>, vector<1x16xf32>,
          %get3A_649 = vector.shape_cast %get3A_648 : vector<1x16xf32> to vector<16xf32>
          %mul3A_650 = arith.mulf %get3A_649, %gather3A_641 : vector<16xf32>
          %swap3A_651 = arith.index_cast %add3A_645 : i32 to index
          %swap3A_652 = arith.constant 0 : index
          %swap3A_653 = tpu.vector_load %arg11[%swap3A_651, %swap3A_652] {strides = array<i32>} : memref<80x128xf32, #tpu.memory_space<vmem>>, vector<1x16xf32>,
          %swap3A_654 = vector.shape_cast %swap3A_653 : vector<1x16xf32> to vector<16xf32>
          %swap3A_655 = vector.shape_cast %mul3A_650 : vector<16xf32> to vector<1x16xf32>
          tpu.vector_store %arg11[%swap3A_651, %swap3A_652], %swap3A_655 {strides = array<i32>} : memref<80x128xf32, #tpu.memory_space<vmem>>, vector<1x16xf32>,
          %get3A_656 = arith.index_cast %add3A_645 : i32 to index
          %get3A_657 = arith.constant 16 : index
          %get3A_658 = tpu.vector_load %arg11[%get3A_656, %get3A_657] {strides = array<i32>} : memref<80x128xf32, #tpu.memory_space<vmem>>, vector<1x16xf32>,
          %get3A_659 = vector.shape_cast %get3A_658 : vector<1x16xf32> to vector<16xf32>
          %mul3A_660 = arith.mulf %get3A_659, %gather3A_641 : vector<16xf32>
          %swap3A_661 = arith.index_cast %add3A_645 : i32 to index
          %swap3A_662 = arith.constant 16 : index
          %swap3A_663 = tpu.vector_load %arg11[%swap3A_661, %swap3A_662] {strides = array<i32>} : memref<80x128xf32, #tpu.memory_space<vmem>>, vector<1x16xf32>,
          %swap3A_664 = vector.shape_cast %swap3A_663 : vector<1x16xf32> to vector<16xf32>
          %swap3A_665 = vector.shape_cast %mul3A_660 : vector<16xf32> to vector<1x16xf32>
          tpu.vector_store %arg11[%swap3A_661, %swap3A_662], %swap3A_665 {strides = array<i32>} : memref<80x128xf32, #tpu.memory_space<vmem>>, vector<1x16xf32>,
          %get3A_666 = arith.index_cast %add3A_645 : i32 to index
          %get3A_667 = arith.constant 32 : index
          %get3A_668 = tpu.vector_load %arg11[%get3A_666, %get3A_667] {strides = array<i32>} : memref<80x128xf32, #tpu.memory_space<vmem>>, vector<1x16xf32>,
          %get3A_669 = vector.shape_cast %get3A_668 : vector<1x16xf32> to vector<16xf32>
          %mul3A_670 = arith.mulf %get3A_669, %gather3A_641 : vector<16xf32>
          %swap3A_671 = arith.index_cast %add3A_645 : i32 to index
          %swap3A_672 = arith.constant 32 : index
          %swap3A_673 = tpu.vector_load %arg11[%swap3A_671, %swap3A_672] {strides = array<i32>} : memref<80x128xf32, #tpu.memory_space<vmem>>, vector<1x16xf32>,
          %swap3A_674 = vector.shape_cast %swap3A_673 : vector<1x16xf32> to vector<16xf32>
          %swap3A_675 = vector.shape_cast %mul3A_670 : vector<16xf32> to vector<1x16xf32>
          tpu.vector_store %arg11[%swap3A_671, %swap3A_672], %swap3A_675 {strides = array<i32>} : memref<80x128xf32, #tpu.memory_space<vmem>>, vector<1x16xf32>,
          %get3A_676 = arith.index_cast %add3A_645 : i32 to index
          %get3A_677 = arith.constant 48 : index
          %get3A_678 = tpu.vector_load %arg11[%get3A_676, %get3A_677] {strides = array<i32>} : memref<80x128xf32, #tpu.memory_space<vmem>>, vector<1x16xf32>,
          %get3A_679 = vector.shape_cast %get3A_678 : vector<1x16xf32> to vector<16xf32>
          %mul3A_680 = arith.mulf %get3A_679, %gather3A_641 : vector<16xf32>
          %swap3A_681 = arith.index_cast %add3A_645 : i32 to index
          %swap3A_682 = arith.constant 48 : index
          %swap3A_683 = tpu.vector_load %arg11[%swap3A_681, %swap3A_682] {strides = array<i32>} : memref<80x128xf32, #tpu.memory_space<vmem>>, vector<1x16xf32>,
          %swap3A_684 = vector.shape_cast %swap3A_683 : vector<1x16xf32> to vector<16xf32>
          %swap3A_685 = vector.shape_cast %mul3A_680 : vector<16xf32> to vector<1x16xf32>
          tpu.vector_store %arg11[%swap3A_681, %swap3A_682], %swap3A_685 {strides = array<i32>} : memref<80x128xf32, #tpu.memory_space<vmem>>, vector<1x16xf32>,
          %get3A_686 = arith.index_cast %add3A_645 : i32 to index
          %get3A_687 = arith.constant 64 : index
          %get3A_688 = tpu.vector_load %arg11[%get3A_686, %get3A_687] {strides = array<i32>} : memref<80x128xf32, #tpu.memory_space<vmem>>, vector<1x16xf32>,
          %get3A_689 = vector.shape_cast %get3A_688 : vector<1x16xf32> to vector<16xf32>
          %mul3A_690 = arith.mulf %get3A_689, %gather3A_641 : vector<16xf32>
          %swap3A_691 = arith.index_cast %add3A_645 : i32 to index
          %swap3A_692 = arith.constant 64 : index
          %swap3A_693 = tpu.vector_load %arg11[%swap3A_691, %swap3A_692] {strides = array<i32>} : memref<80x128xf32, #tpu.memory_space<vmem>>, vector<1x16xf32>,
          %swap3A_694 = vector.shape_cast %swap3A_693 : vector<1x16xf32> to vector<16xf32>
          %swap3A_695 = vector.shape_cast %mul3A_690 : vector<16xf32> to vector<1x16xf32>
          tpu.vector_store %arg11[%swap3A_691, %swap3A_692], %swap3A_695 {strides = array<i32>} : memref<80x128xf32, #tpu.memory_space<vmem>>, vector<1x16xf32>,
          %get3A_696 = arith.index_cast %add3A_645 : i32 to index
          %get3A_697 = arith.constant 80 : index
          %get3A_698 = tpu.vector_load %arg11[%get3A_696, %get3A_697] {strides = array<i32>} : memref<80x128xf32, #tpu.memory_space<vmem>>, vector<1x16xf32>,
          %get3A_699 = vector.shape_cast %get3A_698 : vector<1x16xf32> to vector<16xf32>
          %mul3A_700 = arith.mulf %get3A_699, %gather3A_641 : vector<16xf32>
          %swap3A_701 = arith.index_cast %add3A_645 : i32 to index
          %swap3A_702 = arith.constant 80 : index
          %swap3A_703 = tpu.vector_load %arg11[%swap3A_701, %swap3A_702] {strides = array<i32>} : memref<80x128xf32, #tpu.memory_space<vmem>>, vector<1x16xf32>,
          %swap3A_704 = vector.shape_cast %swap3A_703 : vector<1x16xf32> to vector<16xf32>
          %swap3A_705 = vector.shape_cast %mul3A_700 : vector<16xf32> to vector<1x16xf32>
          tpu.vector_store %arg11[%swap3A_701, %swap3A_702], %swap3A_705 {strides = array<i32>} : memref<80x128xf32, #tpu.memory_space<vmem>>, vector<1x16xf32>,
          %get3A_706 = arith.index_cast %add3A_645 : i32 to index
          %get3A_707 = arith.constant 96 : index
          %get3A_708 = tpu.vector_load %arg11[%get3A_706, %get3A_707] {strides = array<i32>} : memref<80x128xf32, #tpu.memory_space<vmem>>, vector<1x16xf32>,
          %get3A_709 = vector.shape_cast %get3A_708 : vector<1x16xf32> to vector<16xf32>
          %mul3A_710 = arith.mulf %get3A_709, %gather3A_641 : vector<16xf32>
          %swap3A_711 = arith.index_cast %add3A_645 : i32 to index
          %swap3A_712 = arith.constant 96 : index
          %swap3A_713 = tpu.vector_load %arg11[%swap3A_711, %swap3A_712] {strides = array<i32>} : memref<80x128xf32, #tpu.memory_space<vmem>>, vector<1x16xf32>,
          %swap3A_714 = vector.shape_cast %swap3A_713 : vector<1x16xf32> to vector<16xf32>
          %swap3A_715 = vector.shape_cast %mul3A_710 : vector<16xf32> to vector<1x16xf32>
          tpu.vector_store %arg11[%swap3A_711, %swap3A_712], %swap3A_715 {strides = array<i32>} : memref<80x128xf32, #tpu.memory_space<vmem>>, vector<1x16xf32>,
          %get3A_716 = arith.index_cast %add3A_645 : i32 to index
          %get3A_717 = arith.constant 112 : index
          %get3A_718 = tpu.vector_load %arg11[%get3A_716, %get3A_717] {strides = array<i32>} : memref<80x128xf32, #tpu.memory_space<vmem>>, vector<1x16xf32>,
          %get3A_719 = vector.shape_cast %get3A_718 : vector<1x16xf32> to vector<16xf32>
          %mul3A_720 = arith.mulf %get3A_719, %gather3A_641 : vector<16xf32>
          %swap3A_721 = arith.index_cast %add3A_645 : i32 to index
          %swap3A_722 = arith.constant 112 : index
          %swap3A_723 = tpu.vector_load %arg11[%swap3A_721, %swap3A_722] {strides = array<i32>} : memref<80x128xf32, #tpu.memory_space<vmem>>, vector<1x16xf32>,
          %swap3A_724 = vector.shape_cast %swap3A_723 : vector<1x16xf32> to vector<16xf32>
          %swap3A_725 = vector.shape_cast %mul3A_720 : vector<16xf32> to vector<1x16xf32>
          tpu.vector_store %arg11[%swap3A_721, %swap3A_722], %swap3A_725 {strides = array<i32>} : memref<80x128xf32, #tpu.memory_space<vmem>>, vector<1x16xf32>,
          %gather3A_726 = vector.shape_cast %broadcast_in_dim3A_24 : vector<16x1xi32> to vector<16xi32>
          %gather3A_727 = tpu.dynamic_gather %get3A_125[%gather3A_726] in [0] : vector<16xf32>, vector<16xi32> -> vector<16xf32>
          %mul3A_728 = arith.constant 16 : i32
          %mul3A_729 = arith.muli %scan3A_120, %mul3A_728 : i32
          %add3A_730 = arith.constant 7 : i32
          %add3A_731 = arith.addi %mul3A_729, %add3A_730 : i32
          %get3A_732 = arith.index_cast %add3A_731 : i32 to index
          %get3A_733 = arith.constant 0 : index
          %get3A_734 = tpu.vector_load %arg11[%get3A_732, %get3A_733] {strides = array<i32>} : memref<80x128xf32, #tpu.memory_space<vmem>>, vector<1x16xf32>,
          %get3A_735 = vector.shape_cast %get3A_734 : vector<1x16xf32> to vector<16xf32>
          %mul3A_736 = arith.mulf %get3A_735, %gather3A_727 : vector<16xf32>
          %swap3A_737 = arith.index_cast %add3A_731 : i32 to index
          %swap3A_738 = arith.constant 0 : index
          %swap3A_739 = tpu.vector_load %arg11[%swap3A_737, %swap3A_738] {strides = array<i32>} : memref<80x128xf32, #tpu.memory_space<vmem>>, vector<1x16xf32>,
          %swap3A_740 = vector.shape_cast %swap3A_739 : vector<1x16xf32> to vector<16xf32>
          %swap3A_741 = vector.shape_cast %mul3A_736 : vector<16xf32> to vector<1x16xf32>
          tpu.vector_store %arg11[%swap3A_737, %swap3A_738], %swap3A_741 {strides = array<i32>} : memref<80x128xf32, #tpu.memory_space<vmem>>, vector<1x16xf32>,
          %get3A_742 = arith.index_cast %add3A_731 : i32 to index
          %get3A_743 = arith.constant 16 : index
          %get3A_744 = tpu.vector_load %arg11[%get3A_742, %get3A_743] {strides = array<i32>} : memref<80x128xf32, #tpu.memory_space<vmem>>, vector<1x16xf32>,
          %get3A_745 = vector.shape_cast %get3A_744 : vector<1x16xf32> to vector<16xf32>
          %mul3A_746 = arith.mulf %get3A_745, %gather3A_727 : vector<16xf32>
          %swap3A_747 = arith.index_cast %add3A_731 : i32 to index
          %swap3A_748 = arith.constant 16 : index
          %swap3A_749 = tpu.vector_load %arg11[%swap3A_747, %swap3A_748] {strides = array<i32>} : memref<80x128xf32, #tpu.memory_space<vmem>>, vector<1x16xf32>,
          %swap3A_750 = vector.shape_cast %swap3A_749 : vector<1x16xf32> to vector<16xf32>
          %swap3A_751 = vector.shape_cast %mul3A_746 : vector<16xf32> to vector<1x16xf32>
          tpu.vector_store %arg11[%swap3A_747, %swap3A_748], %swap3A_751 {strides = array<i32>} : memref<80x128xf32, #tpu.memory_space<vmem>>, vector<1x16xf32>,
          %get3A_752 = arith.index_cast %add3A_731 : i32 to index
          %get3A_753 = arith.constant 32 : index
          %get3A_754 = tpu.vector_load %arg11[%get3A_752, %get3A_753] {strides = array<i32>} : memref<80x128xf32, #tpu.memory_space<vmem>>, vector<1x16xf32>,
          %get3A_755 = vector.shape_cast %get3A_754 : vector<1x16xf32> to vector<16xf32>
          %mul3A_756 = arith.mulf %get3A_755, %gather3A_727 : vector<16xf32>
          %swap3A_757 = arith.index_cast %add3A_731 : i32 to index
          %swap3A_758 = arith.constant 32 : index
          %swap3A_759 = tpu.vector_load %arg11[%swap3A_757, %swap3A_758] {strides = array<i32>} : memref<80x128xf32, #tpu.memory_space<vmem>>, vector<1x16xf32>,
          %swap3A_760 = vector.shape_cast %swap3A_759 : vector<1x16xf32> to vector<16xf32>
          %swap3A_761 = vector.shape_cast %mul3A_756 : vector<16xf32> to vector<1x16xf32>
          tpu.vector_store %arg11[%swap3A_757, %swap3A_758], %swap3A_761 {strides = array<i32>} : memref<80x128xf32, #tpu.memory_space<vmem>>, vector<1x16xf32>,
          %get3A_762 = arith.index_cast %add3A_731 : i32 to index
          %get3A_763 = arith.constant 48 : index
          %get3A_764 = tpu.vector_load %arg11[%get3A_762, %get3A_763] {strides = array<i32>} : memref<80x128xf32, #tpu.memory_space<vmem>>, vector<1x16xf32>,
          %get3A_765 = vector.shape_cast %get3A_764 : vector<1x16xf32> to vector<16xf32>
          %mul3A_766 = arith.mulf %get3A_765, %gather3A_727 : vector<16xf32>
          %swap3A_767 = arith.index_cast %add3A_731 : i32 to index
          %swap3A_768 = arith.constant 48 : index
          %swap3A_769 = tpu.vector_load %arg11[%swap3A_767, %swap3A_768] {strides = array<i32>} : memref<80x128xf32, #tpu.memory_space<vmem>>, vector<1x16xf32>,
          %swap3A_770 = vector.shape_cast %swap3A_769 : vector<1x16xf32> to vector<16xf32>
          %swap3A_771 = vector.shape_cast %mul3A_766 : vector<16xf32> to vector<1x16xf32>
          tpu.vector_store %arg11[%swap3A_767, %swap3A_768], %swap3A_771 {strides = array<i32>} : memref<80x128xf32, #tpu.memory_space<vmem>>, vector<1x16xf32>,
          %get3A_772 = arith.index_cast %add3A_731 : i32 to index
          %get3A_773 = arith.constant 64 : index
          %get3A_774 = tpu.vector_load %arg11[%get3A_772, %get3A_773] {strides = array<i32>} : memref<80x128xf32, #tpu.memory_space<vmem>>, vector<1x16xf32>,
          %get3A_775 = vector.shape_cast %get3A_774 : vector<1x16xf32> to vector<16xf32>
          %mul3A_776 = arith.mulf %get3A_775, %gather3A_727 : vector<16xf32>
          %swap3A_777 = arith.index_cast %add3A_731 : i32 to index
          %swap3A_778 = arith.constant 64 : index
          %swap3A_779 = tpu.vector_load %arg11[%swap3A_777, %swap3A_778] {strides = array<i32>} : memref<80x128xf32, #tpu.memory_space<vmem>>, vector<1x16xf32>,
          %swap3A_780 = vector.shape_cast %swap3A_779 : vector<1x16xf32> to vector<16xf32>
          %swap3A_781 = vector.shape_cast %mul3A_776 : vector<16xf32> to vector<1x16xf32>
          tpu.vector_store %arg11[%swap3A_777, %swap3A_778], %swap3A_781 {strides = array<i32>} : memref<80x128xf32, #tpu.memory_space<vmem>>, vector<1x16xf32>,
          %get3A_782 = arith.index_cast %add3A_731 : i32 to index
          %get3A_783 = arith.constant 80 : index
          %get3A_784 = tpu.vector_load %arg11[%get3A_782, %get3A_783] {strides = array<i32>} : memref<80x128xf32, #tpu.memory_space<vmem>>, vector<1x16xf32>,
          %get3A_785 = vector.shape_cast %get3A_784 : vector<1x16xf32> to vector<16xf32>
          %mul3A_786 = arith.mulf %get3A_785, %gather3A_727 : vector<16xf32>
          %swap3A_787 = arith.index_cast %add3A_731 : i32 to index
          %swap3A_788 = arith.constant 80 : index
          %swap3A_789 = tpu.vector_load %arg11[%swap3A_787, %swap3A_788] {strides = array<i32>} : memref<80x128xf32, #tpu.memory_space<vmem>>, vector<1x16xf32>,
          %swap3A_790 = vector.shape_cast %swap3A_789 : vector<1x16xf32> to vector<16xf32>
          %swap3A_791 = vector.shape_cast %mul3A_786 : vector<16xf32> to vector<1x16xf32>
          tpu.vector_store %arg11[%swap3A_787, %swap3A_788], %swap3A_791 {strides = array<i32>} : memref<80x128xf32, #tpu.memory_space<vmem>>, vector<1x16xf32>,
          %get3A_792 = arith.index_cast %add3A_731 : i32 to index
          %get3A_793 = arith.constant 96 : index
          %get3A_794 = tpu.vector_load %arg11[%get3A_792, %get3A_793] {strides = array<i32>} : memref<80x128xf32, #tpu.memory_space<vmem>>, vector<1x16xf32>,
          %get3A_795 = vector.shape_cast %get3A_794 : vector<1x16xf32> to vector<16xf32>
          %mul3A_796 = arith.mulf %get3A_795, %gather3A_727 : vector<16xf32>
          %swap3A_797 = arith.index_cast %add3A_731 : i32 to index
          %swap3A_798 = arith.constant 96 : index
          %swap3A_799 = tpu.vector_load %arg11[%swap3A_797, %swap3A_798] {strides = array<i32>} : memref<80x128xf32, #tpu.memory_space<vmem>>, vector<1x16xf32>,
          %swap3A_800 = vector.shape_cast %swap3A_799 : vector<1x16xf32> to vector<16xf32>
          %swap3A_801 = vector.shape_cast %mul3A_796 : vector<16xf32> to vector<1x16xf32>
          tpu.vector_store %arg11[%swap3A_797, %swap3A_798], %swap3A_801 {strides = array<i32>} : memref<80x128xf32, #tpu.memory_space<vmem>>, vector<1x16xf32>,
          %get3A_802 = arith.index_cast %add3A_731 : i32 to index
          %get3A_803 = arith.constant 112 : index
          %get3A_804 = tpu.vector_load %arg11[%get3A_802, %get3A_803] {strides = array<i32>} : memref<80x128xf32, #tpu.memory_space<vmem>>, vector<1x16xf32>,
          %get3A_805 = vector.shape_cast %get3A_804 : vector<1x16xf32> to vector<16xf32>
          %mul3A_806 = arith.mulf %get3A_805, %gather3A_727 : vector<16xf32>
          %swap3A_807 = arith.index_cast %add3A_731 : i32 to index
          %swap3A_808 = arith.constant 112 : index
          %swap3A_809 = tpu.vector_load %arg11[%swap3A_807, %swap3A_808] {strides = array<i32>} : memref<80x128xf32, #tpu.memory_space<vmem>>, vector<1x16xf32>,
          %swap3A_810 = vector.shape_cast %swap3A_809 : vector<1x16xf32> to vector<16xf32>
          %swap3A_811 = vector.shape_cast %mul3A_806 : vector<16xf32> to vector<1x16xf32>
          tpu.vector_store %arg11[%swap3A_807, %swap3A_808], %swap3A_811 {strides = array<i32>} : memref<80x128xf32, #tpu.memory_space<vmem>>, vector<1x16xf32>,
          %gather3A_812 = vector.shape_cast %broadcast_in_dim3A_26 : vector<16x1xi32> to vector<16xi32>
          %gather3A_813 = tpu.dynamic_gather %get3A_125[%gather3A_812] in [0] : vector<16xf32>, vector<16xi32> -> vector<16xf32>
          %mul3A_814 = arith.constant 16 : i32
          %mul3A_815 = arith.muli %scan3A_120, %mul3A_814 : i32
          %add3A_816 = arith.constant 8 : i32
          %add3A_817 = arith.addi %mul3A_815, %add3A_816 : i32
          %get3A_818 = arith.index_cast %add3A_817 : i32 to index
          %get3A_819 = arith.constant 0 : index
          %get3A_820 = tpu.vector_load %arg11[%get3A_818, %get3A_819] {strides = array<i32>} : memref<80x128xf32, #tpu.memory_space<vmem>>, vector<1x16xf32>,
          %get3A_821 = vector.shape_cast %get3A_820 : vector<1x16xf32> to vector<16xf32>
          %mul3A_822 = arith.mulf %get3A_821, %gather3A_813 : vector<16xf32>
          %swap3A_823 = arith.index_cast %add3A_817 : i32 to index
          %swap3A_824 = arith.constant 0 : index
          %swap3A_825 = tpu.vector_load %arg11[%swap3A_823, %swap3A_824] {strides = array<i32>} : memref<80x128xf32, #tpu.memory_space<vmem>>, vector<1x16xf32>,
          %swap3A_826 = vector.shape_cast %swap3A_825 : vector<1x16xf32> to vector<16xf32>
          %swap3A_827 = vector.shape_cast %mul3A_822 : vector<16xf32> to vector<1x16xf32>
          tpu.vector_store %arg11[%swap3A_823, %swap3A_824], %swap3A_827 {strides = array<i32>} : memref<80x128xf32, #tpu.memory_space<vmem>>, vector<1x16xf32>,
          %get3A_828 = arith.index_cast %add3A_817 : i32 to index
          %get3A_829 = arith.constant 16 : index
          %get3A_830 = tpu.vector_load %arg11[%get3A_828, %get3A_829] {strides = array<i32>} : memref<80x128xf32, #tpu.memory_space<vmem>>, vector<1x16xf32>,
          %get3A_831 = vector.shape_cast %get3A_830 : vector<1x16xf32> to vector<16xf32>
          %mul3A_832 = arith.mulf %get3A_831, %gather3A_813 : vector<16xf32>
          %swap3A_833 = arith.index_cast %add3A_817 : i32 to index
          %swap3A_834 = arith.constant 16 : index
          %swap3A_835 = tpu.vector_load %arg11[%swap3A_833, %swap3A_834] {strides = array<i32>} : memref<80x128xf32, #tpu.memory_space<vmem>>, vector<1x16xf32>,
          %swap3A_836 = vector.shape_cast %swap3A_835 : vector<1x16xf32> to vector<16xf32>
          %swap3A_837 = vector.shape_cast %mul3A_832 : vector<16xf32> to vector<1x16xf32>
          tpu.vector_store %arg11[%swap3A_833, %swap3A_834], %swap3A_837 {strides = array<i32>} : memref<80x128xf32, #tpu.memory_space<vmem>>, vector<1x16xf32>,
          %get3A_838 = arith.index_cast %add3A_817 : i32 to index
          %get3A_839 = arith.constant 32 : index
          %get3A_840 = tpu.vector_load %arg11[%get3A_838, %get3A_839] {strides = array<i32>} : memref<80x128xf32, #tpu.memory_space<vmem>>, vector<1x16xf32>,
          %get3A_841 = vector.shape_cast %get3A_840 : vector<1x16xf32> to vector<16xf32>
          %mul3A_842 = arith.mulf %get3A_841, %gather3A_813 : vector<16xf32>
          %swap3A_843 = arith.index_cast %add3A_817 : i32 to index
          %swap3A_844 = arith.constant 32 : index
          %swap3A_845 = tpu.vector_load %arg11[%swap3A_843, %swap3A_844] {strides = array<i32>} : memref<80x128xf32, #tpu.memory_space<vmem>>, vector<1x16xf32>,
          %swap3A_846 = vector.shape_cast %swap3A_845 : vector<1x16xf32> to vector<16xf32>
          %swap3A_847 = vector.shape_cast %mul3A_842 : vector<16xf32> to vector<1x16xf32>
          tpu.vector_store %arg11[%swap3A_843, %swap3A_844], %swap3A_847 {strides = array<i32>} : memref<80x128xf32, #tpu.memory_space<vmem>>, vector<1x16xf32>,
          %get3A_848 = arith.index_cast %add3A_817 : i32 to index
          %get3A_849 = arith.constant 48 : index
          %get3A_850 = tpu.vector_load %arg11[%get3A_848, %get3A_849] {strides = array<i32>} : memref<80x128xf32, #tpu.memory_space<vmem>>, vector<1x16xf32>,
          %get3A_851 = vector.shape_cast %get3A_850 : vector<1x16xf32> to vector<16xf32>
          %mul3A_852 = arith.mulf %get3A_851, %gather3A_813 : vector<16xf32>
          %swap3A_853 = arith.index_cast %add3A_817 : i32 to index
          %swap3A_854 = arith.constant 48 : index
          %swap3A_855 = tpu.vector_load %arg11[%swap3A_853, %swap3A_854] {strides = array<i32>} : memref<80x128xf32, #tpu.memory_space<vmem>>, vector<1x16xf32>,
          %swap3A_856 = vector.shape_cast %swap3A_855 : vector<1x16xf32> to vector<16xf32>
          %swap3A_857 = vector.shape_cast %mul3A_852 : vector<16xf32> to vector<1x16xf32>
          tpu.vector_store %arg11[%swap3A_853, %swap3A_854], %swap3A_857 {strides = array<i32>} : memref<80x128xf32, #tpu.memory_space<vmem>>, vector<1x16xf32>,
          %get3A_858 = arith.index_cast %add3A_817 : i32 to index
          %get3A_859 = arith.constant 64 : index
          %get3A_860 = tpu.vector_load %arg11[%get3A_858, %get3A_859] {strides = array<i32>} : memref<80x128xf32, #tpu.memory_space<vmem>>, vector<1x16xf32>,
          %get3A_861 = vector.shape_cast %get3A_860 : vector<1x16xf32> to vector<16xf32>
          %mul3A_862 = arith.mulf %get3A_861, %gather3A_813 : vector<16xf32>
          %swap3A_863 = arith.index_cast %add3A_817 : i32 to index
          %swap3A_864 = arith.constant 64 : index
          %swap3A_865 = tpu.vector_load %arg11[%swap3A_863, %swap3A_864] {strides = array<i32>} : memref<80x128xf32, #tpu.memory_space<vmem>>, vector<1x16xf32>,
          %swap3A_866 = vector.shape_cast %swap3A_865 : vector<1x16xf32> to vector<16xf32>
          %swap3A_867 = vector.shape_cast %mul3A_862 : vector<16xf32> to vector<1x16xf32>
          tpu.vector_store %arg11[%swap3A_863, %swap3A_864], %swap3A_867 {strides = array<i32>} : memref<80x128xf32, #tpu.memory_space<vmem>>, vector<1x16xf32>,
          %get3A_868 = arith.index_cast %add3A_817 : i32 to index
          %get3A_869 = arith.constant 80 : index
          %get3A_870 = tpu.vector_load %arg11[%get3A_868, %get3A_869] {strides = array<i32>} : memref<80x128xf32, #tpu.memory_space<vmem>>, vector<1x16xf32>,
          %get3A_871 = vector.shape_cast %get3A_870 : vector<1x16xf32> to vector<16xf32>
          %mul3A_872 = arith.mulf %get3A_871, %gather3A_813 : vector<16xf32>
          %swap3A_873 = arith.index_cast %add3A_817 : i32 to index
          %swap3A_874 = arith.constant 80 : index
          %swap3A_875 = tpu.vector_load %arg11[%swap3A_873, %swap3A_874] {strides = array<i32>} : memref<80x128xf32, #tpu.memory_space<vmem>>, vector<1x16xf32>,
          %swap3A_876 = vector.shape_cast %swap3A_875 : vector<1x16xf32> to vector<16xf32>
          %swap3A_877 = vector.shape_cast %mul3A_872 : vector<16xf32> to vector<1x16xf32>
          tpu.vector_store %arg11[%swap3A_873, %swap3A_874], %swap3A_877 {strides = array<i32>} : memref<80x128xf32, #tpu.memory_space<vmem>>, vector<1x16xf32>,
          %get3A_878 = arith.index_cast %add3A_817 : i32 to index
          %get3A_879 = arith.constant 96 : index
          %get3A_880 = tpu.vector_load %arg11[%get3A_878, %get3A_879] {strides = array<i32>} : memref<80x128xf32, #tpu.memory_space<vmem>>, vector<1x16xf32>,
          %get3A_881 = vector.shape_cast %get3A_880 : vector<1x16xf32> to vector<16xf32>
          %mul3A_882 = arith.mulf %get3A_881, %gather3A_813 : vector<16xf32>
          %swap3A_883 = arith.index_cast %add3A_817 : i32 to index
          %swap3A_884 = arith.constant 96 : index
          %swap3A_885 = tpu.vector_load %arg11[%swap3A_883, %swap3A_884] {strides = array<i32>} : memref<80x128xf32, #tpu.memory_space<vmem>>, vector<1x16xf32>,
          %swap3A_886 = vector.shape_cast %swap3A_885 : vector<1x16xf32> to vector<16xf32>
          %swap3A_887 = vector.shape_cast %mul3A_882 : vector<16xf32> to vector<1x16xf32>
          tpu.vector_store %arg11[%swap3A_883, %swap3A_884], %swap3A_887 {strides = array<i32>} : memref<80x128xf32, #tpu.memory_space<vmem>>, vector<1x16xf32>,
          %get3A_888 = arith.index_cast %add3A_817 : i32 to index
          %get3A_889 = arith.constant 112 : index
          %get3A_890 = tpu.vector_load %arg11[%get3A_888, %get3A_889] {strides = array<i32>} : memref<80x128xf32, #tpu.memory_space<vmem>>, vector<1x16xf32>,
          %get3A_891 = vector.shape_cast %get3A_890 : vector<1x16xf32> to vector<16xf32>
          %mul3A_892 = arith.mulf %get3A_891, %gather3A_813 : vector<16xf32>
          %swap3A_893 = arith.index_cast %add3A_817 : i32 to index
          %swap3A_894 = arith.constant 112 : index
          %swap3A_895 = tpu.vector_load %arg11[%swap3A_893, %swap3A_894] {strides = array<i32>} : memref<80x128xf32, #tpu.memory_space<vmem>>, vector<1x16xf32>,
          %swap3A_896 = vector.shape_cast %swap3A_895 : vector<1x16xf32> to vector<16xf32>
          %swap3A_897 = vector.shape_cast %mul3A_892 : vector<16xf32> to vector<1x16xf32>
          tpu.vector_store %arg11[%swap3A_893, %swap3A_894], %swap3A_897 {strides = array<i32>} : memref<80x128xf32, #tpu.memory_space<vmem>>, vector<1x16xf32>,
          %gather3A_898 = vector.shape_cast %broadcast_in_dim3A_28 : vector<16x1xi32> to vector<16xi32>
          %gather3A_899 = tpu.dynamic_gather %get3A_125[%gather3A_898] in [0] : vector<16xf32>, vector<16xi32> -> vector<16xf32>
          %mul3A_900 = arith.constant 16 : i32
          %mul3A_901 = arith.muli %scan3A_120, %mul3A_900 : i32
          %add3A_902 = arith.constant 9 : i32
          %add3A_903 = arith.addi %mul3A_901, %add3A_902 : i32
          %get3A_904 = arith.index_cast %add3A_903 : i32 to index
          %get3A_905 = arith.constant 0 : index
          %get3A_906 = tpu.vector_load %arg11[%get3A_904, %get3A_905] {strides = array<i32>} : memref<80x128xf32, #tpu.memory_space<vmem>>, vector<1x16xf32>,
          %get3A_907 = vector.shape_cast %get3A_906 : vector<1x16xf32> to vector<16xf32>
          %mul3A_908 = arith.mulf %get3A_907, %gather3A_899 : vector<16xf32>
          %swap3A_909 = arith.index_cast %add3A_903 : i32 to index
          %swap3A_910 = arith.constant 0 : index
          %swap3A_911 = tpu.vector_load %arg11[%swap3A_909, %swap3A_910] {strides = array<i32>} : memref<80x128xf32, #tpu.memory_space<vmem>>, vector<1x16xf32>,
          %swap3A_912 = vector.shape_cast %swap3A_911 : vector<1x16xf32> to vector<16xf32>
          %swap3A_913 = vector.shape_cast %mul3A_908 : vector<16xf32> to vector<1x16xf32>
          tpu.vector_store %arg11[%swap3A_909, %swap3A_910], %swap3A_913 {strides = array<i32>} : memref<80x128xf32, #tpu.memory_space<vmem>>, vector<1x16xf32>,
          %get3A_914 = arith.index_cast %add3A_903 : i32 to index
          %get3A_915 = arith.constant 16 : index
          %get3A_916 = tpu.vector_load %arg11[%get3A_914, %get3A_915] {strides = array<i32>} : memref<80x128xf32, #tpu.memory_space<vmem>>, vector<1x16xf32>,
          %get3A_917 = vector.shape_cast %get3A_916 : vector<1x16xf32> to vector<16xf32>
          %mul3A_918 = arith.mulf %get3A_917, %gather3A_899 : vector<16xf32>
          %swap3A_919 = arith.index_cast %add3A_903 : i32 to index
          %swap3A_920 = arith.constant 16 : index
          %swap3A_921 = tpu.vector_load %arg11[%swap3A_919, %swap3A_920] {strides = array<i32>} : memref<80x128xf32, #tpu.memory_space<vmem>>, vector<1x16xf32>,
          %swap3A_922 = vector.shape_cast %swap3A_921 : vector<1x16xf32> to vector<16xf32>
          %swap3A_923 = vector.shape_cast %mul3A_918 : vector<16xf32> to vector<1x16xf32>
          tpu.vector_store %arg11[%swap3A_919, %swap3A_920], %swap3A_923 {strides = array<i32>} : memref<80x128xf32, #tpu.memory_space<vmem>>, vector<1x16xf32>,
          %get3A_924 = arith.index_cast %add3A_903 : i32 to index
          %get3A_925 = arith.constant 32 : index
          %get3A_926 = tpu.vector_load %arg11[%get3A_924, %get3A_925] {strides = array<i32>} : memref<80x128xf32, #tpu.memory_space<vmem>>, vector<1x16xf32>,
          %get3A_927 = vector.shape_cast %get3A_926 : vector<1x16xf32> to vector<16xf32>
          %mul3A_928 = arith.mulf %get3A_927, %gather3A_899 : vector<16xf32>
          %swap3A_929 = arith.index_cast %add3A_903 : i32 to index
          %swap3A_930 = arith.constant 32 : index
          %swap3A_931 = tpu.vector_load %arg11[%swap3A_929, %swap3A_930] {strides = array<i32>} : memref<80x128xf32, #tpu.memory_space<vmem>>, vector<1x16xf32>,
          %swap3A_932 = vector.shape_cast %swap3A_931 : vector<1x16xf32> to vector<16xf32>
          %swap3A_933 = vector.shape_cast %mul3A_928 : vector<16xf32> to vector<1x16xf32>
          tpu.vector_store %arg11[%swap3A_929, %swap3A_930], %swap3A_933 {strides = array<i32>} : memref<80x128xf32, #tpu.memory_space<vmem>>, vector<1x16xf32>,
          %get3A_934 = arith.index_cast %add3A_903 : i32 to index
          %get3A_935 = arith.constant 48 : index
          %get3A_936 = tpu.vector_load %arg11[%get3A_934, %get3A_935] {strides = array<i32>} : memref<80x128xf32, #tpu.memory_space<vmem>>, vector<1x16xf32>,
          %get3A_937 = vector.shape_cast %get3A_936 : vector<1x16xf32> to vector<16xf32>
          %mul3A_938 = arith.mulf %get3A_937, %gather3A_899 : vector<16xf32>
          %swap3A_939 = arith.index_cast %add3A_903 : i32 to index
          %swap3A_940 = arith.constant 48 : index
          %swap3A_941 = tpu.vector_load %arg11[%swap3A_939, %swap3A_940] {strides = array<i32>} : memref<80x128xf32, #tpu.memory_space<vmem>>, vector<1x16xf32>,
          %swap3A_942 = vector.shape_cast %swap3A_941 : vector<1x16xf32> to vector<16xf32>
          %swap3A_943 = vector.shape_cast %mul3A_938 : vector<16xf32> to vector<1x16xf32>
          tpu.vector_store %arg11[%swap3A_939, %swap3A_940], %swap3A_943 {strides = array<i32>} : memref<80x128xf32, #tpu.memory_space<vmem>>, vector<1x16xf32>,
          %get3A_944 = arith.index_cast %add3A_903 : i32 to index
          %get3A_945 = arith.constant 64 : index
          %get3A_946 = tpu.vector_load %arg11[%get3A_944, %get3A_945] {strides = array<i32>} : memref<80x128xf32, #tpu.memory_space<vmem>>, vector<1x16xf32>,
          %get3A_947 = vector.shape_cast %get3A_946 : vector<1x16xf32> to vector<16xf32>
          %mul3A_948 = arith.mulf %get3A_947, %gather3A_899 : vector<16xf32>
          %swap3A_949 = arith.index_cast %add3A_903 : i32 to index
          %swap3A_950 = arith.constant 64 : index
          %swap3A_951 = tpu.vector_load %arg11[%swap3A_949, %swap3A_950] {strides = array<i32>} : memref<80x128xf32, #tpu.memory_space<vmem>>, vector<1x16xf32>,
          %swap3A_952 = vector.shape_cast %swap3A_951 : vector<1x16xf32> to vector<16xf32>
          %swap3A_953 = vector.shape_cast %mul3A_948 : vector<16xf32> to vector<1x16xf32>
          tpu.vector_store %arg11[%swap3A_949, %swap3A_950], %swap3A_953 {strides = array<i32>} : memref<80x128xf32, #tpu.memory_space<vmem>>, vector<1x16xf32>,
          %get3A_954 = arith.index_cast %add3A_903 : i32 to index
          %get3A_955 = arith.constant 80 : index
          %get3A_956 = tpu.vector_load %arg11[%get3A_954, %get3A_955] {strides = array<i32>} : memref<80x128xf32, #tpu.memory_space<vmem>>, vector<1x16xf32>,
          %get3A_957 = vector.shape_cast %get3A_956 : vector<1x16xf32> to vector<16xf32>
          %mul3A_958 = arith.mulf %get3A_957, %gather3A_899 : vector<16xf32>
          %swap3A_959 = arith.index_cast %add3A_903 : i32 to index
          %swap3A_960 = arith.constant 80 : index
          %swap3A_961 = tpu.vector_load %arg11[%swap3A_959, %swap3A_960] {strides = array<i32>} : memref<80x128xf32, #tpu.memory_space<vmem>>, vector<1x16xf32>,
          %swap3A_962 = vector.shape_cast %swap3A_961 : vector<1x16xf32> to vector<16xf32>
          %swap3A_963 = vector.shape_cast %mul3A_958 : vector<16xf32> to vector<1x16xf32>
          tpu.vector_store %arg11[%swap3A_959, %swap3A_960], %swap3A_963 {strides = array<i32>} : memref<80x128xf32, #tpu.memory_space<vmem>>, vector<1x16xf32>,
          %get3A_964 = arith.index_cast %add3A_903 : i32 to index
          %get3A_965 = arith.constant 96 : index
          %get3A_966 = tpu.vector_load %arg11[%get3A_964, %get3A_965] {strides = array<i32>} : memref<80x128xf32, #tpu.memory_space<vmem>>, vector<1x16xf32>,
          %get3A_967 = vector.shape_cast %get3A_966 : vector<1x16xf32> to vector<16xf32>
          %mul3A_968 = arith.mulf %get3A_967, %gather3A_899 : vector<16xf32>
          %swap3A_969 = arith.index_cast %add3A_903 : i32 to index
          %swap3A_970 = arith.constant 96 : index
          %swap3A_971 = tpu.vector_load %arg11[%swap3A_969, %swap3A_970] {strides = array<i32>} : memref<80x128xf32, #tpu.memory_space<vmem>>, vector<1x16xf32>,
          %swap3A_972 = vector.shape_cast %swap3A_971 : vector<1x16xf32> to vector<16xf32>
          %swap3A_973 = vector.shape_cast %mul3A_968 : vector<16xf32> to vector<1x16xf32>
          tpu.vector_store %arg11[%swap3A_969, %swap3A_970], %swap3A_973 {strides = array<i32>} : memref<80x128xf32, #tpu.memory_space<vmem>>, vector<1x16xf32>,
          %get3A_974 = arith.index_cast %add3A_903 : i32 to index
          %get3A_975 = arith.constant 112 : index
          %get3A_976 = tpu.vector_load %arg11[%get3A_974, %get3A_975] {strides = array<i32>} : memref<80x128xf32, #tpu.memory_space<vmem>>, vector<1x16xf32>,
          %get3A_977 = vector.shape_cast %get3A_976 : vector<1x16xf32> to vector<16xf32>
          %mul3A_978 = arith.mulf %get3A_977, %gather3A_899 : vector<16xf32>
          %swap3A_979 = arith.index_cast %add3A_903 : i32 to index
          %swap3A_980 = arith.constant 112 : index
          %swap3A_981 = tpu.vector_load %arg11[%swap3A_979, %swap3A_980] {strides = array<i32>} : memref<80x128xf32, #tpu.memory_space<vmem>>, vector<1x16xf32>,
          %swap3A_982 = vector.shape_cast %swap3A_981 : vector<1x16xf32> to vector<16xf32>
          %swap3A_983 = vector.shape_cast %mul3A_978 : vector<16xf32> to vector<1x16xf32>
          tpu.vector_store %arg11[%swap3A_979, %swap3A_980], %swap3A_983 {strides = array<i32>} : memref<80x128xf32, #tpu.memory_space<vmem>>, vector<1x16xf32>,
          %gather3A_984 = vector.shape_cast %broadcast_in_dim3A_30 : vector<16x1xi32> to vector<16xi32>
          %gather3A_985 = tpu.dynamic_gather %get3A_125[%gather3A_984] in [0] : vector<16xf32>, vector<16xi32> -> vector<16xf32>
          %mul3A_986 = arith.constant 16 : i32
          %mul3A_987 = arith.muli %scan3A_120, %mul3A_986 : i32
          %add3A_988 = arith.constant 10 : i32
          %add3A_989 = arith.addi %mul3A_987, %add3A_988 : i32
          %get3A_990 = arith.index_cast %add3A_989 : i32 to index
          %get3A_991 = arith.constant 0 : index
          %get3A_992 = tpu.vector_load %arg11[%get3A_990, %get3A_991] {strides = array<i32>} : memref<80x128xf32, #tpu.memory_space<vmem>>, vector<1x16xf32>,
          %get3A_993 = vector.shape_cast %get3A_992 : vector<1x16xf32> to vector<16xf32>
          %mul3A_994 = arith.mulf %get3A_993, %gather3A_985 : vector<16xf32>
          %swap3A_995 = arith.index_cast %add3A_989 : i32 to index
          %swap3A_996 = arith.constant 0 : index
          %swap3A_997 = tpu.vector_load %arg11[%swap3A_995, %swap3A_996] {strides = array<i32>} : memref<80x128xf32, #tpu.memory_space<vmem>>, vector<1x16xf32>,
          %swap3A_998 = vector.shape_cast %swap3A_997 : vector<1x16xf32> to vector<16xf32>
          %swap3A_999 = vector.shape_cast %mul3A_994 : vector<16xf32> to vector<1x16xf32>
          tpu.vector_store %arg11[%swap3A_995, %swap3A_996], %swap3A_999 {strides = array<i32>} : memref<80x128xf32, #tpu.memory_space<vmem>>, vector<1x16xf32>,
          %get3A_1000 = arith.index_cast %add3A_989 : i32 to index
          %get3A_1001 = arith.constant 16 : index
          %get3A_1002 = tpu.vector_load %arg11[%get3A_1000, %get3A_1001] {strides = array<i32>} : memref<80x128xf32, #tpu.memory_space<vmem>>, vector<1x16xf32>,
          %get3A_1003 = vector.shape_cast %get3A_1002 : vector<1x16xf32> to vector<16xf32>
          %mul3A_1004 = arith.mulf %get3A_1003, %gather3A_985 : vector<16xf32>
          %swap3A_1005 = arith.index_cast %add3A_989 : i32 to index
          %swap3A_1006 = arith.constant 16 : index
          %swap3A_1007 = tpu.vector_load %arg11[%swap3A_1005, %swap3A_1006] {strides = array<i32>} : memref<80x128xf32, #tpu.memory_space<vmem>>, vector<1x16xf32>,
          %swap3A_1008 = vector.shape_cast %swap3A_1007 : vector<1x16xf32> to vector<16xf32>
          %swap3A_1009 = vector.shape_cast %mul3A_1004 : vector<16xf32> to vector<1x16xf32>
          tpu.vector_store %arg11[%swap3A_1005, %swap3A_1006], %swap3A_1009 {strides = array<i32>} : memref<80x128xf32, #tpu.memory_space<vmem>>, vector<1x16xf32>,
          %get3A_1010 = arith.index_cast %add3A_989 : i32 to index
          %get3A_1011 = arith.constant 32 : index
          %get3A_1012 = tpu.vector_load %arg11[%get3A_1010, %get3A_1011] {strides = array<i32>} : memref<80x128xf32, #tpu.memory_space<vmem>>, vector<1x16xf32>,
          %get3A_1013 = vector.shape_cast %get3A_1012 : vector<1x16xf32> to vector<16xf32>
          %mul3A_1014 = arith.mulf %get3A_1013, %gather3A_985 : vector<16xf32>
          %swap3A_1015 = arith.index_cast %add3A_989 : i32 to index
          %swap3A_1016 = arith.constant 32 : index
          %swap3A_1017 = tpu.vector_load %arg11[%swap3A_1015, %swap3A_1016] {strides = array<i32>} : memref<80x128xf32, #tpu.memory_space<vmem>>, vector<1x16xf32>,
          %swap3A_1018 = vector.shape_cast %swap3A_1017 : vector<1x16xf32> to vector<16xf32>
          %swap3A_1019 = vector.shape_cast %mul3A_1014 : vector<16xf32> to vector<1x16xf32>
          tpu.vector_store %arg11[%swap3A_1015, %swap3A_1016], %swap3A_1019 {strides = array<i32>} : memref<80x128xf32, #tpu.memory_space<vmem>>, vector<1x16xf32>,
          %get3A_1020 = arith.index_cast %add3A_989 : i32 to index
          %get3A_1021 = arith.constant 48 : index
          %get3A_1022 = tpu.vector_load %arg11[%get3A_1020, %get3A_1021] {strides = array<i32>} : memref<80x128xf32, #tpu.memory_space<vmem>>, vector<1x16xf32>,
          %get3A_1023 = vector.shape_cast %get3A_1022 : vector<1x16xf32> to vector<16xf32>
          %mul3A_1024 = arith.mulf %get3A_1023, %gather3A_985 : vector<16xf32>
          %swap3A_1025 = arith.index_cast %add3A_989 : i32 to index
          %swap3A_1026 = arith.constant 48 : index
          %swap3A_1027 = tpu.vector_load %arg11[%swap3A_1025, %swap3A_1026] {strides = array<i32>} : memref<80x128xf32, #tpu.memory_space<vmem>>, vector<1x16xf32>,
          %swap3A_1028 = vector.shape_cast %swap3A_1027 : vector<1x16xf32> to vector<16xf32>
          %swap3A_1029 = vector.shape_cast %mul3A_1024 : vector<16xf32> to vector<1x16xf32>
          tpu.vector_store %arg11[%swap3A_1025, %swap3A_1026], %swap3A_1029 {strides = array<i32>} : memref<80x128xf32, #tpu.memory_space<vmem>>, vector<1x16xf32>,
          %get3A_1030 = arith.index_cast %add3A_989 : i32 to index
          %get3A_1031 = arith.constant 64 : index
          %get3A_1032 = tpu.vector_load %arg11[%get3A_1030, %get3A_1031] {strides = array<i32>} : memref<80x128xf32, #tpu.memory_space<vmem>>, vector<1x16xf32>,
          %get3A_1033 = vector.shape_cast %get3A_1032 : vector<1x16xf32> to vector<16xf32>
          %mul3A_1034 = arith.mulf %get3A_1033, %gather3A_985 : vector<16xf32>
          %swap3A_1035 = arith.index_cast %add3A_989 : i32 to index
          %swap3A_1036 = arith.constant 64 : index
          %swap3A_1037 = tpu.vector_load %arg11[%swap3A_1035, %swap3A_1036] {strides = array<i32>} : memref<80x128xf32, #tpu.memory_space<vmem>>, vector<1x16xf32>,
          %swap3A_1038 = vector.shape_cast %swap3A_1037 : vector<1x16xf32> to vector<16xf32>
          %swap3A_1039 = vector.shape_cast %mul3A_1034 : vector<16xf32> to vector<1x16xf32>
          tpu.vector_store %arg11[%swap3A_1035, %swap3A_1036], %swap3A_1039 {strides = array<i32>} : memref<80x128xf32, #tpu.memory_space<vmem>>, vector<1x16xf32>,
          %get3A_1040 = arith.index_cast %add3A_989 : i32 to index
          %get3A_1041 = arith.constant 80 : index
          %get3A_1042 = tpu.vector_load %arg11[%get3A_1040, %get3A_1041] {strides = array<i32>} : memref<80x128xf32, #tpu.memory_space<vmem>>, vector<1x16xf32>,
          %get3A_1043 = vector.shape_cast %get3A_1042 : vector<1x16xf32> to vector<16xf32>
          %mul3A_1044 = arith.mulf %get3A_1043, %gather3A_985 : vector<16xf32>
          %swap3A_1045 = arith.index_cast %add3A_989 : i32 to index
          %swap3A_1046 = arith.constant 80 : index
          %swap3A_1047 = tpu.vector_load %arg11[%swap3A_1045, %swap3A_1046] {strides = array<i32>} : memref<80x128xf32, #tpu.memory_space<vmem>>, vector<1x16xf32>,
          %swap3A_1048 = vector.shape_cast %swap3A_1047 : vector<1x16xf32> to vector<16xf32>
          %swap3A_1049 = vector.shape_cast %mul3A_1044 : vector<16xf32> to vector<1x16xf32>
          tpu.vector_store %arg11[%swap3A_1045, %swap3A_1046], %swap3A_1049 {strides = array<i32>} : memref<80x128xf32, #tpu.memory_space<vmem>>, vector<1x16xf32>,
          %get3A_1050 = arith.index_cast %add3A_989 : i32 to index
          %get3A_1051 = arith.constant 96 : index
          %get3A_1052 = tpu.vector_load %arg11[%get3A_1050, %get3A_1051] {strides = array<i32>} : memref<80x128xf32, #tpu.memory_space<vmem>>, vector<1x16xf32>,
          %get3A_1053 = vector.shape_cast %get3A_1052 : vector<1x16xf32> to vector<16xf32>
          %mul3A_1054 = arith.mulf %get3A_1053, %gather3A_985 : vector<16xf32>
          %swap3A_1055 = arith.index_cast %add3A_989 : i32 to index
          %swap3A_1056 = arith.constant 96 : index
          %swap3A_1057 = tpu.vector_load %arg11[%swap3A_1055, %swap3A_1056] {strides = array<i32>} : memref<80x128xf32, #tpu.memory_space<vmem>>, vector<1x16xf32>,
          %swap3A_1058 = vector.shape_cast %swap3A_1057 : vector<1x16xf32> to vector<16xf32>
          %swap3A_1059 = vector.shape_cast %mul3A_1054 : vector<16xf32> to vector<1x16xf32>
          tpu.vector_store %arg11[%swap3A_1055, %swap3A_1056], %swap3A_1059 {strides = array<i32>} : memref<80x128xf32, #tpu.memory_space<vmem>>, vector<1x16xf32>,
          %get3A_1060 = arith.index_cast %add3A_989 : i32 to index
          %get3A_1061 = arith.constant 112 : index
          %get3A_1062 = tpu.vector_load %arg11[%get3A_1060, %get3A_1061] {strides = array<i32>} : memref<80x128xf32, #tpu.memory_space<vmem>>, vector<1x16xf32>,
          %get3A_1063 = vector.shape_cast %get3A_1062 : vector<1x16xf32> to vector<16xf32>
          %mul3A_1064 = arith.mulf %get3A_1063, %gather3A_985 : vector<16xf32>
          %swap3A_1065 = arith.index_cast %add3A_989 : i32 to index
          %swap3A_1066 = arith.constant 112 : index
          %swap3A_1067 = tpu.vector_load %arg11[%swap3A_1065, %swap3A_1066] {strides = array<i32>} : memref<80x128xf32, #tpu.memory_space<vmem>>, vector<1x16xf32>,
          %swap3A_1068 = vector.shape_cast %swap3A_1067 : vector<1x16xf32> to vector<16xf32>
          %swap3A_1069 = vector.shape_cast %mul3A_1064 : vector<16xf32> to vector<1x16xf32>
          tpu.vector_store %arg11[%swap3A_1065, %swap3A_1066], %swap3A_1069 {strides = array<i32>} : memref<80x128xf32, #tpu.memory_space<vmem>>, vector<1x16xf32>,
          %gather3A_1070 = vector.shape_cast %broadcast_in_dim3A_32 : vector<16x1xi32> to vector<16xi32>
          %gather3A_1071 = tpu.dynamic_gather %get3A_125[%gather3A_1070] in [0] : vector<16xf32>, vector<16xi32> -> vector<16xf32>
          %mul3A_1072 = arith.constant 16 : i32
          %mul3A_1073 = arith.muli %scan3A_120, %mul3A_1072 : i32
          %add3A_1074 = arith.constant 11 : i32
          %add3A_1075 = arith.addi %mul3A_1073, %add3A_1074 : i32
          %get3A_1076 = arith.index_cast %add3A_1075 : i32 to index
          %get3A_1077 = arith.constant 0 : index
          %get3A_1078 = tpu.vector_load %arg11[%get3A_1076, %get3A_1077] {strides = array<i32>} : memref<80x128xf32, #tpu.memory_space<vmem>>, vector<1x16xf32>,
          %get3A_1079 = vector.shape_cast %get3A_1078 : vector<1x16xf32> to vector<16xf32>
          %mul3A_1080 = arith.mulf %get3A_1079, %gather3A_1071 : vector<16xf32>
          %swap3A_1081 = arith.index_cast %add3A_1075 : i32 to index
          %swap3A_1082 = arith.constant 0 : index
          %swap3A_1083 = tpu.vector_load %arg11[%swap3A_1081, %swap3A_1082] {strides = array<i32>} : memref<80x128xf32, #tpu.memory_space<vmem>>, vector<1x16xf32>,
          %swap3A_1084 = vector.shape_cast %swap3A_1083 : vector<1x16xf32> to vector<16xf32>
          %swap3A_1085 = vector.shape_cast %mul3A_1080 : vector<16xf32> to vector<1x16xf32>
          tpu.vector_store %arg11[%swap3A_1081, %swap3A_1082], %swap3A_1085 {strides = array<i32>} : memref<80x128xf32, #tpu.memory_space<vmem>>, vector<1x16xf32>,
          %get3A_1086 = arith.index_cast %add3A_1075 : i32 to index
          %get3A_1087 = arith.constant 16 : index
          %get3A_1088 = tpu.vector_load %arg11[%get3A_1086, %get3A_1087] {strides = array<i32>} : memref<80x128xf32, #tpu.memory_space<vmem>>, vector<1x16xf32>,
          %get3A_1089 = vector.shape_cast %get3A_1088 : vector<1x16xf32> to vector<16xf32>
          %mul3A_1090 = arith.mulf %get3A_1089, %gather3A_1071 : vector<16xf32>
          %swap3A_1091 = arith.index_cast %add3A_1075 : i32 to index
          %swap3A_1092 = arith.constant 16 : index
          %swap3A_1093 = tpu.vector_load %arg11[%swap3A_1091, %swap3A_1092] {strides = array<i32>} : memref<80x128xf32, #tpu.memory_space<vmem>>, vector<1x16xf32>,
          %swap3A_1094 = vector.shape_cast %swap3A_1093 : vector<1x16xf32> to vector<16xf32>
          %swap3A_1095 = vector.shape_cast %mul3A_1090 : vector<16xf32> to vector<1x16xf32>
          tpu.vector_store %arg11[%swap3A_1091, %swap3A_1092], %swap3A_1095 {strides = array<i32>} : memref<80x128xf32, #tpu.memory_space<vmem>>, vector<1x16xf32>,
          %get3A_1096 = arith.index_cast %add3A_1075 : i32 to index
          %get3A_1097 = arith.constant 32 : index
          %get3A_1098 = tpu.vector_load %arg11[%get3A_1096, %get3A_1097] {strides = array<i32>} : memref<80x128xf32, #tpu.memory_space<vmem>>, vector<1x16xf32>,
          %get3A_1099 = vector.shape_cast %get3A_1098 : vector<1x16xf32> to vector<16xf32>
          %mul3A_1100 = arith.mulf %get3A_1099, %gather3A_1071 : vector<16xf32>
          %swap3A_1101 = arith.index_cast %add3A_1075 : i32 to index
          %swap3A_1102 = arith.constant 32 : index
          %swap3A_1103 = tpu.vector_load %arg11[%swap3A_1101, %swap3A_1102] {strides = array<i32>} : memref<80x128xf32, #tpu.memory_space<vmem>>, vector<1x16xf32>,
          %swap3A_1104 = vector.shape_cast %swap3A_1103 : vector<1x16xf32> to vector<16xf32>
          %swap3A_1105 = vector.shape_cast %mul3A_1100 : vector<16xf32> to vector<1x16xf32>
          tpu.vector_store %arg11[%swap3A_1101, %swap3A_1102], %swap3A_1105 {strides = array<i32>} : memref<80x128xf32, #tpu.memory_space<vmem>>, vector<1x16xf32>,
          %get3A_1106 = arith.index_cast %add3A_1075 : i32 to index
          %get3A_1107 = arith.constant 48 : index
          %get3A_1108 = tpu.vector_load %arg11[%get3A_1106, %get3A_1107] {strides = array<i32>} : memref<80x128xf32, #tpu.memory_space<vmem>>, vector<1x16xf32>,
          %get3A_1109 = vector.shape_cast %get3A_1108 : vector<1x16xf32> to vector<16xf32>
          %mul3A_1110 = arith.mulf %get3A_1109, %gather3A_1071 : vector<16xf32>
          %swap3A_1111 = arith.index_cast %add3A_1075 : i32 to index
          %swap3A_1112 = arith.constant 48 : index
          %swap3A_1113 = tpu.vector_load %arg11[%swap3A_1111, %swap3A_1112] {strides = array<i32>} : memref<80x128xf32, #tpu.memory_space<vmem>>, vector<1x16xf32>,
          %swap3A_1114 = vector.shape_cast %swap3A_1113 : vector<1x16xf32> to vector<16xf32>
          %swap3A_1115 = vector.shape_cast %mul3A_1110 : vector<16xf32> to vector<1x16xf32>
          tpu.vector_store %arg11[%swap3A_1111, %swap3A_1112], %swap3A_1115 {strides = array<i32>} : memref<80x128xf32, #tpu.memory_space<vmem>>, vector<1x16xf32>,
          %get3A_1116 = arith.index_cast %add3A_1075 : i32 to index
          %get3A_1117 = arith.constant 64 : index
          %get3A_1118 = tpu.vector_load %arg11[%get3A_1116, %get3A_1117] {strides = array<i32>} : memref<80x128xf32, #tpu.memory_space<vmem>>, vector<1x16xf32>,
          %get3A_1119 = vector.shape_cast %get3A_1118 : vector<1x16xf32> to vector<16xf32>
          %mul3A_1120 = arith.mulf %get3A_1119, %gather3A_1071 : vector<16xf32>
          %swap3A_1121 = arith.index_cast %add3A_1075 : i32 to index
          %swap3A_1122 = arith.constant 64 : index
          %swap3A_1123 = tpu.vector_load %arg11[%swap3A_1121, %swap3A_1122] {strides = array<i32>} : memref<80x128xf32, #tpu.memory_space<vmem>>, vector<1x16xf32>,
          %swap3A_1124 = vector.shape_cast %swap3A_1123 : vector<1x16xf32> to vector<16xf32>
          %swap3A_1125 = vector.shape_cast %mul3A_1120 : vector<16xf32> to vector<1x16xf32>
          tpu.vector_store %arg11[%swap3A_1121, %swap3A_1122], %swap3A_1125 {strides = array<i32>} : memref<80x128xf32, #tpu.memory_space<vmem>>, vector<1x16xf32>,
          %get3A_1126 = arith.index_cast %add3A_1075 : i32 to index
          %get3A_1127 = arith.constant 80 : index
          %get3A_1128 = tpu.vector_load %arg11[%get3A_1126, %get3A_1127] {strides = array<i32>} : memref<80x128xf32, #tpu.memory_space<vmem>>, vector<1x16xf32>,
          %get3A_1129 = vector.shape_cast %get3A_1128 : vector<1x16xf32> to vector<16xf32>
          %mul3A_1130 = arith.mulf %get3A_1129, %gather3A_1071 : vector<16xf32>
          %swap3A_1131 = arith.index_cast %add3A_1075 : i32 to index
          %swap3A_1132 = arith.constant 80 : index
          %swap3A_1133 = tpu.vector_load %arg11[%swap3A_1131, %swap3A_1132] {strides = array<i32>} : memref<80x128xf32, #tpu.memory_space<vmem>>, vector<1x16xf32>,
          %swap3A_1134 = vector.shape_cast %swap3A_1133 : vector<1x16xf32> to vector<16xf32>
          %swap3A_1135 = vector.shape_cast %mul3A_1130 : vector<16xf32> to vector<1x16xf32>
          tpu.vector_store %arg11[%swap3A_1131, %swap3A_1132], %swap3A_1135 {strides = array<i32>} : memref<80x128xf32, #tpu.memory_space<vmem>>, vector<1x16xf32>,
          %get3A_1136 = arith.index_cast %add3A_1075 : i32 to index
          %get3A_1137 = arith.constant 96 : index
          %get3A_1138 = tpu.vector_load %arg11[%get3A_1136, %get3A_1137] {strides = array<i32>} : memref<80x128xf32, #tpu.memory_space<vmem>>, vector<1x16xf32>,
          %get3A_1139 = vector.shape_cast %get3A_1138 : vector<1x16xf32> to vector<16xf32>
          %mul3A_1140 = arith.mulf %get3A_1139, %gather3A_1071 : vector<16xf32>
          %swap3A_1141 = arith.index_cast %add3A_1075 : i32 to index
          %swap3A_1142 = arith.constant 96 : index
          %swap3A_1143 = tpu.vector_load %arg11[%swap3A_1141, %swap3A_1142] {strides = array<i32>} : memref<80x128xf32, #tpu.memory_space<vmem>>, vector<1x16xf32>,
          %swap3A_1144 = vector.shape_cast %swap3A_1143 : vector<1x16xf32> to vector<16xf32>
          %swap3A_1145 = vector.shape_cast %mul3A_1140 : vector<16xf32> to vector<1x16xf32>
          tpu.vector_store %arg11[%swap3A_1141, %swap3A_1142], %swap3A_1145 {strides = array<i32>} : memref<80x128xf32, #tpu.memory_space<vmem>>, vector<1x16xf32>,
          %get3A_1146 = arith.index_cast %add3A_1075 : i32 to index
          %get3A_1147 = arith.constant 112 : index
          %get3A_1148 = tpu.vector_load %arg11[%get3A_1146, %get3A_1147] {strides = array<i32>} : memref<80x128xf32, #tpu.memory_space<vmem>>, vector<1x16xf32>,
          %get3A_1149 = vector.shape_cast %get3A_1148 : vector<1x16xf32> to vector<16xf32>
          %mul3A_1150 = arith.mulf %get3A_1149, %gather3A_1071 : vector<16xf32>
          %swap3A_1151 = arith.index_cast %add3A_1075 : i32 to index
          %swap3A_1152 = arith.constant 112 : index
          %swap3A_1153 = tpu.vector_load %arg11[%swap3A_1151, %swap3A_1152] {strides = array<i32>} : memref<80x128xf32, #tpu.memory_space<vmem>>, vector<1x16xf32>,
          %swap3A_1154 = vector.shape_cast %swap3A_1153 : vector<1x16xf32> to vector<16xf32>
          %swap3A_1155 = vector.shape_cast %mul3A_1150 : vector<16xf32> to vector<1x16xf32>
          tpu.vector_store %arg11[%swap3A_1151, %swap3A_1152], %swap3A_1155 {strides = array<i32>} : memref<80x128xf32, #tpu.memory_space<vmem>>, vector<1x16xf32>,
          %gather3A_1156 = vector.shape_cast %broadcast_in_dim3A_34 : vector<16x1xi32> to vector<16xi32>
          %gather3A_1157 = tpu.dynamic_gather %get3A_125[%gather3A_1156] in [0] : vector<16xf32>, vector<16xi32> -> vector<16xf32>
          %mul3A_1158 = arith.constant 16 : i32
          %mul3A_1159 = arith.muli %scan3A_120, %mul3A_1158 : i32
          %add3A_1160 = arith.constant 12 : i32
          %add3A_1161 = arith.addi %mul3A_1159, %add3A_1160 : i32
          %get3A_1162 = arith.index_cast %add3A_1161 : i32 to index
          %get3A_1163 = arith.constant 0 : index
          %get3A_1164 = tpu.vector_load %arg11[%get3A_1162, %get3A_1163] {strides = array<i32>} : memref<80x128xf32, #tpu.memory_space<vmem>>, vector<1x16xf32>,
          %get3A_1165 = vector.shape_cast %get3A_1164 : vector<1x16xf32> to vector<16xf32>
          %mul3A_1166 = arith.mulf %get3A_1165, %gather3A_1157 : vector<16xf32>
          %swap3A_1167 = arith.index_cast %add3A_1161 : i32 to index
          %swap3A_1168 = arith.constant 0 : index
          %swap3A_1169 = tpu.vector_load %arg11[%swap3A_1167, %swap3A_1168] {strides = array<i32>} : memref<80x128xf32, #tpu.memory_space<vmem>>, vector<1x16xf32>,
          %swap3A_1170 = vector.shape_cast %swap3A_1169 : vector<1x16xf32> to vector<16xf32>
          %swap3A_1171 = vector.shape_cast %mul3A_1166 : vector<16xf32> to vector<1x16xf32>
          tpu.vector_store %arg11[%swap3A_1167, %swap3A_1168], %swap3A_1171 {strides = array<i32>} : memref<80x128xf32, #tpu.memory_space<vmem>>, vector<1x16xf32>,
          %get3A_1172 = arith.index_cast %add3A_1161 : i32 to index
          %get3A_1173 = arith.constant 16 : index
          %get3A_1174 = tpu.vector_load %arg11[%get3A_1172, %get3A_1173] {strides = array<i32>} : memref<80x128xf32, #tpu.memory_space<vmem>>, vector<1x16xf32>,
          %get3A_1175 = vector.shape_cast %get3A_1174 : vector<1x16xf32> to vector<16xf32>
          %mul3A_1176 = arith.mulf %get3A_1175, %gather3A_1157 : vector<16xf32>
          %swap3A_1177 = arith.index_cast %add3A_1161 : i32 to index
          %swap3A_1178 = arith.constant 16 : index
          %swap3A_1179 = tpu.vector_load %arg11[%swap3A_1177, %swap3A_1178] {strides = array<i32>} : memref<80x128xf32, #tpu.memory_space<vmem>>, vector<1x16xf32>,
          %swap3A_1180 = vector.shape_cast %swap3A_1179 : vector<1x16xf32> to vector<16xf32>
          %swap3A_1181 = vector.shape_cast %mul3A_1176 : vector<16xf32> to vector<1x16xf32>
          tpu.vector_store %arg11[%swap3A_1177, %swap3A_1178], %swap3A_1181 {strides = array<i32>} : memref<80x128xf32, #tpu.memory_space<vmem>>, vector<1x16xf32>,
          %get3A_1182 = arith.index_cast %add3A_1161 : i32 to index
          %get3A_1183 = arith.constant 32 : index
          %get3A_1184 = tpu.vector_load %arg11[%get3A_1182, %get3A_1183] {strides = array<i32>} : memref<80x128xf32, #tpu.memory_space<vmem>>, vector<1x16xf32>,
          %get3A_1185 = vector.shape_cast %get3A_1184 : vector<1x16xf32> to vector<16xf32>
          %mul3A_1186 = arith.mulf %get3A_1185, %gather3A_1157 : vector<16xf32>
          %swap3A_1187 = arith.index_cast %add3A_1161 : i32 to index
          %swap3A_1188 = arith.constant 32 : index
          %swap3A_1189 = tpu.vector_load %arg11[%swap3A_1187, %swap3A_1188] {strides = array<i32>} : memref<80x128xf32, #tpu.memory_space<vmem>>, vector<1x16xf32>,
          %swap3A_1190 = vector.shape_cast %swap3A_1189 : vector<1x16xf32> to vector<16xf32>
          %swap3A_1191 = vector.shape_cast %mul3A_1186 : vector<16xf32> to vector<1x16xf32>
          tpu.vector_store %arg11[%swap3A_1187, %swap3A_1188], %swap3A_1191 {strides = array<i32>} : memref<80x128xf32, #tpu.memory_space<vmem>>, vector<1x16xf32>,
          %get3A_1192 = arith.index_cast %add3A_1161 : i32 to index
          %get3A_1193 = arith.constant 48 : index
          %get3A_1194 = tpu.vector_load %arg11[%get3A_1192, %get3A_1193] {strides = array<i32>} : memref<80x128xf32, #tpu.memory_space<vmem>>, vector<1x16xf32>,
          %get3A_1195 = vector.shape_cast %get3A_1194 : vector<1x16xf32> to vector<16xf32>
          %mul3A_1196 = arith.mulf %get3A_1195, %gather3A_1157 : vector<16xf32>
          %swap3A_1197 = arith.index_cast %add3A_1161 : i32 to index
          %swap3A_1198 = arith.constant 48 : index
          %swap3A_1199 = tpu.vector_load %arg11[%swap3A_1197, %swap3A_1198] {strides = array<i32>} : memref<80x128xf32, #tpu.memory_space<vmem>>, vector<1x16xf32>,
          %swap3A_1200 = vector.shape_cast %swap3A_1199 : vector<1x16xf32> to vector<16xf32>
          %swap3A_1201 = vector.shape_cast %mul3A_1196 : vector<16xf32> to vector<1x16xf32>
          tpu.vector_store %arg11[%swap3A_1197, %swap3A_1198], %swap3A_1201 {strides = array<i32>} : memref<80x128xf32, #tpu.memory_space<vmem>>, vector<1x16xf32>,
          %get3A_1202 = arith.index_cast %add3A_1161 : i32 to index
          %get3A_1203 = arith.constant 64 : index
          %get3A_1204 = tpu.vector_load %arg11[%get3A_1202, %get3A_1203] {strides = array<i32>} : memref<80x128xf32, #tpu.memory_space<vmem>>, vector<1x16xf32>,
          %get3A_1205 = vector.shape_cast %get3A_1204 : vector<1x16xf32> to vector<16xf32>
          %mul3A_1206 = arith.mulf %get3A_1205, %gather3A_1157 : vector<16xf32>
          %swap3A_1207 = arith.index_cast %add3A_1161 : i32 to index
          %swap3A_1208 = arith.constant 64 : index
          %swap3A_1209 = tpu.vector_load %arg11[%swap3A_1207, %swap3A_1208] {strides = array<i32>} : memref<80x128xf32, #tpu.memory_space<vmem>>, vector<1x16xf32>,
          %swap3A_1210 = vector.shape_cast %swap3A_1209 : vector<1x16xf32> to vector<16xf32>
          %swap3A_1211 = vector.shape_cast %mul3A_1206 : vector<16xf32> to vector<1x16xf32>
          tpu.vector_store %arg11[%swap3A_1207, %swap3A_1208], %swap3A_1211 {strides = array<i32>} : memref<80x128xf32, #tpu.memory_space<vmem>>, vector<1x16xf32>,
          %get3A_1212 = arith.index_cast %add3A_1161 : i32 to index
          %get3A_1213 = arith.constant 80 : index
          %get3A_1214 = tpu.vector_load %arg11[%get3A_1212, %get3A_1213] {strides = array<i32>} : memref<80x128xf32, #tpu.memory_space<vmem>>, vector<1x16xf32>,
          %get3A_1215 = vector.shape_cast %get3A_1214 : vector<1x16xf32> to vector<16xf32>
          %mul3A_1216 = arith.mulf %get3A_1215, %gather3A_1157 : vector<16xf32>
          %swap3A_1217 = arith.index_cast %add3A_1161 : i32 to index
          %swap3A_1218 = arith.constant 80 : index
          %swap3A_1219 = tpu.vector_load %arg11[%swap3A_1217, %swap3A_1218] {strides = array<i32>} : memref<80x128xf32, #tpu.memory_space<vmem>>, vector<1x16xf32>,
          %swap3A_1220 = vector.shape_cast %swap3A_1219 : vector<1x16xf32> to vector<16xf32>
          %swap3A_1221 = vector.shape_cast %mul3A_1216 : vector<16xf32> to vector<1x16xf32>
          tpu.vector_store %arg11[%swap3A_1217, %swap3A_1218], %swap3A_1221 {strides = array<i32>} : memref<80x128xf32, #tpu.memory_space<vmem>>, vector<1x16xf32>,
          %get3A_1222 = arith.index_cast %add3A_1161 : i32 to index
          %get3A_1223 = arith.constant 96 : index
          %get3A_1224 = tpu.vector_load %arg11[%get3A_1222, %get3A_1223] {strides = array<i32>} : memref<80x128xf32, #tpu.memory_space<vmem>>, vector<1x16xf32>,
          %get3A_1225 = vector.shape_cast %get3A_1224 : vector<1x16xf32> to vector<16xf32>
          %mul3A_1226 = arith.mulf %get3A_1225, %gather3A_1157 : vector<16xf32>
          %swap3A_1227 = arith.index_cast %add3A_1161 : i32 to index
          %swap3A_1228 = arith.constant 96 : index
          %swap3A_1229 = tpu.vector_load %arg11[%swap3A_1227, %swap3A_1228] {strides = array<i32>} : memref<80x128xf32, #tpu.memory_space<vmem>>, vector<1x16xf32>,
          %swap3A_1230 = vector.shape_cast %swap3A_1229 : vector<1x16xf32> to vector<16xf32>
          %swap3A_1231 = vector.shape_cast %mul3A_1226 : vector<16xf32> to vector<1x16xf32>
          tpu.vector_store %arg11[%swap3A_1227, %swap3A_1228], %swap3A_1231 {strides = array<i32>} : memref<80x128xf32, #tpu.memory_space<vmem>>, vector<1x16xf32>,
          %get3A_1232 = arith.index_cast %add3A_1161 : i32 to index
          %get3A_1233 = arith.constant 112 : index
          %get3A_1234 = tpu.vector_load %arg11[%get3A_1232, %get3A_1233] {strides = array<i32>} : memref<80x128xf32, #tpu.memory_space<vmem>>, vector<1x16xf32>,
          %get3A_1235 = vector.shape_cast %get3A_1234 : vector<1x16xf32> to vector<16xf32>
          %mul3A_1236 = arith.mulf %get3A_1235, %gather3A_1157 : vector<16xf32>
          %swap3A_1237 = arith.index_cast %add3A_1161 : i32 to index
          %swap3A_1238 = arith.constant 112 : index
          %swap3A_1239 = tpu.vector_load %arg11[%swap3A_1237, %swap3A_1238] {strides = array<i32>} : memref<80x128xf32, #tpu.memory_space<vmem>>, vector<1x16xf32>,
          %swap3A_1240 = vector.shape_cast %swap3A_1239 : vector<1x16xf32> to vector<16xf32>
          %swap3A_1241 = vector.shape_cast %mul3A_1236 : vector<16xf32> to vector<1x16xf32>
          tpu.vector_store %arg11[%swap3A_1237, %swap3A_1238], %swap3A_1241 {strides = array<i32>} : memref<80x128xf32, #tpu.memory_space<vmem>>, vector<1x16xf32>,
          %gather3A_1242 = vector.shape_cast %broadcast_in_dim3A_36 : vector<16x1xi32> to vector<16xi32>
          %gather3A_1243 = tpu.dynamic_gather %get3A_125[%gather3A_1242] in [0] : vector<16xf32>, vector<16xi32> -> vector<16xf32>
          %mul3A_1244 = arith.constant 16 : i32
          %mul3A_1245 = arith.muli %scan3A_120, %mul3A_1244 : i32
          %add3A_1246 = arith.constant 13 : i32
          %add3A_1247 = arith.addi %mul3A_1245, %add3A_1246 : i32
          %get3A_1248 = arith.index_cast %add3A_1247 : i32 to index
          %get3A_1249 = arith.constant 0 : index
          %get3A_1250 = tpu.vector_load %arg11[%get3A_1248, %get3A_1249] {strides = array<i32>} : memref<80x128xf32, #tpu.memory_space<vmem>>, vector<1x16xf32>,
          %get3A_1251 = vector.shape_cast %get3A_1250 : vector<1x16xf32> to vector<16xf32>
          %mul3A_1252 = arith.mulf %get3A_1251, %gather3A_1243 : vector<16xf32>
          %swap3A_1253 = arith.index_cast %add3A_1247 : i32 to index
          %swap3A_1254 = arith.constant 0 : index
          %swap3A_1255 = tpu.vector_load %arg11[%swap3A_1253, %swap3A_1254] {strides = array<i32>} : memref<80x128xf32, #tpu.memory_space<vmem>>, vector<1x16xf32>,
          %swap3A_1256 = vector.shape_cast %swap3A_1255 : vector<1x16xf32> to vector<16xf32>
          %swap3A_1257 = vector.shape_cast %mul3A_1252 : vector<16xf32> to vector<1x16xf32>
          tpu.vector_store %arg11[%swap3A_1253, %swap3A_1254], %swap3A_1257 {strides = array<i32>} : memref<80x128xf32, #tpu.memory_space<vmem>>, vector<1x16xf32>,
          %get3A_1258 = arith.index_cast %add3A_1247 : i32 to index
          %get3A_1259 = arith.constant 16 : index
          %get3A_1260 = tpu.vector_load %arg11[%get3A_1258, %get3A_1259] {strides = array<i32>} : memref<80x128xf32, #tpu.memory_space<vmem>>, vector<1x16xf32>,
          %get3A_1261 = vector.shape_cast %get3A_1260 : vector<1x16xf32> to vector<16xf32>
          %mul3A_1262 = arith.mulf %get3A_1261, %gather3A_1243 : vector<16xf32>
          %swap3A_1263 = arith.index_cast %add3A_1247 : i32 to index
          %swap3A_1264 = arith.constant 16 : index
          %swap3A_1265 = tpu.vector_load %arg11[%swap3A_1263, %swap3A_1264] {strides = array<i32>} : memref<80x128xf32, #tpu.memory_space<vmem>>, vector<1x16xf32>,
          %swap3A_1266 = vector.shape_cast %swap3A_1265 : vector<1x16xf32> to vector<16xf32>
          %swap3A_1267 = vector.shape_cast %mul3A_1262 : vector<16xf32> to vector<1x16xf32>
          tpu.vector_store %arg11[%swap3A_1263, %swap3A_1264], %swap3A_1267 {strides = array<i32>} : memref<80x128xf32, #tpu.memory_space<vmem>>, vector<1x16xf32>,
          %get3A_1268 = arith.index_cast %add3A_1247 : i32 to index
          %get3A_1269 = arith.constant 32 : index
          %get3A_1270 = tpu.vector_load %arg11[%get3A_1268, %get3A_1269] {strides = array<i32>} : memref<80x128xf32, #tpu.memory_space<vmem>>, vector<1x16xf32>,
          %get3A_1271 = vector.shape_cast %get3A_1270 : vector<1x16xf32> to vector<16xf32>
          %mul3A_1272 = arith.mulf %get3A_1271, %gather3A_1243 : vector<16xf32>
          %swap3A_1273 = arith.index_cast %add3A_1247 : i32 to index
          %swap3A_1274 = arith.constant 32 : index
          %swap3A_1275 = tpu.vector_load %arg11[%swap3A_1273, %swap3A_1274] {strides = array<i32>} : memref<80x128xf32, #tpu.memory_space<vmem>>, vector<1x16xf32>,
          %swap3A_1276 = vector.shape_cast %swap3A_1275 : vector<1x16xf32> to vector<16xf32>
          %swap3A_1277 = vector.shape_cast %mul3A_1272 : vector<16xf32> to vector<1x16xf32>
          tpu.vector_store %arg11[%swap3A_1273, %swap3A_1274], %swap3A_1277 {strides = array<i32>} : memref<80x128xf32, #tpu.memory_space<vmem>>, vector<1x16xf32>,
          %get3A_1278 = arith.index_cast %add3A_1247 : i32 to index
          %get3A_1279 = arith.constant 48 : index
          %get3A_1280 = tpu.vector_load %arg11[%get3A_1278, %get3A_1279] {strides = array<i32>} : memref<80x128xf32, #tpu.memory_space<vmem>>, vector<1x16xf32>,
          %get3A_1281 = vector.shape_cast %get3A_1280 : vector<1x16xf32> to vector<16xf32>
          %mul3A_1282 = arith.mulf %get3A_1281, %gather3A_1243 : vector<16xf32>
          %swap3A_1283 = arith.index_cast %add3A_1247 : i32 to index
          %swap3A_1284 = arith.constant 48 : index
          %swap3A_1285 = tpu.vector_load %arg11[%swap3A_1283, %swap3A_1284] {strides = array<i32>} : memref<80x128xf32, #tpu.memory_space<vmem>>, vector<1x16xf32>,
          %swap3A_1286 = vector.shape_cast %swap3A_1285 : vector<1x16xf32> to vector<16xf32>
          %swap3A_1287 = vector.shape_cast %mul3A_1282 : vector<16xf32> to vector<1x16xf32>
          tpu.vector_store %arg11[%swap3A_1283, %swap3A_1284], %swap3A_1287 {strides = array<i32>} : memref<80x128xf32, #tpu.memory_space<vmem>>, vector<1x16xf32>,
          %get3A_1288 = arith.index_cast %add3A_1247 : i32 to index
          %get3A_1289 = arith.constant 64 : index
          %get3A_1290 = tpu.vector_load %arg11[%get3A_1288, %get3A_1289] {strides = array<i32>} : memref<80x128xf32, #tpu.memory_space<vmem>>, vector<1x16xf32>,
          %get3A_1291 = vector.shape_cast %get3A_1290 : vector<1x16xf32> to vector<16xf32>
          %mul3A_1292 = arith.mulf %get3A_1291, %gather3A_1243 : vector<16xf32>
          %swap3A_1293 = arith.index_cast %add3A_1247 : i32 to index
          %swap3A_1294 = arith.constant 64 : index
          %swap3A_1295 = tpu.vector_load %arg11[%swap3A_1293, %swap3A_1294] {strides = array<i32>} : memref<80x128xf32, #tpu.memory_space<vmem>>, vector<1x16xf32>,
          %swap3A_1296 = vector.shape_cast %swap3A_1295 : vector<1x16xf32> to vector<16xf32>
          %swap3A_1297 = vector.shape_cast %mul3A_1292 : vector<16xf32> to vector<1x16xf32>
          tpu.vector_store %arg11[%swap3A_1293, %swap3A_1294], %swap3A_1297 {strides = array<i32>} : memref<80x128xf32, #tpu.memory_space<vmem>>, vector<1x16xf32>,
          %get3A_1298 = arith.index_cast %add3A_1247 : i32 to index
          %get3A_1299 = arith.constant 80 : index
          %get3A_1300 = tpu.vector_load %arg11[%get3A_1298, %get3A_1299] {strides = array<i32>} : memref<80x128xf32, #tpu.memory_space<vmem>>, vector<1x16xf32>,
          %get3A_1301 = vector.shape_cast %get3A_1300 : vector<1x16xf32> to vector<16xf32>
          %mul3A_1302 = arith.mulf %get3A_1301, %gather3A_1243 : vector<16xf32>
          %swap3A_1303 = arith.index_cast %add3A_1247 : i32 to index
          %swap3A_1304 = arith.constant 80 : index
          %swap3A_1305 = tpu.vector_load %arg11[%swap3A_1303, %swap3A_1304] {strides = array<i32>} : memref<80x128xf32, #tpu.memory_space<vmem>>, vector<1x16xf32>,
          %swap3A_1306 = vector.shape_cast %swap3A_1305 : vector<1x16xf32> to vector<16xf32>
          %swap3A_1307 = vector.shape_cast %mul3A_1302 : vector<16xf32> to vector<1x16xf32>
          tpu.vector_store %arg11[%swap3A_1303, %swap3A_1304], %swap3A_1307 {strides = array<i32>} : memref<80x128xf32, #tpu.memory_space<vmem>>, vector<1x16xf32>,
          %get3A_1308 = arith.index_cast %add3A_1247 : i32 to index
          %get3A_1309 = arith.constant 96 : index
          %get3A_1310 = tpu.vector_load %arg11[%get3A_1308, %get3A_1309] {strides = array<i32>} : memref<80x128xf32, #tpu.memory_space<vmem>>, vector<1x16xf32>,
          %get3A_1311 = vector.shape_cast %get3A_1310 : vector<1x16xf32> to vector<16xf32>
          %mul3A_1312 = arith.mulf %get3A_1311, %gather3A_1243 : vector<16xf32>
          %swap3A_1313 = arith.index_cast %add3A_1247 : i32 to index
          %swap3A_1314 = arith.constant 96 : index
          %swap3A_1315 = tpu.vector_load %arg11[%swap3A_1313, %swap3A_1314] {strides = array<i32>} : memref<80x128xf32, #tpu.memory_space<vmem>>, vector<1x16xf32>,
          %swap3A_1316 = vector.shape_cast %swap3A_1315 : vector<1x16xf32> to vector<16xf32>
          %swap3A_1317 = vector.shape_cast %mul3A_1312 : vector<16xf32> to vector<1x16xf32>
          tpu.vector_store %arg11[%swap3A_1313, %swap3A_1314], %swap3A_1317 {strides = array<i32>} : memref<80x128xf32, #tpu.memory_space<vmem>>, vector<1x16xf32>,
          %get3A_1318 = arith.index_cast %add3A_1247 : i32 to index
          %get3A_1319 = arith.constant 112 : index
          %get3A_1320 = tpu.vector_load %arg11[%get3A_1318, %get3A_1319] {strides = array<i32>} : memref<80x128xf32, #tpu.memory_space<vmem>>, vector<1x16xf32>,
          %get3A_1321 = vector.shape_cast %get3A_1320 : vector<1x16xf32> to vector<16xf32>
          %mul3A_1322 = arith.mulf %get3A_1321, %gather3A_1243 : vector<16xf32>
          %swap3A_1323 = arith.index_cast %add3A_1247 : i32 to index
          %swap3A_1324 = arith.constant 112 : index
          %swap3A_1325 = tpu.vector_load %arg11[%swap3A_1323, %swap3A_1324] {strides = array<i32>} : memref<80x128xf32, #tpu.memory_space<vmem>>, vector<1x16xf32>,
          %swap3A_1326 = vector.shape_cast %swap3A_1325 : vector<1x16xf32> to vector<16xf32>
          %swap3A_1327 = vector.shape_cast %mul3A_1322 : vector<16xf32> to vector<1x16xf32>
          tpu.vector_store %arg11[%swap3A_1323, %swap3A_1324], %swap3A_1327 {strides = array<i32>} : memref<80x128xf32, #tpu.memory_space<vmem>>, vector<1x16xf32>,
          %gather3A_1328 = vector.shape_cast %broadcast_in_dim3A_38 : vector<16x1xi32> to vector<16xi32>
          %gather3A_1329 = tpu.dynamic_gather %get3A_125[%gather3A_1328] in [0] : vector<16xf32>, vector<16xi32> -> vector<16xf32>
          %mul3A_1330 = arith.constant 16 : i32
          %mul3A_1331 = arith.muli %scan3A_120, %mul3A_1330 : i32
          %add3A_1332 = arith.constant 14 : i32
          %add3A_1333 = arith.addi %mul3A_1331, %add3A_1332 : i32
          %get3A_1334 = arith.index_cast %add3A_1333 : i32 to index
          %get3A_1335 = arith.constant 0 : index
          %get3A_1336 = tpu.vector_load %arg11[%get3A_1334, %get3A_1335] {strides = array<i32>} : memref<80x128xf32, #tpu.memory_space<vmem>>, vector<1x16xf32>,
          %get3A_1337 = vector.shape_cast %get3A_1336 : vector<1x16xf32> to vector<16xf32>
          %mul3A_1338 = arith.mulf %get3A_1337, %gather3A_1329 : vector<16xf32>
          %swap3A_1339 = arith.index_cast %add3A_1333 : i32 to index
          %swap3A_1340 = arith.constant 0 : index
          %swap3A_1341 = tpu.vector_load %arg11[%swap3A_1339, %swap3A_1340] {strides = array<i32>} : memref<80x128xf32, #tpu.memory_space<vmem>>, vector<1x16xf32>,
          %swap3A_1342 = vector.shape_cast %swap3A_1341 : vector<1x16xf32> to vector<16xf32>
          %swap3A_1343 = vector.shape_cast %mul3A_1338 : vector<16xf32> to vector<1x16xf32>
          tpu.vector_store %arg11[%swap3A_1339, %swap3A_1340], %swap3A_1343 {strides = array<i32>} : memref<80x128xf32, #tpu.memory_space<vmem>>, vector<1x16xf32>,
          %get3A_1344 = arith.index_cast %add3A_1333 : i32 to index
          %get3A_1345 = arith.constant 16 : index
          %get3A_1346 = tpu.vector_load %arg11[%get3A_1344, %get3A_1345] {strides = array<i32>} : memref<80x128xf32, #tpu.memory_space<vmem>>, vector<1x16xf32>,
          %get3A_1347 = vector.shape_cast %get3A_1346 : vector<1x16xf32> to vector<16xf32>
          %mul3A_1348 = arith.mulf %get3A_1347, %gather3A_1329 : vector<16xf32>
          %swap3A_1349 = arith.index_cast %add3A_1333 : i32 to index
          %swap3A_1350 = arith.constant 16 : index
          %swap3A_1351 = tpu.vector_load %arg11[%swap3A_1349, %swap3A_1350] {strides = array<i32>} : memref<80x128xf32, #tpu.memory_space<vmem>>, vector<1x16xf32>,
          %swap3A_1352 = vector.shape_cast %swap3A_1351 : vector<1x16xf32> to vector<16xf32>
          %swap3A_1353 = vector.shape_cast %mul3A_1348 : vector<16xf32> to vector<1x16xf32>
          tpu.vector_store %arg11[%swap3A_1349, %swap3A_1350], %swap3A_1353 {strides = array<i32>} : memref<80x128xf32, #tpu.memory_space<vmem>>, vector<1x16xf32>,
          %get3A_1354 = arith.index_cast %add3A_1333 : i32 to index
          %get3A_1355 = arith.constant 32 : index
          %get3A_1356 = tpu.vector_load %arg11[%get3A_1354, %get3A_1355] {strides = array<i32>} : memref<80x128xf32, #tpu.memory_space<vmem>>, vector<1x16xf32>,
          %get3A_1357 = vector.shape_cast %get3A_1356 : vector<1x16xf32> to vector<16xf32>
          %mul3A_1358 = arith.mulf %get3A_1357, %gather3A_1329 : vector<16xf32>
          %swap3A_1359 = arith.index_cast %add3A_1333 : i32 to index
          %swap3A_1360 = arith.constant 32 : index
          %swap3A_1361 = tpu.vector_load %arg11[%swap3A_1359, %swap3A_1360] {strides = array<i32>} : memref<80x128xf32, #tpu.memory_space<vmem>>, vector<1x16xf32>,
          %swap3A_1362 = vector.shape_cast %swap3A_1361 : vector<1x16xf32> to vector<16xf32>
          %swap3A_1363 = vector.shape_cast %mul3A_1358 : vector<16xf32> to vector<1x16xf32>
          tpu.vector_store %arg11[%swap3A_1359, %swap3A_1360], %swap3A_1363 {strides = array<i32>} : memref<80x128xf32, #tpu.memory_space<vmem>>, vector<1x16xf32>,
          %get3A_1364 = arith.index_cast %add3A_1333 : i32 to index
          %get3A_1365 = arith.constant 48 : index
          %get3A_1366 = tpu.vector_load %arg11[%get3A_1364, %get3A_1365] {strides = array<i32>} : memref<80x128xf32, #tpu.memory_space<vmem>>, vector<1x16xf32>,
          %get3A_1367 = vector.shape_cast %get3A_1366 : vector<1x16xf32> to vector<16xf32>
          %mul3A_1368 = arith.mulf %get3A_1367, %gather3A_1329 : vector<16xf32>
          %swap3A_1369 = arith.index_cast %add3A_1333 : i32 to index
          %swap3A_1370 = arith.constant 48 : index
          %swap3A_1371 = tpu.vector_load %arg11[%swap3A_1369, %swap3A_1370] {strides = array<i32>} : memref<80x128xf32, #tpu.memory_space<vmem>>, vector<1x16xf32>,
          %swap3A_1372 = vector.shape_cast %swap3A_1371 : vector<1x16xf32> to vector<16xf32>
          %swap3A_1373 = vector.shape_cast %mul3A_1368 : vector<16xf32> to vector<1x16xf32>
          tpu.vector_store %arg11[%swap3A_1369, %swap3A_1370], %swap3A_1373 {strides = array<i32>} : memref<80x128xf32, #tpu.memory_space<vmem>>, vector<1x16xf32>,
          %get3A_1374 = arith.index_cast %add3A_1333 : i32 to index
          %get3A_1375 = arith.constant 64 : index
          %get3A_1376 = tpu.vector_load %arg11[%get3A_1374, %get3A_1375] {strides = array<i32>} : memref<80x128xf32, #tpu.memory_space<vmem>>, vector<1x16xf32>,
          %get3A_1377 = vector.shape_cast %get3A_1376 : vector<1x16xf32> to vector<16xf32>
          %mul3A_1378 = arith.mulf %get3A_1377, %gather3A_1329 : vector<16xf32>
          %swap3A_1379 = arith.index_cast %add3A_1333 : i32 to index
          %swap3A_1380 = arith.constant 64 : index
          %swap3A_1381 = tpu.vector_load %arg11[%swap3A_1379, %swap3A_1380] {strides = array<i32>} : memref<80x128xf32, #tpu.memory_space<vmem>>, vector<1x16xf32>,
          %swap3A_1382 = vector.shape_cast %swap3A_1381 : vector<1x16xf32> to vector<16xf32>
          %swap3A_1383 = vector.shape_cast %mul3A_1378 : vector<16xf32> to vector<1x16xf32>
          tpu.vector_store %arg11[%swap3A_1379, %swap3A_1380], %swap3A_1383 {strides = array<i32>} : memref<80x128xf32, #tpu.memory_space<vmem>>, vector<1x16xf32>,
          %get3A_1384 = arith.index_cast %add3A_1333 : i32 to index
          %get3A_1385 = arith.constant 80 : index
          %get3A_1386 = tpu.vector_load %arg11[%get3A_1384, %get3A_1385] {strides = array<i32>} : memref<80x128xf32, #tpu.memory_space<vmem>>, vector<1x16xf32>,
          %get3A_1387 = vector.shape_cast %get3A_1386 : vector<1x16xf32> to vector<16xf32>
          %mul3A_1388 = arith.mulf %get3A_1387, %gather3A_1329 : vector<16xf32>
          %swap3A_1389 = arith.index_cast %add3A_1333 : i32 to index
          %swap3A_1390 = arith.constant 80 : index
          %swap3A_1391 = tpu.vector_load %arg11[%swap3A_1389, %swap3A_1390] {strides = array<i32>} : memref<80x128xf32, #tpu.memory_space<vmem>>, vector<1x16xf32>,
          %swap3A_1392 = vector.shape_cast %swap3A_1391 : vector<1x16xf32> to vector<16xf32>
          %swap3A_1393 = vector.shape_cast %mul3A_1388 : vector<16xf32> to vector<1x16xf32>
          tpu.vector_store %arg11[%swap3A_1389, %swap3A_1390], %swap3A_1393 {strides = array<i32>} : memref<80x128xf32, #tpu.memory_space<vmem>>, vector<1x16xf32>,
          %get3A_1394 = arith.index_cast %add3A_1333 : i32 to index
          %get3A_1395 = arith.constant 96 : index
          %get3A_1396 = tpu.vector_load %arg11[%get3A_1394, %get3A_1395] {strides = array<i32>} : memref<80x128xf32, #tpu.memory_space<vmem>>, vector<1x16xf32>,
          %get3A_1397 = vector.shape_cast %get3A_1396 : vector<1x16xf32> to vector<16xf32>
          %mul3A_1398 = arith.mulf %get3A_1397, %gather3A_1329 : vector<16xf32>
          %swap3A_1399 = arith.index_cast %add3A_1333 : i32 to index
          %swap3A_1400 = arith.constant 96 : index
          %swap3A_1401 = tpu.vector_load %arg11[%swap3A_1399, %swap3A_1400] {strides = array<i32>} : memref<80x128xf32, #tpu.memory_space<vmem>>, vector<1x16xf32>,
          %swap3A_1402 = vector.shape_cast %swap3A_1401 : vector<1x16xf32> to vector<16xf32>
          %swap3A_1403 = vector.shape_cast %mul3A_1398 : vector<16xf32> to vector<1x16xf32>
          tpu.vector_store %arg11[%swap3A_1399, %swap3A_1400], %swap3A_1403 {strides = array<i32>} : memref<80x128xf32, #tpu.memory_space<vmem>>, vector<1x16xf32>,
          %get3A_1404 = arith.index_cast %add3A_1333 : i32 to index
          %get3A_1405 = arith.constant 112 : index
          %get3A_1406 = tpu.vector_load %arg11[%get3A_1404, %get3A_1405] {strides = array<i32>} : memref<80x128xf32, #tpu.memory_space<vmem>>, vector<1x16xf32>,
          %get3A_1407 = vector.shape_cast %get3A_1406 : vector<1x16xf32> to vector<16xf32>
          %mul3A_1408 = arith.mulf %get3A_1407, %gather3A_1329 : vector<16xf32>
          %swap3A_1409 = arith.index_cast %add3A_1333 : i32 to index
          %swap3A_1410 = arith.constant 112 : index
          %swap3A_1411 = tpu.vector_load %arg11[%swap3A_1409, %swap3A_1410] {strides = array<i32>} : memref<80x128xf32, #tpu.memory_space<vmem>>, vector<1x16xf32>,
          %swap3A_1412 = vector.shape_cast %swap3A_1411 : vector<1x16xf32> to vector<16xf32>
          %swap3A_1413 = vector.shape_cast %mul3A_1408 : vector<16xf32> to vector<1x16xf32>
          tpu.vector_store %arg11[%swap3A_1409, %swap3A_1410], %swap3A_1413 {strides = array<i32>} : memref<80x128xf32, #tpu.memory_space<vmem>>, vector<1x16xf32>,
          %gather3A_1414 = vector.shape_cast %broadcast_in_dim3A_40 : vector<16x1xi32> to vector<16xi32>
          %gather3A_1415 = tpu.dynamic_gather %get3A_125[%gather3A_1414] in [0] : vector<16xf32>, vector<16xi32> -> vector<16xf32>
          %mul3A_1416 = arith.constant 16 : i32
          %mul3A_1417 = arith.muli %scan3A_120, %mul3A_1416 : i32
          %add3A_1418 = arith.constant 15 : i32
          %add3A_1419 = arith.addi %mul3A_1417, %add3A_1418 : i32
          %get3A_1420 = arith.index_cast %add3A_1419 : i32 to index
          %get3A_1421 = arith.constant 0 : index
          %get3A_1422 = tpu.vector_load %arg11[%get3A_1420, %get3A_1421] {strides = array<i32>} : memref<80x128xf32, #tpu.memory_space<vmem>>, vector<1x16xf32>,
          %get3A_1423 = vector.shape_cast %get3A_1422 : vector<1x16xf32> to vector<16xf32>
          %mul3A_1424 = arith.mulf %get3A_1423, %gather3A_1415 : vector<16xf32>
          %swap3A_1425 = arith.index_cast %add3A_1419 : i32 to index
          %swap3A_1426 = arith.constant 0 : index
          %swap3A_1427 = tpu.vector_load %arg11[%swap3A_1425, %swap3A_1426] {strides = array<i32>} : memref<80x128xf32, #tpu.memory_space<vmem>>, vector<1x16xf32>,
          %swap3A_1428 = vector.shape_cast %swap3A_1427 : vector<1x16xf32> to vector<16xf32>
          %swap3A_1429 = vector.shape_cast %mul3A_1424 : vector<16xf32> to vector<1x16xf32>
          tpu.vector_store %arg11[%swap3A_1425, %swap3A_1426], %swap3A_1429 {strides = array<i32>} : memref<80x128xf32, #tpu.memory_space<vmem>>, vector<1x16xf32>,
          %get3A_1430 = arith.index_cast %add3A_1419 : i32 to index
          %get3A_1431 = arith.constant 16 : index
          %get3A_1432 = tpu.vector_load %arg11[%get3A_1430, %get3A_1431] {strides = array<i32>} : memref<80x128xf32, #tpu.memory_space<vmem>>, vector<1x16xf32>,
          %get3A_1433 = vector.shape_cast %get3A_1432 : vector<1x16xf32> to vector<16xf32>
          %mul3A_1434 = arith.mulf %get3A_1433, %gather3A_1415 : vector<16xf32>
          %swap3A_1435 = arith.index_cast %add3A_1419 : i32 to index
          %swap3A_1436 = arith.constant 16 : index
          %swap3A_1437 = tpu.vector_load %arg11[%swap3A_1435, %swap3A_1436] {strides = array<i32>} : memref<80x128xf32, #tpu.memory_space<vmem>>, vector<1x16xf32>,
          %swap3A_1438 = vector.shape_cast %swap3A_1437 : vector<1x16xf32> to vector<16xf32>
          %swap3A_1439 = vector.shape_cast %mul3A_1434 : vector<16xf32> to vector<1x16xf32>
          tpu.vector_store %arg11[%swap3A_1435, %swap3A_1436], %swap3A_1439 {strides = array<i32>} : memref<80x128xf32, #tpu.memory_space<vmem>>, vector<1x16xf32>,
          %get3A_1440 = arith.index_cast %add3A_1419 : i32 to index
          %get3A_1441 = arith.constant 32 : index
          %get3A_1442 = tpu.vector_load %arg11[%get3A_1440, %get3A_1441] {strides = array<i32>} : memref<80x128xf32, #tpu.memory_space<vmem>>, vector<1x16xf32>,
          %get3A_1443 = vector.shape_cast %get3A_1442 : vector<1x16xf32> to vector<16xf32>
          %mul3A_1444 = arith.mulf %get3A_1443, %gather3A_1415 : vector<16xf32>
          %swap3A_1445 = arith.index_cast %add3A_1419 : i32 to index
          %swap3A_1446 = arith.constant 32 : index
          %swap3A_1447 = tpu.vector_load %arg11[%swap3A_1445, %swap3A_1446] {strides = array<i32>} : memref<80x128xf32, #tpu.memory_space<vmem>>, vector<1x16xf32>,
          %swap3A_1448 = vector.shape_cast %swap3A_1447 : vector<1x16xf32> to vector<16xf32>
          %swap3A_1449 = vector.shape_cast %mul3A_1444 : vector<16xf32> to vector<1x16xf32>
          tpu.vector_store %arg11[%swap3A_1445, %swap3A_1446], %swap3A_1449 {strides = array<i32>} : memref<80x128xf32, #tpu.memory_space<vmem>>, vector<1x16xf32>,
          %get3A_1450 = arith.index_cast %add3A_1419 : i32 to index
          %get3A_1451 = arith.constant 48 : index
          %get3A_1452 = tpu.vector_load %arg11[%get3A_1450, %get3A_1451] {strides = array<i32>} : memref<80x128xf32, #tpu.memory_space<vmem>>, vector<1x16xf32>,
          %get3A_1453 = vector.shape_cast %get3A_1452 : vector<1x16xf32> to vector<16xf32>
          %mul3A_1454 = arith.mulf %get3A_1453, %gather3A_1415 : vector<16xf32>
          %swap3A_1455 = arith.index_cast %add3A_1419 : i32 to index
          %swap3A_1456 = arith.constant 48 : index
          %swap3A_1457 = tpu.vector_load %arg11[%swap3A_1455, %swap3A_1456] {strides = array<i32>} : memref<80x128xf32, #tpu.memory_space<vmem>>, vector<1x16xf32>,
          %swap3A_1458 = vector.shape_cast %swap3A_1457 : vector<1x16xf32> to vector<16xf32>
          %swap3A_1459 = vector.shape_cast %mul3A_1454 : vector<16xf32> to vector<1x16xf32>
          tpu.vector_store %arg11[%swap3A_1455, %swap3A_1456], %swap3A_1459 {strides = array<i32>} : memref<80x128xf32, #tpu.memory_space<vmem>>, vector<1x16xf32>,
          %get3A_1460 = arith.index_cast %add3A_1419 : i32 to index
          %get3A_1461 = arith.constant 64 : index
          %get3A_1462 = tpu.vector_load %arg11[%get3A_1460, %get3A_1461] {strides = array<i32>} : memref<80x128xf32, #tpu.memory_space<vmem>>, vector<1x16xf32>,
          %get3A_1463 = vector.shape_cast %get3A_1462 : vector<1x16xf32> to vector<16xf32>
          %mul3A_1464 = arith.mulf %get3A_1463, %gather3A_1415 : vector<16xf32>
          %swap3A_1465 = arith.index_cast %add3A_1419 : i32 to index
          %swap3A_1466 = arith.constant 64 : index
          %swap3A_1467 = tpu.vector_load %arg11[%swap3A_1465, %swap3A_1466] {strides = array<i32>} : memref<80x128xf32, #tpu.memory_space<vmem>>, vector<1x16xf32>,
          %swap3A_1468 = vector.shape_cast %swap3A_1467 : vector<1x16xf32> to vector<16xf32>
          %swap3A_1469 = vector.shape_cast %mul3A_1464 : vector<16xf32> to vector<1x16xf32>
          tpu.vector_store %arg11[%swap3A_1465, %swap3A_1466], %swap3A_1469 {strides = array<i32>} : memref<80x128xf32, #tpu.memory_space<vmem>>, vector<1x16xf32>,
          %get3A_1470 = arith.index_cast %add3A_1419 : i32 to index
          %get3A_1471 = arith.constant 80 : index
          %get3A_1472 = tpu.vector_load %arg11[%get3A_1470, %get3A_1471] {strides = array<i32>} : memref<80x128xf32, #tpu.memory_space<vmem>>, vector<1x16xf32>,
          %get3A_1473 = vector.shape_cast %get3A_1472 : vector<1x16xf32> to vector<16xf32>
          %mul3A_1474 = arith.mulf %get3A_1473, %gather3A_1415 : vector<16xf32>
          %swap3A_1475 = arith.index_cast %add3A_1419 : i32 to index
          %swap3A_1476 = arith.constant 80 : index
          %swap3A_1477 = tpu.vector_load %arg11[%swap3A_1475, %swap3A_1476] {strides = array<i32>} : memref<80x128xf32, #tpu.memory_space<vmem>>, vector<1x16xf32>,
          %swap3A_1478 = vector.shape_cast %swap3A_1477 : vector<1x16xf32> to vector<16xf32>
          %swap3A_1479 = vector.shape_cast %mul3A_1474 : vector<16xf32> to vector<1x16xf32>
          tpu.vector_store %arg11[%swap3A_1475, %swap3A_1476], %swap3A_1479 {strides = array<i32>} : memref<80x128xf32, #tpu.memory_space<vmem>>, vector<1x16xf32>,
          %get3A_1480 = arith.index_cast %add3A_1419 : i32 to index
          %get3A_1481 = arith.constant 96 : index
          %get3A_1482 = tpu.vector_load %arg11[%get3A_1480, %get3A_1481] {strides = array<i32>} : memref<80x128xf32, #tpu.memory_space<vmem>>, vector<1x16xf32>,
          %get3A_1483 = vector.shape_cast %get3A_1482 : vector<1x16xf32> to vector<16xf32>
          %mul3A_1484 = arith.mulf %get3A_1483, %gather3A_1415 : vector<16xf32>
          %swap3A_1485 = arith.index_cast %add3A_1419 : i32 to index
          %swap3A_1486 = arith.constant 96 : index
          %swap3A_1487 = tpu.vector_load %arg11[%swap3A_1485, %swap3A_1486] {strides = array<i32>} : memref<80x128xf32, #tpu.memory_space<vmem>>, vector<1x16xf32>,
          %swap3A_1488 = vector.shape_cast %swap3A_1487 : vector<1x16xf32> to vector<16xf32>
          %swap3A_1489 = vector.shape_cast %mul3A_1484 : vector<16xf32> to vector<1x16xf32>
          tpu.vector_store %arg11[%swap3A_1485, %swap3A_1486], %swap3A_1489 {strides = array<i32>} : memref<80x128xf32, #tpu.memory_space<vmem>>, vector<1x16xf32>,
          %get3A_1490 = arith.index_cast %add3A_1419 : i32 to index
          %get3A_1491 = arith.constant 112 : index
          %get3A_1492 = tpu.vector_load %arg11[%get3A_1490, %get3A_1491] {strides = array<i32>} : memref<80x128xf32, #tpu.memory_space<vmem>>, vector<1x16xf32>,
          %get3A_1493 = vector.shape_cast %get3A_1492 : vector<1x16xf32> to vector<16xf32>
          %mul3A_1494 = arith.mulf %get3A_1493, %gather3A_1415 : vector<16xf32>
          %swap3A_1495 = arith.index_cast %add3A_1419 : i32 to index
          %swap3A_1496 = arith.constant 112 : index
          %swap3A_1497 = tpu.vector_load %arg11[%swap3A_1495, %swap3A_1496] {strides = array<i32>} : memref<80x128xf32, #tpu.memory_space<vmem>>, vector<1x16xf32>,
          %swap3A_1498 = vector.shape_cast %swap3A_1497 : vector<1x16xf32> to vector<16xf32>
          %swap3A_1499 = vector.shape_cast %mul3A_1494 : vector<16xf32> to vector<1x16xf32>
          tpu.vector_store %arg11[%swap3A_1495, %swap3A_1496], %swap3A_1499 {strides = array<i32>} : memref<80x128xf32, #tpu.memory_space<vmem>>, vector<1x16xf32>,
        }
        %scan3A_119 = arith.constant 5 : i32
        "tpu.region"() ({
          %run_scoped3A = tpu.sem_alloc : memref<!tpu.dma_semaphore, #tpu.memory_space<semaphore_mem>>
          %dma_start3A_120 = arith.constant 0 : i32
          %dma_start3A_121 = tpu.memref_slice %arg8[%add3A_98, %dma_start3A_120] : memref<50x80xi32, #tpu.memory_space<vmem>> -> memref<1x80xi32, #tpu.memory_space<vmem>>
          %dma_start3A_122 = tpu.memref_squeeze %dma_start3A_121 : memref<1x80xi32, #tpu.memory_space<vmem>> -> memref<80xi32, #tpu.memory_space<vmem>>
          %dma_start3A_123 = arith.constant 0 : i32
          %dma_start3A_124 = arith.constant 0 : i32
          %dma_start3A_125 = tpu.memref_slice %arg12[%dma_start3A_123, %dma_start3A_124] : memref<10000x128xf32, #tpu.memory_space<vmem_shared>> -> memref<10000x128xf32, #tpu.memory_space<vmem_shared>>
          tpu.enqueue_indirect_dma source(%arg11 : memref<80x128xf32, #tpu.memory_space<vmem>>) target(%dma_start3A_125 : memref<10000x128xf32, #tpu.memory_space<vmem_shared>>) offsets(%dma_start3A_122 : memref<80xi32, #tpu.memory_space<vmem>>) semaphore(%run_scoped3A : memref<!tpu.dma_semaphore, #tpu.memory_space<semaphore_mem>>) {add = true}
          %dma_wait3A_126 = arith.constant 0 : i32
          %dma_wait3A_127 = tpu.memref_slice %arg8[%add3A_98, %dma_wait3A_126] : memref<50x80xi32, #tpu.memory_space<vmem>> -> memref<1x80xi32, #tpu.memory_space<vmem>>
          %dma_wait3A_128 = tpu.memref_squeeze %dma_wait3A_127 : memref<1x80xi32, #tpu.memory_space<vmem>> -> memref<80xi32, #tpu.memory_space<vmem>>
          %dma_wait3A_129 = arith.constant 0 : i32
          %dma_wait3A_130 = arith.constant 0 : i32
          %dma_wait3A_131 = tpu.memref_slice %arg12[%dma_wait3A_129, %dma_wait3A_130] : memref<10000x128xf32, #tpu.memory_space<vmem_shared>> -> memref<10000x128xf32, #tpu.memory_space<vmem_shared>>
          tpu.wait_indirect_dma semaphore(%run_scoped3A : memref<!tpu.dma_semaphore, #tpu.memory_space<semaphore_mem>>) src(%arg11 : memref<80x128xf32, #tpu.memory_space<vmem>>) dst(%dma_wait3A_131 : memref<10000x128xf32, #tpu.memory_space<vmem_shared>>)
          tpu.yield
        }) : () -> ()
      }
      %scan3A_63 = arith.constant 25 : i32
      %dma_wait3A = arith.constant 0 : i32
      %dma_wait3A_64 = arith.constant 0 : i32
      %dma_wait3A_65 = tpu.memref_slice %arg7[%dma_wait3A, %dma_wait3A_64] : memref<50x80xi32, #tpu.memory_space<vmem>> -> memref<1x80xi32, #tpu.memory_space<vmem>>
      %dma_wait3A_66 = tpu.memref_squeeze %dma_wait3A_65 : memref<1x80xi32, #tpu.memory_space<vmem>> -> memref<80xi32, #tpu.memory_space<vmem>>
      %dma_wait3A_67 = arith.constant 0 : i32
      %dma_wait3A_68 = arith.constant 0 : i32
      %dma_wait3A_69 = tpu.memref_slice %arg2[%dma_wait3A_67, %dma_wait3A_68] : memref<20000x128xf32, #tpu.memory_space<hbm>> -> memref<20000x128xf32, #tpu.memory_space<hbm>>
      tpu.wait_indirect_dma semaphore(%arg13 : memref<!tpu.dma_semaphore, #tpu.memory_space<semaphore_mem>>) src(%dma_wait3A_69 : memref<20000x128xf32, #tpu.memory_space<hbm>>) dst(%arg10 : memref<80x128xf32, #tpu.memory_space<vmem>>)
    }
    %scan3A_45 = arith.constant 5 : i32
    %barrier3A_46 = arith.constant 0 : index
    tpu.barrier barrier_id(%barrier3A_46)
    %scan3A_47 = arith.constant 0 : i32
    %scan3A_48 = arith.constant 8 : i32
    %scan3A_49 = arith.addi %scan3A_47, %scan3A_48 : i32
    %scan3A_50 = arith.constant 1 : i32
    scf.for %scan3A_52 = %scan3A_47 to %scan3A_49 step %scan3A_50  : i32 {
      %mul3A_53 = arith.constant 8 : i32
      %mul3A_54 = arith.muli %arg1, %mul3A_53 : i32
      %add3A_55 = arith.addi %mul3A_54, %scan3A_52 : i32
      %mul3A_56 = arith.constant 80 : i32
      %mul3A_57 = arith.muli %add3A_55, %mul3A_56 : i32
      %lt3A = arith.constant 10000 : i32
      %lt3A_58 = arith.cmpi slt, %mul3A_57, %lt3A : i32
      %convert_element_type3A = arith.extui %lt3A_58 : i1 to i32
      %cond3A = arith.constant 0 : i32
      %cond3A_59 = arith.cmpi ne, %convert_element_type3A, %cond3A : i32
      scf.if %cond3A_59 {
        %mul3A_60 = arith.constant 80 : i32
        %mul3A_61 = arith.muli %add3A_55, %mul3A_60 : i32
        %mul3A_62 = arith.constant 80 : i32
        %mul3A_63 = arith.muli %add3A_55, %mul3A_62 : i32
        "tpu.region"() ({
          %run_scoped3A = tpu.sem_alloc : memref<!tpu.dma_semaphore, #tpu.memory_space<semaphore_mem>>
          %dma_start3A = arith.constant 0 : i32
          %dma_start3A_64 = tpu.memref_slice %arg6[%arg0, %mul3A_63, %dma_start3A] : memref<2x10000x128xf32, #tpu.memory_space<hbm>> -> memref<1x80x128xf32, #tpu.memory_space<hbm>>
          %dma_start3A_65 = tpu.memref_squeeze %dma_start3A_64 : memref<1x80x128xf32, #tpu.memory_space<hbm>> -> memref<80x128xf32, #tpu.memory_space<hbm>>
          %dma_start3A_66 = arith.constant 0 : i32
          %dma_start3A_67 = tpu.memref_slice %arg12[%mul3A_61, %dma_start3A_66] : memref<10000x128xf32, #tpu.memory_space<vmem_shared>> -> memref<80x128xf32, #tpu.memory_space<vmem_shared>>
          tpu.enqueue_dma source(%dma_start3A_67 : memref<80x128xf32, #tpu.memory_space<vmem_shared>>) target(%dma_start3A_65 : memref<80x128xf32, #tpu.memory_space<hbm>>) target_semaphore(%run_scoped3A : memref<!tpu.dma_semaphore, #tpu.memory_space<semaphore_mem>>)
          %dma_wait3A = arith.constant 0 : i32
          %dma_wait3A_68 = tpu.memref_slice %arg6[%arg0, %mul3A_63, %dma_wait3A] : memref<2x10000x128xf32, #tpu.memory_space<hbm>> -> memref<1x80x128xf32, #tpu.memory_space<hbm>>
          %dma_wait3A_69 = tpu.memref_squeeze %dma_wait3A_68 : memref<1x80x128xf32, #tpu.memory_space<hbm>> -> memref<80x128xf32, #tpu.memory_space<hbm>>
          %dma_wait3A_70 = arith.constant 0 : i32
          %dma_wait3A_71 = tpu.memref_slice %arg12[%mul3A_61, %dma_wait3A_70] : memref<10000x128xf32, #tpu.memory_space<vmem_shared>> -> memref<80x128xf32, #tpu.memory_space<vmem_shared>>
          tpu.wait_dma2 semaphore(%run_scoped3A : memref<!tpu.dma_semaphore, #tpu.memory_space<semaphore_mem>>) src(%dma_wait3A_71 : memref<80x128xf32, #tpu.memory_space<vmem_shared>>) dst(%dma_wait3A_69 : memref<80x128xf32, #tpu.memory_space<hbm>>)
          tpu.yield
        }) : () -> ()
      } else {
      }
    }
    %scan3A_51 = arith.constant 8 : i32
    return
  }
}

module attributes {stable_mosaic.version = 14 : i64} {
  func.func @_prep_body(%arg0: i32, %arg1: i32, %arg2: memref<1xf32, #tpu.memory_space<smem>>, %arg3: memref<2000x128xf32, #tpu.memory_space<vmem>>, %arg4: memref<1x128x128xf32, #tpu.memory_space<vmem>>, %arg5: memref<2000x128xf32, #tpu.memory_space<vmem>>) attributes {dimension_semantics = [#tpu.dimension_semantics<arbitrary>, #tpu.dimension_semantics<arbitrary>], iteration_bounds = array<i64: 2, 5>, scalar_prefetch = 0 : i64, scratch_operands = 0 : i64, tpu.core_type = #tpu.core_type<tc>, window_params = [{transform_indices = @transform_0, window_bounds = array<i64: 1>}, {transform_indices = @transform_1, window_bounds = array<i64: 2000, 128>}, {transform_indices = @transform_2, window_bounds = array<i64: 1, 128, 128>}, {transform_indices = @transform_3, window_bounds = array<i64: 2000, 128>}]} {
    %get3A = arith.constant 0 : index
    %get3A_0 = memref.load %arg2[%get3A] : memref<1xf32, #tpu.memory_space<smem>>
    %logistic3A = arith.negf %get3A_0 : f32
    %logistic3A_1 = math.exp %logistic3A : f32
    %logistic3A_2 = arith.constant 1.000000e+00 : f32
    %logistic3A_3 = arith.addf %logistic3A_2, %logistic3A_1 : f32
    %logistic3A_4 = arith.divf %logistic3A_2, %logistic3A_3 : f32
    %eq3A = arith.constant 0 : i32
    %eq3A_5 = arith.cmpi eq, %arg0, %eq3A : i32
    %sub3A = arith.constant 1.000000e+00 : f32
    %sub3A_6 = arith.subf %sub3A, %logistic3A_4 : f32
    %select_n3A = arith.select %eq3A_5, %logistic3A_4, %sub3A_6 : f32
    %get3A_7 = arith.constant 0 : index
    %get3A_8 = arith.constant 0 : index
    %get3A_9 = vector.load %arg3[%get3A_7, %get3A_8] : memref<2000x128xf32, #tpu.memory_space<vmem>>, vector<2000x128xf32>
    %get3A_10 = arith.constant 0 : index
    %get3A_11 = arith.constant 0 : index
    %get3A_12 = arith.constant 0 : index
    %get3A_13 = vector.load %arg4[%get3A_10, %get3A_11, %get3A_12] : memref<1x128x128xf32, #tpu.memory_space<vmem>>, vector<1x128x128xf32>
    %get3A_14 = vector.shape_cast %get3A_13 : vector<1x128x128xf32> to vector<128x128xf32>
    %transpose3A = tpu.transpose %get3A_14, [1, 0] : vector<128x128xf32> -> vector<128x128xf32>
    %dot_general3A = arith.constant dense<0.000000e+00> : vector<2000x128xf32>
    %dot_general3A_15 = tpu.matmul %get3A_9, %transpose3A, %dot_general3A {dimension_numbers = #tpu.dot_dimension_numbers<[1], [0], [0], [1], [0, 0, 1, 1], [], []>, transpose_lhs_hint = false} : vector<2000x128xf32>, vector<128x128xf32>, vector<2000x128xf32> -> vector<2000x128xf32>
    %mul3A = vector.broadcast %select_n3A : f32 to vector<2000x128xf32>
    %mul3A_16 = arith.mulf %mul3A, %dot_general3A_15 : vector<2000x128xf32>
    %swap3A = arith.constant 0 : index
    %swap3A_17 = arith.constant 0 : index
    %swap3A_18 = vector.load %arg5[%swap3A, %swap3A_17] : memref<2000x128xf32, #tpu.memory_space<vmem>>, vector<2000x128xf32>
    tpu.vector_store %arg5[%swap3A, %swap3A_17], %mul3A_16 {strides = array<i32>} : memref<2000x128xf32, #tpu.memory_space<vmem>>, vector<2000x128xf32>,
    return
  }
  func.func @transform_0(%arg0: i32, %arg1: i32) -> i32 {
    %c0_i32 = arith.constant 0 : i32
    %c0_i32_0 = arith.constant 0 : i32
    return %c0_i32 : i32
  }
  func.func @transform_1(%arg0: i32, %arg1: i32) -> (i32, i32) {
    %c0_i32 = arith.constant 0 : i32
    %c0_i32_0 = arith.constant 0 : i32
    return %arg1, %c0_i32 : i32, i32
  }
  func.func @transform_2(%arg0: i32, %arg1: i32) -> (i32, i32, i32) {
    %c0_i32 = arith.constant 0 : i32
    %c0_i32_0 = arith.constant 0 : i32
    %c0_i32_1 = arith.constant 0 : i32
    return %arg0, %c0_i32, %c0_i32_0 : i32, i32, i32
  }
  func.func @transform_3(%arg0: i32, %arg1: i32) -> (i32, i32) {
    %mul3A = arith.constant 5 : i32
    %mul3A_0 = arith.muli %arg0, %mul3A : i32
    %add3A = arith.addi %mul3A_0, %arg1 : i32
    %c0_i32 = arith.constant 0 : i32
    %c0_i32_1 = arith.constant 0 : i32
    return %add3A, %c0_i32 : i32, i32
  }
}

module attributes {stable_mosaic.version = 14 : i64} {
  func.func @_finish_body(%arg0: i32, %arg1: memref<2x2000x128xf32, #tpu.memory_space<vmem>>, %arg2: memref<1x128xf32, #tpu.memory_space<vmem>>, %arg3: memref<2000x128xf32, #tpu.memory_space<vmem>>) attributes {dimension_semantics = [#tpu.dimension_semantics<arbitrary>], iteration_bounds = array<i64: 5>, scalar_prefetch = 0 : i64, scratch_operands = 0 : i64, tpu.core_type = #tpu.core_type<tc>, window_params = [{transform_indices = @transform_0, window_bounds = array<i64: 2, 2000, 128>}, {pipeline_mode = #tpu.pipeline_mode<synchronous>, transform_indices = @transform_1, window_bounds = array<i64: 1, 128>}, {transform_indices = @transform_2, window_bounds = array<i64: 2000, 128>}]} {
    %get3A = arith.constant 0 : index
    %get3A_0 = arith.constant 0 : index
    %get3A_1 = arith.constant 0 : index
    %get3A_2 = vector.load %arg1[%get3A, %get3A_0, %get3A_1] : memref<2x2000x128xf32, #tpu.memory_space<vmem>>, vector<1x2000x128xf32>
    %get3A_3 = vector.shape_cast %get3A_2 : vector<1x2000x128xf32> to vector<2000x128xf32>
    %get3A_4 = arith.constant 1 : index
    %get3A_5 = arith.constant 0 : index
    %get3A_6 = arith.constant 0 : index
    %get3A_7 = vector.load %arg1[%get3A_4, %get3A_5, %get3A_6] : memref<2x2000x128xf32, #tpu.memory_space<vmem>>, vector<1x2000x128xf32>
    %get3A_8 = vector.shape_cast %get3A_7 : vector<1x2000x128xf32> to vector<2000x128xf32>
    %add3A = arith.addf %get3A_3, %get3A_8 : vector<2000x128xf32>
    %get3A_9 = arith.constant 0 : index
    %get3A_10 = arith.constant 0 : index
    %get3A_11 = vector.load %arg2[%get3A_9, %get3A_10] : memref<1x128xf32, #tpu.memory_space<vmem>>, vector<1x128xf32>
    %add3A_12 = vector.broadcast %get3A_11 : vector<1x128xf32> to vector<2000x128xf32>
    %add3A_13 = arith.addf %add3A, %add3A_12 : vector<2000x128xf32>
    %max3A = arith.constant 0.000000e+00 : f32
    %max3A_14 = vector.broadcast %max3A : f32 to vector<2000x128xf32>
    %max3A_15 = arith.maximumf %add3A_13, %max3A_14 : vector<2000x128xf32>
    %swap3A = arith.constant 0 : index
    %swap3A_16 = arith.constant 0 : index
    %swap3A_17 = vector.load %arg3[%swap3A, %swap3A_16] : memref<2000x128xf32, #tpu.memory_space<vmem>>, vector<2000x128xf32>
    tpu.vector_store %arg3[%swap3A, %swap3A_16], %max3A_15 {strides = array<i32>} : memref<2000x128xf32, #tpu.memory_space<vmem>>, vector<2000x128xf32>,
    return
  }
  func.func @transform_0(%arg0: i32) -> (i32, i32, i32) {
    %c0_i32 = arith.constant 0 : i32
    %c0_i32_0 = arith.constant 0 : i32
    %c0_i32_1 = arith.constant 0 : i32
    return %c0_i32, %arg0, %c0_i32_0 : i32, i32, i32
  }
  func.func @transform_1(%arg0: i32) -> (i32, i32) {
    %c0_i32 = arith.constant 0 : i32
    %c0_i32_0 = arith.constant 0 : i32
    %c0_i32_1 = arith.constant 0 : i32
    return %c0_i32, %c0_i32_0 : i32, i32
  }
  func.func @transform_2(%arg0: i32) -> (i32, i32) {
    %c0_i32 = arith.constant 0 : i32
    %c0_i32_0 = arith.constant 0 : i32
    return %arg0, %c0_i32 : i32, i32
  }
}

</mosaic_0001>

<sc_bundles>
// kernel: kernel.5.cloned.1.call-start
scs
__scs_entry_jumppad:
0x0: {  	(pc) =	sbr.rel $0x88, $3  }
0x1: {  	(tag) =	ssettag $0x0;
	lr =	simm.s32 $0x1  }
0x2: {  	[smem:$0x3F98] =	sst lr;
	_ =	strace $0xD0000000  }
0x3: {  	_ = 	snop  }
0x4: {  	_ = 	snop  }
0x5: {  	_ = 	snop  }
0x6: {  	_ = 	snop  }
0x7: {  	_ = 	snop  }
__scs_overlays_trampoline_lowered:
0x8: {  	[smem:$0x3FA7] =	sst s0  }
0x9: {  	[smem:$0x3FA8] =	sst s1  }
0xa: {  	[smem:$0x3FA9] =	sst s2  }
0xb: {  	[smem:$0x3FAA] =	sst s3  }
0xc: {  	[smem:$0x3FAB] =	sst s4  }
0xd: {  	[smem:$0x3FAC] =	sst s5  }
0xe: {  	[smem:$0x3FAD] =	sst s6  }
0xf: {  	[smem:$0x3FAE] =	sst s7  }
0x10: {  	[smem:$0x3FAF] =	sst s8  }
0x11: {  	[smem:$0x3FB0] =	sst s9;
	s0 =	simm.s32 @!p0 $0x0  }
0x12: {  	s1 =	sld [smem:$0x3F96];
	s0 =	simm.s32 @p0 $0x1  }
0x13: {  	[smem:$0x3FB1] =	sst s0;
	s0 =	simm.s32 @!p1 $0x0  }
0x14: {  	s2 =	sld [smem:$0x3F95];
	s0 =	simm.s32 @p1 $0x1  }
0x15: {  	[smem:$0x3FB2] =	sst s0;
	s0 =	simm.s32 @!p2 $0x0  }
0x16: {  	s3 =	sld [smem:$0x3FDB];
	s0 =	simm.s32 @p2 $0x1  }
0x17: {  	s4 =	simm.s32 $0x1BF5;
	[smem:$0x3FB4] =	sst s0  }
0x18: {  	s0 =	sld [smem:$0x3F97];
	_ =	swait.ge [sflag:s4], $0x0  }
0x19: {  	s7 =	sld [smem:$0x3F98]  }
0x1a: {  	s8 =	sadd.s32 $0xFFFFE003, lr  }
0x1b: {  	s9 =	sadd.s32 $0xFFFFFEF7, lr;
	s5 =	simm.s32 $0xFFFFFFFF;
	p2 =	slt.u32 s8, $0xFFFFF086  }
0x1c: {  	p1 =	slt.u32 s9, $0xF7A;
	s5 =	simm.s32 @!p2 $0x0  }
0x1d: {  	s5 =	simm.s32 @p1 $0x1;
	p0 =	seq.s32 s7, s2  }
0x1e: {  	s7 =	smul.u32 @!p0 $0xF7A, s2;
	p2 =	seq.s32 @!p0 s5, $0x0  }
0x1f: {  	s9 =	smul.u32 $0xF7A, s1;
	s8 =	simm.s32 @!p0 $0x1BF5;
	p2 =	por !p2, p0  }
0x20: {  	[sflag:s8] =	ssyncset.s32 @!p0 $0xFFFFF086;
	s6 =	sadd.s32 @!p0 s3, s7;
	s7 =	simm.s32 @!p0 $0x108  }
0x21: {  	s3 =	sadd.s32 s3, s9;
	s6 =	sadd.s32 @!p0 $0x88, s6;
	s7 =	simm.s32 @p2 $0x1082  }
0x22: {  	[simem:s7], [sflag:s8] =	dma.local @!p0 [hbm:s6], $0xF7A  }
0x23: {  	s9 =	sor.u32 $0xD0000000, s2;
	s6 =	simm.s32 $0x108;
	_ =	swait.ge @!p0 [sflag:s8], $0x0  }
0x24: {  	s3 =	sadd.s32 $0x88, s3;
	s6 =	simm.s32 @!p1 $0x1082;
	[sflag:s4] =	ssyncset.s32 $0xFFFFF086  }
0x25: {  	[simem:s6], [sflag:s4] =	dma.local [hbm:s3], $0xF7A  }
0x26: {  	[smem:$0x3F98] =	sst s1;
	(tag) =	ssettag s2;
	_ =	strace s9  }
0x27: {  	s1 =	sld [smem:$0x3FA8]  }
0x28: {  	s2 =	sld [smem:$0x3FA9]  }
0x29: {  	s4 =	sld [smem:$0x3FAB]  }
0x2a: {  	p0 =	seq.s32 s5, $0x0;
	s5 =	sld [smem:$0x3FAC]  }
0x2b: {  	s6 =	sld [smem:$0x3FAD]  }
0x2c: {  	s7 =	sld [smem:$0x3FAE]  }
0x2d: {  	s3 =	simm.s32 $0x108;
	s8 =	sld [smem:$0x3FAF]  }
0x2e: {  	s3 =	simm.s32 @!p0 $0x1082;
	s9 =	sld [smem:$0x3FB0]  }
0x2f: {  	lr =	sadd.s32 s0, s3;
	s0 =	sld [smem:$0x3FA7]  }
0x30: {  	s3 =	sld [smem:$0x3FAA]  }
0x31: {  	[smem:$0x3FB3] =	sst s10  }
0x32: {  	s10 =	sld [smem:$0x3FB1];
	_ =	sdelay $0x3  }
0x33: {  	p0 =	seq.s32 s10, $0x1;
	s10 =	sld [smem:$0x3FB3];
	_ =	sdelay $0x3  }
0x34: {  	[smem:$0x3FB3] =	sst s10  }
0x35: {  	s10 =	sld [smem:$0x3FB2];
	_ =	sdelay $0x3  }
0x36: {  	p1 =	seq.s32 s10, $0x1;
	s10 =	sld [smem:$0x3FB3];
	_ =	sdelay $0x3  }
0x37: {  	[smem:$0x3FB3] =	sst s10  }
0x38: {  	s10 =	sld [smem:$0x3FB4]  }
0x39: {  	_ = 	snop;
	(pc) =	sbr.ind lr, $3  }
0x3a: {  	_ = 	snop  }
0x3b: {  	_ = 	snop  }
0x3c: {  	p2 =	seq.s32 s10, $0x1;
	s10 =	sld [smem:$0x3FB3]  }
0x3d: {  	_ =	shalt  }
0x3e: {  	_ =	shalt  }
0x3f: {  	_ =	shalt  }
0x40: {  	_ =	shalt  }
0x41: {  	_ =	shalt  }
0x42: {  	_ =	shalt  }
0x43: {  	_ =	shalt  }
0x44: {  	_ =	shalt  }
0x45: {  	_ =	shalt  }
0x46: {  	_ =	shalt  }
0x47: {  	_ =	shalt  }
0x48: {  	_ =	shalt  }
0x49: {  	_ =	shalt  }
0x4a: {  	_ =	shalt  }
0x4b: {  	_ =	shalt  }
0x4c: {  	_ =	shalt  }
0x4d: {  	_ =	shalt  }
0x4e: {  	_ =	shalt  }
0x4f: {  	_ =	shalt  }
0x50: {  	_ =	shalt  }
0x51: {  	_ =	shalt  }
0x52: {  	_ =	shalt  }
0x53: {  	_ =	shalt  }
0x54: {  	_ =	shalt  }
0x55: {  	_ =	shalt  }
0x56: {  	_ =	shalt  }
0x57: {  	_ =	shalt  }
0x58: {  	_ =	shalt  }
0x59: {  	_ =	shalt  }
0x5a: {  	_ =	shalt  }
0x5b: {  	_ =	shalt  }
0x5c: {  	_ =	shalt  }
0x5d: {  	_ =	shalt  }
0x5e: {  	_ =	shalt  }
0x5f: {  	_ =	shalt  }
0x60: {  	_ =	shalt  }
0x61: {  	_ =	shalt  }
0x62: {  	_ =	shalt  }
0x63: {  	_ =	shalt  }
0x64: {  	_ =	shalt  }
0x65: {  	_ =	shalt  }
0x66: {  	_ =	shalt  }
0x67: {  	_ =	shalt  }
0x68: {  	_ =	shalt  }
0x69: {  	_ =	shalt  }
0x6a: {  	_ =	shalt  }
0x6b: {  	_ =	shalt  }
0x6c: {  	_ =	shalt  }
0x6d: {  	_ =	shalt  }
0x6e: {  	_ =	shalt  }
0x6f: {  	_ =	shalt  }
0x70: {  	_ =	shalt  }
0x71: {  	_ =	shalt  }
0x72: {  	_ =	shalt  }
0x73: {  	_ =	shalt  }
0x74: {  	_ =	shalt  }
0x75: {  	_ =	shalt  }
0x76: {  	_ =	shalt  }
0x77: {  	_ =	shalt  }
0x78: {  	_ =	shalt  }
0x79: {  	_ =	shalt  }
0x7a: {  	_ =	shalt  }
0x7b: {  	_ =	shalt  }
0x7c: {  	_ =	shalt  }
0x7d: {  	_ =	shalt  }
0x7e: {  	_ =	shalt  }
0x7f: {  	_ =	shalt  }
0x80: {  	_ =	shalt  }
0x81: {  	_ =	shalt  }
0x82: {  	_ =	shalt  }
0x83: {  	_ =	shalt  }
0x84: {  	_ =	shalt  }
0x85: {  	_ =	shalt  }
0x86: {  	_ =	shalt  }
0x87: {  	_ =	shalt  }
.Lfunc_end0:
.L_simem_size_0:
called_computation_lowered:
.L_overlay_start_0:
0x88: {  	s2 =	sld [smem:$0x3FD9]  }
0x89: {  	s3 =	sld [smem:$0x3FFE];
	_ =	sdelay $0x1  }
0x8a: {  	s1 =	srdreg.scid  }
0x8b: {  	s0 =	sand.u32 $0x1, s1  }
0x8c: {  	s17 =	sshll.u32 s0, $0xA;
	s2 =	sadd.s32 s3, s2  }
0x8d: {  	s2 =	sadd.s32 s2, s17  }
0x8e: {  	[smem:$0x3FBF] =	sst s2  }
0x8f: {  	_ = 	snop  }
0x90: {  	s2 =	sld [smem:$0x3FD0];
	(tm) =	ssettm $0x1  }
0x91: {  	s18 =	sld [smem:$0x3FFB];
	_ =	sdelay $0x3  }
0x92: {  	_ =	strace s18  }
0x93: {  	s3 =	sld [smem:$0x3FFC];
	_ =	sdelay $0x3  }
0x94: {  	_ =	strace s3  }
0x95: {  	s3 =	sld [smem:$0x3FFD];
	_ =	sdelay $0x3  }
0x96: {  	_ =	strace s3  }
0x97: {  	_ =	strace $0x8FFFFFFF  }
0x98: {  	s19 =	sld [smem:$0x3FDB];
	_ =	sdelay $0x1  }
0x99: {  	s4 =	simm.s32 $_scs_section_size  }
0x9a: {  	s5 =	simm.s32 $_size__tile_overlayer_lowered;
	s6 =	simm.s32 $_tile_overlayer_lowered  }
0x9b: {  	s22 =	simm.s32 $0x1BFF;
	s21 =	sshll.u32 s6, $0x1;
	s3 =	sadd.s32 s4, s19  }
0x9c: {  	s7 =	simm.s32 $0x0;
	s20 =	sshll.u32 s5, $0x1;
	s5 =	sadd.s32 s21, s3  }
0x9d: {  	[timem:s7], [sflag:s22] =	dma.local [hbm:s5], s20  }
0x9e: {  	_ =	swait.ge [sflag:s22], s20  }
0x9f: {  	s4 =	ssub.s32 $0x0, s20;
	[sflag:s22] =	ssyncset.done $0x0  }
0xa0: {  	[sflag:s22] =	ssyncadd.s32 s4;
	_ =	sdelay $0x1  }
0xa1: {  	s23 =	simm.s32 $0x1B8B  }
0xa2: {  	_ =	swait.ge [sflag:s23], $0x1  }
0xa3: {  	[sflag:s23] =	ssyncset.done $0x0  }
0xa4: {  	s25 =	simm.s32 $0x1B8E;
	s24 =	sld [smem:$0x3FFE];
	[sflag:s23] =	ssyncadd.s32 $0xFFFFFFFF  }
0xa5: {  	s26 =	simm.s32 $execute0_lowered;
	[smem:$0x3FD2] =	sst s25  }
0xa6: {  	s5 =	sshll.u32 s26, $0x1;
	_ =	strace $0x80000046;
	[dreg:$0x1] =	wrdreg $0xFFFFFFFF  }
0xa7: {  	s28 =	simm.s32 $_size_execute0_lowered;
	s3 =	sadd.s32 s3, s5;
	[dreg:$0x0] =	wrdreg $0x0  }
0xa8: {  	s5 =	sshll.u32 s28, $0x1;
	[dreg:$0x2] =	wrdreg s3  }
0xa9: {  	[dreg:$0x3] =	wrdreg s5  }
0xaa: {  	[dreg:$0x4] =	wrdreg $0xC0  }
0xab: {  	_ =	task [dreg:s7], $0x5FFFF  }
0xac: {  	[dreg:$0x1] =	wrdreg $0xFFFFFFFF  }
0xad: {  	[dreg:$0x0] =	wrdreg $0x60  }
0xae: {  	[dreg:$0x2] =	wrdreg s24  }
0xaf: {  	[dreg:$0x3] =	wrdreg s2  }
0xb0: {  	[dreg:$0x4] =	wrdreg $0xA4000  }
0xb1: {  	[dreg:$0x5] =	wrdreg $0x9  }
0xb2: {  	_ =	task.clear_ibuf [dreg:s7], $0x6FFFF;
	_ =	strace $0x90000046  }
0xb3: {  	s29 =	simm.s32 $0x9;
	_ =	strace $0x80000048  }
0xb4: {  	_ =	swait.ge [sflag:s29], $0x1  }
0xb5: {  	[sflag:s29] =	ssyncadd.s32 $0xFFFFFFFF  }
0xb6: {  	_ =	strace $0x90000048  }
0xb7: {  	_ =	sfence  }
0xb8: {  	s30 =	sld [smem:$0x0];
	_ =	sdelay $0x2  }
0xb9: {  	s31 =	sshll.u32 s1, $0xD;
	s1 =	sshrl.u32 s1, $0x2  }
0xba: {  	s3 =	sand.u32 $0x4000, s31;
	s1 =	sadd.s32 s1, s30  }
0xbb: {  	s0 =	sor.u32 s3, s0;
	s1 =	sshll.u32 s1, $0x11  }
0xbc: {  	s0 =	sor.u32 s1, s0  }
0xbd: {  	s0 =	sadd.s32 $0x8F2B, s0  }
0xbe: {  	[sflag:s0] =	ssyncadd.remote.s32 $0x1  }
0xbf: {  	_ =	sfence.sel $0xFFFF  }
0xc0: {  	[dreg:$0x0] =	wrdreg $0xFFFFFFFF;
	(pc) =	sbr.abs _section_cstart, $3  }
0xc1: {  	[dreg:$0x1] =	wrdreg $0xFFFFFFFF  }
0xc2: {  	_ =	task.clear_ibuf [dreg:s7], $0x2FFFF;
	_ =	strace $0x9FFFFFFF  }
0xc3: {  	(tm) =	ssettm $0x7FFFFFFF  }
tec
execute0_lowered:
.L_overlay_start_1:
0x0: {  	(tag) =	ssettag $0x1  }
0x1: {  	s0 =	rddreg [dreg:$0x0]  }
0x2: {  	s1 =	rddreg [dreg:$0x1]  }
0x3: {  	s2 =	rddreg [dreg:$0x2];
	s3 =	srdreg.scid;
	s4 =	simm.s32 $0x0  }
0x4: {  	s23 =	stileid.u32;
	p1 =	por $0x0, $0x0;
	s29 =	simm.s32 $0x5400  }
0x5: {  	s30 =	simm.s32 $0x3;
	s31 =	simm.s32 $0x1C00;
	s3 =	sand.u32 $0x1, s3  }
0x6: {  	[smem:$0x7FF] =	sst s4;
	s5 =	sadd.s32 $0x23C00, s0;
	s7 =	sadd.s32 $0xC00, s0  }
0x7: {  	s9 =	sadd.s32 $0x94E00, s0;
	s22 =	sshll.u32 s23, $0x3;
	s11 =	smul.u32 $0x50000, s23  }
0x8: {  	p0 =	seq.s32 s23, $0xF;
	s10 =	smul.u32 $0x138800, s3;
	s12 =	sor.u32 $0x1, s22  }
0x9: {  	s6 =	sshll.u32 s3, $0x4;
	s20 =	sor.u32 $0x2, s22;
	s14 =	smul.u32 $0xA000, s12  }
0xa: {  	_ =	strace $0x80000047;
	s21 =	sor.u32 $0x5, s22;
	s26 =	smul.u32 $0xA000, s20  }
0xb: {  	s3 =	ssub.s32 $0x2, s3;
	s8 =	sor.u32 s23, s6;
	s18 =	smul.u32 $0xA000, s21  }
0xc: {  	s6 =	sadd.s32 $0x71E00, s0;
	s13 =	sshrl.u32 s3, $0x1;
	s12 =	smul.u32 $0x2800, s12  }
0xd: {  	s11 =	sshrl.u32 s11, $0x2;
	s8 =	smul.u32 $0x8C00, s8;
	s3 =	ssub.s32 s3, s13  }
0xe: {  	s24 =	sadd.s32 s11, s2;
	s11 =	sor.u32 $0x4, s22;
	s3 =	smax.u32 s3, $0x1  }
0xf: {  	s14 =	sshrl.u32 s14, $0x2;
	s13 =	sshrl.u32 s26, $0x2;
	s17 =	smul.u32 $0xA000, s11  }
0x10: {  	s12 =	sadd.s32 s10, s12;
	s11 =	smul.u32 $0x2800, s11;
	[dreg:$0x4] =	wrdreg s3  }
0x11: {  	s3 =	sor.u32 $0x3, s22;
	s25 =	sadd.s32 s14, s2;
	s26 =	sadd.s32 s13, s2  }
0x12: {  	s14 =	sshrl.u32 s18, $0x2;
	s18 =	smul.u32 $0x14000, s23;
	s12 =	sshrl.u32 s12, $0x3  }
0x13: {  	s15 =	smul.u32 $0xA000, s3;
	s19 =	sshrl.u32 s17, $0x2;
	s17 =	sshllo.u32 s23, $0x3  }
0x14: {  	s3 =	smul.u32 $0x2800, s3;
	s0 =	sadd.s32 s19, s2;
	p4 =	sgt.u32 @!p0 s17, $0x7C  }
0x15: {  	s16 =	sshrl.u32 s15, $0x2;
	[dreg:$0x5] =	wrdreg s0;
	s15 =	smul.u32 $0xA000, s17  }
0x16: {  	s0 =	sadd.s32 s14, s2;
	s3 =	sadd.s32 s10, s3;
	p3 =	por p4, p0  }
0x17: {  	p4 =	por !p4, p0;
	s17 =	simm.s32 @p0 $0x7F;
	s28 =	sadd.s32 s16, s2  }
0x18: {  	s16 =	sor.u32 $0x6, s22;
	[dreg:$0x6] =	wrdreg s0;
	s0 =	sadd.s32 s10, s18  }
0x19: {  	s18 =	sshrl.u32 s3, $0x3;
	s3 =	simm.s32 $0x50;
	s22 =	smul.u32 $0xA000, s16  }
0x1a: {  	p5 =	slt.u32 s16, $0x7D;
	s13 =	sshrl.u32 s15, $0x2;
	s0 =	sshrl.u32 s0, $0x3  }
0x1b: {  	s15 =	smul.u32 $0x2800, s21;
	p2 =	sgt.u32 @!p0 s16, $0x7C;
	s16 =	simm.s32 @p0 $0x7E  }
0x1c: {  	s13 =	sadd.s32 s13, s2;
	s0 =	sadd.s32 s9, s0;
	s22 =	sshrl.u32 s22, $0x2  }
0x1d: {  	[dreg:$0x8] =	wrdreg s13;
	s19 =	sadd.s32 s22, s2;
	s22 =	smul.u32 $0x2800, s20  }
0x1e: {  	p2 =	por p2, p0;
	[dreg:$0x9] =	wrdreg s0;
	s0 =	sadd.s32 s9, s12  }
0x1f: {  	p1 =	por @!p0 p5, p5;
	[dreg:$0xa] =	wrdreg s0;
	s14 =	sadd.s32 s10, s22  }
0x20: {  	v0 =	vimm.f32 $0.0e+00;
	v1 =	vimm.s32 $0x0;
	s21 =	sadd.s32 s10, s15;
	[dreg:$0x7] =	wrdreg s19;
	s0 =	sshrl.u32 s14, $0x3  }
0x21: {  	v2 =	vimm.s32 $0x1;
	v3 =	vimm.s32 $0x2;
	v4 =	vimm.s32 $0x3;
	s19 =	sadd.s32 s10, s11;
	s11 =	simm.s32 $0x7C00;
	s0 =	sadd.s32 s9, s0  }
0x22: {  	v5 =	vimm.s32 $0x4;
	v6 =	vimm.s32 $0x5;
	v7 =	vimm.s32 $0x6;
	s20 =	sshrl.u32 s19, $0x3;
	[dreg:$0xb] =	wrdreg s0;
	s0 =	sadd.s32 s9, s18  }
0x23: {  	v8 =	vimm.s32 $0x7;
	v9 =	vimm.s32 $0x8;
	v10 =	vimm.s32 $0x9;
	s22 =	sshrl.u32 s21, $0x3;
	[dreg:$0xc] =	wrdreg s0;
	s0 =	sadd.s32 s9, s20  }
0x24: {  	v11 =	vimm.s32 $0xA;
	v12 =	vimm.s32 $0xB;
	v13 =	vimm.s32 $0xC;
	s21 =	simm.s32 $0x2;
	[dreg:$0xd] =	wrdreg s0;
	s0 =	sadd.s32 s9, s22  }
0x25: {  	v14 =	vimm.s32 $0xD;
	v15 =	vimm.s32 $0xE;
	v16 =	vimm.s32 $0xF;
	s20 =	simm.s32 $0x1;
	[dreg:$0xe] =	wrdreg s0;
	s0 =	simm.s32 $0x3800  }
.LBB2_1:
0x26: {  	s12 =	simm.s32 $0x0;
	s13 =	simm.s32 $0x200  }
.LBB2_2:
0x27: {  	p5 =	sne.s32 s13, $0x9E00;
	[tilespmem:s12+$0x5470] =	vst v0  }
0x28: {  	[tilespmem:s12+$0x5400] =	vst v0  }
0x29: {  	[tilespmem:s12+$0x5410] =	vst v0  }
.Ltmp0:
0x2a: {  	[tilespmem:s12+$0x5420] =	vst v0;
	(pc) =	sbr.rel @p5 .LBB2_2-.Ltmp0, $4  }
0x2b: {  	[tilespmem:s12+$0x5430] =	vst v0  }
0x2c: {  	[tilespmem:s12+$0x5440] =	vst v0  }
0x2d: {  	[tilespmem:s12+$0x5450] =	vst v0  }
0x2e: {  	[tilespmem:s12+$0x5460] =	vst v0;
	s12 =	sshra.s32 s13, $0x2;
	s13 =	sadd.s32 $0x200, s13  }
0x2f: {  	[tilespmem:s12+$0x5470] =	vst v0  }
0x30: {  	[tilespmem:s12+$0x5400] =	vst v0  }
0x31: {  	[tilespmem:s12+$0x5410] =	vst v0  }
0x32: {  	[tilespmem:s12+$0x5420] =	vst v0  }
0x33: {  	[tilespmem:s12+$0x5430] =	vst v0  }
0x34: {  	[tilespmem:s12+$0x5440] =	vst v0  }
0x35: {  	[tilespmem:s12+$0x5450] =	vst v0  }
0x36: {  	[tilespmem:s12+$0x5460] =	vst v0  }
0x37: {  	[spmem:s24] =	stream.linear.scatter [tilespmem:s29], [sflag:$0x3], $0x2800, $0x38;
	[tilespmem:$0x1DC80] =	vst v63  }
0x38: {  	_ =	swait.ge [sflag:s30], $0x2800  }
0x39: {  	[sflag:s30] =	ssyncset.done $0x0  }
0x3a: {  	[sflag:s30] =	ssyncadd.s32 $0xFFFFD800  }
0x3b: {  	[spmem:s25] =	stream.linear.scatter [tilespmem:s29], [sflag:$0x3], $0x2800, $0x38;
	[tilespmem:$0x1DC80] =	vst v63  }
0x3c: {  	_ =	swait.ge [sflag:s30], $0x2800  }
0x3d: {  	[sflag:s30] =	ssyncset.done $0x0  }
0x3e: {  	[sflag:s30] =	ssyncadd.s32 $0xFFFFD800  }
0x3f: {  	[spmem:s26] =	stream.linear.scatter [tilespmem:s29], [sflag:$0x3], $0x2800, $0x38;
	[tilespmem:$0x1DC80] =	vst v63  }
0x40: {  	_ =	swait.ge [sflag:s30], $0x2800  }
0x41: {  	[sflag:s30] =	ssyncset.done $0x0  }
0x42: {  	[sflag:s30] =	ssyncadd.s32 $0xFFFFD800  }
0x43: {  	[spmem:s28] =	stream.linear.scatter [tilespmem:s29], [sflag:$0x3], $0x2800, $0x38;
	[tilespmem:$0x1DC80] =	vst v63  }
0x44: {  	_ =	swait.ge [sflag:s30], $0x2800  }
0x45: {  	[sflag:s30] =	ssyncset.done $0x0  }
0x46: {  	s19 =	smov.u32 s28;
	s28 =	rddreg [dreg:$0x5];
	[sflag:s30] =	ssyncadd.s32 $0xFFFFD800  }
0x47: {  	[spmem:s28] =	stream.linear.scatter [tilespmem:s29], [sflag:$0x3], $0x2800, $0x38;
	[tilespmem:$0x1DC80] =	vst v63  }
0x48: {  	_ =	swait.ge [sflag:s30], $0x2800  }
0x49: {  	[sflag:s30] =	ssyncset.done $0x0  }
0x4a: {  	s12 =	simm.s32 @!p0 $0x5400;
	s13 =	rddreg [dreg:$0x6];
	[sflag:s30] =	ssyncadd.s32 $0xFFFFD800  }
0x4b: {  	[spmem:s13] =	stream.linear.scatter @!p0 [tilespmem:s12], [sflag:$0x3], $0x2800, $0x38;
	[tilespmem:$0x1DC80] =	vst v63  }
0x4c: {  	s12 =	simm.s32 @!p0 $0x3  }
0x4d: {  	_ =	swait.ge @!p0 [sflag:s12], $0x2800  }
0x4e: {  	[sflag:s12] =	ssyncset.done @!p0 $0x0  }
0x4f: {  	s13 =	rddreg [dreg:$0x7];
	[sflag:s12] =	ssyncadd.s32 @!p0 $0xFFFFD800;
	s12 =	simm.s32 @!p2 $0x5400  }
0x50: {  	[spmem:s13] =	stream.linear.scatter @!p2 [tilespmem:s12], [sflag:$0x3], $0x2800, $0x38;
	[tilespmem:$0x1DC80] =	vst v63  }
0x51: {  	s12 =	simm.s32 @!p2 $0x3  }
0x52: {  	_ =	swait.ge @!p2 [sflag:s12], $0x2800  }
0x53: {  	[sflag:s12] =	ssyncset.done @!p2 $0x0  }
0x54: {  	s13 =	rddreg [dreg:$0x8];
	[sflag:s12] =	ssyncadd.s32 @!p2 $0xFFFFD800;
	s12 =	simm.s32 @!p3 $0x5400  }
0x55: {  	[spmem:s13] =	stream.linear.scatter @!p3 [tilespmem:s12], [sflag:$0x3], $0x2800, $0x38;
	[tilespmem:$0x1DC80] =	vst v63  }
0x56: {  	s14 =	smov.u32 s24;
	s15 =	smov.u32 s25;
	s12 =	simm.s32 @!p3 $0x3  }
0x57: {  	s18 =	smov.u32 s26;
	p5 =	por @!p0 $0x0, $0x0;
	_ =	swait.ge @!p3 [sflag:s12], $0x2800  }
0x58: {  	p6 =	por @!p3 $0x1, $0x1;
	s22 =	simm.s32 $0x0;
	[sflag:s12] =	ssyncset.done @!p3 $0x0  }
0x59: {  	p6 =	por @!p4 p5, p5;
	p5 =	por $0x0, $0x0;
	[sflag:s12] =	ssyncadd.s32 @!p3 $0xFFFFD800  }
0x5a: {  	s23 =	simm.s32 $0x0;
	p5 =	por @!p0 p6, p6;
	[bflag:$0x0] =	sbarrier.arrive $0xFFFF  }
.LBB2_4:
0x5b: {  	s12 =	smul.u32 $0x1C00, s23;
	_ =	sdelay $0x1  }
0x5c: {  	s12 =	sadd.s32 s8, s12  }
0x5d: {  	s12 =	sshrl.u32 s12, $0x3  }
0x5e: {  	s13 =	sadd.s32 s6, s12  }
0x5f: {  	[tilespmem:s22], [sflag:$0x3] =	stream.linear.gather [hbm4b:s13+s22], $0x1900, $0x38;
	[tilespmem:$0x1DC80] =	vst v63  }
0x60: {  	_ =	swait.ge [sflag:s30], $0x1900  }
0x61: {  	[sflag:s30] =	ssyncset.done $0x0  }
0x62: {  	s28 =	sadd.s32 s1, s12;
	[sflag:s30] =	ssyncadd.s32 $0xFFFFE700  }
0x63: {  	[tilespmem:s31], [sflag:$0x3] =	stream.linear.gather [hbm4b:s28+s22], $0x1900, $0x38;
	[tilespmem:$0x1DC80] =	vst v63  }
0x64: {  	_ =	swait.ge [sflag:s30], $0x1900  }
0x65: {  	[sflag:s30] =	ssyncset.done $0x0  }
0x66: {  	s12 =	sadd.s32 s7, s12;
	[sflag:s30] =	ssyncadd.s32 $0xFFFFE700  }
0x67: {  	[tilespmem:s0], [sflag:$0x3] =	stream.linear.gather [hbm4b:s12+s22], $0x1900, $0x38;
	[tilespmem:$0x1DC80] =	vst v63  }
0x68: {  	_ =	swait.ge [sflag:s30], $0x1900  }
0x69: {  	[sflag:s30] =	ssyncset.done $0x0  }
0x6a: {  	s24 =	simm.s32 $0x0;
	[sflag:s30] =	ssyncadd.s32 $0xFFFFE700  }
0x6b: {  	[tilespmem:s29], [sflag:$0x1] =	stream.indirect.gather [hbm4b:s5+s3], $0x80, s22, s3, $0xb8;
	[tilespmem:$0x1DC80] =	vst v63  }
.LBB2_5:
0x6c: {  	s12 =	sshll.u32 s24, $0xA  }
0x6d: {  	s13 =	sor.u32 $0x200, s12;
	s28 =	sshra.s32 s12, $0x2  }
0x6e: {  	s25 =	sshra.s32 s13, $0x2;
	s13 =	sadd.s32 $0x3800, s28  }
0x6f: {  	[tilespmem:s11], [sflag:$0x2] =	stream.indirect.gather [hbm4b:s5+s3], $0x80, s25, s3, $0xb8;
	[tilespmem:$0x1DC80] =	vst v63  }
0x70: {  	v17 =	vmov s13;
	_ =	swait.ge [sflag:s20], $0x2800  }
0x71: {  	[sflag:s20] =	ssyncset.done $0x0  }
0x72: {  	s26 =	sshll.u32 s24, $0x1;
	s12 =	simm.s32 $0x0;
	[sflag:s20] =	ssyncadd.s32 $0xFFFFD800  }
.LBB2_6:
0x73: {  	s13 =	sshll.u32 s12, $0x4  }
0x74: {  	s13 =	sand.u32 $0x3FFFFFF0, s13  }
0x75: {  	v18 =	vld.idx.msk [tilespmem:v17+s13+$0x0 ss:$0x1], $0xffff;
	s13 =	sshll.u32 s12, $0xB  }
0x76: {  	s13 =	sand.u32 $0x3FFFF800, s13  }
0x77: {  	v19 =	vld [tilespmem:s13+$0x5400]  }
0x78: {  	v20 =	vld [tilespmem:s13+$0x5410]  }
0x79: {  	v21 =	vld [tilespmem:s13+$0x5420]  }
0x7a: {  	v23 =	vld [tilespmem:s13+$0x5430];
	v22 =	vperm.xlane v18, v1  }
0x7b: {  	v24 =	vld [tilespmem:s13+$0x5440]  }
0x7c: {  	v25 =	vld [tilespmem:s13+$0x5450];
	v19 =	vmul.f32 v19, v22  }
0x7d: {  	v26 =	vld [tilespmem:s13+$0x5460];
	v20 =	vmul.f32 v20, v22  }
0x7e: {  	v43 =	vld [tilespmem:s13+$0x5470];
	[tilespmem:s13+$0x5400] =	vst v19;
	v19 =	vmul.f32 v21, v22  }
0x7f: {  	v45 =	vld [tilespmem:s13+$0x5480];
	v44 =	vmul.f32 v23, v22;
	[tilespmem:s13+$0x5410] =	vst v20  }
0x80: {  	v46 =	vld [tilespmem:s13+$0x5490];
	[tilespmem:s13+$0x5420] =	vst v19;
	v19 =	vmul.f32 v24, v22  }
0x81: {  	v48 =	vld [tilespmem:s13+$0x54A0];
	v47 =	vmul.f32 v25, v22;
	[tilespmem:s13+$0x5430] =	vst v44  }
0x82: {  	v27 =	vld [tilespmem:s13+$0x54B0];
	v49 =	vperm.xlane v18, v2;
	[tilespmem:s13+$0x5440] =	vst v19;
	v19 =	vmul.f32 v26, v22  }
0x83: {  	v51 =	vld [tilespmem:s13+$0x54C0];
	v50 =	vmul.f32 v43, v22;
	[tilespmem:s13+$0x5450] =	vst v47  }
0x84: {  	v52 =	vld [tilespmem:s13+$0x54D0];
	[tilespmem:s13+$0x5460] =	vst v19;
	v19 =	vmul.f32 v45, v49  }
0x85: {  	v54 =	vld [tilespmem:s13+$0x54E0];
	v53 =	vmul.f32 v46, v49;
	[tilespmem:s13+$0x5470] =	vst v50  }
0x86: {  	v55 =	vld [tilespmem:s13+$0x54F0];
	[tilespmem:s13+$0x5480] =	vst v19;
	v19 =	vmul.f32 v48, v49  }
0x87: {  	v57 =	vld [tilespmem:s13+$0x5500];
	v56 =	vmul.f32 v27, v49;
	[tilespmem:s13+$0x5490] =	vst v53  }
0x88: {  	v58 =	vld [tilespmem:s13+$0x5510];
	[tilespmem:s13+$0x54A0] =	vst v19;
	v19 =	vmul.f32 v51, v49  }
0x89: {  	v60 =	vld [tilespmem:s13+$0x5520];
	v59 =	vmul.f32 v52, v49;
	[tilespmem:s13+$0x54B0] =	vst v56  }
0x8a: {  	v62 =	vld [tilespmem:s13+$0x5530];
	v61 =	vperm.xlane v18, v3;
	[tilespmem:s13+$0x54C0] =	vst v19;
	v19 =	vmul.f32 v54, v49  }
0x8b: {  	v28 =	vld [tilespmem:s13+$0x5540];
	v63 =	vmul.f32 v55, v49;
	[tilespmem:s13+$0x54D0] =	vst v59  }
0x8c: {  	v29 =	vld [tilespmem:s13+$0x5550];
	[tilespmem:s13+$0x54E0] =	vst v19;
	v19 =	vmul.f32 v57, v61  }
0x8d: {  	v31 =	vld [tilespmem:s13+$0x5560];
	v30 =	vmul.f32 v58, v61;
	[tilespmem:s13+$0x54F0] =	vst v63  }
0x8e: {  	v32 =	vld [tilespmem:s13+$0x5570];
	[tilespmem:s13+$0x5500] =	vst v19;
	v19 =	vmul.f32 v60, v61  }
0x8f: {  	v34 =	vld [tilespmem:s13+$0x5580];
	v33 =	vmul.f32 v62, v61;
	[tilespmem:s13+$0x5510] =	vst v30  }
0x90: {  	v35 =	vld [tilespmem:s13+$0x5590];
	[tilespmem:s13+$0x5520] =	vst v19;
	v19 =	vmul.f32 v28, v61  }
0x91: {  	v37 =	vld [tilespmem:s13+$0x55A0];
	v36 =	vmul.f32 v29, v61;
	[tilespmem:s13+$0x5530] =	vst v33  }
0x92: {  	v39 =	vld [tilespmem:s13+$0x55B0];
	v38 =	vperm.xlane v18, v4;
	[tilespmem:s13+$0x5540] =	vst v19;
	v19 =	vmul.f32 v31, v61  }
0x93: {  	v41 =	vld [tilespmem:s13+$0x55C0];
	v40 =	vmul.f32 v32, v61;
	[tilespmem:s13+$0x5550] =	vst v36  }
0x94: {  	v45 =	vld [tilespmem:s13+$0x55F0];
	[tilespmem:s13+$0x5560] =	vst v19;
	v19 =	vmul.f32 v34, v38  }
0x95: {  	v43 =	vmul.f32 v35, v38;
	[tilespmem:s13+$0x5570] =	vst v40;
	v44 =	vld [tilespmem:s13+$0x55E0]  }
0x96: {  	v42 =	vld [tilespmem:s13+$0x55D0];
	[tilespmem:s13+$0x5580] =	vst v19;
	v19 =	vmul.f32 v37, v38  }
0x97: {  	v46 =	vmul.f32 v39, v38;
	[tilespmem:s13+$0x5590] =	vst v43;
	v47 =	vld [tilespmem:s13+$0x5600]  }
0x98: {  	v52 =	vld [tilespmem:s13+$0x5630];
	[tilespmem:s13+$0x55A0] =	vst v19;
	v19 =	vmul.f32 v41, v38  }
0x99: {  	[tilespmem:s13+$0x55B0] =	vst v46;
	v50 =	vld [tilespmem:s13+$0x5620];
	v53 =	vmul.f32 v45, v38  }
0x9a: {  	v55 =	vld [tilespmem:s13+$0x5650];
	v51 =	vperm.xlane v18, v5;
	[tilespmem:s13+$0x55C0] =	vst v19;
	v19 =	vmul.f32 v44, v38  }
0x9b: {  	v49 =	vmul.f32 v42, v38;
	v54 =	vld [tilespmem:s13+$0x5640];
	[tilespmem:s13+$0x55F0] =	vst v53  }
0x9c: {  	v58 =	vld [tilespmem:s13+$0x5670];
	[tilespmem:s13+$0x55E0] =	vst v19;
	v19 =	vmul.f32 v47, v51  }
0x9d: {  	v59 =	vmul.f32 v52, v51;
	[tilespmem:s13+$0x55D0] =	vst v49;
	v57 =	vld [tilespmem:s13+$0x5660]  }
0x9e: {  	v48 =	vld [tilespmem:s13+$0x5610];
	[tilespmem:s13+$0x5600] =	vst v19;
	v19 =	vmul.f32 v50, v51  }
0x9f: {  	v62 =	vmul.f32 v55, v51;
	[tilespmem:s13+$0x5630] =	vst v59;
	v60 =	vld [tilespmem:s13+$0x5680]  }
0xa0: {  	v40 =	vld [tilespmem:s13+$0x5710];
	[tilespmem:s13+$0x5620] =	vst v19;
	v19 =	vmul.f32 v54, v51  }
0xa1: {  	v63 =	vld [tilespmem:s13+$0x56A0];
	v32 =	vmul.f32 v58, v51;
	[tilespmem:s13+$0x5650] =	vst v62  }
0xa2: {  	v30 =	vperm.xlane v18, v6;
	v61 =	vld [tilespmem:s13+$0x5690];
	[tilespmem:s13+$0x5640] =	vst v19;
	v19 =	vmul.f32 v57, v51  }
0xa3: {  	v33 =	vld [tilespmem:s13+$0x56C0];
	v43 =	vperm.xlane v18, v7;
	v56 =	vmul.f32 v48, v51;
	[tilespmem:s13+$0x5670] =	vst v32  }
0xa4: {  	v53 =	vld [tilespmem:s13+$0x5790];
	[tilespmem:s13+$0x5660] =	vst v19;
	v19 =	vmul.f32 v60, v30  }
0xa5: {  	v36 =	vld [tilespmem:s13+$0x56E0];
	v48 =	vmul.f32 v40, v43;
	[tilespmem:s13+$0x5610] =	vst v56  }
0xa6: {  	v31 =	vld [tilespmem:s13+$0x56B0];
	[tilespmem:s13+$0x5680] =	vst v19;
	v19 =	vmul.f32 v63, v30  }
0xa7: {  	v39 =	vld [tilespmem:s13+$0x5700];
	[tilespmem:s13+$0x5710] =	vst v48;
	v56 =	vperm.xlane v18, v8;
	v35 =	vmul.f32 v61, v30  }
0xa8: {  	v34 =	vld [tilespmem:s13+$0x56D0];
	[tilespmem:s13+$0x56A0] =	vst v19;
	v19 =	vmul.f32 v33, v30  }
0xa9: {  	v42 =	vld [tilespmem:s13+$0x5720];
	v61 =	vmul.f32 v53, v56;
	[tilespmem:s13+$0x5690] =	vst v35  }
0xaa: {  	v37 =	vld [tilespmem:s13+$0x56F0];
	[tilespmem:s13+$0x56C0] =	vst v19;
	v19 =	vmul.f32 v36, v30  }
0xab: {  	v46 =	vld [tilespmem:s13+$0x5740];
	[tilespmem:s13+$0x5790] =	vst v61;
	v38 =	vmul.f32 v31, v30  }
0xac: {  	v47 =	vld [tilespmem:s13+$0x5750];
	[tilespmem:s13+$0x56E0] =	vst v19;
	v19 =	vmul.f32 v39, v43  }
0xad: {  	v49 =	vld [tilespmem:s13+$0x5760];
	v41 =	vmul.f32 v34, v30;
	[tilespmem:s13+$0x56B0] =	vst v38  }
0xae: {  	v38 =	vld [tilespmem:s13+$0x5850];
	[tilespmem:s13+$0x5700] =	vst v19;
	v19 =	vmul.f32 v42, v43  }
0xaf: {  	v52 =	vld [tilespmem:s13+$0x5780];
	[tilespmem:s13+$0x56D0] =	vst v41;
	v45 =	vmul.f32 v37, v30  }
0xb0: {  	v44 =	vld [tilespmem:s13+$0x5730];
	[tilespmem:s13+$0x5720] =	vst v19;
	v19 =	vmul.f32 v46, v43  }
0xb1: {  	v55 =	vld [tilespmem:s13+$0x57A0];
	v34 =	vperm.xlane v18, v9;
	[tilespmem:s13+$0x56F0] =	vst v45;
	v54 =	vmul.f32 v47, v43  }
0xb2: {  	v50 =	vld [tilespmem:s13+$0x5770];
	[tilespmem:s13+$0x5740] =	vst v19;
	v19 =	vmul.f32 v49, v43  }
0xb3: {  	v59 =	vld [tilespmem:s13+$0x57C0];
	v45 =	vmul.f32 v38, v34;
	[tilespmem:s13+$0x5750] =	vst v54  }
0xb4: {  	v57 =	vld [tilespmem:s13+$0x57B0];
	[tilespmem:s13+$0x5760] =	vst v19;
	v19 =	vmul.f32 v52, v56  }
0xb5: {  	v62 =	vld [tilespmem:s13+$0x57E0];
	v51 =	vmul.f32 v44, v43;
	[tilespmem:s13+$0x5850] =	vst v45  }
0xb6: {  	v60 =	vld [tilespmem:s13+$0x57D0];
	[tilespmem:s13+$0x5780] =	vst v19;
	v19 =	vmul.f32 v55, v56  }
0xb7: {  	v58 =	vmul.f32 v50, v43;
	[tilespmem:s13+$0x5730] =	vst v51;
	v30 =	vld [tilespmem:s13+$0x5800]  }
0xb8: {  	v51 =	vld [tilespmem:s13+$0x58D0];
	[tilespmem:s13+$0x57A0] =	vst v19;
	v19 =	vmul.f32 v59, v56  }
0xb9: {  	[tilespmem:s13+$0x5770] =	vst v58;
	v29 =	vmul.f32 v57, v56;
	v33 =	vld [tilespmem:s13+$0x5820]  }
0xba: {  	v63 =	vld [tilespmem:s13+$0x57F0];
	[tilespmem:s13+$0x57C0] =	vst v19;
	v19 =	vmul.f32 v62, v56  }
0xbb: {  	v37 =	vld [tilespmem:s13+$0x5840];
	v47 =	vperm.xlane v18, v10;
	[tilespmem:s13+$0x57B0] =	vst v29;
	v32 =	vmul.f32 v60, v56  }
0xbc: {  	v61 =	vld [tilespmem:s13+$0x5930];
	[tilespmem:s13+$0x57E0] =	vst v19;
	v19 =	vmul.f32 v30, v34  }
0xbd: {  	v40 =	vld [tilespmem:s13+$0x5860];
	v58 =	vmul.f32 v51, v47;
	[tilespmem:s13+$0x57D0] =	vst v32  }
0xbe: {  	v31 =	vld [tilespmem:s13+$0x5810];
	[tilespmem:s13+$0x5800] =	vst v19;
	v19 =	vmul.f32 v33, v34  }
0xbf: {  	v60 =	vperm.xlane v18, v11;
	v36 =	vmul.f32 v63, v56;
	[tilespmem:s13+$0x58D0] =	vst v58;
	v43 =	vld [tilespmem:s13+$0x5880]  }
0xc0: {  	v57 =	vld [tilespmem:s13+$0x5910];
	[tilespmem:s13+$0x5820] =	vst v19;
	v19 =	vmul.f32 v37, v34  }
0xc1: {  	v32 =	vmul.f32 v61, v60;
	[tilespmem:s13+$0x57F0] =	vst v36;
	v46 =	vld [tilespmem:s13+$0x58A0]  }
0xc2: {  	v35 =	vld [tilespmem:s13+$0x5830];
	[tilespmem:s13+$0x5840] =	vst v19;
	v19 =	vmul.f32 v40, v34  }
0xc3: {  	v50 =	vld [tilespmem:s13+$0x58C0];
	v39 =	vmul.f32 v31, v34;
	[tilespmem:s13+$0x5930] =	vst v32  }
0xc4: {  	v28 =	vld [tilespmem:s13+$0x5950];
	[tilespmem:s13+$0x5860] =	vst v19;
	v19 =	vmul.f32 v43, v47  }
0xc5: {  	v53 =	vld [tilespmem:s13+$0x58E0];
	v29 =	vmul.f32 v57, v60;
	[tilespmem:s13+$0x5810] =	vst v39  }
0xc6: {  	v31 =	vld [tilespmem:s13+$0x5970];
	[tilespmem:s13+$0x5880] =	vst v19;
	v19 =	vmul.f32 v46, v47  }
0xc7: {  	v42 =	vmul.f32 v35, v34;
	[tilespmem:s13+$0x5910] =	vst v29;
	v56 =	vld [tilespmem:s13+$0x5900]  }
0xc8: {  	v41 =	vld [tilespmem:s13+$0x5870];
	[tilespmem:s13+$0x58A0] =	vst v19;
	v19 =	vmul.f32 v50, v47  }
0xc9: {  	v35 =	vmul.f32 v28, v60;
	[tilespmem:s13+$0x5830] =	vst v42;
	v59 =	vld [tilespmem:s13+$0x5920]  }
0xca: {  	v44 =	vld [tilespmem:s13+$0x5890];
	[tilespmem:s13+$0x58C0] =	vst v19;
	v19 =	vmul.f32 v53, v47  }
0xcb: {  	v63 =	vld [tilespmem:s13+$0x5940];
	[tilespmem:s13+$0x5950] =	vst v35;
	v39 =	vmul.f32 v31, v60  }
0xcc: {  	v48 =	vld [tilespmem:s13+$0x58B0];
	[tilespmem:s13+$0x58E0] =	vst v19;
	v19 =	vmul.f32 v56, v60  }
0xcd: {  	v49 =	vmul.f32 v41, v34;
	[tilespmem:s13+$0x5970] =	vst v39;
	v30 =	vld [tilespmem:s13+$0x5960]  }
0xce: {  	v54 =	vld [tilespmem:s13+$0x58F0];
	[tilespmem:s13+$0x5900] =	vst v19;
	v19 =	vmul.f32 v59, v60  }
0xcf: {  	[tilespmem:s13+$0x5870] =	vst v49;
	v52 =	vmul.f32 v44, v47;
	v33 =	vld [tilespmem:s13+$0x5980]  }
0xd0: {  	v38 =	vld [tilespmem:s13+$0x59B0];
	[tilespmem:s13+$0x5920] =	vst v19;
	v19 =	vmul.f32 v63, v60  }
0xd1: {  	v36 =	vld [tilespmem:s13+$0x59A0];
	[tilespmem:s13+$0x5890] =	vst v52;
	v55 =	vmul.f32 v48, v47  }
0xd2: {  	v41 =	vld [tilespmem:s13+$0x59D0];
	v37 =	vperm.xlane v18, v12;
	[tilespmem:s13+$0x5940] =	vst v19;
	v19 =	vmul.f32 v30, v60  }
0xd3: {  	[tilespmem:s13+$0x58B0] =	vst v55;
	v62 =	vmul.f32 v54, v47;
	v40 =	vld [tilespmem:s13+$0x59C0]  }
0xd4: {  	v44 =	vld [tilespmem:s13+$0x59F0];
	[tilespmem:s13+$0x5960] =	vst v19;
	v19 =	vmul.f32 v33, v37  }
0xd5: {  	[tilespmem:s13+$0x58F0] =	vst v62;
	v45 =	vmul.f32 v38, v37;
	v43 =	vld [tilespmem:s13+$0x59E0]  }
0xd6: {  	v34 =	vld [tilespmem:s13+$0x5990];
	[tilespmem:s13+$0x5980] =	vst v19;
	v19 =	vmul.f32 v36, v37  }
0xd7: {  	v48 =	vmul.f32 v41, v37;
	[tilespmem:s13+$0x59B0] =	vst v45;
	v46 =	vld [tilespmem:s13+$0x5A00]  }
0xd8: {  	v51 =	vld [tilespmem:s13+$0x5A30];
	[tilespmem:s13+$0x59A0] =	vst v19;
	v19 =	vmul.f32 v40, v37  }
0xd9: {  	v49 =	vld [tilespmem:s13+$0x5A20];
	v52 =	vmul.f32 v44, v37;
	[tilespmem:s13+$0x59D0] =	vst v48  }
0xda: {  	v54 =	vld [tilespmem:s13+$0x5A50];
	v50 =	vperm.xlane v18, v13;
	[tilespmem:s13+$0x59C0] =	vst v19;
	v19 =	vmul.f32 v43, v37  }
0xdb: {  	[tilespmem:s13+$0x59F0] =	vst v52;
	v42 =	vmul.f32 v34, v37;
	v53 =	vld [tilespmem:s13+$0x5A40]  }
0xdc: {  	v57 =	vld [tilespmem:s13+$0x5A70];
	[tilespmem:s13+$0x59E0] =	vst v19;
	v19 =	vmul.f32 v46, v50  }
0xdd: {  	[tilespmem:s13+$0x5990] =	vst v42;
	v58 =	vmul.f32 v51, v50;
	v56 =	vld [tilespmem:s13+$0x5A60]  }
0xde: {  	v47 =	vld [tilespmem:s13+$0x5A10];
	[tilespmem:s13+$0x5A00] =	vst v19;
	v19 =	vmul.f32 v49, v50  }
0xdf: {  	v61 =	vmul.f32 v54, v50;
	[tilespmem:s13+$0x5A30] =	vst v58;
	v59 =	vld [tilespmem:s13+$0x5A80]  }
0xe0: {  	v39 =	vld [tilespmem:s13+$0x5B10];
	[tilespmem:s13+$0x5A20] =	vst v19;
	v19 =	vmul.f32 v53, v50  }
0xe1: {  	v62 =	vld [tilespmem:s13+$0x5AA0];
	v31 =	vmul.f32 v57, v50;
	[tilespmem:s13+$0x5A50] =	vst v61  }
0xe2: {  	v63 =	vperm.xlane v18, v14;
	v60 =	vld [tilespmem:s13+$0x5A90];
	[tilespmem:s13+$0x5A40] =	vst v19;
	v19 =	vmul.f32 v56, v50  }
0xe3: {  	v32 =	vld [tilespmem:s13+$0x5AC0];
	v42 =	vperm.xlane v18, v15;
	[tilespmem:s13+$0x5A70] =	vst v31;
	v55 =	vmul.f32 v47, v50  }
0xe4: {  	v33 =	vld [tilespmem:s13+$0x5AD0];
	[tilespmem:s13+$0x5A60] =	vst v19;
	v19 =	vmul.f32 v59, v63  }
0xe5: {  	v35 =	vld [tilespmem:s13+$0x5AE0];
	v47 =	vmul.f32 v39, v42;
	[tilespmem:s13+$0x5A10] =	vst v55  }
0xe6: {  	v30 =	vld [tilespmem:s13+$0x5AB0];
	[tilespmem:s13+$0x5A80] =	vst v19;
	v19 =	vmul.f32 v62, v63  }
0xe7: {  	v38 =	vld [tilespmem:s13+$0x5B00];
	[tilespmem:s13+$0x5B10] =	vst v47;
	v34 =	vmul.f32 v60, v63  }
0xe8: {  	v36 =	vld [tilespmem:s13+$0x5AF0];
	[tilespmem:s13+$0x5AA0] =	vst v19;
	v19 =	vmul.f32 v32, v63  }
0xe9: {  	v41 =	vld [tilespmem:s13+$0x5B20];
	[tilespmem:s13+$0x5A90] =	vst v34;
	v40 =	vmul.f32 v33, v63  }
0xea: {  	v46 =	vld [tilespmem:s13+$0x5B50];
	[tilespmem:s13+$0x5AC0] =	vst v19;
	v19 =	vmul.f32 v35, v63  }
0xeb: {  	v45 =	vld [tilespmem:s13+$0x5B40];
	v37 =	vmul.f32 v30, v63;
	[tilespmem:s13+$0x5AD0] =	vst v40  }
0xec: {  	v43 =	vld [tilespmem:s13+$0x5B30];
	[tilespmem:s13+$0x5AE0] =	vst v19;
	v19 =	vmul.f32 v38, v42  }
0xed: {  	v48 =	vld [tilespmem:s13+$0x5B60];
	v44 =	vmul.f32 v36, v63;
	[tilespmem:s13+$0x5AB0] =	vst v37  }
0xee: {  	v49 =	vld [tilespmem:s13+$0x5B70];
	[tilespmem:s13+$0x5B00] =	vst v19;
	v19 =	vmul.f32 v41, v42  }
0xef: {  	v51 =	vld [tilespmem:s13+$0x5B80];
	[tilespmem:s13+$0x5AF0] =	vst v44;
	v53 =	vmul.f32 v46, v42  }
0xf0: {  	v52 =	vld [tilespmem:s13+$0x5B90];
	[tilespmem:s13+$0x5B20] =	vst v19;
	v19 =	vmul.f32 v45, v42  }
0xf1: {  	v54 =	vld [tilespmem:s13+$0x5BA0];
	v50 =	vmul.f32 v43, v42;
	[tilespmem:s13+$0x5B50] =	vst v53  }
0xf2: {  	v18 =	vperm.xlane v18, v16;
	v55 =	vld [tilespmem:s13+$0x5BB0];
	[tilespmem:s13+$0x5B40] =	vst v19;
	v19 =	vmul.f32 v48, v42  }
0xf3: {  	v57 =	vld [tilespmem:s13+$0x5BC0];
	v56 =	vmul.f32 v49, v42;
	[tilespmem:s13+$0x5B30] =	vst v50  }
0xf4: {  	v58 =	vld [tilespmem:s13+$0x5BD0];
	[tilespmem:s13+$0x5B60] =	vst v19;
	v19 =	vmul.f32 v51, v18  }
0xf5: {  	v60 =	vld [tilespmem:s13+$0x5BE0];
	v59 =	vmul.f32 v52, v18;
	[tilespmem:s13+$0x5B70] =	vst v56  }
0xf6: {  	v61 =	vld [tilespmem:s13+$0x5BF0];
	[tilespmem:s13+$0x5B80] =	vst v19;
	v19 =	vmul.f32 v54, v18  }
0xf7: {  	[tilespmem:s13+$0x5B90] =	vst v59;
	v62 =	vmul.f32 v55, v18  }
0xf8: {  	p6 =	sne.s32 s12, $0x4;
	[tilespmem:s13+$0x5BA0] =	vst v19;
	v19 =	vmul.f32 v57, v18  }
.Ltmp1:
0xf9: {  	[tilespmem:s13+$0x5BB0] =	vst v62;
	v63 =	vmul.f32 v58, v18;
	(pc) =	sbr.rel @p6 .LBB2_6-.Ltmp1, $4  }
0xfa: {  	[tilespmem:s13+$0x5BC0] =	vst v19;
	v19 =	vmul.f32 v60, v18  }
0xfb: {  	[tilespmem:s13+$0x5BD0] =	vst v63;
	v18 =	vmul.f32 v61, v18  }
0xfc: {  	[tilespmem:s13+$0x5BE0] =	vst v19  }
0xfd: {  	s12 =	sadd.s32 $0x1, s12;
	[tilespmem:s13+$0x5BF0] =	vst v18  }
0xfe: {  	s12 =	sadd.s32 $0x1C00, s28  }
0xff: {  	[spmem:s2] =	stream.indirect.scatter.add.f32 [tilespmem:s29], [sflag:$0x3], $0x80, s12, s3, $0xb8;
	[tilespmem:$0x1DC80] =	vst v63  }
0x100: {  	s28 =	smin.u32 s26, $0x2F;
	_ =	swait.ge [sflag:s30], $0x2800  }
0x101: {  	s12 =	sshll.u32 s28, $0x7;
	[sflag:s30] =	ssyncset.done $0x0  }
0x102: {  	s13 =	sadd.s32 $0x3800, s25;
	s12 =	sadd.s32 $0x100, s12;
	[sflag:s30] =	ssyncadd.s32 $0xFFFFD800  }
0x103: {  	[tilespmem:s29], [sflag:$0x1] =	stream.indirect.gather [hbm4b:s5+s3], $0x80, s12, s3, $0xb8;
	[tilespmem:$0x1DC80] =	vst v63  }
0x104: {  	v17 =	vmov s13;
	_ =	swait.ge [sflag:s21], $0x2800  }
0x105: {  	[sflag:s21] =	ssyncset.done $0x0  }
0x106: {  	s12 =	simm.s32 $0x0;
	[sflag:s21] =	ssyncadd.s32 $0xFFFFD800  }
.LBB2_8:
0x107: {  	s13 =	sshll.u32 s12, $0x4  }
0x108: {  	s13 =	sand.u32 $0x3FFFFFF0, s13  }
0x109: {  	s28 =	sshll.u32 s12, $0xB;
	v18 =	vld.idx.msk [tilespmem:v17+s13+$0x0 ss:$0x1], $0xffff  }
0x10a: {  	s13 =	sand.u32 $0x3FFFF800, s28  }
0x10b: {  	v19 =	vld [tilespmem:s13+$0x7C00]  }
0x10c: {  	v20 =	vld [tilespmem:s13+$0x7C10]  }
0x10d: {  	v21 =	vld [tilespmem:s13+$0x7C20]  }
0x10e: {  	v23 =	vld [tilespmem:s13+$0x7C30];
	v22 =	vperm.xlane v18, v1  }
0x10f: {  	v24 =	vld [tilespmem:s13+$0x7C40]  }
0x110: {  	v25 =	vld [tilespmem:s13+$0x7C50];
	v19 =	vmul.f32 v19, v22  }
0x111: {  	v26 =	vld [tilespmem:s13+$0x7C60];
	v20 =	vmul.f32 v20, v22  }
0x112: {  	v43 =	vld [tilespmem:s13+$0x7C70];
	[tilespmem:s13+$0x7C00] =	vst v19;
	v19 =	vmul.f32 v21, v22  }
0x113: {  	v45 =	vld [tilespmem:s13+$0x7C80];
	v44 =	vmul.f32 v23, v22;
	[tilespmem:s13+$0x7C10] =	vst v20  }
0x114: {  	v46 =	vld [tilespmem:s13+$0x7C90];
	[tilespmem:s13+$0x7C20] =	vst v19;
	v19 =	vmul.f32 v24, v22  }
0x115: {  	v48 =	vld [tilespmem:s13+$0x7CA0];
	v47 =	vmul.f32 v25, v22;
	[tilespmem:s13+$0x7C30] =	vst v44  }
0x116: {  	v27 =	vld [tilespmem:s13+$0x7CB0];
	v49 =	vperm.xlane v18, v2;
	[tilespmem:s13+$0x7C40] =	vst v19;
	v19 =	vmul.f32 v26, v22  }
0x117: {  	v51 =	vld [tilespmem:s13+$0x7CC0];
	v50 =	vmul.f32 v43, v22;
	[tilespmem:s13+$0x7C50] =	vst v47  }
0x118: {  	v52 =	vld [tilespmem:s13+$0x7CD0];
	[tilespmem:s13+$0x7C60] =	vst v19;
	v19 =	vmul.f32 v45, v49  }
0x119: {  	v54 =	vld [tilespmem:s13+$0x7CE0];
	v53 =	vmul.f32 v46, v49;
	[tilespmem:s13+$0x7C70] =	vst v50  }
0x11a: {  	v55 =	vld [tilespmem:s13+$0x7CF0];
	[tilespmem:s13+$0x7C80] =	vst v19;
	v19 =	vmul.f32 v48, v49  }
0x11b: {  	v57 =	vld [tilespmem:s13+$0x7D00];
	v56 =	vmul.f32 v27, v49;
	[tilespmem:s13+$0x7C90] =	vst v53  }
0x11c: {  	v58 =	vld [tilespmem:s13+$0x7D10];
	[tilespmem:s13+$0x7CA0] =	vst v19;
	v19 =	vmul.f32 v51, v49  }
0x11d: {  	v60 =	vld [tilespmem:s13+$0x7D20];
	v59 =	vmul.f32 v52, v49;
	[tilespmem:s13+$0x7CB0] =	vst v56  }
0x11e: {  	v62 =	vld [tilespmem:s13+$0x7D30];
	v61 =	vperm.xlane v18, v3;
	[tilespmem:s13+$0x7CC0] =	vst v19;
	v19 =	vmul.f32 v54, v49  }
0x11f: {  	v28 =	vld [tilespmem:s13+$0x7D40];
	v63 =	vmul.f32 v55, v49;
	[tilespmem:s13+$0x7CD0] =	vst v59  }
0x120: {  	v29 =	vld [tilespmem:s13+$0x7D50];
	[tilespmem:s13+$0x7CE0] =	vst v19;
	v19 =	vmul.f32 v57, v61  }
0x121: {  	v31 =	vld [tilespmem:s13+$0x7D60];
	v30 =	vmul.f32 v58, v61;
	[tilespmem:s13+$0x7CF0] =	vst v63  }
0x122: {  	v32 =	vld [tilespmem:s13+$0x7D70];
	[tilespmem:s13+$0x7D00] =	vst v19;
	v19 =	vmul.f32 v60, v61  }
0x123: {  	v34 =	vld [tilespmem:s13+$0x7D80];
	v33 =	vmul.f32 v62, v61;
	[tilespmem:s13+$0x7D10] =	vst v30  }
0x124: {  	v35 =	vld [tilespmem:s13+$0x7D90];
	[tilespmem:s13+$0x7D20] =	vst v19;
	v19 =	vmul.f32 v28, v61  }
0x125: {  	v37 =	vld [tilespmem:s13+$0x7DA0];
	v36 =	vmul.f32 v29, v61;
	[tilespmem:s13+$0x7D30] =	vst v33  }
0x126: {  	v39 =	vld [tilespmem:s13+$0x7DB0];
	v38 =	vperm.xlane v18, v4;
	[tilespmem:s13+$0x7D40] =	vst v19;
	v19 =	vmul.f32 v31, v61  }
0x127: {  	v41 =	vld [tilespmem:s13+$0x7DC0];
	v40 =	vmul.f32 v32, v61;
	[tilespmem:s13+$0x7D50] =	vst v36  }
0x128: {  	v45 =	vld [tilespmem:s13+$0x7DF0];
	[tilespmem:s13+$0x7D60] =	vst v19;
	v19 =	vmul.f32 v34, v38  }
0x129: {  	v43 =	vmul.f32 v35, v38;
	[tilespmem:s13+$0x7D70] =	vst v40;
	v44 =	vld [tilespmem:s13+$0x7DE0]  }
0x12a: {  	v42 =	vld [tilespmem:s13+$0x7DD0];
	[tilespmem:s13+$0x7D80] =	vst v19;
	v19 =	vmul.f32 v37, v38  }
0x12b: {  	v46 =	vmul.f32 v39, v38;
	[tilespmem:s13+$0x7D90] =	vst v43;
	v47 =	vld [tilespmem:s13+$0x7E00]  }
0x12c: {  	v52 =	vld [tilespmem:s13+$0x7E30];
	[tilespmem:s13+$0x7DA0] =	vst v19;
	v19 =	vmul.f32 v41, v38  }
0x12d: {  	[tilespmem:s13+$0x7DB0] =	vst v46;
	v50 =	vld [tilespmem:s13+$0x7E20];
	v53 =	vmul.f32 v45, v38  }
0x12e: {  	v55 =	vld [tilespmem:s13+$0x7E50];
	v51 =	vperm.xlane v18, v5;
	[tilespmem:s13+$0x7DC0] =	vst v19;
	v19 =	vmul.f32 v44, v38  }
0x12f: {  	v49 =	vmul.f32 v42, v38;
	v54 =	vld [tilespmem:s13+$0x7E40];
	[tilespmem:s13+$0x7DF0] =	vst v53  }
0x130: {  	v58 =	vld [tilespmem:s13+$0x7E70];
	[tilespmem:s13+$0x7DE0] =	vst v19;
	v19 =	vmul.f32 v47, v51  }
0x131: {  	v59 =	vmul.f32 v52, v51;
	[tilespmem:s13+$0x7DD0] =	vst v49;
	v57 =	vld [tilespmem:s13+$0x7E60]  }
0x132: {  	v48 =	vld [tilespmem:s13+$0x7E10];
	[tilespmem:s13+$0x7E00] =	vst v19;
	v19 =	vmul.f32 v50, v51  }
0x133: {  	v62 =	vmul.f32 v55, v51;
	[tilespmem:s13+$0x7E30] =	vst v59;
	v60 =	vld [tilespmem:s13+$0x7E80]  }
0x134: {  	v40 =	vld [tilespmem:s13+$0x7F10];
	[tilespmem:s13+$0x7E20] =	vst v19;
	v19 =	vmul.f32 v54, v51  }
0x135: {  	v63 =	vld [tilespmem:s13+$0x7EA0];
	v32 =	vmul.f32 v58, v51;
	[tilespmem:s13+$0x7E50] =	vst v62  }
0x136: {  	v30 =	vperm.xlane v18, v6;
	v61 =	vld [tilespmem:s13+$0x7E90];
	[tilespmem:s13+$0x7E40] =	vst v19;
	v19 =	vmul.f32 v57, v51  }
0x137: {  	v33 =	vld [tilespmem:s13+$0x7EC0];
	v43 =	vperm.xlane v18, v7;
	v56 =	vmul.f32 v48, v51;
	[tilespmem:s13+$0x7E70] =	vst v32  }
0x138: {  	v53 =	vld [tilespmem:s13+$0x7F90];
	[tilespmem:s13+$0x7E60] =	vst v19;
	v19 =	vmul.f32 v60, v30  }
0x139: {  	v36 =	vld [tilespmem:s13+$0x7EE0];
	v48 =	vmul.f32 v40, v43;
	[tilespmem:s13+$0x7E10] =	vst v56  }
0x13a: {  	v31 =	vld [tilespmem:s13+$0x7EB0];
	[tilespmem:s13+$0x7E80] =	vst v19;
	v19 =	vmul.f32 v63, v30  }
0x13b: {  	v39 =	vld [tilespmem:s13+$0x7F00];
	[tilespmem:s13+$0x7F10] =	vst v48;
	v56 =	vperm.xlane v18, v8;
	v35 =	vmul.f32 v61, v30  }
0x13c: {  	v34 =	vld [tilespmem:s13+$0x7ED0];
	[tilespmem:s13+$0x7EA0] =	vst v19;
	v19 =	vmul.f32 v33, v30  }
0x13d: {  	v42 =	vld [tilespmem:s13+$0x7F20];
	v61 =	vmul.f32 v53, v56;
	[tilespmem:s13+$0x7E90] =	vst v35  }
0x13e: {  	v37 =	vld [tilespmem:s13+$0x7EF0];
	[tilespmem:s13+$0x7EC0] =	vst v19;
	v19 =	vmul.f32 v36, v30  }
0x13f: {  	v46 =	vld [tilespmem:s13+$0x7F40];
	[tilespmem:s13+$0x7F90] =	vst v61;
	v38 =	vmul.f32 v31, v30  }
0x140: {  	v47 =	vld [tilespmem:s13+$0x7F50];
	[tilespmem:s13+$0x7EE0] =	vst v19;
	v19 =	vmul.f32 v39, v43  }
0x141: {  	v49 =	vld [tilespmem:s13+$0x7F60];
	v41 =	vmul.f32 v34, v30;
	[tilespmem:s13+$0x7EB0] =	vst v38  }
0x142: {  	v38 =	vld [tilespmem:s13+$0x8050];
	[tilespmem:s13+$0x7F00] =	vst v19;
	v19 =	vmul.f32 v42, v43  }
0x143: {  	v52 =	vld [tilespmem:s13+$0x7F80];
	[tilespmem:s13+$0x7ED0] =	vst v41;
	v45 =	vmul.f32 v37, v30  }
0x144: {  	v44 =	vld [tilespmem:s13+$0x7F30];
	[tilespmem:s13+$0x7F20] =	vst v19;
	v19 =	vmul.f32 v46, v43  }
0x145: {  	v55 =	vld [tilespmem:s13+$0x7FA0];
	v34 =	vperm.xlane v18, v9;
	[tilespmem:s13+$0x7EF0] =	vst v45;
	v54 =	vmul.f32 v47, v43  }
0x146: {  	v50 =	vld [tilespmem:s13+$0x7F70];
	[tilespmem:s13+$0x7F40] =	vst v19;
	v19 =	vmul.f32 v49, v43  }
0x147: {  	v59 =	vld [tilespmem:s13+$0x7FC0];
	v45 =	vmul.f32 v38, v34;
	[tilespmem:s13+$0x7F50] =	vst v54  }
0x148: {  	v57 =	vld [tilespmem:s13+$0x7FB0];
	[tilespmem:s13+$0x7F60] =	vst v19;
	v19 =	vmul.f32 v52, v56  }
0x149: {  	v62 =	vld [tilespmem:s13+$0x7FE0];
	v51 =	vmul.f32 v44, v43;
	[tilespmem:s13+$0x8050] =	vst v45  }
0x14a: {  	v60 =	vld [tilespmem:s13+$0x7FD0];
	[tilespmem:s13+$0x7F80] =	vst v19;
	v19 =	vmul.f32 v55, v56  }
0x14b: {  	v58 =	vmul.f32 v50, v43;
	[tilespmem:s13+$0x7F30] =	vst v51;
	v30 =	vld [tilespmem:s13+$0x8000]  }
0x14c: {  	v51 =	vld [tilespmem:s13+$0x80D0];
	[tilespmem:s13+$0x7FA0] =	vst v19;
	v19 =	vmul.f32 v59, v56  }
0x14d: {  	[tilespmem:s13+$0x7F70] =	vst v58;
	v29 =	vmul.f32 v57, v56;
	v33 =	vld [tilespmem:s13+$0x8020]  }
0x14e: {  	v63 =	vld [tilespmem:s13+$0x7FF0];
	[tilespmem:s13+$0x7FC0] =	vst v19;
	v19 =	vmul.f32 v62, v56  }
0x14f: {  	v37 =	vld [tilespmem:s13+$0x8040];
	v47 =	vperm.xlane v18, v10;
	[tilespmem:s13+$0x7FB0] =	vst v29;
	v32 =	vmul.f32 v60, v56  }
0x150: {  	v61 =	vld [tilespmem:s13+$0x8130];
	[tilespmem:s13+$0x7FE0] =	vst v19;
	v19 =	vmul.f32 v30, v34  }
0x151: {  	v40 =	vld [tilespmem:s13+$0x8060];
	v58 =	vmul.f32 v51, v47;
	[tilespmem:s13+$0x7FD0] =	vst v32  }
0x152: {  	v31 =	vld [tilespmem:s13+$0x8010];
	[tilespmem:s13+$0x8000] =	vst v19;
	v19 =	vmul.f32 v33, v34  }
0x153: {  	v60 =	vperm.xlane v18, v11;
	v36 =	vmul.f32 v63, v56;
	[tilespmem:s13+$0x80D0] =	vst v58;
	v43 =	vld [tilespmem:s13+$0x8080]  }
0x154: {  	v57 =	vld [tilespmem:s13+$0x8110];
	[tilespmem:s13+$0x8020] =	vst v19;
	v19 =	vmul.f32 v37, v34  }
0x155: {  	v32 =	vmul.f32 v61, v60;
	[tilespmem:s13+$0x7FF0] =	vst v36;
	v46 =	vld [tilespmem:s13+$0x80A0]  }
0x156: {  	v35 =	vld [tilespmem:s13+$0x8030];
	[tilespmem:s13+$0x8040] =	vst v19;
	v19 =	vmul.f32 v40, v34  }
0x157: {  	v50 =	vld [tilespmem:s13+$0x80C0];
	v39 =	vmul.f32 v31, v34;
	[tilespmem:s13+$0x8130] =	vst v32  }
0x158: {  	v28 =	vld [tilespmem:s13+$0x8150];
	[tilespmem:s13+$0x8060] =	vst v19;
	v19 =	vmul.f32 v43, v47  }
0x159: {  	v53 =	vld [tilespmem:s13+$0x80E0];
	v29 =	vmul.f32 v57, v60;
	[tilespmem:s13+$0x8010] =	vst v39  }
0x15a: {  	v31 =	vld [tilespmem:s13+$0x8170];
	[tilespmem:s13+$0x8080] =	vst v19;
	v19 =	vmul.f32 v46, v47  }
0x15b: {  	v42 =	vmul.f32 v35, v34;
	[tilespmem:s13+$0x8110] =	vst v29;
	v56 =	vld [tilespmem:s13+$0x8100]  }
0x15c: {  	v41 =	vld [tilespmem:s13+$0x8070];
	[tilespmem:s13+$0x80A0] =	vst v19;
	v19 =	vmul.f32 v50, v47  }
0x15d: {  	v35 =	vmul.f32 v28, v60;
	[tilespmem:s13+$0x8030] =	vst v42;
	v59 =	vld [tilespmem:s13+$0x8120]  }
0x15e: {  	v44 =	vld [tilespmem:s13+$0x8090];
	[tilespmem:s13+$0x80C0] =	vst v19;
	v19 =	vmul.f32 v53, v47  }
0x15f: {  	v63 =	vld [tilespmem:s13+$0x8140];
	[tilespmem:s13+$0x8150] =	vst v35;
	v39 =	vmul.f32 v31, v60  }
0x160: {  	v48 =	vld [tilespmem:s13+$0x80B0];
	[tilespmem:s13+$0x80E0] =	vst v19;
	v19 =	vmul.f32 v56, v60  }
0x161: {  	v49 =	vmul.f32 v41, v34;
	[tilespmem:s13+$0x8170] =	vst v39;
	v30 =	vld [tilespmem:s13+$0x8160]  }
0x162: {  	v54 =	vld [tilespmem:s13+$0x80F0];
	[tilespmem:s13+$0x8100] =	vst v19;
	v19 =	vmul.f32 v59, v60  }
0x163: {  	[tilespmem:s13+$0x8070] =	vst v49;
	v52 =	vmul.f32 v44, v47;
	v33 =	vld [tilespmem:s13+$0x8180]  }
0x164: {  	v38 =	vld [tilespmem:s13+$0x81B0];
	[tilespmem:s13+$0x8120] =	vst v19;
	v19 =	vmul.f32 v63, v60  }
0x165: {  	v36 =	vld [tilespmem:s13+$0x81A0];
	[tilespmem:s13+$0x8090] =	vst v52;
	v55 =	vmul.f32 v48, v47  }
0x166: {  	v41 =	vld [tilespmem:s13+$0x81D0];
	v37 =	vperm.xlane v18, v12;
	[tilespmem:s13+$0x8140] =	vst v19;
	v19 =	vmul.f32 v30, v60  }
0x167: {  	[tilespmem:s13+$0x80B0] =	vst v55;
	v62 =	vmul.f32 v54, v47;
	v40 =	vld [tilespmem:s13+$0x81C0]  }
0x168: {  	v44 =	vld [tilespmem:s13+$0x81F0];
	[tilespmem:s13+$0x8160] =	vst v19;
	v19 =	vmul.f32 v33, v37  }
0x169: {  	[tilespmem:s13+$0x80F0] =	vst v62;
	v45 =	vmul.f32 v38, v37;
	v43 =	vld [tilespmem:s13+$0x81E0]  }
0x16a: {  	v34 =	vld [tilespmem:s13+$0x8190];
	[tilespmem:s13+$0x8180] =	vst v19;
	v19 =	vmul.f32 v36, v37  }
0x16b: {  	v48 =	vmul.f32 v41, v37;
	[tilespmem:s13+$0x81B0] =	vst v45;
	v46 =	vld [tilespmem:s13+$0x8200]  }
0x16c: {  	v51 =	vld [tilespmem:s13+$0x8230];
	[tilespmem:s13+$0x81A0] =	vst v19;
	v19 =	vmul.f32 v40, v37  }
0x16d: {  	v49 =	vld [tilespmem:s13+$0x8220];
	v52 =	vmul.f32 v44, v37;
	[tilespmem:s13+$0x81D0] =	vst v48  }
0x16e: {  	v54 =	vld [tilespmem:s13+$0x8250];
	v50 =	vperm.xlane v18, v13;
	[tilespmem:s13+$0x81C0] =	vst v19;
	v19 =	vmul.f32 v43, v37  }
0x16f: {  	[tilespmem:s13+$0x81F0] =	vst v52;
	v42 =	vmul.f32 v34, v37;
	v53 =	vld [tilespmem:s13+$0x8240]  }
0x170: {  	v57 =	vld [tilespmem:s13+$0x8270];
	[tilespmem:s13+$0x81E0] =	vst v19;
	v19 =	vmul.f32 v46, v50  }
0x171: {  	[tilespmem:s13+$0x8190] =	vst v42;
	v58 =	vmul.f32 v51, v50;
	v56 =	vld [tilespmem:s13+$0x8260]  }
0x172: {  	v47 =	vld [tilespmem:s13+$0x8210];
	[tilespmem:s13+$0x8200] =	vst v19;
	v19 =	vmul.f32 v49, v50  }
0x173: {  	v61 =	vmul.f32 v54, v50;
	[tilespmem:s13+$0x8230] =	vst v58;
	v59 =	vld [tilespmem:s13+$0x8280]  }
0x174: {  	v39 =	vld [tilespmem:s13+$0x8310];
	[tilespmem:s13+$0x8220] =	vst v19;
	v19 =	vmul.f32 v53, v50  }
0x175: {  	v62 =	vld [tilespmem:s13+$0x82A0];
	v31 =	vmul.f32 v57, v50;
	[tilespmem:s13+$0x8250] =	vst v61  }
0x176: {  	v63 =	vperm.xlane v18, v14;
	v60 =	vld [tilespmem:s13+$0x8290];
	[tilespmem:s13+$0x8240] =	vst v19;
	v19 =	vmul.f32 v56, v50  }
0x177: {  	v32 =	vld [tilespmem:s13+$0x82C0];
	v42 =	vperm.xlane v18, v15;
	[tilespmem:s13+$0x8270] =	vst v31;
	v55 =	vmul.f32 v47, v50  }
0x178: {  	v33 =	vld [tilespmem:s13+$0x82D0];
	[tilespmem:s13+$0x8260] =	vst v19;
	v19 =	vmul.f32 v59, v63  }
0x179: {  	v35 =	vld [tilespmem:s13+$0x82E0];
	v47 =	vmul.f32 v39, v42;
	[tilespmem:s13+$0x8210] =	vst v55  }
0x17a: {  	v30 =	vld [tilespmem:s13+$0x82B0];
	[tilespmem:s13+$0x8280] =	vst v19;
	v19 =	vmul.f32 v62, v63  }
0x17b: {  	v38 =	vld [tilespmem:s13+$0x8300];
	[tilespmem:s13+$0x8310] =	vst v47;
	v34 =	vmul.f32 v60, v63  }
0x17c: {  	v36 =	vld [tilespmem:s13+$0x82F0];
	[tilespmem:s13+$0x82A0] =	vst v19;
	v19 =	vmul.f32 v32, v63  }
0x17d: {  	v41 =	vld [tilespmem:s13+$0x8320];
	[tilespmem:s13+$0x8290] =	vst v34;
	v40 =	vmul.f32 v33, v63  }
0x17e: {  	v46 =	vld [tilespmem:s13+$0x8350];
	[tilespmem:s13+$0x82C0] =	vst v19;
	v19 =	vmul.f32 v35, v63  }
0x17f: {  	v45 =	vld [tilespmem:s13+$0x8340];
	v37 =	vmul.f32 v30, v63;
	[tilespmem:s13+$0x82D0] =	vst v40  }
0x180: {  	v43 =	vld [tilespmem:s13+$0x8330];
	[tilespmem:s13+$0x82E0] =	vst v19;
	v19 =	vmul.f32 v38, v42  }
0x181: {  	v48 =	vld [tilespmem:s13+$0x8360];
	v44 =	vmul.f32 v36, v63;
	[tilespmem:s13+$0x82B0] =	vst v37  }
0x182: {  	v49 =	vld [tilespmem:s13+$0x8370];
	[tilespmem:s13+$0x8300] =	vst v19;
	v19 =	vmul.f32 v41, v42  }
0x183: {  	v51 =	vld [tilespmem:s13+$0x8380];
	[tilespmem:s13+$0x82F0] =	vst v44;
	v53 =	vmul.f32 v46, v42  }
0x184: {  	v52 =	vld [tilespmem:s13+$0x8390];
	[tilespmem:s13+$0x8320] =	vst v19;
	v19 =	vmul.f32 v45, v42  }
0x185: {  	v54 =	vld [tilespmem:s13+$0x83A0];
	v50 =	vmul.f32 v43, v42;
	[tilespmem:s13+$0x8350] =	vst v53  }
0x186: {  	v18 =	vperm.xlane v18, v16;
	v55 =	vld [tilespmem:s13+$0x83B0];
	[tilespmem:s13+$0x8340] =	vst v19;
	v19 =	vmul.f32 v48, v42  }
0x187: {  	v57 =	vld [tilespmem:s13+$0x83C0];
	v56 =	vmul.f32 v49, v42;
	[tilespmem:s13+$0x8330] =	vst v50  }
0x188: {  	v58 =	vld [tilespmem:s13+$0x83D0];
	[tilespmem:s13+$0x8360] =	vst v19;
	v19 =	vmul.f32 v51, v18  }
0x189: {  	v60 =	vld [tilespmem:s13+$0x83E0];
	v59 =	vmul.f32 v52, v18;
	[tilespmem:s13+$0x8370] =	vst v56  }
0x18a: {  	v61 =	vld [tilespmem:s13+$0x83F0];
	[tilespmem:s13+$0x8380] =	vst v19;
	v19 =	vmul.f32 v54, v18  }
0x18b: {  	[tilespmem:s13+$0x8390] =	vst v59;
	v62 =	vmul.f32 v55, v18  }
0x18c: {  	p6 =	sne.s32 s12, $0x4;
	[tilespmem:s13+$0x83A0] =	vst v19;
	v19 =	vmul.f32 v57, v18  }
.Ltmp2:
0x18d: {  	[tilespmem:s13+$0x83B0] =	vst v62;
	v63 =	vmul.f32 v58, v18;
	(pc) =	sbr.rel @p6 .LBB2_8-.Ltmp2, $4  }
0x18e: {  	[tilespmem:s13+$0x83C0] =	vst v19;
	v19 =	vmul.f32 v60, v18  }
0x18f: {  	[tilespmem:s13+$0x83D0] =	vst v63;
	v18 =	vmul.f32 v61, v18  }
0x190: {  	[tilespmem:s13+$0x83E0] =	vst v19  }
0x191: {  	s12 =	sadd.s32 $0x1, s12;
	[tilespmem:s13+$0x83F0] =	vst v18  }
0x192: {  	s24 =	sadd.s32 $0x1, s24  }
0x193: {  	p6 =	sne.s32 s24, $0x19  }
.Ltmp3:
0x194: {  	s12 =	sadd.s32 $0x1C00, s25;
	(pc) =	sbr.rel @p6 .LBB2_5-.Ltmp3, $4  }
0x195: {  	[spmem:s2] =	stream.indirect.scatter.add.f32 [tilespmem:s11], [sflag:$0x3], $0x80, s12, s3, $0xb8;
	[tilespmem:$0x1DC80] =	vst v63  }
0x196: {  	_ =	swait.ge [sflag:s30], $0x2800  }
0x197: {  	[sflag:s30] =	ssyncset.done $0x0  }
0x198: {  	[sflag:s30] =	ssyncadd.s32 $0xFFFFD800  }
0x199: {  	s23 =	sadd.s32 $0x1, s23  }
0x19a: {  	p6 =	sne.s32 s23, $0x5  }
.Ltmp4:
0x19b: {  	_ = 	snop;
	(pc) =	sbr.rel @p6 .LBB2_4-.Ltmp4, $4  }
0x19c: {  	_ = 	snop  }
0x19d: {  	_ =	swait.ge [sflag:s20], $0x2800  }
0x19e: {  	[sflag:s20] =	ssyncset.done $0x0  }
0x19f: {  	[sflag:s20] =	ssyncadd.s32 $0xFFFFD800  }
0x1a0: {  	s12 =	stileid.u32  }
0x1a1: {  	[bflag:$0x0] =	sbarrier.arrive $0xFFFF;
	s12 =	sshll.u32 s12, $0x6  }
0x1a2: {  	s13 =	sshrl.u32 s14, $0x3;
	s26 =	rddreg [dreg:$0x9];
	s12 =	sor.u32 $0x1C03, s12  }
0x1a3: {  	[hbm:s26], [sflag:s12] =	dma.local [spmem:s13], $0x500  }
0x1a4: {  	_ =	swait.ge [sflag:s30], $0x500  }
0x1a5: {  	s24 =	smov.u32 s14;
	s25 =	smov.u32 s15;
	[sflag:s30] =	ssyncset.done $0x0  }
0x1a6: {  	s14 =	sshrl.u32 s15, $0x3;
	s15 =	rddreg [dreg:$0xa];
	[sflag:s30] =	ssyncadd.s32 $0xFFFFFB00  }
0x1a7: {  	[hbm:s15], [sflag:s12] =	dma.local [spmem:s14], $0x500  }
0x1a8: {  	_ =	swait.ge [sflag:s30], $0x500  }
0x1a9: {  	[sflag:s30] =	ssyncset.done $0x0  }
0x1aa: {  	s22 =	sshrl.u32 s18, $0x3;
	s23 =	rddreg [dreg:$0xb];
	[sflag:s30] =	ssyncadd.s32 $0xFFFFFB00  }
0x1ab: {  	[hbm:s23], [sflag:s12] =	dma.local [spmem:s22], $0x500  }
0x1ac: {  	_ =	swait.ge [sflag:s30], $0x500  }
0x1ad: {  	s26 =	smov.u32 s18;
	[sflag:s30] =	ssyncset.done $0x0  }
0x1ae: {  	s15 =	sshrl.u32 s19, $0x3;
	s18 =	rddreg [dreg:$0xc];
	[sflag:s30] =	ssyncadd.s32 $0xFFFFFB00  }
0x1af: {  	[hbm:s18], [sflag:s12] =	dma.local [spmem:s15], $0x500  }
0x1b0: {  	_ =	swait.ge [sflag:s30], $0x500  }
0x1b1: {  	s28 =	smov.u32 s19;
	[sflag:s30] =	ssyncset.done $0x0;
	s19 =	rddreg [dreg:$0x5]  }
0x1b2: {  	s22 =	rddreg [dreg:$0xd];
	[sflag:s30] =	ssyncadd.s32 $0xFFFFFB00;
	s13 =	sshrl.u32 s19, $0x3  }
0x1b3: {  	[hbm:s22], [sflag:s12] =	dma.local [spmem:s13], $0x500  }
0x1b4: {  	_ =	swait.ge [sflag:s30], $0x500  }
0x1b5: {  	s22 =	smul.u32 @p1 $0xA000, s16;
	[sflag:s30] =	ssyncset.done $0x0;
	s13 =	rddreg [dreg:$0x6]  }
0x1b6: {  	s14 =	rddreg [dreg:$0xe];
	[sflag:s30] =	ssyncadd.s32 $0xFFFFFB00;
	s13 =	sshrl.u32 @!p0 s13, $0x3  }
0x1b7: {  	[hbm:s14], [sflag:s12] =	dma.local @!p0 [spmem:s13], $0x500  }
0x1b8: {  	s13 =	smul.u32 @p1 $0x2800, s16  }
0x1b9: {  	s23 =	simm.s32 @!p0 $0x3  }
0x1ba: {  	s22 =	sshrl.u32 @p1 s22, $0x2;
	_ =	swait.ge @!p0 [sflag:s23], $0x500;
	s13 =	sadd.s32 @p1 s10, s13  }
0x1bb: {  	s22 =	sadd.s32 @p1 s22, s2;
	[sflag:s23] =	ssyncset.done @!p0 $0x0;
	s13 =	sshrl.u32 @p1 s13, $0x3  }
0x1bc: {  	s22 =	sshrl.u32 @p1 s22, $0x3;
	[sflag:s23] =	ssyncadd.s32 @!p0 $0xFFFFFB00;
	s13 =	sadd.s32 @p1 s9, s13  }
0x1bd: {  	[hbm:s13], [sflag:s12] =	dma.local @p1 [spmem:s22], $0x500  }
0x1be: {  	s13 =	smul.u32 @p5 $0x2800, s17  }
0x1bf: {  	s22 =	smul.u32 @p5 $0xA000, s17  }
0x1c0: {  	s23 =	simm.s32 @p1 $0x3  }
0x1c1: {  	_ =	swait.ge @p1 [sflag:s23], $0x500;
	s13 =	sadd.s32 @p5 s10, s13;
	s22 =	sshrl.u32 @p5 s22, $0x2  }
0x1c2: {  	[sflag:s23] =	ssyncset.done @p1 $0x0;
	s13 =	sshrl.u32 @p5 s13, $0x3;
	s22 =	sadd.s32 @p5 s22, s2  }
0x1c3: {  	[sflag:s23] =	ssyncadd.s32 @p1 $0xFFFFFB00;
	s13 =	sadd.s32 @p5 s9, s13;
	s22 =	sshrl.u32 @p5 s22, $0x3  }
0x1c4: {  	[hbm:s13], [sflag:s12] =	dma.local @p5 [spmem:s22], $0x500  }
0x1c5: {  	s12 =	simm.s32 @p5 $0x3  }
0x1c6: {  	_ =	swait.ge @p5 [sflag:s12], $0x500  }
0x1c7: {  	s4 =	sadd.s32 $0x1, s4;
	s23 =	rddreg [dreg:$0x4]  }
0x1c8: {  	p6 =	sne.s32 s4, s23  }
.Ltmp5:
0x1c9: {  	_ = 	snop;
	(pc) =	sbr.rel @p6 .LBB2_1-.Ltmp5, $3  }
0x1ca: {  	_ =	sdelay $0x1  }
0x1cb: {  	[sflag:s12] =	ssyncset.done @p5 $0x0  }
0x1cc: {  	[sflag:s12] =	ssyncadd.s32 @p5 $0xFFFFFB00  }
0x1cd: {  	_ =	sfence.sel $0x180000  }
0x1ce: {  	[bflag:$0x0] =	sbarrier.arrive $0xFFFF  }
0x1cf: {  	_ =	strace $0x90000047  }
0x1d0: {  	s0 =	stileid.u32;
	[bflag:$0x2] =	sbarrier.arrive $0xFFFF  }
0x1d1: {  	p0 =	sne.s32 s0, $0x0;
	s0 =	rddreg [dreg:$0x3]  }
0x1d2: {  	s0 =	sadd.s32 @!p0 $0x100000, s0  }
0x1d3: {  	[sflag:s0] =	ssyncadd.tile.s32 @!p0 $0x1;
	_ =	shalt  }
.Lfunc_end2:
_tile_overlayer_lowered:
.L_overlay_start_2:
0x1d4: {  	(tag) =	ssettag $0x2  }
0x1d5: {  	s0 =	rddreg [dreg:$0x0];
	s2 =	stileid.u32  }
0x1d6: {  	s1 =	rddreg [dreg:$0x1];
	p0 =	sne.s32 s2, $0x0  }
0x1d7: {  	s3 =	rddreg [dreg:$0x2];
	[bflag:$0x3] =	sbarrier.arrive $0xFFFF;
	s2 =	simm.s32 @!p0 $0x1C03  }
0x1d8: {  	[timem:s3], [sflag:s2] =	dma.local @!p0 [hbm:s0], s1  }
0x1d9: {  	s0 =	simm.s32 @!p0 $0x3  }
0x1da: {  	_ =	swait.ge @!p0 [sflag:s0], s1  }
0x1db: {  	s1 =	ssub.s32 @!p0 $0x0, s1;
	[sflag:s0] =	ssyncset.done @!p0 $0x0  }
0x1dc: {  	[sflag:s0] =	ssyncadd.s32 @!p0 s1  }
0x1dd: {  	[bflag:$0x3] =	sbarrier.arrive $0xFFFF  }
0x1de: {  	_ =	shalt  }

</sc_bundles>
